<compile_context>
chip_gen: v7x
topology: tpu7x:2x2x1
jax: 0.10.2.dev20260603
libtpu: 0.0.44.dev20260713+nightly
codegen_flags: <defaults>
</compile_context>

<pallas_src>
import functools

import jax
import jax.numpy as jnp
from jax import lax
from jax.experimental import pallas as pl
from jax.experimental.pallas import tpu as pltpu
from jax.experimental.pallas import tpu_sc as plsc

_C = 2
_RING = 4
_UNROLL = 4


def _make_sc_kernel(B, T, D):
    info = plsc.get_sparse_core_info()
    NC, NS, L = info.num_cores, info.num_subcores, info.num_lanes
    NW = NC * NS
    rows_per_w = T // NW
    n_units = rows_per_w // _C
    mesh = plsc.VectorSubcoreMesh(core_axis_name="c", subcore_axis_name="s")

    @functools.partial(
        pl.kernel,
        mesh=mesh,
        out_type=jax.ShapeDtypeStruct((B, T, D), jnp.float32),
        scratch_types=(
            [pltpu.VMEM((B, _C, D), jnp.float32) for _ in range(_RING)]
            + [pltpu.VMEM((_C, D), jnp.float32) for _ in range(_RING)]
            + [pltpu.SemaphoreType.DMA for _ in range(2 * _RING)]
        ),
    )
    def k(x_hbm, e_hbm, o_hbm, xb0, xb1, xb2, xb3, eb0, eb1, eb2, eb3,
          sl0, sl1, sl2, sl3, ss0, ss1, ss2, ss3):
        xb = (xb0, xb1, xb2, xb3)
        eb = (eb0, eb1, eb2, eb3)
        sld = (sl0, sl1, sl2, sl3)
        sst = (ss0, ss1, ss2, ss3)
        wid = lax.axis_index("s") * NC + lax.axis_index("c")
        t0 = wid * rows_per_w

        def fire_loads(u, r):
            tc = t0 + u * _C
            pltpu.async_copy(e_hbm.at[pl.ds(tc, _C)], eb[r], sld[r])
            pltpu.async_copy(
                x_hbm.at[:, pl.ds(tc, _C)], xb[r], sld[r])

        def drain_loads(r):
            pltpu.make_async_copy(
                x_hbm.at[:, pl.ds(0, _C)], xb[r], sld[r]).wait()
            pltpu.make_async_copy(
                e_hbm.at[pl.ds(0, _C)], eb[r], sld[r]).wait()

        def fire_stores(u, r):
            tc = t0 + u * _C
            pltpu.async_copy(
                xb[r], o_hbm.at[:, pl.ds(tc, _C)], sst[r])

        def drain_stores(r):
            pltpu.make_async_copy(
                xb[r], o_hbm.at[:, pl.ds(0, _C)], sst[r]).wait()

        def compute(r):
            xr, er = xb[r], eb[r]

            @plsc.parallel_loop(0, D, step=L, unroll=_UNROLL)
            def _(col):
                for q in range(_C):
                    e = er[q, pl.ds(col, L)]
                    for b in range(B):
                        xr[b, q, pl.ds(col, L)] = xr[b, q, pl.ds(col, L)] + e

        def unit(u, j, drain_st, fire_ld):
            nxt = (j + 1) % _RING
            if drain_st:
                drain_stores(nxt)
            if fire_ld:
                fire_loads(u + 1, nxt)
            drain_loads(j)
            compute(j)
            fire_stores(u, j)

        fire_loads(0, 0)
        for j in range(_RING):
            unit(j, j, drain_st=(j >= _RING - 1), fire_ld=True)

        def body(kk, _):
            u0 = kk * _RING
            for j in range(_RING):
                unit(u0 + j, j, drain_st=True, fire_ld=True)
            return 0

        lax.fori_loop(1, n_units // _RING, body, 0)

        for u in range((n_units // _RING) * _RING, n_units):
            unit(u, u % _RING, drain_st=True, fire_ld=(u + 1 < n_units))

        for u in range(n_units - (_RING - 1), n_units):
            drain_stores(u % _RING)

    return k


def kernel(x, emb):
    B, T, D = x.shape
    k = _make_sc_kernel(B, T, D)
    return k(x, emb[:T])

# --- scband reference (transcript-rebuilt; emitter-appended) ---
"""Pipeline reference for scband-learned-pe-39762807226547 (READ-ONLY COPY).

The authoritative reference and input builder live on the scoring server;
editing this copy changes nothing except your own understanding.
"""

import jax, jax.numpy as jnp
import numpy as np

B, T, D = 4, 4096, 2048
MAX_LEN = 4096

def setup_inputs(seed: int = 0) -> dict:
    key = jax.random.key(seed)
    k1, k2 = jax.random.split(key)
    x = jax.random.normal(k1, (B, T, D), dtype=jnp.float32)
    emb = jax.random.normal(k2, (MAX_LEN, D), dtype=jnp.float32) * 0.02
    return {"x": x, "emb": emb}

def reference(x, emb):
    Tdim = x.shape[1]
    pos = jnp.arange(Tdim)
    pos = jnp.broadcast_to(pos[None, :], (x.shape[0], Tdim))
    pe = jnp.take(emb, pos, axis=0)  # [B, T, D]
    return x + pe

if __name__ == "__main__":
    import jax
    _d = setup_inputs()
    print(jax.jit(kernel)(*tuple(_d.values())))

</pallas_src>

<mosaic_0001>
#map = affine_map<(d0, d1) -> (0, 0, 0)>
#map1 = affine_map<(d0, d1) -> (0, 0)>
module attributes {stable_mosaic.version = 14 : i64} {
  func.func @k(%arg0: i32, %arg1: i32, %arg2: memref<4x4096x2048xf32, #tpu.memory_space<hbm>>, %arg3: memref<4096x2048xf32, #tpu.memory_space<hbm>>, %arg4: memref<4x4096x2048xf32, #tpu.memory_space<hbm>>, %arg5: memref<4x2x2048xf32, #tpu.memory_space<vmem>>, %arg6: memref<4x2x2048xf32, #tpu.memory_space<vmem>>, %arg7: memref<4x2x2048xf32, #tpu.memory_space<vmem>>, %arg8: memref<4x2x2048xf32, #tpu.memory_space<vmem>>, %arg9: memref<2x2048xf32, #tpu.memory_space<vmem>>, %arg10: memref<2x2048xf32, #tpu.memory_space<vmem>>, %arg11: memref<2x2048xf32, #tpu.memory_space<vmem>>, %arg12: memref<2x2048xf32, #tpu.memory_space<vmem>>, %arg13: memref<!tpu.dma_semaphore, #tpu.memory_space<semaphore_mem>>, %arg14: memref<!tpu.dma_semaphore, #tpu.memory_space<semaphore_mem>>, %arg15: memref<!tpu.dma_semaphore, #tpu.memory_space<semaphore_mem>>, %arg16: memref<!tpu.dma_semaphore, #tpu.memory_space<semaphore_mem>>, %arg17: memref<!tpu.dma_semaphore, #tpu.memory_space<semaphore_mem>>, %arg18: memref<!tpu.dma_semaphore, #tpu.memory_space<semaphore_mem>>, %arg19: memref<!tpu.dma_semaphore, #tpu.memory_space<semaphore_mem>>, %arg20: memref<!tpu.dma_semaphore, #tpu.memory_space<semaphore_mem>>) attributes {dimension_semantics = [#tpu.dimension_semantics<core_parallel>, #tpu.dimension_semantics<subcore_parallel>], iteration_bounds = array<i64: 2, 16>, scalar_prefetch = 0 : i64, scratch_operands = 16 : i64, tpu.core_type = #tpu.core_type<sc_vector_subcore>, window_params = [{transform_indices = #map}, {transform_indices = #map1}, {transform_indices = #map}]} {
    %mul3A = arith.constant 2 : i32
    %mul3A_0 = arith.muli %arg1, %mul3A : i32
    %add3A = arith.addi %mul3A_0, %arg0 : i32
    %mul3A_1 = arith.constant 128 : i32
    %mul3A_2 = arith.muli %add3A, %mul3A_1 : i32
    %add3A_3 = arith.constant 0 : i32
    %add3A_4 = arith.addi %mul3A_2, %add3A_3 : i32
    %dma_start3A = arith.constant 0 : i32
    %dma_start3A_5 = tpu.memref_slice %arg3[%add3A_4, %dma_start3A] : memref<4096x2048xf32, #tpu.memory_space<hbm>> -> memref<2x2048xf32, #tpu.memory_space<hbm>>
    %dma_start3A_6 = arith.constant 0 : i32
    %dma_start3A_7 = tpu.memref_slice %arg3[%add3A_4, %dma_start3A_6] : memref<4096x2048xf32, #tpu.memory_space<hbm>> -> memref<2x2048xf32, #tpu.memory_space<hbm>>
    tpu.enqueue_dma source(%dma_start3A_7 : memref<2x2048xf32, #tpu.memory_space<hbm>>) target(%arg9 : memref<2x2048xf32, #tpu.memory_space<vmem>>) target_semaphore(%arg13 : memref<!tpu.dma_semaphore, #tpu.memory_space<semaphore_mem>>)
    %dma_start3A_8 = arith.constant 0 : i32
    %dma_start3A_9 = arith.constant 0 : i32
    %dma_start3A_10 = tpu.memref_slice %arg2[%dma_start3A_8, %add3A_4, %dma_start3A_9] : memref<4x4096x2048xf32, #tpu.memory_space<hbm>> -> memref<4x2x2048xf32, #tpu.memory_space<hbm>>
    %dma_start3A_11 = arith.constant 0 : i32
    %dma_start3A_12 = arith.constant 0 : i32
    %dma_start3A_13 = tpu.memref_slice %arg2[%dma_start3A_11, %add3A_4, %dma_start3A_12] : memref<4x4096x2048xf32, #tpu.memory_space<hbm>> -> memref<4x2x2048xf32, #tpu.memory_space<hbm>>
    tpu.enqueue_dma source(%dma_start3A_13 : memref<4x2x2048xf32, #tpu.memory_space<hbm>>) target(%arg5 : memref<4x2x2048xf32, #tpu.memory_space<vmem>>) target_semaphore(%arg13 : memref<!tpu.dma_semaphore, #tpu.memory_space<semaphore_mem>>)
    %add3A_14 = arith.constant 2 : i32
    %add3A_15 = arith.addi %mul3A_2, %add3A_14 : i32
    %dma_start3A_16 = arith.constant 0 : i32
    %dma_start3A_17 = tpu.memref_slice %arg3[%add3A_15, %dma_start3A_16] : memref<4096x2048xf32, #tpu.memory_space<hbm>> -> memref<2x2048xf32, #tpu.memory_space<hbm>>
    %dma_start3A_18 = arith.constant 0 : i32
    %dma_start3A_19 = tpu.memref_slice %arg3[%add3A_15, %dma_start3A_18] : memref<4096x2048xf32, #tpu.memory_space<hbm>> -> memref<2x2048xf32, #tpu.memory_space<hbm>>
    tpu.enqueue_dma source(%dma_start3A_19 : memref<2x2048xf32, #tpu.memory_space<hbm>>) target(%arg10 : memref<2x2048xf32, #tpu.memory_space<vmem>>) target_semaphore(%arg14 : memref<!tpu.dma_semaphore, #tpu.memory_space<semaphore_mem>>)
    %dma_start3A_20 = arith.constant 0 : i32
    %dma_start3A_21 = arith.constant 0 : i32
    %dma_start3A_22 = tpu.memref_slice %arg2[%dma_start3A_20, %add3A_15, %dma_start3A_21] : memref<4x4096x2048xf32, #tpu.memory_space<hbm>> -> memref<4x2x2048xf32, #tpu.memory_space<hbm>>
    %dma_start3A_23 = arith.constant 0 : i32
    %dma_start3A_24 = arith.constant 0 : i32
    %dma_start3A_25 = tpu.memref_slice %arg2[%dma_start3A_23, %add3A_15, %dma_start3A_24] : memref<4x4096x2048xf32, #tpu.memory_space<hbm>> -> memref<4x2x2048xf32, #tpu.memory_space<hbm>>
    tpu.enqueue_dma source(%dma_start3A_25 : memref<4x2x2048xf32, #tpu.memory_space<hbm>>) target(%arg6 : memref<4x2x2048xf32, #tpu.memory_space<vmem>>) target_semaphore(%arg14 : memref<!tpu.dma_semaphore, #tpu.memory_space<semaphore_mem>>)
    %dma_wait3A = arith.constant 0 : i32
    %dma_wait3A_26 = arith.constant 0 : i32
    %dma_wait3A_27 = arith.constant 0 : i32
    %dma_wait3A_28 = tpu.memref_slice %arg2[%dma_wait3A, %dma_wait3A_26, %dma_wait3A_27] : memref<4x4096x2048xf32, #tpu.memory_space<hbm>> -> memref<4x2x2048xf32, #tpu.memory_space<hbm>>
    %dma_wait3A_29 = arith.constant 0 : i32
    %dma_wait3A_30 = arith.constant 0 : i32
    %dma_wait3A_31 = arith.constant 0 : i32
    %dma_wait3A_32 = tpu.memref_slice %arg2[%dma_wait3A_29, %dma_wait3A_30, %dma_wait3A_31] : memref<4x4096x2048xf32, #tpu.memory_space<hbm>> -> memref<4x2x2048xf32, #tpu.memory_space<hbm>>
    tpu.wait_dma2 semaphore(%arg13 : memref<!tpu.dma_semaphore, #tpu.memory_space<semaphore_mem>>) src(%dma_wait3A_32 : memref<4x2x2048xf32, #tpu.memory_space<hbm>>) dst(%arg5 : memref<4x2x2048xf32, #tpu.memory_space<vmem>>)
    %dma_wait3A_33 = arith.constant 0 : i32
    %dma_wait3A_34 = arith.constant 0 : i32
    %dma_wait3A_35 = tpu.memref_slice %arg3[%dma_wait3A_33, %dma_wait3A_34] : memref<4096x2048xf32, #tpu.memory_space<hbm>> -> memref<2x2048xf32, #tpu.memory_space<hbm>>
    %dma_wait3A_36 = arith.constant 0 : i32
    %dma_wait3A_37 = arith.constant 0 : i32
    %dma_wait3A_38 = tpu.memref_slice %arg3[%dma_wait3A_36, %dma_wait3A_37] : memref<4096x2048xf32, #tpu.memory_space<hbm>> -> memref<2x2048xf32, #tpu.memory_space<hbm>>
    tpu.wait_dma2 semaphore(%arg13 : memref<!tpu.dma_semaphore, #tpu.memory_space<semaphore_mem>>) src(%dma_wait3A_38 : memref<2x2048xf32, #tpu.memory_space<hbm>>) dst(%arg9 : memref<2x2048xf32, #tpu.memory_space<vmem>>)
    %parallel_loop3A = arith.constant 0 : i32
    %parallel_loop3A_39 = arith.constant 2048 : i32
    %parallel_loop3A_40 = arith.constant 16 : i32
    scf.for %parallel_loop3A_198 = %parallel_loop3A to %parallel_loop3A_39 step %parallel_loop3A_40  : i32 {
      %parallel_loop3A_199 = arith.constant 0 : i32
      %parallel_loop3A_200 = arith.index_cast %parallel_loop3A_199 : i32 to index
      %parallel_loop3A_201 = arith.index_cast %parallel_loop3A_198 : i32 to index
      %parallel_loop3A_202 = tpu.vector_load %arg9[%parallel_loop3A_200, %parallel_loop3A_201] {strides = array<i32>} : memref<2x2048xf32, #tpu.memory_space<vmem>>, vector<1x16xf32>,
      %parallel_loop3A_203 = vector.shape_cast %parallel_loop3A_202 : vector<1x16xf32> to vector<16xf32>
      %parallel_loop3A_204 = arith.constant 0 : i32
      %parallel_loop3A_205 = arith.constant 0 : i32
      %parallel_loop3A_206 = arith.index_cast %parallel_loop3A_204 : i32 to index
      %parallel_loop3A_207 = arith.index_cast %parallel_loop3A_205 : i32 to index
      %parallel_loop3A_208 = arith.index_cast %parallel_loop3A_198 : i32 to index
      %parallel_loop3A_209 = tpu.vector_load %arg5[%parallel_loop3A_206, %parallel_loop3A_207, %parallel_loop3A_208] {strides = array<i32>} : memref<4x2x2048xf32, #tpu.memory_space<vmem>>, vector<1x1x16xf32>,
      %parallel_loop3A_210 = vector.shape_cast %parallel_loop3A_209 : vector<1x1x16xf32> to vector<16xf32>
      %parallel_loop3A_211 = arith.addf %parallel_loop3A_210, %parallel_loop3A_203 : vector<16xf32>
      %parallel_loop3A_212 = arith.constant 0 : i32
      %parallel_loop3A_213 = arith.constant 0 : i32
      %parallel_loop3A_214 = arith.index_cast %parallel_loop3A_212 : i32 to index
      %parallel_loop3A_215 = arith.index_cast %parallel_loop3A_213 : i32 to index
      %parallel_loop3A_216 = arith.index_cast %parallel_loop3A_198 : i32 to index
      %parallel_loop3A_217 = tpu.vector_load %arg5[%parallel_loop3A_214, %parallel_loop3A_215, %parallel_loop3A_216] {strides = array<i32>} : memref<4x2x2048xf32, #tpu.memory_space<vmem>>, vector<1x1x16xf32>,
      %parallel_loop3A_218 = vector.shape_cast %parallel_loop3A_217 : vector<1x1x16xf32> to vector<16xf32>
      %parallel_loop3A_219 = vector.shape_cast %parallel_loop3A_211 : vector<16xf32> to vector<1x1x16xf32>
      tpu.vector_store %arg5[%parallel_loop3A_214, %parallel_loop3A_215, %parallel_loop3A_216], %parallel_loop3A_219 {strides = array<i32>} : memref<4x2x2048xf32, #tpu.memory_space<vmem>>, vector<1x1x16xf32>,
      %parallel_loop3A_220 = arith.constant 1 : i32
      %parallel_loop3A_221 = arith.constant 0 : i32
      %parallel_loop3A_222 = arith.index_cast %parallel_loop3A_220 : i32 to index
      %parallel_loop3A_223 = arith.index_cast %parallel_loop3A_221 : i32 to index
      %parallel_loop3A_224 = arith.index_cast %parallel_loop3A_198 : i32 to index
      %parallel_loop3A_225 = tpu.vector_load %arg5[%parallel_loop3A_222, %parallel_loop3A_223, %parallel_loop3A_224] {strides = array<i32>} : memref<4x2x2048xf32, #tpu.memory_space<vmem>>, vector<1x1x16xf32>,
      %parallel_loop3A_226 = vector.shape_cast %parallel_loop3A_225 : vector<1x1x16xf32> to vector<16xf32>
      %parallel_loop3A_227 = arith.addf %parallel_loop3A_226, %parallel_loop3A_203 : vector<16xf32>
      %parallel_loop3A_228 = arith.constant 1 : i32
      %parallel_loop3A_229 = arith.constant 0 : i32
      %parallel_loop3A_230 = arith.index_cast %parallel_loop3A_228 : i32 to index
      %parallel_loop3A_231 = arith.index_cast %parallel_loop3A_229 : i32 to index
      %parallel_loop3A_232 = arith.index_cast %parallel_loop3A_198 : i32 to index
      %parallel_loop3A_233 = tpu.vector_load %arg5[%parallel_loop3A_230, %parallel_loop3A_231, %parallel_loop3A_232] {strides = array<i32>} : memref<4x2x2048xf32, #tpu.memory_space<vmem>>, vector<1x1x16xf32>,
      %parallel_loop3A_234 = vector.shape_cast %parallel_loop3A_233 : vector<1x1x16xf32> to vector<16xf32>
      %parallel_loop3A_235 = vector.shape_cast %parallel_loop3A_227 : vector<16xf32> to vector<1x1x16xf32>
      tpu.vector_store %arg5[%parallel_loop3A_230, %parallel_loop3A_231, %parallel_loop3A_232], %parallel_loop3A_235 {strides = array<i32>} : memref<4x2x2048xf32, #tpu.memory_space<vmem>>, vector<1x1x16xf32>,
      %parallel_loop3A_236 = arith.constant 2 : i32
      %parallel_loop3A_237 = arith.constant 0 : i32
      %parallel_loop3A_238 = arith.index_cast %parallel_loop3A_236 : i32 to index
      %parallel_loop3A_239 = arith.index_cast %parallel_loop3A_237 : i32 to index
      %parallel_loop3A_240 = arith.index_cast %parallel_loop3A_198 : i32 to index
      %parallel_loop3A_241 = tpu.vector_load %arg5[%parallel_loop3A_238, %parallel_loop3A_239, %parallel_loop3A_240] {strides = array<i32>} : memref<4x2x2048xf32, #tpu.memory_space<vmem>>, vector<1x1x16xf32>,
      %parallel_loop3A_242 = vector.shape_cast %parallel_loop3A_241 : vector<1x1x16xf32> to vector<16xf32>
      %parallel_loop3A_243 = arith.addf %parallel_loop3A_242, %parallel_loop3A_203 : vector<16xf32>
      %parallel_loop3A_244 = arith.constant 2 : i32
      %parallel_loop3A_245 = arith.constant 0 : i32
      %parallel_loop3A_246 = arith.index_cast %parallel_loop3A_244 : i32 to index
      %parallel_loop3A_247 = arith.index_cast %parallel_loop3A_245 : i32 to index
      %parallel_loop3A_248 = arith.index_cast %parallel_loop3A_198 : i32 to index
      %parallel_loop3A_249 = tpu.vector_load %arg5[%parallel_loop3A_246, %parallel_loop3A_247, %parallel_loop3A_248] {strides = array<i32>} : memref<4x2x2048xf32, #tpu.memory_space<vmem>>, vector<1x1x16xf32>,
      %parallel_loop3A_250 = vector.shape_cast %parallel_loop3A_249 : vector<1x1x16xf32> to vector<16xf32>
      %parallel_loop3A_251 = vector.shape_cast %parallel_loop3A_243 : vector<16xf32> to vector<1x1x16xf32>
      tpu.vector_store %arg5[%parallel_loop3A_246, %parallel_loop3A_247, %parallel_loop3A_248], %parallel_loop3A_251 {strides = array<i32>} : memref<4x2x2048xf32, #tpu.memory_space<vmem>>, vector<1x1x16xf32>,
      %parallel_loop3A_252 = arith.constant 3 : i32
      %parallel_loop3A_253 = arith.constant 0 : i32
      %parallel_loop3A_254 = arith.index_cast %parallel_loop3A_252 : i32 to index
      %parallel_loop3A_255 = arith.index_cast %parallel_loop3A_253 : i32 to index
      %parallel_loop3A_256 = arith.index_cast %parallel_loop3A_198 : i32 to index
      %parallel_loop3A_257 = tpu.vector_load %arg5[%parallel_loop3A_254, %parallel_loop3A_255, %parallel_loop3A_256] {strides = array<i32>} : memref<4x2x2048xf32, #tpu.memory_space<vmem>>, vector<1x1x16xf32>,
      %parallel_loop3A_258 = vector.shape_cast %parallel_loop3A_257 : vector<1x1x16xf32> to vector<16xf32>
      %parallel_loop3A_259 = arith.addf %parallel_loop3A_258, %parallel_loop3A_203 : vector<16xf32>
      %parallel_loop3A_260 = arith.constant 3 : i32
      %parallel_loop3A_261 = arith.constant 0 : i32
      %parallel_loop3A_262 = arith.index_cast %parallel_loop3A_260 : i32 to index
      %parallel_loop3A_263 = arith.index_cast %parallel_loop3A_261 : i32 to index
      %parallel_loop3A_264 = arith.index_cast %parallel_loop3A_198 : i32 to index
      %parallel_loop3A_265 = tpu.vector_load %arg5[%parallel_loop3A_262, %parallel_loop3A_263, %parallel_loop3A_264] {strides = array<i32>} : memref<4x2x2048xf32, #tpu.memory_space<vmem>>, vector<1x1x16xf32>,
      %parallel_loop3A_266 = vector.shape_cast %parallel_loop3A_265 : vector<1x1x16xf32> to vector<16xf32>
      %parallel_loop3A_267 = vector.shape_cast %parallel_loop3A_259 : vector<16xf32> to vector<1x1x16xf32>
      tpu.vector_store %arg5[%parallel_loop3A_262, %parallel_loop3A_263, %parallel_loop3A_264], %parallel_loop3A_267 {strides = array<i32>} : memref<4x2x2048xf32, #tpu.memory_space<vmem>>, vector<1x1x16xf32>,
      %parallel_loop3A_268 = arith.constant 1 : i32
      %parallel_loop3A_269 = arith.index_cast %parallel_loop3A_268 : i32 to index
      %parallel_loop3A_270 = arith.index_cast %parallel_loop3A_198 : i32 to index
      %parallel_loop3A_271 = tpu.vector_load %arg9[%parallel_loop3A_269, %parallel_loop3A_270] {strides = array<i32>} : memref<2x2048xf32, #tpu.memory_space<vmem>>, vector<1x16xf32>,
      %parallel_loop3A_272 = vector.shape_cast %parallel_loop3A_271 : vector<1x16xf32> to vector<16xf32>
      %parallel_loop3A_273 = arith.constant 0 : i32
      %parallel_loop3A_274 = arith.constant 1 : i32
      %parallel_loop3A_275 = arith.index_cast %parallel_loop3A_273 : i32 to index
      %parallel_loop3A_276 = arith.index_cast %parallel_loop3A_274 : i32 to index
      %parallel_loop3A_277 = arith.index_cast %parallel_loop3A_198 : i32 to index
      %parallel_loop3A_278 = tpu.vector_load %arg5[%parallel_loop3A_275, %parallel_loop3A_276, %parallel_loop3A_277] {strides = array<i32>} : memref<4x2x2048xf32, #tpu.memory_space<vmem>>, vector<1x1x16xf32>,
      %parallel_loop3A_279 = vector.shape_cast %parallel_loop3A_278 : vector<1x1x16xf32> to vector<16xf32>
      %parallel_loop3A_280 = arith.addf %parallel_loop3A_279, %parallel_loop3A_272 : vector<16xf32>
      %parallel_loop3A_281 = arith.constant 0 : i32
      %parallel_loop3A_282 = arith.constant 1 : i32
      %parallel_loop3A_283 = arith.index_cast %parallel_loop3A_281 : i32 to index
      %parallel_loop3A_284 = arith.index_cast %parallel_loop3A_282 : i32 to index
      %parallel_loop3A_285 = arith.index_cast %parallel_loop3A_198 : i32 to index
      %parallel_loop3A_286 = tpu.vector_load %arg5[%parallel_loop3A_283, %parallel_loop3A_284, %parallel_loop3A_285] {strides = array<i32>} : memref<4x2x2048xf32, #tpu.memory_space<vmem>>, vector<1x1x16xf32>,
      %parallel_loop3A_287 = vector.shape_cast %parallel_loop3A_286 : vector<1x1x16xf32> to vector<16xf32>
      %parallel_loop3A_288 = vector.shape_cast %parallel_loop3A_280 : vector<16xf32> to vector<1x1x16xf32>
      tpu.vector_store %arg5[%parallel_loop3A_283, %parallel_loop3A_284, %parallel_loop3A_285], %parallel_loop3A_288 {strides = array<i32>} : memref<4x2x2048xf32, #tpu.memory_space<vmem>>, vector<1x1x16xf32>,
      %parallel_loop3A_289 = arith.constant 1 : i32
      %parallel_loop3A_290 = arith.constant 1 : i32
      %parallel_loop3A_291 = arith.index_cast %parallel_loop3A_289 : i32 to index
      %parallel_loop3A_292 = arith.index_cast %parallel_loop3A_290 : i32 to index
      %parallel_loop3A_293 = arith.index_cast %parallel_loop3A_198 : i32 to index
      %parallel_loop3A_294 = tpu.vector_load %arg5[%parallel_loop3A_291, %parallel_loop3A_292, %parallel_loop3A_293] {strides = array<i32>} : memref<4x2x2048xf32, #tpu.memory_space<vmem>>, vector<1x1x16xf32>,
      %parallel_loop3A_295 = vector.shape_cast %parallel_loop3A_294 : vector<1x1x16xf32> to vector<16xf32>
      %parallel_loop3A_296 = arith.addf %parallel_loop3A_295, %parallel_loop3A_272 : vector<16xf32>
      %parallel_loop3A_297 = arith.constant 1 : i32
      %parallel_loop3A_298 = arith.constant 1 : i32
      %parallel_loop3A_299 = arith.index_cast %parallel_loop3A_297 : i32 to index
      %parallel_loop3A_300 = arith.index_cast %parallel_loop3A_298 : i32 to index
      %parallel_loop3A_301 = arith.index_cast %parallel_loop3A_198 : i32 to index
      %parallel_loop3A_302 = tpu.vector_load %arg5[%parallel_loop3A_299, %parallel_loop3A_300, %parallel_loop3A_301] {strides = array<i32>} : memref<4x2x2048xf32, #tpu.memory_space<vmem>>, vector<1x1x16xf32>,
      %parallel_loop3A_303 = vector.shape_cast %parallel_loop3A_302 : vector<1x1x16xf32> to vector<16xf32>
      %parallel_loop3A_304 = vector.shape_cast %parallel_loop3A_296 : vector<16xf32> to vector<1x1x16xf32>
      tpu.vector_store %arg5[%parallel_loop3A_299, %parallel_loop3A_300, %parallel_loop3A_301], %parallel_loop3A_304 {strides = array<i32>} : memref<4x2x2048xf32, #tpu.memory_space<vmem>>, vector<1x1x16xf32>,
      %parallel_loop3A_305 = arith.constant 2 : i32
      %parallel_loop3A_306 = arith.constant 1 : i32
      %parallel_loop3A_307 = arith.index_cast %parallel_loop3A_305 : i32 to index
      %parallel_loop3A_308 = arith.index_cast %parallel_loop3A_306 : i32 to index
      %parallel_loop3A_309 = arith.index_cast %parallel_loop3A_198 : i32 to index
      %parallel_loop3A_310 = tpu.vector_load %arg5[%parallel_loop3A_307, %parallel_loop3A_308, %parallel_loop3A_309] {strides = array<i32>} : memref<4x2x2048xf32, #tpu.memory_space<vmem>>, vector<1x1x16xf32>,
      %parallel_loop3A_311 = vector.shape_cast %parallel_loop3A_310 : vector<1x1x16xf32> to vector<16xf32>
      %parallel_loop3A_312 = arith.addf %parallel_loop3A_311, %parallel_loop3A_272 : vector<16xf32>
      %parallel_loop3A_313 = arith.constant 2 : i32
      %parallel_loop3A_314 = arith.constant 1 : i32
      %parallel_loop3A_315 = arith.index_cast %parallel_loop3A_313 : i32 to index
      %parallel_loop3A_316 = arith.index_cast %parallel_loop3A_314 : i32 to index
      %parallel_loop3A_317 = arith.index_cast %parallel_loop3A_198 : i32 to index
      %parallel_loop3A_318 = tpu.vector_load %arg5[%parallel_loop3A_315, %parallel_loop3A_316, %parallel_loop3A_317] {strides = array<i32>} : memref<4x2x2048xf32, #tpu.memory_space<vmem>>, vector<1x1x16xf32>,
      %parallel_loop3A_319 = vector.shape_cast %parallel_loop3A_318 : vector<1x1x16xf32> to vector<16xf32>
      %parallel_loop3A_320 = vector.shape_cast %parallel_loop3A_312 : vector<16xf32> to vector<1x1x16xf32>
      tpu.vector_store %arg5[%parallel_loop3A_315, %parallel_loop3A_316, %parallel_loop3A_317], %parallel_loop3A_320 {strides = array<i32>} : memref<4x2x2048xf32, #tpu.memory_space<vmem>>, vector<1x1x16xf32>,
      %parallel_loop3A_321 = arith.constant 3 : i32
      %parallel_loop3A_322 = arith.constant 1 : i32
      %parallel_loop3A_323 = arith.index_cast %parallel_loop3A_321 : i32 to index
      %parallel_loop3A_324 = arith.index_cast %parallel_loop3A_322 : i32 to index
      %parallel_loop3A_325 = arith.index_cast %parallel_loop3A_198 : i32 to index
      %parallel_loop3A_326 = tpu.vector_load %arg5[%parallel_loop3A_323, %parallel_loop3A_324, %parallel_loop3A_325] {strides = array<i32>} : memref<4x2x2048xf32, #tpu.memory_space<vmem>>, vector<1x1x16xf32>,
      %parallel_loop3A_327 = vector.shape_cast %parallel_loop3A_326 : vector<1x1x16xf32> to vector<16xf32>
      %parallel_loop3A_328 = arith.addf %parallel_loop3A_327, %parallel_loop3A_272 : vector<16xf32>
      %parallel_loop3A_329 = arith.constant 3 : i32
      %parallel_loop3A_330 = arith.constant 1 : i32
      %parallel_loop3A_331 = arith.index_cast %parallel_loop3A_329 : i32 to index
      %parallel_loop3A_332 = arith.index_cast %parallel_loop3A_330 : i32 to index
      %parallel_loop3A_333 = arith.index_cast %parallel_loop3A_198 : i32 to index
      %parallel_loop3A_334 = tpu.vector_load %arg5[%parallel_loop3A_331, %parallel_loop3A_332, %parallel_loop3A_333] {strides = array<i32>} : memref<4x2x2048xf32, #tpu.memory_space<vmem>>, vector<1x1x16xf32>,
      %parallel_loop3A_335 = vector.shape_cast %parallel_loop3A_334 : vector<1x1x16xf32> to vector<16xf32>
      %parallel_loop3A_336 = vector.shape_cast %parallel_loop3A_328 : vector<16xf32> to vector<1x1x16xf32>
      tpu.vector_store %arg5[%parallel_loop3A_331, %parallel_loop3A_332, %parallel_loop3A_333], %parallel_loop3A_336 {strides = array<i32>} : memref<4x2x2048xf32, #tpu.memory_space<vmem>>, vector<1x1x16xf32>,
    } {sc.loop_unroll_factor = 4 : i64, sc.parallel_access}
    %add3A_41 = arith.constant 0 : i32
    %add3A_42 = arith.addi %mul3A_2, %add3A_41 : i32
    %dma_start3A_43 = arith.constant 0 : i32
    %dma_start3A_44 = arith.constant 0 : i32
    %dma_start3A_45 = tpu.memref_slice %arg4[%dma_start3A_43, %add3A_42, %dma_start3A_44] : memref<4x4096x2048xf32, #tpu.memory_space<hbm>> -> memref<4x2x2048xf32, #tpu.memory_space<hbm>>
    %dma_start3A_46 = arith.constant 0 : i32
    %dma_start3A_47 = arith.constant 0 : i32
    %dma_start3A_48 = tpu.memref_slice %arg4[%dma_start3A_46, %add3A_42, %dma_start3A_47] : memref<4x4096x2048xf32, #tpu.memory_space<hbm>> -> memref<4x2x2048xf32, #tpu.memory_space<hbm>>
    tpu.enqueue_dma source(%arg5 : memref<4x2x2048xf32, #tpu.memory_space<vmem>>) target(%dma_start3A_48 : memref<4x2x2048xf32, #tpu.memory_space<hbm>>) target_semaphore(%arg17 : memref<!tpu.dma_semaphore, #tpu.memory_space<semaphore_mem>>)
    %add3A_49 = arith.constant 4 : i32
    %add3A_50 = arith.addi %mul3A_2, %add3A_49 : i32
    %dma_start3A_51 = arith.constant 0 : i32
    %dma_start3A_52 = tpu.memref_slice %arg3[%add3A_50, %dma_start3A_51] : memref<4096x2048xf32, #tpu.memory_space<hbm>> -> memref<2x2048xf32, #tpu.memory_space<hbm>>
    %dma_start3A_53 = arith.constant 0 : i32
    %dma_start3A_54 = tpu.memref_slice %arg3[%add3A_50, %dma_start3A_53] : memref<4096x2048xf32, #tpu.memory_space<hbm>> -> memref<2x2048xf32, #tpu.memory_space<hbm>>
    tpu.enqueue_dma source(%dma_start3A_54 : memref<2x2048xf32, #tpu.memory_space<hbm>>) target(%arg11 : memref<2x2048xf32, #tpu.memory_space<vmem>>) target_semaphore(%arg15 : memref<!tpu.dma_semaphore, #tpu.memory_space<semaphore_mem>>)
    %dma_start3A_55 = arith.constant 0 : i32
    %dma_start3A_56 = arith.constant 0 : i32
    %dma_start3A_57 = tpu.memref_slice %arg2[%dma_start3A_55, %add3A_50, %dma_start3A_56] : memref<4x4096x2048xf32, #tpu.memory_space<hbm>> -> memref<4x2x2048xf32, #tpu.memory_space<hbm>>
    %dma_start3A_58 = arith.constant 0 : i32
    %dma_start3A_59 = arith.constant 0 : i32
    %dma_start3A_60 = tpu.memref_slice %arg2[%dma_start3A_58, %add3A_50, %dma_start3A_59] : memref<4x4096x2048xf32, #tpu.memory_space<hbm>> -> memref<4x2x2048xf32, #tpu.memory_space<hbm>>
    tpu.enqueue_dma source(%dma_start3A_60 : memref<4x2x2048xf32, #tpu.memory_space<hbm>>) target(%arg7 : memref<4x2x2048xf32, #tpu.memory_space<vmem>>) target_semaphore(%arg15 : memref<!tpu.dma_semaphore, #tpu.memory_space<semaphore_mem>>)
    %dma_wait3A_61 = arith.constant 0 : i32
    %dma_wait3A_62 = arith.constant 0 : i32
    %dma_wait3A_63 = arith.constant 0 : i32
    %dma_wait3A_64 = tpu.memref_slice %arg2[%dma_wait3A_61, %dma_wait3A_62, %dma_wait3A_63] : memref<4x4096x2048xf32, #tpu.memory_space<hbm>> -> memref<4x2x2048xf32, #tpu.memory_space<hbm>>
    %dma_wait3A_65 = arith.constant 0 : i32
    %dma_wait3A_66 = arith.constant 0 : i32
    %dma_wait3A_67 = arith.constant 0 : i32
    %dma_wait3A_68 = tpu.memref_slice %arg2[%dma_wait3A_65, %dma_wait3A_66, %dma_wait3A_67] : memref<4x4096x2048xf32, #tpu.memory_space<hbm>> -> memref<4x2x2048xf32, #tpu.memory_space<hbm>>
    tpu.wait_dma2 semaphore(%arg14 : memref<!tpu.dma_semaphore, #tpu.memory_space<semaphore_mem>>) src(%dma_wait3A_68 : memref<4x2x2048xf32, #tpu.memory_space<hbm>>) dst(%arg6 : memref<4x2x2048xf32, #tpu.memory_space<vmem>>)
    %dma_wait3A_69 = arith.constant 0 : i32
    %dma_wait3A_70 = arith.constant 0 : i32
    %dma_wait3A_71 = tpu.memref_slice %arg3[%dma_wait3A_69, %dma_wait3A_70] : memref<4096x2048xf32, #tpu.memory_space<hbm>> -> memref<2x2048xf32, #tpu.memory_space<hbm>>
    %dma_wait3A_72 = arith.constant 0 : i32
    %dma_wait3A_73 = arith.constant 0 : i32
    %dma_wait3A_74 = tpu.memref_slice %arg3[%dma_wait3A_72, %dma_wait3A_73] : memref<4096x2048xf32, #tpu.memory_space<hbm>> -> memref<2x2048xf32, #tpu.memory_space<hbm>>
    tpu.wait_dma2 semaphore(%arg14 : memref<!tpu.dma_semaphore, #tpu.memory_space<semaphore_mem>>) src(%dma_wait3A_74 : memref<2x2048xf32, #tpu.memory_space<hbm>>) dst(%arg10 : memref<2x2048xf32, #tpu.memory_space<vmem>>)
    %parallel_loop3A_75 = arith.constant 0 : i32
    %parallel_loop3A_76 = arith.constant 2048 : i32
    %parallel_loop3A_77 = arith.constant 16 : i32
    scf.for %parallel_loop3A_198 = %parallel_loop3A_75 to %parallel_loop3A_76 step %parallel_loop3A_77  : i32 {
      %parallel_loop3A_199 = arith.constant 0 : i32
      %parallel_loop3A_200 = arith.index_cast %parallel_loop3A_199 : i32 to index
      %parallel_loop3A_201 = arith.index_cast %parallel_loop3A_198 : i32 to index
      %parallel_loop3A_202 = tpu.vector_load %arg10[%parallel_loop3A_200, %parallel_loop3A_201] {strides = array<i32>} : memref<2x2048xf32, #tpu.memory_space<vmem>>, vector<1x16xf32>,
      %parallel_loop3A_203 = vector.shape_cast %parallel_loop3A_202 : vector<1x16xf32> to vector<16xf32>
      %parallel_loop3A_204 = arith.constant 0 : i32
      %parallel_loop3A_205 = arith.constant 0 : i32
      %parallel_loop3A_206 = arith.index_cast %parallel_loop3A_204 : i32 to index
      %parallel_loop3A_207 = arith.index_cast %parallel_loop3A_205 : i32 to index
      %parallel_loop3A_208 = arith.index_cast %parallel_loop3A_198 : i32 to index
      %parallel_loop3A_209 = tpu.vector_load %arg6[%parallel_loop3A_206, %parallel_loop3A_207, %parallel_loop3A_208] {strides = array<i32>} : memref<4x2x2048xf32, #tpu.memory_space<vmem>>, vector<1x1x16xf32>,
      %parallel_loop3A_210 = vector.shape_cast %parallel_loop3A_209 : vector<1x1x16xf32> to vector<16xf32>
      %parallel_loop3A_211 = arith.addf %parallel_loop3A_210, %parallel_loop3A_203 : vector<16xf32>
      %parallel_loop3A_212 = arith.constant 0 : i32
      %parallel_loop3A_213 = arith.constant 0 : i32
      %parallel_loop3A_214 = arith.index_cast %parallel_loop3A_212 : i32 to index
      %parallel_loop3A_215 = arith.index_cast %parallel_loop3A_213 : i32 to index
      %parallel_loop3A_216 = arith.index_cast %parallel_loop3A_198 : i32 to index
      %parallel_loop3A_217 = tpu.vector_load %arg6[%parallel_loop3A_214, %parallel_loop3A_215, %parallel_loop3A_216] {strides = array<i32>} : memref<4x2x2048xf32, #tpu.memory_space<vmem>>, vector<1x1x16xf32>,
      %parallel_loop3A_218 = vector.shape_cast %parallel_loop3A_217 : vector<1x1x16xf32> to vector<16xf32>
      %parallel_loop3A_219 = vector.shape_cast %parallel_loop3A_211 : vector<16xf32> to vector<1x1x16xf32>
      tpu.vector_store %arg6[%parallel_loop3A_214, %parallel_loop3A_215, %parallel_loop3A_216], %parallel_loop3A_219 {strides = array<i32>} : memref<4x2x2048xf32, #tpu.memory_space<vmem>>, vector<1x1x16xf32>,
      %parallel_loop3A_220 = arith.constant 1 : i32
      %parallel_loop3A_221 = arith.constant 0 : i32
      %parallel_loop3A_222 = arith.index_cast %parallel_loop3A_220 : i32 to index
      %parallel_loop3A_223 = arith.index_cast %parallel_loop3A_221 : i32 to index
      %parallel_loop3A_224 = arith.index_cast %parallel_loop3A_198 : i32 to index
      %parallel_loop3A_225 = tpu.vector_load %arg6[%parallel_loop3A_222, %parallel_loop3A_223, %parallel_loop3A_224] {strides = array<i32>} : memref<4x2x2048xf32, #tpu.memory_space<vmem>>, vector<1x1x16xf32>,
      %parallel_loop3A_226 = vector.shape_cast %parallel_loop3A_225 : vector<1x1x16xf32> to vector<16xf32>
      %parallel_loop3A_227 = arith.addf %parallel_loop3A_226, %parallel_loop3A_203 : vector<16xf32>
      %parallel_loop3A_228 = arith.constant 1 : i32
      %parallel_loop3A_229 = arith.constant 0 : i32
      %parallel_loop3A_230 = arith.index_cast %parallel_loop3A_228 : i32 to index
      %parallel_loop3A_231 = arith.index_cast %parallel_loop3A_229 : i32 to index
      %parallel_loop3A_232 = arith.index_cast %parallel_loop3A_198 : i32 to index
      %parallel_loop3A_233 = tpu.vector_load %arg6[%parallel_loop3A_230, %parallel_loop3A_231, %parallel_loop3A_232] {strides = array<i32>} : memref<4x2x2048xf32, #tpu.memory_space<vmem>>, vector<1x1x16xf32>,
      %parallel_loop3A_234 = vector.shape_cast %parallel_loop3A_233 : vector<1x1x16xf32> to vector<16xf32>
      %parallel_loop3A_235 = vector.shape_cast %parallel_loop3A_227 : vector<16xf32> to vector<1x1x16xf32>
      tpu.vector_store %arg6[%parallel_loop3A_230, %parallel_loop3A_231, %parallel_loop3A_232], %parallel_loop3A_235 {strides = array<i32>} : memref<4x2x2048xf32, #tpu.memory_space<vmem>>, vector<1x1x16xf32>,
      %parallel_loop3A_236 = arith.constant 2 : i32
      %parallel_loop3A_237 = arith.constant 0 : i32
      %parallel_loop3A_238 = arith.index_cast %parallel_loop3A_236 : i32 to index
      %parallel_loop3A_239 = arith.index_cast %parallel_loop3A_237 : i32 to index
      %parallel_loop3A_240 = arith.index_cast %parallel_loop3A_198 : i32 to index
      %parallel_loop3A_241 = tpu.vector_load %arg6[%parallel_loop3A_238, %parallel_loop3A_239, %parallel_loop3A_240] {strides = array<i32>} : memref<4x2x2048xf32, #tpu.memory_space<vmem>>, vector<1x1x16xf32>,
      %parallel_loop3A_242 = vector.shape_cast %parallel_loop3A_241 : vector<1x1x16xf32> to vector<16xf32>
      %parallel_loop3A_243 = arith.addf %parallel_loop3A_242, %parallel_loop3A_203 : vector<16xf32>
      %parallel_loop3A_244 = arith.constant 2 : i32
      %parallel_loop3A_245 = arith.constant 0 : i32
      %parallel_loop3A_246 = arith.index_cast %parallel_loop3A_244 : i32 to index
      %parallel_loop3A_247 = arith.index_cast %parallel_loop3A_245 : i32 to index
      %parallel_loop3A_248 = arith.index_cast %parallel_loop3A_198 : i32 to index
      %parallel_loop3A_249 = tpu.vector_load %arg6[%parallel_loop3A_246, %parallel_loop3A_247, %parallel_loop3A_248] {strides = array<i32>} : memref<4x2x2048xf32, #tpu.memory_space<vmem>>, vector<1x1x16xf32>,
      %parallel_loop3A_250 = vector.shape_cast %parallel_loop3A_249 : vector<1x1x16xf32> to vector<16xf32>
      %parallel_loop3A_251 = vector.shape_cast %parallel_loop3A_243 : vector<16xf32> to vector<1x1x16xf32>
      tpu.vector_store %arg6[%parallel_loop3A_246, %parallel_loop3A_247, %parallel_loop3A_248], %parallel_loop3A_251 {strides = array<i32>} : memref<4x2x2048xf32, #tpu.memory_space<vmem>>, vector<1x1x16xf32>,
      %parallel_loop3A_252 = arith.constant 3 : i32
      %parallel_loop3A_253 = arith.constant 0 : i32
      %parallel_loop3A_254 = arith.index_cast %parallel_loop3A_252 : i32 to index
      %parallel_loop3A_255 = arith.index_cast %parallel_loop3A_253 : i32 to index
      %parallel_loop3A_256 = arith.index_cast %parallel_loop3A_198 : i32 to index
      %parallel_loop3A_257 = tpu.vector_load %arg6[%parallel_loop3A_254, %parallel_loop3A_255, %parallel_loop3A_256] {strides = array<i32>} : memref<4x2x2048xf32, #tpu.memory_space<vmem>>, vector<1x1x16xf32>,
      %parallel_loop3A_258 = vector.shape_cast %parallel_loop3A_257 : vector<1x1x16xf32> to vector<16xf32>
      %parallel_loop3A_259 = arith.addf %parallel_loop3A_258, %parallel_loop3A_203 : vector<16xf32>
      %parallel_loop3A_260 = arith.constant 3 : i32
      %parallel_loop3A_261 = arith.constant 0 : i32
      %parallel_loop3A_262 = arith.index_cast %parallel_loop3A_260 : i32 to index
      %parallel_loop3A_263 = arith.index_cast %parallel_loop3A_261 : i32 to index
      %parallel_loop3A_264 = arith.index_cast %parallel_loop3A_198 : i32 to index
      %parallel_loop3A_265 = tpu.vector_load %arg6[%parallel_loop3A_262, %parallel_loop3A_263, %parallel_loop3A_264] {strides = array<i32>} : memref<4x2x2048xf32, #tpu.memory_space<vmem>>, vector<1x1x16xf32>,
      %parallel_loop3A_266 = vector.shape_cast %parallel_loop3A_265 : vector<1x1x16xf32> to vector<16xf32>
      %parallel_loop3A_267 = vector.shape_cast %parallel_loop3A_259 : vector<16xf32> to vector<1x1x16xf32>
      tpu.vector_store %arg6[%parallel_loop3A_262, %parallel_loop3A_263, %parallel_loop3A_264], %parallel_loop3A_267 {strides = array<i32>} : memref<4x2x2048xf32, #tpu.memory_space<vmem>>, vector<1x1x16xf32>,
      %parallel_loop3A_268 = arith.constant 1 : i32
      %parallel_loop3A_269 = arith.index_cast %parallel_loop3A_268 : i32 to index
      %parallel_loop3A_270 = arith.index_cast %parallel_loop3A_198 : i32 to index
      %parallel_loop3A_271 = tpu.vector_load %arg10[%parallel_loop3A_269, %parallel_loop3A_270] {strides = array<i32>} : memref<2x2048xf32, #tpu.memory_space<vmem>>, vector<1x16xf32>,
      %parallel_loop3A_272 = vector.shape_cast %parallel_loop3A_271 : vector<1x16xf32> to vector<16xf32>
      %parallel_loop3A_273 = arith.constant 0 : i32
      %parallel_loop3A_274 = arith.constant 1 : i32
      %parallel_loop3A_275 = arith.index_cast %parallel_loop3A_273 : i32 to index
      %parallel_loop3A_276 = arith.index_cast %parallel_loop3A_274 : i32 to index
      %parallel_loop3A_277 = arith.index_cast %parallel_loop3A_198 : i32 to index
      %parallel_loop3A_278 = tpu.vector_load %arg6[%parallel_loop3A_275, %parallel_loop3A_276, %parallel_loop3A_277] {strides = array<i32>} : memref<4x2x2048xf32, #tpu.memory_space<vmem>>, vector<1x1x16xf32>,
      %parallel_loop3A_279 = vector.shape_cast %parallel_loop3A_278 : vector<1x1x16xf32> to vector<16xf32>
      %parallel_loop3A_280 = arith.addf %parallel_loop3A_279, %parallel_loop3A_272 : vector<16xf32>
      %parallel_loop3A_281 = arith.constant 0 : i32
      %parallel_loop3A_282 = arith.constant 1 : i32
      %parallel_loop3A_283 = arith.index_cast %parallel_loop3A_281 : i32 to index
      %parallel_loop3A_284 = arith.index_cast %parallel_loop3A_282 : i32 to index
      %parallel_loop3A_285 = arith.index_cast %parallel_loop3A_198 : i32 to index
      %parallel_loop3A_286 = tpu.vector_load %arg6[%parallel_loop3A_283, %parallel_loop3A_284, %parallel_loop3A_285] {strides = array<i32>} : memref<4x2x2048xf32, #tpu.memory_space<vmem>>, vector<1x1x16xf32>,
      %parallel_loop3A_287 = vector.shape_cast %parallel_loop3A_286 : vector<1x1x16xf32> to vector<16xf32>
      %parallel_loop3A_288 = vector.shape_cast %parallel_loop3A_280 : vector<16xf32> to vector<1x1x16xf32>
      tpu.vector_store %arg6[%parallel_loop3A_283, %parallel_loop3A_284, %parallel_loop3A_285], %parallel_loop3A_288 {strides = array<i32>} : memref<4x2x2048xf32, #tpu.memory_space<vmem>>, vector<1x1x16xf32>,
      %parallel_loop3A_289 = arith.constant 1 : i32
      %parallel_loop3A_290 = arith.constant 1 : i32
      %parallel_loop3A_291 = arith.index_cast %parallel_loop3A_289 : i32 to index
      %parallel_loop3A_292 = arith.index_cast %parallel_loop3A_290 : i32 to index
      %parallel_loop3A_293 = arith.index_cast %parallel_loop3A_198 : i32 to index
      %parallel_loop3A_294 = tpu.vector_load %arg6[%parallel_loop3A_291, %parallel_loop3A_292, %parallel_loop3A_293] {strides = array<i32>} : memref<4x2x2048xf32, #tpu.memory_space<vmem>>, vector<1x1x16xf32>,
      %parallel_loop3A_295 = vector.shape_cast %parallel_loop3A_294 : vector<1x1x16xf32> to vector<16xf32>
      %parallel_loop3A_296 = arith.addf %parallel_loop3A_295, %parallel_loop3A_272 : vector<16xf32>
      %parallel_loop3A_297 = arith.constant 1 : i32
      %parallel_loop3A_298 = arith.constant 1 : i32
      %parallel_loop3A_299 = arith.index_cast %parallel_loop3A_297 : i32 to index
      %parallel_loop3A_300 = arith.index_cast %parallel_loop3A_298 : i32 to index
      %parallel_loop3A_301 = arith.index_cast %parallel_loop3A_198 : i32 to index
      %parallel_loop3A_302 = tpu.vector_load %arg6[%parallel_loop3A_299, %parallel_loop3A_300, %parallel_loop3A_301] {strides = array<i32>} : memref<4x2x2048xf32, #tpu.memory_space<vmem>>, vector<1x1x16xf32>,
      %parallel_loop3A_303 = vector.shape_cast %parallel_loop3A_302 : vector<1x1x16xf32> to vector<16xf32>
      %parallel_loop3A_304 = vector.shape_cast %parallel_loop3A_296 : vector<16xf32> to vector<1x1x16xf32>
      tpu.vector_store %arg6[%parallel_loop3A_299, %parallel_loop3A_300, %parallel_loop3A_301], %parallel_loop3A_304 {strides = array<i32>} : memref<4x2x2048xf32, #tpu.memory_space<vmem>>, vector<1x1x16xf32>,
      %parallel_loop3A_305 = arith.constant 2 : i32
      %parallel_loop3A_306 = arith.constant 1 : i32
      %parallel_loop3A_307 = arith.index_cast %parallel_loop3A_305 : i32 to index
      %parallel_loop3A_308 = arith.index_cast %parallel_loop3A_306 : i32 to index
      %parallel_loop3A_309 = arith.index_cast %parallel_loop3A_198 : i32 to index
      %parallel_loop3A_310 = tpu.vector_load %arg6[%parallel_loop3A_307, %parallel_loop3A_308, %parallel_loop3A_309] {strides = array<i32>} : memref<4x2x2048xf32, #tpu.memory_space<vmem>>, vector<1x1x16xf32>,
      %parallel_loop3A_311 = vector.shape_cast %parallel_loop3A_310 : vector<1x1x16xf32> to vector<16xf32>
      %parallel_loop3A_312 = arith.addf %parallel_loop3A_311, %parallel_loop3A_272 : vector<16xf32>
      %parallel_loop3A_313 = arith.constant 2 : i32
      %parallel_loop3A_314 = arith.constant 1 : i32
      %parallel_loop3A_315 = arith.index_cast %parallel_loop3A_313 : i32 to index
      %parallel_loop3A_316 = arith.index_cast %parallel_loop3A_314 : i32 to index
      %parallel_loop3A_317 = arith.index_cast %parallel_loop3A_198 : i32 to index
      %parallel_loop3A_318 = tpu.vector_load %arg6[%parallel_loop3A_315, %parallel_loop3A_316, %parallel_loop3A_317] {strides = array<i32>} : memref<4x2x2048xf32, #tpu.memory_space<vmem>>, vector<1x1x16xf32>,
      %parallel_loop3A_319 = vector.shape_cast %parallel_loop3A_318 : vector<1x1x16xf32> to vector<16xf32>
      %parallel_loop3A_320 = vector.shape_cast %parallel_loop3A_312 : vector<16xf32> to vector<1x1x16xf32>
      tpu.vector_store %arg6[%parallel_loop3A_315, %parallel_loop3A_316, %parallel_loop3A_317], %parallel_loop3A_320 {strides = array<i32>} : memref<4x2x2048xf32, #tpu.memory_space<vmem>>, vector<1x1x16xf32>,
      %parallel_loop3A_321 = arith.constant 3 : i32
      %parallel_loop3A_322 = arith.constant 1 : i32
      %parallel_loop3A_323 = arith.index_cast %parallel_loop3A_321 : i32 to index
      %parallel_loop3A_324 = arith.index_cast %parallel_loop3A_322 : i32 to index
      %parallel_loop3A_325 = arith.index_cast %parallel_loop3A_198 : i32 to index
      %parallel_loop3A_326 = tpu.vector_load %arg6[%parallel_loop3A_323, %parallel_loop3A_324, %parallel_loop3A_325] {strides = array<i32>} : memref<4x2x2048xf32, #tpu.memory_space<vmem>>, vector<1x1x16xf32>,
      %parallel_loop3A_327 = vector.shape_cast %parallel_loop3A_326 : vector<1x1x16xf32> to vector<16xf32>
      %parallel_loop3A_328 = arith.addf %parallel_loop3A_327, %parallel_loop3A_272 : vector<16xf32>
      %parallel_loop3A_329 = arith.constant 3 : i32
      %parallel_loop3A_330 = arith.constant 1 : i32
      %parallel_loop3A_331 = arith.index_cast %parallel_loop3A_329 : i32 to index
      %parallel_loop3A_332 = arith.index_cast %parallel_loop3A_330 : i32 to index
      %parallel_loop3A_333 = arith.index_cast %parallel_loop3A_198 : i32 to index
      %parallel_loop3A_334 = tpu.vector_load %arg6[%parallel_loop3A_331, %parallel_loop3A_332, %parallel_loop3A_333] {strides = array<i32>} : memref<4x2x2048xf32, #tpu.memory_space<vmem>>, vector<1x1x16xf32>,
      %parallel_loop3A_335 = vector.shape_cast %parallel_loop3A_334 : vector<1x1x16xf32> to vector<16xf32>
      %parallel_loop3A_336 = vector.shape_cast %parallel_loop3A_328 : vector<16xf32> to vector<1x1x16xf32>
      tpu.vector_store %arg6[%parallel_loop3A_331, %parallel_loop3A_332, %parallel_loop3A_333], %parallel_loop3A_336 {strides = array<i32>} : memref<4x2x2048xf32, #tpu.memory_space<vmem>>, vector<1x1x16xf32>,
    } {sc.loop_unroll_factor = 4 : i64, sc.parallel_access}
    %add3A_78 = arith.constant 2 : i32
    %add3A_79 = arith.addi %mul3A_2, %add3A_78 : i32
    %dma_start3A_80 = arith.constant 0 : i32
    %dma_start3A_81 = arith.constant 0 : i32
    %dma_start3A_82 = tpu.memref_slice %arg4[%dma_start3A_80, %add3A_79, %dma_start3A_81] : memref<4x4096x2048xf32, #tpu.memory_space<hbm>> -> memref<4x2x2048xf32, #tpu.memory_space<hbm>>
    %dma_start3A_83 = arith.constant 0 : i32
    %dma_start3A_84 = arith.constant 0 : i32
    %dma_start3A_85 = tpu.memref_slice %arg4[%dma_start3A_83, %add3A_79, %dma_start3A_84] : memref<4x4096x2048xf32, #tpu.memory_space<hbm>> -> memref<4x2x2048xf32, #tpu.memory_space<hbm>>
    tpu.enqueue_dma source(%arg6 : memref<4x2x2048xf32, #tpu.memory_space<vmem>>) target(%dma_start3A_85 : memref<4x2x2048xf32, #tpu.memory_space<hbm>>) target_semaphore(%arg18 : memref<!tpu.dma_semaphore, #tpu.memory_space<semaphore_mem>>)
    %add3A_86 = arith.constant 6 : i32
    %add3A_87 = arith.addi %mul3A_2, %add3A_86 : i32
    %dma_start3A_88 = arith.constant 0 : i32
    %dma_start3A_89 = tpu.memref_slice %arg3[%add3A_87, %dma_start3A_88] : memref<4096x2048xf32, #tpu.memory_space<hbm>> -> memref<2x2048xf32, #tpu.memory_space<hbm>>
    %dma_start3A_90 = arith.constant 0 : i32
    %dma_start3A_91 = tpu.memref_slice %arg3[%add3A_87, %dma_start3A_90] : memref<4096x2048xf32, #tpu.memory_space<hbm>> -> memref<2x2048xf32, #tpu.memory_space<hbm>>
    tpu.enqueue_dma source(%dma_start3A_91 : memref<2x2048xf32, #tpu.memory_space<hbm>>) target(%arg12 : memref<2x2048xf32, #tpu.memory_space<vmem>>) target_semaphore(%arg16 : memref<!tpu.dma_semaphore, #tpu.memory_space<semaphore_mem>>)
    %dma_start3A_92 = arith.constant 0 : i32
    %dma_start3A_93 = arith.constant 0 : i32
    %dma_start3A_94 = tpu.memref_slice %arg2[%dma_start3A_92, %add3A_87, %dma_start3A_93] : memref<4x4096x2048xf32, #tpu.memory_space<hbm>> -> memref<4x2x2048xf32, #tpu.memory_space<hbm>>
    %dma_start3A_95 = arith.constant 0 : i32
    %dma_start3A_96 = arith.constant 0 : i32
    %dma_start3A_97 = tpu.memref_slice %arg2[%dma_start3A_95, %add3A_87, %dma_start3A_96] : memref<4x4096x2048xf32, #tpu.memory_space<hbm>> -> memref<4x2x2048xf32, #tpu.memory_space<hbm>>
    tpu.enqueue_dma source(%dma_start3A_97 : memref<4x2x2048xf32, #tpu.memory_space<hbm>>) target(%arg8 : memref<4x2x2048xf32, #tpu.memory_space<vmem>>) target_semaphore(%arg16 : memref<!tpu.dma_semaphore, #tpu.memory_space<semaphore_mem>>)
    %dma_wait3A_98 = arith.constant 0 : i32
    %dma_wait3A_99 = arith.constant 0 : i32
    %dma_wait3A_100 = arith.constant 0 : i32
    %dma_wait3A_101 = tpu.memref_slice %arg2[%dma_wait3A_98, %dma_wait3A_99, %dma_wait3A_100] : memref<4x4096x2048xf32, #tpu.memory_space<hbm>> -> memref<4x2x2048xf32, #tpu.memory_space<hbm>>
    %dma_wait3A_102 = arith.constant 0 : i32
    %dma_wait3A_103 = arith.constant 0 : i32
    %dma_wait3A_104 = arith.constant 0 : i32
    %dma_wait3A_105 = tpu.memref_slice %arg2[%dma_wait3A_102, %dma_wait3A_103, %dma_wait3A_104] : memref<4x4096x2048xf32, #tpu.memory_space<hbm>> -> memref<4x2x2048xf32, #tpu.memory_space<hbm>>
    tpu.wait_dma2 semaphore(%arg15 : memref<!tpu.dma_semaphore, #tpu.memory_space<semaphore_mem>>) src(%dma_wait3A_105 : memref<4x2x2048xf32, #tpu.memory_space<hbm>>) dst(%arg7 : memref<4x2x2048xf32, #tpu.memory_space<vmem>>)
    %dma_wait3A_106 = arith.constant 0 : i32
    %dma_wait3A_107 = arith.constant 0 : i32
    %dma_wait3A_108 = tpu.memref_slice %arg3[%dma_wait3A_106, %dma_wait3A_107] : memref<4096x2048xf32, #tpu.memory_space<hbm>> -> memref<2x2048xf32, #tpu.memory_space<hbm>>
    %dma_wait3A_109 = arith.constant 0 : i32
    %dma_wait3A_110 = arith.constant 0 : i32
    %dma_wait3A_111 = tpu.memref_slice %arg3[%dma_wait3A_109, %dma_wait3A_110] : memref<4096x2048xf32, #tpu.memory_space<hbm>> -> memref<2x2048xf32, #tpu.memory_space<hbm>>
    tpu.wait_dma2 semaphore(%arg15 : memref<!tpu.dma_semaphore, #tpu.memory_space<semaphore_mem>>) src(%dma_wait3A_111 : memref<2x2048xf32, #tpu.memory_space<hbm>>) dst(%arg11 : memref<2x2048xf32, #tpu.memory_space<vmem>>)
    %parallel_loop3A_112 = arith.constant 0 : i32
    %parallel_loop3A_113 = arith.constant 2048 : i32
    %parallel_loop3A_114 = arith.constant 16 : i32
    scf.for %parallel_loop3A_198 = %parallel_loop3A_112 to %parallel_loop3A_113 step %parallel_loop3A_114  : i32 {
      %parallel_loop3A_199 = arith.constant 0 : i32
      %parallel_loop3A_200 = arith.index_cast %parallel_loop3A_199 : i32 to index
      %parallel_loop3A_201 = arith.index_cast %parallel_loop3A_198 : i32 to index
      %parallel_loop3A_202 = tpu.vector_load %arg11[%parallel_loop3A_200, %parallel_loop3A_201] {strides = array<i32>} : memref<2x2048xf32, #tpu.memory_space<vmem>>, vector<1x16xf32>,
      %parallel_loop3A_203 = vector.shape_cast %parallel_loop3A_202 : vector<1x16xf32> to vector<16xf32>
      %parallel_loop3A_204 = arith.constant 0 : i32
      %parallel_loop3A_205 = arith.constant 0 : i32
      %parallel_loop3A_206 = arith.index_cast %parallel_loop3A_204 : i32 to index
      %parallel_loop3A_207 = arith.index_cast %parallel_loop3A_205 : i32 to index
      %parallel_loop3A_208 = arith.index_cast %parallel_loop3A_198 : i32 to index
      %parallel_loop3A_209 = tpu.vector_load %arg7[%parallel_loop3A_206, %parallel_loop3A_207, %parallel_loop3A_208] {strides = array<i32>} : memref<4x2x2048xf32, #tpu.memory_space<vmem>>, vector<1x1x16xf32>,
      %parallel_loop3A_210 = vector.shape_cast %parallel_loop3A_209 : vector<1x1x16xf32> to vector<16xf32>
      %parallel_loop3A_211 = arith.addf %parallel_loop3A_210, %parallel_loop3A_203 : vector<16xf32>
      %parallel_loop3A_212 = arith.constant 0 : i32
      %parallel_loop3A_213 = arith.constant 0 : i32
      %parallel_loop3A_214 = arith.index_cast %parallel_loop3A_212 : i32 to index
      %parallel_loop3A_215 = arith.index_cast %parallel_loop3A_213 : i32 to index
      %parallel_loop3A_216 = arith.index_cast %parallel_loop3A_198 : i32 to index
      %parallel_loop3A_217 = tpu.vector_load %arg7[%parallel_loop3A_214, %parallel_loop3A_215, %parallel_loop3A_216] {strides = array<i32>} : memref<4x2x2048xf32, #tpu.memory_space<vmem>>, vector<1x1x16xf32>,
      %parallel_loop3A_218 = vector.shape_cast %parallel_loop3A_217 : vector<1x1x16xf32> to vector<16xf32>
      %parallel_loop3A_219 = vector.shape_cast %parallel_loop3A_211 : vector<16xf32> to vector<1x1x16xf32>
      tpu.vector_store %arg7[%parallel_loop3A_214, %parallel_loop3A_215, %parallel_loop3A_216], %parallel_loop3A_219 {strides = array<i32>} : memref<4x2x2048xf32, #tpu.memory_space<vmem>>, vector<1x1x16xf32>,
      %parallel_loop3A_220 = arith.constant 1 : i32
      %parallel_loop3A_221 = arith.constant 0 : i32
      %parallel_loop3A_222 = arith.index_cast %parallel_loop3A_220 : i32 to index
      %parallel_loop3A_223 = arith.index_cast %parallel_loop3A_221 : i32 to index
      %parallel_loop3A_224 = arith.index_cast %parallel_loop3A_198 : i32 to index
      %parallel_loop3A_225 = tpu.vector_load %arg7[%parallel_loop3A_222, %parallel_loop3A_223, %parallel_loop3A_224] {strides = array<i32>} : memref<4x2x2048xf32, #tpu.memory_space<vmem>>, vector<1x1x16xf32>,
      %parallel_loop3A_226 = vector.shape_cast %parallel_loop3A_225 : vector<1x1x16xf32> to vector<16xf32>
      %parallel_loop3A_227 = arith.addf %parallel_loop3A_226, %parallel_loop3A_203 : vector<16xf32>
      %parallel_loop3A_228 = arith.constant 1 : i32
      %parallel_loop3A_229 = arith.constant 0 : i32
      %parallel_loop3A_230 = arith.index_cast %parallel_loop3A_228 : i32 to index
      %parallel_loop3A_231 = arith.index_cast %parallel_loop3A_229 : i32 to index
      %parallel_loop3A_232 = arith.index_cast %parallel_loop3A_198 : i32 to index
      %parallel_loop3A_233 = tpu.vector_load %arg7[%parallel_loop3A_230, %parallel_loop3A_231, %parallel_loop3A_232] {strides = array<i32>} : memref<4x2x2048xf32, #tpu.memory_space<vmem>>, vector<1x1x16xf32>,
      %parallel_loop3A_234 = vector.shape_cast %parallel_loop3A_233 : vector<1x1x16xf32> to vector<16xf32>
      %parallel_loop3A_235 = vector.shape_cast %parallel_loop3A_227 : vector<16xf32> to vector<1x1x16xf32>
      tpu.vector_store %arg7[%parallel_loop3A_230, %parallel_loop3A_231, %parallel_loop3A_232], %parallel_loop3A_235 {strides = array<i32>} : memref<4x2x2048xf32, #tpu.memory_space<vmem>>, vector<1x1x16xf32>,
      %parallel_loop3A_236 = arith.constant 2 : i32
      %parallel_loop3A_237 = arith.constant 0 : i32
      %parallel_loop3A_238 = arith.index_cast %parallel_loop3A_236 : i32 to index
      %parallel_loop3A_239 = arith.index_cast %parallel_loop3A_237 : i32 to index
      %parallel_loop3A_240 = arith.index_cast %parallel_loop3A_198 : i32 to index
      %parallel_loop3A_241 = tpu.vector_load %arg7[%parallel_loop3A_238, %parallel_loop3A_239, %parallel_loop3A_240] {strides = array<i32>} : memref<4x2x2048xf32, #tpu.memory_space<vmem>>, vector<1x1x16xf32>,
      %parallel_loop3A_242 = vector.shape_cast %parallel_loop3A_241 : vector<1x1x16xf32> to vector<16xf32>
      %parallel_loop3A_243 = arith.addf %parallel_loop3A_242, %parallel_loop3A_203 : vector<16xf32>
      %parallel_loop3A_244 = arith.constant 2 : i32
      %parallel_loop3A_245 = arith.constant 0 : i32
      %parallel_loop3A_246 = arith.index_cast %parallel_loop3A_244 : i32 to index
      %parallel_loop3A_247 = arith.index_cast %parallel_loop3A_245 : i32 to index
      %parallel_loop3A_248 = arith.index_cast %parallel_loop3A_198 : i32 to index
      %parallel_loop3A_249 = tpu.vector_load %arg7[%parallel_loop3A_246, %parallel_loop3A_247, %parallel_loop3A_248] {strides = array<i32>} : memref<4x2x2048xf32, #tpu.memory_space<vmem>>, vector<1x1x16xf32>,
      %parallel_loop3A_250 = vector.shape_cast %parallel_loop3A_249 : vector<1x1x16xf32> to vector<16xf32>
      %parallel_loop3A_251 = vector.shape_cast %parallel_loop3A_243 : vector<16xf32> to vector<1x1x16xf32>
      tpu.vector_store %arg7[%parallel_loop3A_246, %parallel_loop3A_247, %parallel_loop3A_248], %parallel_loop3A_251 {strides = array<i32>} : memref<4x2x2048xf32, #tpu.memory_space<vmem>>, vector<1x1x16xf32>,
      %parallel_loop3A_252 = arith.constant 3 : i32
      %parallel_loop3A_253 = arith.constant 0 : i32
      %parallel_loop3A_254 = arith.index_cast %parallel_loop3A_252 : i32 to index
      %parallel_loop3A_255 = arith.index_cast %parallel_loop3A_253 : i32 to index
      %parallel_loop3A_256 = arith.index_cast %parallel_loop3A_198 : i32 to index
      %parallel_loop3A_257 = tpu.vector_load %arg7[%parallel_loop3A_254, %parallel_loop3A_255, %parallel_loop3A_256] {strides = array<i32>} : memref<4x2x2048xf32, #tpu.memory_space<vmem>>, vector<1x1x16xf32>,
      %parallel_loop3A_258 = vector.shape_cast %parallel_loop3A_257 : vector<1x1x16xf32> to vector<16xf32>
      %parallel_loop3A_259 = arith.addf %parallel_loop3A_258, %parallel_loop3A_203 : vector<16xf32>
      %parallel_loop3A_260 = arith.constant 3 : i32
      %parallel_loop3A_261 = arith.constant 0 : i32
      %parallel_loop3A_262 = arith.index_cast %parallel_loop3A_260 : i32 to index
      %parallel_loop3A_263 = arith.index_cast %parallel_loop3A_261 : i32 to index
      %parallel_loop3A_264 = arith.index_cast %parallel_loop3A_198 : i32 to index
      %parallel_loop3A_265 = tpu.vector_load %arg7[%parallel_loop3A_262, %parallel_loop3A_263, %parallel_loop3A_264] {strides = array<i32>} : memref<4x2x2048xf32, #tpu.memory_space<vmem>>, vector<1x1x16xf32>,
      %parallel_loop3A_266 = vector.shape_cast %parallel_loop3A_265 : vector<1x1x16xf32> to vector<16xf32>
      %parallel_loop3A_267 = vector.shape_cast %parallel_loop3A_259 : vector<16xf32> to vector<1x1x16xf32>
      tpu.vector_store %arg7[%parallel_loop3A_262, %parallel_loop3A_263, %parallel_loop3A_264], %parallel_loop3A_267 {strides = array<i32>} : memref<4x2x2048xf32, #tpu.memory_space<vmem>>, vector<1x1x16xf32>,
      %parallel_loop3A_268 = arith.constant 1 : i32
      %parallel_loop3A_269 = arith.index_cast %parallel_loop3A_268 : i32 to index
      %parallel_loop3A_270 = arith.index_cast %parallel_loop3A_198 : i32 to index
      %parallel_loop3A_271 = tpu.vector_load %arg11[%parallel_loop3A_269, %parallel_loop3A_270] {strides = array<i32>} : memref<2x2048xf32, #tpu.memory_space<vmem>>, vector<1x16xf32>,
      %parallel_loop3A_272 = vector.shape_cast %parallel_loop3A_271 : vector<1x16xf32> to vector<16xf32>
      %parallel_loop3A_273 = arith.constant 0 : i32
      %parallel_loop3A_274 = arith.constant 1 : i32
      %parallel_loop3A_275 = arith.index_cast %parallel_loop3A_273 : i32 to index
      %parallel_loop3A_276 = arith.index_cast %parallel_loop3A_274 : i32 to index
      %parallel_loop3A_277 = arith.index_cast %parallel_loop3A_198 : i32 to index
      %parallel_loop3A_278 = tpu.vector_load %arg7[%parallel_loop3A_275, %parallel_loop3A_276, %parallel_loop3A_277] {strides = array<i32>} : memref<4x2x2048xf32, #tpu.memory_space<vmem>>, vector<1x1x16xf32>,
      %parallel_loop3A_279 = vector.shape_cast %parallel_loop3A_278 : vector<1x1x16xf32> to vector<16xf32>
      %parallel_loop3A_280 = arith.addf %parallel_loop3A_279, %parallel_loop3A_272 : vector<16xf32>
      %parallel_loop3A_281 = arith.constant 0 : i32
      %parallel_loop3A_282 = arith.constant 1 : i32
      %parallel_loop3A_283 = arith.index_cast %parallel_loop3A_281 : i32 to index
      %parallel_loop3A_284 = arith.index_cast %parallel_loop3A_282 : i32 to index
      %parallel_loop3A_285 = arith.index_cast %parallel_loop3A_198 : i32 to index
      %parallel_loop3A_286 = tpu.vector_load %arg7[%parallel_loop3A_283, %parallel_loop3A_284, %parallel_loop3A_285] {strides = array<i32>} : memref<4x2x2048xf32, #tpu.memory_space<vmem>>, vector<1x1x16xf32>,
      %parallel_loop3A_287 = vector.shape_cast %parallel_loop3A_286 : vector<1x1x16xf32> to vector<16xf32>
      %parallel_loop3A_288 = vector.shape_cast %parallel_loop3A_280 : vector<16xf32> to vector<1x1x16xf32>
      tpu.vector_store %arg7[%parallel_loop3A_283, %parallel_loop3A_284, %parallel_loop3A_285], %parallel_loop3A_288 {strides = array<i32>} : memref<4x2x2048xf32, #tpu.memory_space<vmem>>, vector<1x1x16xf32>,
      %parallel_loop3A_289 = arith.constant 1 : i32
      %parallel_loop3A_290 = arith.constant 1 : i32
      %parallel_loop3A_291 = arith.index_cast %parallel_loop3A_289 : i32 to index
      %parallel_loop3A_292 = arith.index_cast %parallel_loop3A_290 : i32 to index
      %parallel_loop3A_293 = arith.index_cast %parallel_loop3A_198 : i32 to index
      %parallel_loop3A_294 = tpu.vector_load %arg7[%parallel_loop3A_291, %parallel_loop3A_292, %parallel_loop3A_293] {strides = array<i32>} : memref<4x2x2048xf32, #tpu.memory_space<vmem>>, vector<1x1x16xf32>,
      %parallel_loop3A_295 = vector.shape_cast %parallel_loop3A_294 : vector<1x1x16xf32> to vector<16xf32>
      %parallel_loop3A_296 = arith.addf %parallel_loop3A_295, %parallel_loop3A_272 : vector<16xf32>
      %parallel_loop3A_297 = arith.constant 1 : i32
      %parallel_loop3A_298 = arith.constant 1 : i32
      %parallel_loop3A_299 = arith.index_cast %parallel_loop3A_297 : i32 to index
      %parallel_loop3A_300 = arith.index_cast %parallel_loop3A_298 : i32 to index
      %parallel_loop3A_301 = arith.index_cast %parallel_loop3A_198 : i32 to index
      %parallel_loop3A_302 = tpu.vector_load %arg7[%parallel_loop3A_299, %parallel_loop3A_300, %parallel_loop3A_301] {strides = array<i32>} : memref<4x2x2048xf32, #tpu.memory_space<vmem>>, vector<1x1x16xf32>,
      %parallel_loop3A_303 = vector.shape_cast %parallel_loop3A_302 : vector<1x1x16xf32> to vector<16xf32>
      %parallel_loop3A_304 = vector.shape_cast %parallel_loop3A_296 : vector<16xf32> to vector<1x1x16xf32>
      tpu.vector_store %arg7[%parallel_loop3A_299, %parallel_loop3A_300, %parallel_loop3A_301], %parallel_loop3A_304 {strides = array<i32>} : memref<4x2x2048xf32, #tpu.memory_space<vmem>>, vector<1x1x16xf32>,
      %parallel_loop3A_305 = arith.constant 2 : i32
      %parallel_loop3A_306 = arith.constant 1 : i32
      %parallel_loop3A_307 = arith.index_cast %parallel_loop3A_305 : i32 to index
      %parallel_loop3A_308 = arith.index_cast %parallel_loop3A_306 : i32 to index
      %parallel_loop3A_309 = arith.index_cast %parallel_loop3A_198 : i32 to index
      %parallel_loop3A_310 = tpu.vector_load %arg7[%parallel_loop3A_307, %parallel_loop3A_308, %parallel_loop3A_309] {strides = array<i32>} : memref<4x2x2048xf32, #tpu.memory_space<vmem>>, vector<1x1x16xf32>,
      %parallel_loop3A_311 = vector.shape_cast %parallel_loop3A_310 : vector<1x1x16xf32> to vector<16xf32>
      %parallel_loop3A_312 = arith.addf %parallel_loop3A_311, %parallel_loop3A_272 : vector<16xf32>
      %parallel_loop3A_313 = arith.constant 2 : i32
      %parallel_loop3A_314 = arith.constant 1 : i32
      %parallel_loop3A_315 = arith.index_cast %parallel_loop3A_313 : i32 to index
      %parallel_loop3A_316 = arith.index_cast %parallel_loop3A_314 : i32 to index
      %parallel_loop3A_317 = arith.index_cast %parallel_loop3A_198 : i32 to index
      %parallel_loop3A_318 = tpu.vector_load %arg7[%parallel_loop3A_315, %parallel_loop3A_316, %parallel_loop3A_317] {strides = array<i32>} : memref<4x2x2048xf32, #tpu.memory_space<vmem>>, vector<1x1x16xf32>,
      %parallel_loop3A_319 = vector.shape_cast %parallel_loop3A_318 : vector<1x1x16xf32> to vector<16xf32>
      %parallel_loop3A_320 = vector.shape_cast %parallel_loop3A_312 : vector<16xf32> to vector<1x1x16xf32>
      tpu.vector_store %arg7[%parallel_loop3A_315, %parallel_loop3A_316, %parallel_loop3A_317], %parallel_loop3A_320 {strides = array<i32>} : memref<4x2x2048xf32, #tpu.memory_space<vmem>>, vector<1x1x16xf32>,
      %parallel_loop3A_321 = arith.constant 3 : i32
      %parallel_loop3A_322 = arith.constant 1 : i32
      %parallel_loop3A_323 = arith.index_cast %parallel_loop3A_321 : i32 to index
      %parallel_loop3A_324 = arith.index_cast %parallel_loop3A_322 : i32 to index
      %parallel_loop3A_325 = arith.index_cast %parallel_loop3A_198 : i32 to index
      %parallel_loop3A_326 = tpu.vector_load %arg7[%parallel_loop3A_323, %parallel_loop3A_324, %parallel_loop3A_325] {strides = array<i32>} : memref<4x2x2048xf32, #tpu.memory_space<vmem>>, vector<1x1x16xf32>,
      %parallel_loop3A_327 = vector.shape_cast %parallel_loop3A_326 : vector<1x1x16xf32> to vector<16xf32>
      %parallel_loop3A_328 = arith.addf %parallel_loop3A_327, %parallel_loop3A_272 : vector<16xf32>
      %parallel_loop3A_329 = arith.constant 3 : i32
      %parallel_loop3A_330 = arith.constant 1 : i32
      %parallel_loop3A_331 = arith.index_cast %parallel_loop3A_329 : i32 to index
      %parallel_loop3A_332 = arith.index_cast %parallel_loop3A_330 : i32 to index
      %parallel_loop3A_333 = arith.index_cast %parallel_loop3A_198 : i32 to index
      %parallel_loop3A_334 = tpu.vector_load %arg7[%parallel_loop3A_331, %parallel_loop3A_332, %parallel_loop3A_333] {strides = array<i32>} : memref<4x2x2048xf32, #tpu.memory_space<vmem>>, vector<1x1x16xf32>,
      %parallel_loop3A_335 = vector.shape_cast %parallel_loop3A_334 : vector<1x1x16xf32> to vector<16xf32>
      %parallel_loop3A_336 = vector.shape_cast %parallel_loop3A_328 : vector<16xf32> to vector<1x1x16xf32>
      tpu.vector_store %arg7[%parallel_loop3A_331, %parallel_loop3A_332, %parallel_loop3A_333], %parallel_loop3A_336 {strides = array<i32>} : memref<4x2x2048xf32, #tpu.memory_space<vmem>>, vector<1x1x16xf32>,
    } {sc.loop_unroll_factor = 4 : i64, sc.parallel_access}
    %add3A_115 = arith.constant 4 : i32
    %add3A_116 = arith.addi %mul3A_2, %add3A_115 : i32
    %dma_start3A_117 = arith.constant 0 : i32
    %dma_start3A_118 = arith.constant 0 : i32
    %dma_start3A_119 = tpu.memref_slice %arg4[%dma_start3A_117, %add3A_116, %dma_start3A_118] : memref<4x4096x2048xf32, #tpu.memory_space<hbm>> -> memref<4x2x2048xf32, #tpu.memory_space<hbm>>
    %dma_start3A_120 = arith.constant 0 : i32
    %dma_start3A_121 = arith.constant 0 : i32
    %dma_start3A_122 = tpu.memref_slice %arg4[%dma_start3A_120, %add3A_116, %dma_start3A_121] : memref<4x4096x2048xf32, #tpu.memory_space<hbm>> -> memref<4x2x2048xf32, #tpu.memory_space<hbm>>
    tpu.enqueue_dma source(%arg7 : memref<4x2x2048xf32, #tpu.memory_space<vmem>>) target(%dma_start3A_122 : memref<4x2x2048xf32, #tpu.memory_space<hbm>>) target_semaphore(%arg19 : memref<!tpu.dma_semaphore, #tpu.memory_space<semaphore_mem>>)
    %dma_wait3A_123 = arith.constant 0 : i32
    %dma_wait3A_124 = arith.constant 0 : i32
    %dma_wait3A_125 = arith.constant 0 : i32
    %dma_wait3A_126 = tpu.memref_slice %arg4[%dma_wait3A_123, %dma_wait3A_124, %dma_wait3A_125] : memref<4x4096x2048xf32, #tpu.memory_space<hbm>> -> memref<4x2x2048xf32, #tpu.memory_space<hbm>>
    %dma_wait3A_127 = arith.constant 0 : i32
    %dma_wait3A_128 = arith.constant 0 : i32
    %dma_wait3A_129 = arith.constant 0 : i32
    %dma_wait3A_130 = tpu.memref_slice %arg4[%dma_wait3A_127, %dma_wait3A_128, %dma_wait3A_129] : memref<4x4096x2048xf32, #tpu.memory_space<hbm>> -> memref<4x2x2048xf32, #tpu.memory_space<hbm>>
    tpu.wait_dma2 semaphore(%arg17 : memref<!tpu.dma_semaphore, #tpu.memory_space<semaphore_mem>>) src(%arg5 : memref<4x2x2048xf32, #tpu.memory_space<vmem>>) dst(%dma_wait3A_130 : memref<4x2x2048xf32, #tpu.memory_space<hbm>>)
    %add3A_131 = arith.constant 8 : i32
    %add3A_132 = arith.addi %mul3A_2, %add3A_131 : i32
    %dma_start3A_133 = arith.constant 0 : i32
    %dma_start3A_134 = tpu.memref_slice %arg3[%add3A_132, %dma_start3A_133] : memref<4096x2048xf32, #tpu.memory_space<hbm>> -> memref<2x2048xf32, #tpu.memory_space<hbm>>
    %dma_start3A_135 = arith.constant 0 : i32
    %dma_start3A_136 = tpu.memref_slice %arg3[%add3A_132, %dma_start3A_135] : memref<4096x2048xf32, #tpu.memory_space<hbm>> -> memref<2x2048xf32, #tpu.memory_space<hbm>>
    tpu.enqueue_dma source(%dma_start3A_136 : memref<2x2048xf32, #tpu.memory_space<hbm>>) target(%arg9 : memref<2x2048xf32, #tpu.memory_space<vmem>>) target_semaphore(%arg13 : memref<!tpu.dma_semaphore, #tpu.memory_space<semaphore_mem>>)
    %dma_start3A_137 = arith.constant 0 : i32
    %dma_start3A_138 = arith.constant 0 : i32
    %dma_start3A_139 = tpu.memref_slice %arg2[%dma_start3A_137, %add3A_132, %dma_start3A_138] : memref<4x4096x2048xf32, #tpu.memory_space<hbm>> -> memref<4x2x2048xf32, #tpu.memory_space<hbm>>
    %dma_start3A_140 = arith.constant 0 : i32
    %dma_start3A_141 = arith.constant 0 : i32
    %dma_start3A_142 = tpu.memref_slice %arg2[%dma_start3A_140, %add3A_132, %dma_start3A_141] : memref<4x4096x2048xf32, #tpu.memory_space<hbm>> -> memref<4x2x2048xf32, #tpu.memory_space<hbm>>
    tpu.enqueue_dma source(%dma_start3A_142 : memref<4x2x2048xf32, #tpu.memory_space<hbm>>) target(%arg5 : memref<4x2x2048xf32, #tpu.memory_space<vmem>>) target_semaphore(%arg13 : memref<!tpu.dma_semaphore, #tpu.memory_space<semaphore_mem>>)
    %dma_wait3A_143 = arith.constant 0 : i32
    %dma_wait3A_144 = arith.constant 0 : i32
    %dma_wait3A_145 = arith.constant 0 : i32
    %dma_wait3A_146 = tpu.memref_slice %arg2[%dma_wait3A_143, %dma_wait3A_144, %dma_wait3A_145] : memref<4x4096x2048xf32, #tpu.memory_space<hbm>> -> memref<4x2x2048xf32, #tpu.memory_space<hbm>>
    %dma_wait3A_147 = arith.constant 0 : i32
    %dma_wait3A_148 = arith.constant 0 : i32
    %dma_wait3A_149 = arith.constant 0 : i32
    %dma_wait3A_150 = tpu.memref_slice %arg2[%dma_wait3A_147, %dma_wait3A_148, %dma_wait3A_149] : memref<4x4096x2048xf32, #tpu.memory_space<hbm>> -> memref<4x2x2048xf32, #tpu.memory_space<hbm>>
    tpu.wait_dma2 semaphore(%arg16 : memref<!tpu.dma_semaphore, #tpu.memory_space<semaphore_mem>>) src(%dma_wait3A_150 : memref<4x2x2048xf32, #tpu.memory_space<hbm>>) dst(%arg8 : memref<4x2x2048xf32, #tpu.memory_space<vmem>>)
    %dma_wait3A_151 = arith.constant 0 : i32
    %dma_wait3A_152 = arith.constant 0 : i32
    %dma_wait3A_153 = tpu.memref_slice %arg3[%dma_wait3A_151, %dma_wait3A_152] : memref<4096x2048xf32, #tpu.memory_space<hbm>> -> memref<2x2048xf32, #tpu.memory_space<hbm>>
    %dma_wait3A_154 = arith.constant 0 : i32
    %dma_wait3A_155 = arith.constant 0 : i32
    %dma_wait3A_156 = tpu.memref_slice %arg3[%dma_wait3A_154, %dma_wait3A_155] : memref<4096x2048xf32, #tpu.memory_space<hbm>> -> memref<2x2048xf32, #tpu.memory_space<hbm>>
    tpu.wait_dma2 semaphore(%arg16 : memref<!tpu.dma_semaphore, #tpu.memory_space<semaphore_mem>>) src(%dma_wait3A_156 : memref<2x2048xf32, #tpu.memory_space<hbm>>) dst(%arg12 : memref<2x2048xf32, #tpu.memory_space<vmem>>)
    %parallel_loop3A_157 = arith.constant 0 : i32
    %parallel_loop3A_158 = arith.constant 2048 : i32
    %parallel_loop3A_159 = arith.constant 16 : i32
    scf.for %parallel_loop3A_198 = %parallel_loop3A_157 to %parallel_loop3A_158 step %parallel_loop3A_159  : i32 {
      %parallel_loop3A_199 = arith.constant 0 : i32
      %parallel_loop3A_200 = arith.index_cast %parallel_loop3A_199 : i32 to index
      %parallel_loop3A_201 = arith.index_cast %parallel_loop3A_198 : i32 to index
      %parallel_loop3A_202 = tpu.vector_load %arg12[%parallel_loop3A_200, %parallel_loop3A_201] {strides = array<i32>} : memref<2x2048xf32, #tpu.memory_space<vmem>>, vector<1x16xf32>,
      %parallel_loop3A_203 = vector.shape_cast %parallel_loop3A_202 : vector<1x16xf32> to vector<16xf32>
      %parallel_loop3A_204 = arith.constant 0 : i32
      %parallel_loop3A_205 = arith.constant 0 : i32
      %parallel_loop3A_206 = arith.index_cast %parallel_loop3A_204 : i32 to index
      %parallel_loop3A_207 = arith.index_cast %parallel_loop3A_205 : i32 to index
      %parallel_loop3A_208 = arith.index_cast %parallel_loop3A_198 : i32 to index
      %parallel_loop3A_209 = tpu.vector_load %arg8[%parallel_loop3A_206, %parallel_loop3A_207, %parallel_loop3A_208] {strides = array<i32>} : memref<4x2x2048xf32, #tpu.memory_space<vmem>>, vector<1x1x16xf32>,
      %parallel_loop3A_210 = vector.shape_cast %parallel_loop3A_209 : vector<1x1x16xf32> to vector<16xf32>
      %parallel_loop3A_211 = arith.addf %parallel_loop3A_210, %parallel_loop3A_203 : vector<16xf32>
      %parallel_loop3A_212 = arith.constant 0 : i32
      %parallel_loop3A_213 = arith.constant 0 : i32
      %parallel_loop3A_214 = arith.index_cast %parallel_loop3A_212 : i32 to index
      %parallel_loop3A_215 = arith.index_cast %parallel_loop3A_213 : i32 to index
      %parallel_loop3A_216 = arith.index_cast %parallel_loop3A_198 : i32 to index
      %parallel_loop3A_217 = tpu.vector_load %arg8[%parallel_loop3A_214, %parallel_loop3A_215, %parallel_loop3A_216] {strides = array<i32>} : memref<4x2x2048xf32, #tpu.memory_space<vmem>>, vector<1x1x16xf32>,
      %parallel_loop3A_218 = vector.shape_cast %parallel_loop3A_217 : vector<1x1x16xf32> to vector<16xf32>
      %parallel_loop3A_219 = vector.shape_cast %parallel_loop3A_211 : vector<16xf32> to vector<1x1x16xf32>
      tpu.vector_store %arg8[%parallel_loop3A_214, %parallel_loop3A_215, %parallel_loop3A_216], %parallel_loop3A_219 {strides = array<i32>} : memref<4x2x2048xf32, #tpu.memory_space<vmem>>, vector<1x1x16xf32>,
      %parallel_loop3A_220 = arith.constant 1 : i32
      %parallel_loop3A_221 = arith.constant 0 : i32
      %parallel_loop3A_222 = arith.index_cast %parallel_loop3A_220 : i32 to index
      %parallel_loop3A_223 = arith.index_cast %parallel_loop3A_221 : i32 to index
      %parallel_loop3A_224 = arith.index_cast %parallel_loop3A_198 : i32 to index
      %parallel_loop3A_225 = tpu.vector_load %arg8[%parallel_loop3A_222, %parallel_loop3A_223, %parallel_loop3A_224] {strides = array<i32>} : memref<4x2x2048xf32, #tpu.memory_space<vmem>>, vector<1x1x16xf32>,
      %parallel_loop3A_226 = vector.shape_cast %parallel_loop3A_225 : vector<1x1x16xf32> to vector<16xf32>
      %parallel_loop3A_227 = arith.addf %parallel_loop3A_226, %parallel_loop3A_203 : vector<16xf32>
      %parallel_loop3A_228 = arith.constant 1 : i32
      %parallel_loop3A_229 = arith.constant 0 : i32
      %parallel_loop3A_230 = arith.index_cast %parallel_loop3A_228 : i32 to index
      %parallel_loop3A_231 = arith.index_cast %parallel_loop3A_229 : i32 to index
      %parallel_loop3A_232 = arith.index_cast %parallel_loop3A_198 : i32 to index
      %parallel_loop3A_233 = tpu.vector_load %arg8[%parallel_loop3A_230, %parallel_loop3A_231, %parallel_loop3A_232] {strides = array<i32>} : memref<4x2x2048xf32, #tpu.memory_space<vmem>>, vector<1x1x16xf32>,
      %parallel_loop3A_234 = vector.shape_cast %parallel_loop3A_233 : vector<1x1x16xf32> to vector<16xf32>
      %parallel_loop3A_235 = vector.shape_cast %parallel_loop3A_227 : vector<16xf32> to vector<1x1x16xf32>
      tpu.vector_store %arg8[%parallel_loop3A_230, %parallel_loop3A_231, %parallel_loop3A_232], %parallel_loop3A_235 {strides = array<i32>} : memref<4x2x2048xf32, #tpu.memory_space<vmem>>, vector<1x1x16xf32>,
      %parallel_loop3A_236 = arith.constant 2 : i32
      %parallel_loop3A_237 = arith.constant 0 : i32
      %parallel_loop3A_238 = arith.index_cast %parallel_loop3A_236 : i32 to index
      %parallel_loop3A_239 = arith.index_cast %parallel_loop3A_237 : i32 to index
      %parallel_loop3A_240 = arith.index_cast %parallel_loop3A_198 : i32 to index
      %parallel_loop3A_241 = tpu.vector_load %arg8[%parallel_loop3A_238, %parallel_loop3A_239, %parallel_loop3A_240] {strides = array<i32>} : memref<4x2x2048xf32, #tpu.memory_space<vmem>>, vector<1x1x16xf32>,
      %parallel_loop3A_242 = vector.shape_cast %parallel_loop3A_241 : vector<1x1x16xf32> to vector<16xf32>
      %parallel_loop3A_243 = arith.addf %parallel_loop3A_242, %parallel_loop3A_203 : vector<16xf32>
      %parallel_loop3A_244 = arith.constant 2 : i32
      %parallel_loop3A_245 = arith.constant 0 : i32
      %parallel_loop3A_246 = arith.index_cast %parallel_loop3A_244 : i32 to index
      %parallel_loop3A_247 = arith.index_cast %parallel_loop3A_245 : i32 to index
      %parallel_loop3A_248 = arith.index_cast %parallel_loop3A_198 : i32 to index
      %parallel_loop3A_249 = tpu.vector_load %arg8[%parallel_loop3A_246, %parallel_loop3A_247, %parallel_loop3A_248] {strides = array<i32>} : memref<4x2x2048xf32, #tpu.memory_space<vmem>>, vector<1x1x16xf32>,
      %parallel_loop3A_250 = vector.shape_cast %parallel_loop3A_249 : vector<1x1x16xf32> to vector<16xf32>
      %parallel_loop3A_251 = vector.shape_cast %parallel_loop3A_243 : vector<16xf32> to vector<1x1x16xf32>
      tpu.vector_store %arg8[%parallel_loop3A_246, %parallel_loop3A_247, %parallel_loop3A_248], %parallel_loop3A_251 {strides = array<i32>} : memref<4x2x2048xf32, #tpu.memory_space<vmem>>, vector<1x1x16xf32>,
      %parallel_loop3A_252 = arith.constant 3 : i32
      %parallel_loop3A_253 = arith.constant 0 : i32
      %parallel_loop3A_254 = arith.index_cast %parallel_loop3A_252 : i32 to index
      %parallel_loop3A_255 = arith.index_cast %parallel_loop3A_253 : i32 to index
      %parallel_loop3A_256 = arith.index_cast %parallel_loop3A_198 : i32 to index
      %parallel_loop3A_257 = tpu.vector_load %arg8[%parallel_loop3A_254, %parallel_loop3A_255, %parallel_loop3A_256] {strides = array<i32>} : memref<4x2x2048xf32, #tpu.memory_space<vmem>>, vector<1x1x16xf32>,
      %parallel_loop3A_258 = vector.shape_cast %parallel_loop3A_257 : vector<1x1x16xf32> to vector<16xf32>
      %parallel_loop3A_259 = arith.addf %parallel_loop3A_258, %parallel_loop3A_203 : vector<16xf32>
      %parallel_loop3A_260 = arith.constant 3 : i32
      %parallel_loop3A_261 = arith.constant 0 : i32
      %parallel_loop3A_262 = arith.index_cast %parallel_loop3A_260 : i32 to index
      %parallel_loop3A_263 = arith.index_cast %parallel_loop3A_261 : i32 to index
      %parallel_loop3A_264 = arith.index_cast %parallel_loop3A_198 : i32 to index
      %parallel_loop3A_265 = tpu.vector_load %arg8[%parallel_loop3A_262, %parallel_loop3A_263, %parallel_loop3A_264] {strides = array<i32>} : memref<4x2x2048xf32, #tpu.memory_space<vmem>>, vector<1x1x16xf32>,
      %parallel_loop3A_266 = vector.shape_cast %parallel_loop3A_265 : vector<1x1x16xf32> to vector<16xf32>
      %parallel_loop3A_267 = vector.shape_cast %parallel_loop3A_259 : vector<16xf32> to vector<1x1x16xf32>
      tpu.vector_store %arg8[%parallel_loop3A_262, %parallel_loop3A_263, %parallel_loop3A_264], %parallel_loop3A_267 {strides = array<i32>} : memref<4x2x2048xf32, #tpu.memory_space<vmem>>, vector<1x1x16xf32>,
      %parallel_loop3A_268 = arith.constant 1 : i32
      %parallel_loop3A_269 = arith.index_cast %parallel_loop3A_268 : i32 to index
      %parallel_loop3A_270 = arith.index_cast %parallel_loop3A_198 : i32 to index
      %parallel_loop3A_271 = tpu.vector_load %arg12[%parallel_loop3A_269, %parallel_loop3A_270] {strides = array<i32>} : memref<2x2048xf32, #tpu.memory_space<vmem>>, vector<1x16xf32>,
      %parallel_loop3A_272 = vector.shape_cast %parallel_loop3A_271 : vector<1x16xf32> to vector<16xf32>
      %parallel_loop3A_273 = arith.constant 0 : i32
      %parallel_loop3A_274 = arith.constant 1 : i32
      %parallel_loop3A_275 = arith.index_cast %parallel_loop3A_273 : i32 to index
      %parallel_loop3A_276 = arith.index_cast %parallel_loop3A_274 : i32 to index
      %parallel_loop3A_277 = arith.index_cast %parallel_loop3A_198 : i32 to index
      %parallel_loop3A_278 = tpu.vector_load %arg8[%parallel_loop3A_275, %parallel_loop3A_276, %parallel_loop3A_277] {strides = array<i32>} : memref<4x2x2048xf32, #tpu.memory_space<vmem>>, vector<1x1x16xf32>,
      %parallel_loop3A_279 = vector.shape_cast %parallel_loop3A_278 : vector<1x1x16xf32> to vector<16xf32>
      %parallel_loop3A_280 = arith.addf %parallel_loop3A_279, %parallel_loop3A_272 : vector<16xf32>
      %parallel_loop3A_281 = arith.constant 0 : i32
      %parallel_loop3A_282 = arith.constant 1 : i32
      %parallel_loop3A_283 = arith.index_cast %parallel_loop3A_281 : i32 to index
      %parallel_loop3A_284 = arith.index_cast %parallel_loop3A_282 : i32 to index
      %parallel_loop3A_285 = arith.index_cast %parallel_loop3A_198 : i32 to index
      %parallel_loop3A_286 = tpu.vector_load %arg8[%parallel_loop3A_283, %parallel_loop3A_284, %parallel_loop3A_285] {strides = array<i32>} : memref<4x2x2048xf32, #tpu.memory_space<vmem>>, vector<1x1x16xf32>,
      %parallel_loop3A_287 = vector.shape_cast %parallel_loop3A_286 : vector<1x1x16xf32> to vector<16xf32>
      %parallel_loop3A_288 = vector.shape_cast %parallel_loop3A_280 : vector<16xf32> to vector<1x1x16xf32>
      tpu.vector_store %arg8[%parallel_loop3A_283, %parallel_loop3A_284, %parallel_loop3A_285], %parallel_loop3A_288 {strides = array<i32>} : memref<4x2x2048xf32, #tpu.memory_space<vmem>>, vector<1x1x16xf32>,
      %parallel_loop3A_289 = arith.constant 1 : i32
      %parallel_loop3A_290 = arith.constant 1 : i32
      %parallel_loop3A_291 = arith.index_cast %parallel_loop3A_289 : i32 to index
      %parallel_loop3A_292 = arith.index_cast %parallel_loop3A_290 : i32 to index
      %parallel_loop3A_293 = arith.index_cast %parallel_loop3A_198 : i32 to index
      %parallel_loop3A_294 = tpu.vector_load %arg8[%parallel_loop3A_291, %parallel_loop3A_292, %parallel_loop3A_293] {strides = array<i32>} : memref<4x2x2048xf32, #tpu.memory_space<vmem>>, vector<1x1x16xf32>,
      %parallel_loop3A_295 = vector.shape_cast %parallel_loop3A_294 : vector<1x1x16xf32> to vector<16xf32>
      %parallel_loop3A_296 = arith.addf %parallel_loop3A_295, %parallel_loop3A_272 : vector<16xf32>
      %parallel_loop3A_297 = arith.constant 1 : i32
      %parallel_loop3A_298 = arith.constant 1 : i32
      %parallel_loop3A_299 = arith.index_cast %parallel_loop3A_297 : i32 to index
      %parallel_loop3A_300 = arith.index_cast %parallel_loop3A_298 : i32 to index
      %parallel_loop3A_301 = arith.index_cast %parallel_loop3A_198 : i32 to index
      %parallel_loop3A_302 = tpu.vector_load %arg8[%parallel_loop3A_299, %parallel_loop3A_300, %parallel_loop3A_301] {strides = array<i32>} : memref<4x2x2048xf32, #tpu.memory_space<vmem>>, vector<1x1x16xf32>,
      %parallel_loop3A_303 = vector.shape_cast %parallel_loop3A_302 : vector<1x1x16xf32> to vector<16xf32>
      %parallel_loop3A_304 = vector.shape_cast %parallel_loop3A_296 : vector<16xf32> to vector<1x1x16xf32>
      tpu.vector_store %arg8[%parallel_loop3A_299, %parallel_loop3A_300, %parallel_loop3A_301], %parallel_loop3A_304 {strides = array<i32>} : memref<4x2x2048xf32, #tpu.memory_space<vmem>>, vector<1x1x16xf32>,
      %parallel_loop3A_305 = arith.constant 2 : i32
      %parallel_loop3A_306 = arith.constant 1 : i32
      %parallel_loop3A_307 = arith.index_cast %parallel_loop3A_305 : i32 to index
      %parallel_loop3A_308 = arith.index_cast %parallel_loop3A_306 : i32 to index
      %parallel_loop3A_309 = arith.index_cast %parallel_loop3A_198 : i32 to index
      %parallel_loop3A_310 = tpu.vector_load %arg8[%parallel_loop3A_307, %parallel_loop3A_308, %parallel_loop3A_309] {strides = array<i32>} : memref<4x2x2048xf32, #tpu.memory_space<vmem>>, vector<1x1x16xf32>,
      %parallel_loop3A_311 = vector.shape_cast %parallel_loop3A_310 : vector<1x1x16xf32> to vector<16xf32>
      %parallel_loop3A_312 = arith.addf %parallel_loop3A_311, %parallel_loop3A_272 : vector<16xf32>
      %parallel_loop3A_313 = arith.constant 2 : i32
      %parallel_loop3A_314 = arith.constant 1 : i32
      %parallel_loop3A_315 = arith.index_cast %parallel_loop3A_313 : i32 to index
      %parallel_loop3A_316 = arith.index_cast %parallel_loop3A_314 : i32 to index
      %parallel_loop3A_317 = arith.index_cast %parallel_loop3A_198 : i32 to index
      %parallel_loop3A_318 = tpu.vector_load %arg8[%parallel_loop3A_315, %parallel_loop3A_316, %parallel_loop3A_317] {strides = array<i32>} : memref<4x2x2048xf32, #tpu.memory_space<vmem>>, vector<1x1x16xf32>,
      %parallel_loop3A_319 = vector.shape_cast %parallel_loop3A_318 : vector<1x1x16xf32> to vector<16xf32>
      %parallel_loop3A_320 = vector.shape_cast %parallel_loop3A_312 : vector<16xf32> to vector<1x1x16xf32>
      tpu.vector_store %arg8[%parallel_loop3A_315, %parallel_loop3A_316, %parallel_loop3A_317], %parallel_loop3A_320 {strides = array<i32>} : memref<4x2x2048xf32, #tpu.memory_space<vmem>>, vector<1x1x16xf32>,
      %parallel_loop3A_321 = arith.constant 3 : i32
      %parallel_loop3A_322 = arith.constant 1 : i32
      %parallel_loop3A_323 = arith.index_cast %parallel_loop3A_321 : i32 to index
      %parallel_loop3A_324 = arith.index_cast %parallel_loop3A_322 : i32 to index
      %parallel_loop3A_325 = arith.index_cast %parallel_loop3A_198 : i32 to index
      %parallel_loop3A_326 = tpu.vector_load %arg8[%parallel_loop3A_323, %parallel_loop3A_324, %parallel_loop3A_325] {strides = array<i32>} : memref<4x2x2048xf32, #tpu.memory_space<vmem>>, vector<1x1x16xf32>,
      %parallel_loop3A_327 = vector.shape_cast %parallel_loop3A_326 : vector<1x1x16xf32> to vector<16xf32>
      %parallel_loop3A_328 = arith.addf %parallel_loop3A_327, %parallel_loop3A_272 : vector<16xf32>
      %parallel_loop3A_329 = arith.constant 3 : i32
      %parallel_loop3A_330 = arith.constant 1 : i32
      %parallel_loop3A_331 = arith.index_cast %parallel_loop3A_329 : i32 to index
      %parallel_loop3A_332 = arith.index_cast %parallel_loop3A_330 : i32 to index
      %parallel_loop3A_333 = arith.index_cast %parallel_loop3A_198 : i32 to index
      %parallel_loop3A_334 = tpu.vector_load %arg8[%parallel_loop3A_331, %parallel_loop3A_332, %parallel_loop3A_333] {strides = array<i32>} : memref<4x2x2048xf32, #tpu.memory_space<vmem>>, vector<1x1x16xf32>,
      %parallel_loop3A_335 = vector.shape_cast %parallel_loop3A_334 : vector<1x1x16xf32> to vector<16xf32>
      %parallel_loop3A_336 = vector.shape_cast %parallel_loop3A_328 : vector<16xf32> to vector<1x1x16xf32>
      tpu.vector_store %arg8[%parallel_loop3A_331, %parallel_loop3A_332, %parallel_loop3A_333], %parallel_loop3A_336 {strides = array<i32>} : memref<4x2x2048xf32, #tpu.memory_space<vmem>>, vector<1x1x16xf32>,
    } {sc.loop_unroll_factor = 4 : i64, sc.parallel_access}
    %add3A_160 = arith.constant 6 : i32
    %add3A_161 = arith.addi %mul3A_2, %add3A_160 : i32
    %dma_start3A_162 = arith.constant 0 : i32
    %dma_start3A_163 = arith.constant 0 : i32
    %dma_start3A_164 = tpu.memref_slice %arg4[%dma_start3A_162, %add3A_161, %dma_start3A_163] : memref<4x4096x2048xf32, #tpu.memory_space<hbm>> -> memref<4x2x2048xf32, #tpu.memory_space<hbm>>
    %dma_start3A_165 = arith.constant 0 : i32
    %dma_start3A_166 = arith.constant 0 : i32
    %dma_start3A_167 = tpu.memref_slice %arg4[%dma_start3A_165, %add3A_161, %dma_start3A_166] : memref<4x4096x2048xf32, #tpu.memory_space<hbm>> -> memref<4x2x2048xf32, #tpu.memory_space<hbm>>
    tpu.enqueue_dma source(%arg8 : memref<4x2x2048xf32, #tpu.memory_space<vmem>>) target(%dma_start3A_167 : memref<4x2x2048xf32, #tpu.memory_space<hbm>>) target_semaphore(%arg20 : memref<!tpu.dma_semaphore, #tpu.memory_space<semaphore_mem>>)
    %scan3A = arith.constant 0 : i32
    %scan3A_168 = arith.constant 1 : i32
    %scan3A_169 = arith.constant 15 : i32
    %scan3A_170 = arith.addi %scan3A_168, %scan3A_169 : i32
    %scan3A_171 = arith.constant 1 : i32
    %scan3A_172 = scf.for %scan3A_198 = %scan3A_168 to %scan3A_170 step %scan3A_171 iter_args(%scan3A_199 = %scan3A) -> (i32)  : i32 {
      %mul3A_200 = arith.constant 4 : i32
      %mul3A_201 = arith.muli %scan3A_198, %mul3A_200 : i32
      %add3A_202 = arith.constant 0 : i32
      %add3A_203 = arith.addi %mul3A_201, %add3A_202 : i32
      %dma_wait3A_204 = arith.constant 0 : i32
      %dma_wait3A_205 = arith.constant 0 : i32
      %dma_wait3A_206 = arith.constant 0 : i32
      %dma_wait3A_207 = tpu.memref_slice %arg4[%dma_wait3A_204, %dma_wait3A_205, %dma_wait3A_206] : memref<4x4096x2048xf32, #tpu.memory_space<hbm>> -> memref<4x2x2048xf32, #tpu.memory_space<hbm>>
      %dma_wait3A_208 = arith.constant 0 : i32
      %dma_wait3A_209 = arith.constant 0 : i32
      %dma_wait3A_210 = arith.constant 0 : i32
      %dma_wait3A_211 = tpu.memref_slice %arg4[%dma_wait3A_208, %dma_wait3A_209, %dma_wait3A_210] : memref<4x4096x2048xf32, #tpu.memory_space<hbm>> -> memref<4x2x2048xf32, #tpu.memory_space<hbm>>
      tpu.wait_dma2 semaphore(%arg18 : memref<!tpu.dma_semaphore, #tpu.memory_space<semaphore_mem>>) src(%arg6 : memref<4x2x2048xf32, #tpu.memory_space<vmem>>) dst(%dma_wait3A_211 : memref<4x2x2048xf32, #tpu.memory_space<hbm>>)
      %add3A_212 = arith.constant 1 : i32
      %add3A_213 = arith.addi %add3A_203, %add3A_212 : i32
      %mul3A_214 = arith.constant 2 : i32
      %mul3A_215 = arith.muli %add3A_213, %mul3A_214 : i32
      %add3A_216 = arith.addi %mul3A_2, %mul3A_215 : i32
      %dma_start3A_217 = arith.constant 0 : i32
      %dma_start3A_218 = tpu.memref_slice %arg3[%add3A_216, %dma_start3A_217] : memref<4096x2048xf32, #tpu.memory_space<hbm>> -> memref<2x2048xf32, #tpu.memory_space<hbm>>
      %dma_start3A_219 = arith.constant 0 : i32
      %dma_start3A_220 = tpu.memref_slice %arg3[%add3A_216, %dma_start3A_219] : memref<4096x2048xf32, #tpu.memory_space<hbm>> -> memref<2x2048xf32, #tpu.memory_space<hbm>>
      tpu.enqueue_dma source(%dma_start3A_220 : memref<2x2048xf32, #tpu.memory_space<hbm>>) target(%arg10 : memref<2x2048xf32, #tpu.memory_space<vmem>>) target_semaphore(%arg14 : memref<!tpu.dma_semaphore, #tpu.memory_space<semaphore_mem>>)
      %dma_start3A_221 = arith.constant 0 : i32
      %dma_start3A_222 = arith.constant 0 : i32
      %dma_start3A_223 = tpu.memref_slice %arg2[%dma_start3A_221, %add3A_216, %dma_start3A_222] : memref<4x4096x2048xf32, #tpu.memory_space<hbm>> -> memref<4x2x2048xf32, #tpu.memory_space<hbm>>
      %dma_start3A_224 = arith.constant 0 : i32
      %dma_start3A_225 = arith.constant 0 : i32
      %dma_start3A_226 = tpu.memref_slice %arg2[%dma_start3A_224, %add3A_216, %dma_start3A_225] : memref<4x4096x2048xf32, #tpu.memory_space<hbm>> -> memref<4x2x2048xf32, #tpu.memory_space<hbm>>
      tpu.enqueue_dma source(%dma_start3A_226 : memref<4x2x2048xf32, #tpu.memory_space<hbm>>) target(%arg6 : memref<4x2x2048xf32, #tpu.memory_space<vmem>>) target_semaphore(%arg14 : memref<!tpu.dma_semaphore, #tpu.memory_space<semaphore_mem>>)
      %dma_wait3A_227 = arith.constant 0 : i32
      %dma_wait3A_228 = arith.constant 0 : i32
      %dma_wait3A_229 = arith.constant 0 : i32
      %dma_wait3A_230 = tpu.memref_slice %arg2[%dma_wait3A_227, %dma_wait3A_228, %dma_wait3A_229] : memref<4x4096x2048xf32, #tpu.memory_space<hbm>> -> memref<4x2x2048xf32, #tpu.memory_space<hbm>>
      %dma_wait3A_231 = arith.constant 0 : i32
      %dma_wait3A_232 = arith.constant 0 : i32
      %dma_wait3A_233 = arith.constant 0 : i32
      %dma_wait3A_234 = tpu.memref_slice %arg2[%dma_wait3A_231, %dma_wait3A_232, %dma_wait3A_233] : memref<4x4096x2048xf32, #tpu.memory_space<hbm>> -> memref<4x2x2048xf32, #tpu.memory_space<hbm>>
      tpu.wait_dma2 semaphore(%arg13 : memref<!tpu.dma_semaphore, #tpu.memory_space<semaphore_mem>>) src(%dma_wait3A_234 : memref<4x2x2048xf32, #tpu.memory_space<hbm>>) dst(%arg5 : memref<4x2x2048xf32, #tpu.memory_space<vmem>>)
      %dma_wait3A_235 = arith.constant 0 : i32
      %dma_wait3A_236 = arith.constant 0 : i32
      %dma_wait3A_237 = tpu.memref_slice %arg3[%dma_wait3A_235, %dma_wait3A_236] : memref<4096x2048xf32, #tpu.memory_space<hbm>> -> memref<2x2048xf32, #tpu.memory_space<hbm>>
      %dma_wait3A_238 = arith.constant 0 : i32
      %dma_wait3A_239 = arith.constant 0 : i32
      %dma_wait3A_240 = tpu.memref_slice %arg3[%dma_wait3A_238, %dma_wait3A_239] : memref<4096x2048xf32, #tpu.memory_space<hbm>> -> memref<2x2048xf32, #tpu.memory_space<hbm>>
      tpu.wait_dma2 semaphore(%arg13 : memref<!tpu.dma_semaphore, #tpu.memory_space<semaphore_mem>>) src(%dma_wait3A_240 : memref<2x2048xf32, #tpu.memory_space<hbm>>) dst(%arg9 : memref<2x2048xf32, #tpu.memory_space<vmem>>)
      %parallel_loop3A_241 = arith.constant 0 : i32
      %parallel_loop3A_242 = arith.constant 2048 : i32
      %parallel_loop3A_243 = arith.constant 16 : i32
      scf.for %parallel_loop3A_407 = %parallel_loop3A_241 to %parallel_loop3A_242 step %parallel_loop3A_243  : i32 {
        %parallel_loop3A_408 = arith.constant 0 : i32
        %parallel_loop3A_409 = arith.index_cast %parallel_loop3A_408 : i32 to index
        %parallel_loop3A_410 = arith.index_cast %parallel_loop3A_407 : i32 to index
        %parallel_loop3A_411 = tpu.vector_load %arg9[%parallel_loop3A_409, %parallel_loop3A_410] {strides = array<i32>} : memref<2x2048xf32, #tpu.memory_space<vmem>>, vector<1x16xf32>,
        %parallel_loop3A_412 = vector.shape_cast %parallel_loop3A_411 : vector<1x16xf32> to vector<16xf32>
        %parallel_loop3A_413 = arith.constant 0 : i32
        %parallel_loop3A_414 = arith.constant 0 : i32
        %parallel_loop3A_415 = arith.index_cast %parallel_loop3A_413 : i32 to index
        %parallel_loop3A_416 = arith.index_cast %parallel_loop3A_414 : i32 to index
        %parallel_loop3A_417 = arith.index_cast %parallel_loop3A_407 : i32 to index
        %parallel_loop3A_418 = tpu.vector_load %arg5[%parallel_loop3A_415, %parallel_loop3A_416, %parallel_loop3A_417] {strides = array<i32>} : memref<4x2x2048xf32, #tpu.memory_space<vmem>>, vector<1x1x16xf32>,
        %parallel_loop3A_419 = vector.shape_cast %parallel_loop3A_418 : vector<1x1x16xf32> to vector<16xf32>
        %parallel_loop3A_420 = arith.addf %parallel_loop3A_419, %parallel_loop3A_412 : vector<16xf32>
        %parallel_loop3A_421 = arith.constant 0 : i32
        %parallel_loop3A_422 = arith.constant 0 : i32
        %parallel_loop3A_423 = arith.index_cast %parallel_loop3A_421 : i32 to index
        %parallel_loop3A_424 = arith.index_cast %parallel_loop3A_422 : i32 to index
        %parallel_loop3A_425 = arith.index_cast %parallel_loop3A_407 : i32 to index
        %parallel_loop3A_426 = tpu.vector_load %arg5[%parallel_loop3A_423, %parallel_loop3A_424, %parallel_loop3A_425] {strides = array<i32>} : memref<4x2x2048xf32, #tpu.memory_space<vmem>>, vector<1x1x16xf32>,
        %parallel_loop3A_427 = vector.shape_cast %parallel_loop3A_426 : vector<1x1x16xf32> to vector<16xf32>
        %parallel_loop3A_428 = vector.shape_cast %parallel_loop3A_420 : vector<16xf32> to vector<1x1x16xf32>
        tpu.vector_store %arg5[%parallel_loop3A_423, %parallel_loop3A_424, %parallel_loop3A_425], %parallel_loop3A_428 {strides = array<i32>} : memref<4x2x2048xf32, #tpu.memory_space<vmem>>, vector<1x1x16xf32>,
        %parallel_loop3A_429 = arith.constant 1 : i32
        %parallel_loop3A_430 = arith.constant 0 : i32
        %parallel_loop3A_431 = arith.index_cast %parallel_loop3A_429 : i32 to index
        %parallel_loop3A_432 = arith.index_cast %parallel_loop3A_430 : i32 to index
        %parallel_loop3A_433 = arith.index_cast %parallel_loop3A_407 : i32 to index
        %parallel_loop3A_434 = tpu.vector_load %arg5[%parallel_loop3A_431, %parallel_loop3A_432, %parallel_loop3A_433] {strides = array<i32>} : memref<4x2x2048xf32, #tpu.memory_space<vmem>>, vector<1x1x16xf32>,
        %parallel_loop3A_435 = vector.shape_cast %parallel_loop3A_434 : vector<1x1x16xf32> to vector<16xf32>
        %parallel_loop3A_436 = arith.addf %parallel_loop3A_435, %parallel_loop3A_412 : vector<16xf32>
        %parallel_loop3A_437 = arith.constant 1 : i32
        %parallel_loop3A_438 = arith.constant 0 : i32
        %parallel_loop3A_439 = arith.index_cast %parallel_loop3A_437 : i32 to index
        %parallel_loop3A_440 = arith.index_cast %parallel_loop3A_438 : i32 to index
        %parallel_loop3A_441 = arith.index_cast %parallel_loop3A_407 : i32 to index
        %parallel_loop3A_442 = tpu.vector_load %arg5[%parallel_loop3A_439, %parallel_loop3A_440, %parallel_loop3A_441] {strides = array<i32>} : memref<4x2x2048xf32, #tpu.memory_space<vmem>>, vector<1x1x16xf32>,
        %parallel_loop3A_443 = vector.shape_cast %parallel_loop3A_442 : vector<1x1x16xf32> to vector<16xf32>
        %parallel_loop3A_444 = vector.shape_cast %parallel_loop3A_436 : vector<16xf32> to vector<1x1x16xf32>
        tpu.vector_store %arg5[%parallel_loop3A_439, %parallel_loop3A_440, %parallel_loop3A_441], %parallel_loop3A_444 {strides = array<i32>} : memref<4x2x2048xf32, #tpu.memory_space<vmem>>, vector<1x1x16xf32>,
        %parallel_loop3A_445 = arith.constant 2 : i32
        %parallel_loop3A_446 = arith.constant 0 : i32
        %parallel_loop3A_447 = arith.index_cast %parallel_loop3A_445 : i32 to index
        %parallel_loop3A_448 = arith.index_cast %parallel_loop3A_446 : i32 to index
        %parallel_loop3A_449 = arith.index_cast %parallel_loop3A_407 : i32 to index
        %parallel_loop3A_450 = tpu.vector_load %arg5[%parallel_loop3A_447, %parallel_loop3A_448, %parallel_loop3A_449] {strides = array<i32>} : memref<4x2x2048xf32, #tpu.memory_space<vmem>>, vector<1x1x16xf32>,
        %parallel_loop3A_451 = vector.shape_cast %parallel_loop3A_450 : vector<1x1x16xf32> to vector<16xf32>
        %parallel_loop3A_452 = arith.addf %parallel_loop3A_451, %parallel_loop3A_412 : vector<16xf32>
        %parallel_loop3A_453 = arith.constant 2 : i32
        %parallel_loop3A_454 = arith.constant 0 : i32
        %parallel_loop3A_455 = arith.index_cast %parallel_loop3A_453 : i32 to index
        %parallel_loop3A_456 = arith.index_cast %parallel_loop3A_454 : i32 to index
        %parallel_loop3A_457 = arith.index_cast %parallel_loop3A_407 : i32 to index
        %parallel_loop3A_458 = tpu.vector_load %arg5[%parallel_loop3A_455, %parallel_loop3A_456, %parallel_loop3A_457] {strides = array<i32>} : memref<4x2x2048xf32, #tpu.memory_space<vmem>>, vector<1x1x16xf32>,
        %parallel_loop3A_459 = vector.shape_cast %parallel_loop3A_458 : vector<1x1x16xf32> to vector<16xf32>
        %parallel_loop3A_460 = vector.shape_cast %parallel_loop3A_452 : vector<16xf32> to vector<1x1x16xf32>
        tpu.vector_store %arg5[%parallel_loop3A_455, %parallel_loop3A_456, %parallel_loop3A_457], %parallel_loop3A_460 {strides = array<i32>} : memref<4x2x2048xf32, #tpu.memory_space<vmem>>, vector<1x1x16xf32>,
        %parallel_loop3A_461 = arith.constant 3 : i32
        %parallel_loop3A_462 = arith.constant 0 : i32
        %parallel_loop3A_463 = arith.index_cast %parallel_loop3A_461 : i32 to index
        %parallel_loop3A_464 = arith.index_cast %parallel_loop3A_462 : i32 to index
        %parallel_loop3A_465 = arith.index_cast %parallel_loop3A_407 : i32 to index
        %parallel_loop3A_466 = tpu.vector_load %arg5[%parallel_loop3A_463, %parallel_loop3A_464, %parallel_loop3A_465] {strides = array<i32>} : memref<4x2x2048xf32, #tpu.memory_space<vmem>>, vector<1x1x16xf32>,
        %parallel_loop3A_467 = vector.shape_cast %parallel_loop3A_466 : vector<1x1x16xf32> to vector<16xf32>
        %parallel_loop3A_468 = arith.addf %parallel_loop3A_467, %parallel_loop3A_412 : vector<16xf32>
        %parallel_loop3A_469 = arith.constant 3 : i32
        %parallel_loop3A_470 = arith.constant 0 : i32
        %parallel_loop3A_471 = arith.index_cast %parallel_loop3A_469 : i32 to index
        %parallel_loop3A_472 = arith.index_cast %parallel_loop3A_470 : i32 to index
        %parallel_loop3A_473 = arith.index_cast %parallel_loop3A_407 : i32 to index
        %parallel_loop3A_474 = tpu.vector_load %arg5[%parallel_loop3A_471, %parallel_loop3A_472, %parallel_loop3A_473] {strides = array<i32>} : memref<4x2x2048xf32, #tpu.memory_space<vmem>>, vector<1x1x16xf32>,
        %parallel_loop3A_475 = vector.shape_cast %parallel_loop3A_474 : vector<1x1x16xf32> to vector<16xf32>
        %parallel_loop3A_476 = vector.shape_cast %parallel_loop3A_468 : vector<16xf32> to vector<1x1x16xf32>
        tpu.vector_store %arg5[%parallel_loop3A_471, %parallel_loop3A_472, %parallel_loop3A_473], %parallel_loop3A_476 {strides = array<i32>} : memref<4x2x2048xf32, #tpu.memory_space<vmem>>, vector<1x1x16xf32>,
        %parallel_loop3A_477 = arith.constant 1 : i32
        %parallel_loop3A_478 = arith.index_cast %parallel_loop3A_477 : i32 to index
        %parallel_loop3A_479 = arith.index_cast %parallel_loop3A_407 : i32 to index
        %parallel_loop3A_480 = tpu.vector_load %arg9[%parallel_loop3A_478, %parallel_loop3A_479] {strides = array<i32>} : memref<2x2048xf32, #tpu.memory_space<vmem>>, vector<1x16xf32>,
        %parallel_loop3A_481 = vector.shape_cast %parallel_loop3A_480 : vector<1x16xf32> to vector<16xf32>
        %parallel_loop3A_482 = arith.constant 0 : i32
        %parallel_loop3A_483 = arith.constant 1 : i32
        %parallel_loop3A_484 = arith.index_cast %parallel_loop3A_482 : i32 to index
        %parallel_loop3A_485 = arith.index_cast %parallel_loop3A_483 : i32 to index
        %parallel_loop3A_486 = arith.index_cast %parallel_loop3A_407 : i32 to index
        %parallel_loop3A_487 = tpu.vector_load %arg5[%parallel_loop3A_484, %parallel_loop3A_485, %parallel_loop3A_486] {strides = array<i32>} : memref<4x2x2048xf32, #tpu.memory_space<vmem>>, vector<1x1x16xf32>,
        %parallel_loop3A_488 = vector.shape_cast %parallel_loop3A_487 : vector<1x1x16xf32> to vector<16xf32>
        %parallel_loop3A_489 = arith.addf %parallel_loop3A_488, %parallel_loop3A_481 : vector<16xf32>
        %parallel_loop3A_490 = arith.constant 0 : i32
        %parallel_loop3A_491 = arith.constant 1 : i32
        %parallel_loop3A_492 = arith.index_cast %parallel_loop3A_490 : i32 to index
        %parallel_loop3A_493 = arith.index_cast %parallel_loop3A_491 : i32 to index
        %parallel_loop3A_494 = arith.index_cast %parallel_loop3A_407 : i32 to index
        %parallel_loop3A_495 = tpu.vector_load %arg5[%parallel_loop3A_492, %parallel_loop3A_493, %parallel_loop3A_494] {strides = array<i32>} : memref<4x2x2048xf32, #tpu.memory_space<vmem>>, vector<1x1x16xf32>,
        %parallel_loop3A_496 = vector.shape_cast %parallel_loop3A_495 : vector<1x1x16xf32> to vector<16xf32>
        %parallel_loop3A_497 = vector.shape_cast %parallel_loop3A_489 : vector<16xf32> to vector<1x1x16xf32>
        tpu.vector_store %arg5[%parallel_loop3A_492, %parallel_loop3A_493, %parallel_loop3A_494], %parallel_loop3A_497 {strides = array<i32>} : memref<4x2x2048xf32, #tpu.memory_space<vmem>>, vector<1x1x16xf32>,
        %parallel_loop3A_498 = arith.constant 1 : i32
        %parallel_loop3A_499 = arith.constant 1 : i32
        %parallel_loop3A_500 = arith.index_cast %parallel_loop3A_498 : i32 to index
        %parallel_loop3A_501 = arith.index_cast %parallel_loop3A_499 : i32 to index
        %parallel_loop3A_502 = arith.index_cast %parallel_loop3A_407 : i32 to index
        %parallel_loop3A_503 = tpu.vector_load %arg5[%parallel_loop3A_500, %parallel_loop3A_501, %parallel_loop3A_502] {strides = array<i32>} : memref<4x2x2048xf32, #tpu.memory_space<vmem>>, vector<1x1x16xf32>,
        %parallel_loop3A_504 = vector.shape_cast %parallel_loop3A_503 : vector<1x1x16xf32> to vector<16xf32>
        %parallel_loop3A_505 = arith.addf %parallel_loop3A_504, %parallel_loop3A_481 : vector<16xf32>
        %parallel_loop3A_506 = arith.constant 1 : i32
        %parallel_loop3A_507 = arith.constant 1 : i32
        %parallel_loop3A_508 = arith.index_cast %parallel_loop3A_506 : i32 to index
        %parallel_loop3A_509 = arith.index_cast %parallel_loop3A_507 : i32 to index
        %parallel_loop3A_510 = arith.index_cast %parallel_loop3A_407 : i32 to index
        %parallel_loop3A_511 = tpu.vector_load %arg5[%parallel_loop3A_508, %parallel_loop3A_509, %parallel_loop3A_510] {strides = array<i32>} : memref<4x2x2048xf32, #tpu.memory_space<vmem>>, vector<1x1x16xf32>,
        %parallel_loop3A_512 = vector.shape_cast %parallel_loop3A_511 : vector<1x1x16xf32> to vector<16xf32>
        %parallel_loop3A_513 = vector.shape_cast %parallel_loop3A_505 : vector<16xf32> to vector<1x1x16xf32>
        tpu.vector_store %arg5[%parallel_loop3A_508, %parallel_loop3A_509, %parallel_loop3A_510], %parallel_loop3A_513 {strides = array<i32>} : memref<4x2x2048xf32, #tpu.memory_space<vmem>>, vector<1x1x16xf32>,
        %parallel_loop3A_514 = arith.constant 2 : i32
        %parallel_loop3A_515 = arith.constant 1 : i32
        %parallel_loop3A_516 = arith.index_cast %parallel_loop3A_514 : i32 to index
        %parallel_loop3A_517 = arith.index_cast %parallel_loop3A_515 : i32 to index
        %parallel_loop3A_518 = arith.index_cast %parallel_loop3A_407 : i32 to index
        %parallel_loop3A_519 = tpu.vector_load %arg5[%parallel_loop3A_516, %parallel_loop3A_517, %parallel_loop3A_518] {strides = array<i32>} : memref<4x2x2048xf32, #tpu.memory_space<vmem>>, vector<1x1x16xf32>,
        %parallel_loop3A_520 = vector.shape_cast %parallel_loop3A_519 : vector<1x1x16xf32> to vector<16xf32>
        %parallel_loop3A_521 = arith.addf %parallel_loop3A_520, %parallel_loop3A_481 : vector<16xf32>
        %parallel_loop3A_522 = arith.constant 2 : i32
        %parallel_loop3A_523 = arith.constant 1 : i32
        %parallel_loop3A_524 = arith.index_cast %parallel_loop3A_522 : i32 to index
        %parallel_loop3A_525 = arith.index_cast %parallel_loop3A_523 : i32 to index
        %parallel_loop3A_526 = arith.index_cast %parallel_loop3A_407 : i32 to index
        %parallel_loop3A_527 = tpu.vector_load %arg5[%parallel_loop3A_524, %parallel_loop3A_525, %parallel_loop3A_526] {strides = array<i32>} : memref<4x2x2048xf32, #tpu.memory_space<vmem>>, vector<1x1x16xf32>,
        %parallel_loop3A_528 = vector.shape_cast %parallel_loop3A_527 : vector<1x1x16xf32> to vector<16xf32>
        %parallel_loop3A_529 = vector.shape_cast %parallel_loop3A_521 : vector<16xf32> to vector<1x1x16xf32>
        tpu.vector_store %arg5[%parallel_loop3A_524, %parallel_loop3A_525, %parallel_loop3A_526], %parallel_loop3A_529 {strides = array<i32>} : memref<4x2x2048xf32, #tpu.memory_space<vmem>>, vector<1x1x16xf32>,
        %parallel_loop3A_530 = arith.constant 3 : i32
        %parallel_loop3A_531 = arith.constant 1 : i32
        %parallel_loop3A_532 = arith.index_cast %parallel_loop3A_530 : i32 to index
        %parallel_loop3A_533 = arith.index_cast %parallel_loop3A_531 : i32 to index
        %parallel_loop3A_534 = arith.index_cast %parallel_loop3A_407 : i32 to index
        %parallel_loop3A_535 = tpu.vector_load %arg5[%parallel_loop3A_532, %parallel_loop3A_533, %parallel_loop3A_534] {strides = array<i32>} : memref<4x2x2048xf32, #tpu.memory_space<vmem>>, vector<1x1x16xf32>,
        %parallel_loop3A_536 = vector.shape_cast %parallel_loop3A_535 : vector<1x1x16xf32> to vector<16xf32>
        %parallel_loop3A_537 = arith.addf %parallel_loop3A_536, %parallel_loop3A_481 : vector<16xf32>
        %parallel_loop3A_538 = arith.constant 3 : i32
        %parallel_loop3A_539 = arith.constant 1 : i32
        %parallel_loop3A_540 = arith.index_cast %parallel_loop3A_538 : i32 to index
        %parallel_loop3A_541 = arith.index_cast %parallel_loop3A_539 : i32 to index
        %parallel_loop3A_542 = arith.index_cast %parallel_loop3A_407 : i32 to index
        %parallel_loop3A_543 = tpu.vector_load %arg5[%parallel_loop3A_540, %parallel_loop3A_541, %parallel_loop3A_542] {strides = array<i32>} : memref<4x2x2048xf32, #tpu.memory_space<vmem>>, vector<1x1x16xf32>,
        %parallel_loop3A_544 = vector.shape_cast %parallel_loop3A_543 : vector<1x1x16xf32> to vector<16xf32>
        %parallel_loop3A_545 = vector.shape_cast %parallel_loop3A_537 : vector<16xf32> to vector<1x1x16xf32>
        tpu.vector_store %arg5[%parallel_loop3A_540, %parallel_loop3A_541, %parallel_loop3A_542], %parallel_loop3A_545 {strides = array<i32>} : memref<4x2x2048xf32, #tpu.memory_space<vmem>>, vector<1x1x16xf32>,
      } {sc.loop_unroll_factor = 4 : i64, sc.parallel_access}
      %mul3A_244 = arith.constant 2 : i32
      %mul3A_245 = arith.muli %add3A_203, %mul3A_244 : i32
      %add3A_246 = arith.addi %mul3A_2, %mul3A_245 : i32
      %dma_start3A_247 = arith.constant 0 : i32
      %dma_start3A_248 = arith.constant 0 : i32
      %dma_start3A_249 = tpu.memref_slice %arg4[%dma_start3A_247, %add3A_246, %dma_start3A_248] : memref<4x4096x2048xf32, #tpu.memory_space<hbm>> -> memref<4x2x2048xf32, #tpu.memory_space<hbm>>
      %dma_start3A_250 = arith.constant 0 : i32
      %dma_start3A_251 = arith.constant 0 : i32
      %dma_start3A_252 = tpu.memref_slice %arg4[%dma_start3A_250, %add3A_246, %dma_start3A_251] : memref<4x4096x2048xf32, #tpu.memory_space<hbm>> -> memref<4x2x2048xf32, #tpu.memory_space<hbm>>
      tpu.enqueue_dma source(%arg5 : memref<4x2x2048xf32, #tpu.memory_space<vmem>>) target(%dma_start3A_252 : memref<4x2x2048xf32, #tpu.memory_space<hbm>>) target_semaphore(%arg17 : memref<!tpu.dma_semaphore, #tpu.memory_space<semaphore_mem>>)
      %add3A_253 = arith.constant 1 : i32
      %add3A_254 = arith.addi %mul3A_201, %add3A_253 : i32
      %dma_wait3A_255 = arith.constant 0 : i32
      %dma_wait3A_256 = arith.constant 0 : i32
      %dma_wait3A_257 = arith.constant 0 : i32
      %dma_wait3A_258 = tpu.memref_slice %arg4[%dma_wait3A_255, %dma_wait3A_256, %dma_wait3A_257] : memref<4x4096x2048xf32, #tpu.memory_space<hbm>> -> memref<4x2x2048xf32, #tpu.memory_space<hbm>>
      %dma_wait3A_259 = arith.constant 0 : i32
      %dma_wait3A_260 = arith.constant 0 : i32
      %dma_wait3A_261 = arith.constant 0 : i32
      %dma_wait3A_262 = tpu.memref_slice %arg4[%dma_wait3A_259, %dma_wait3A_260, %dma_wait3A_261] : memref<4x4096x2048xf32, #tpu.memory_space<hbm>> -> memref<4x2x2048xf32, #tpu.memory_space<hbm>>
      tpu.wait_dma2 semaphore(%arg19 : memref<!tpu.dma_semaphore, #tpu.memory_space<semaphore_mem>>) src(%arg7 : memref<4x2x2048xf32, #tpu.memory_space<vmem>>) dst(%dma_wait3A_262 : memref<4x2x2048xf32, #tpu.memory_space<hbm>>)
      %add3A_263 = arith.constant 1 : i32
      %add3A_264 = arith.addi %add3A_254, %add3A_263 : i32
      %mul3A_265 = arith.constant 2 : i32
      %mul3A_266 = arith.muli %add3A_264, %mul3A_265 : i32
      %add3A_267 = arith.addi %mul3A_2, %mul3A_266 : i32
      %dma_start3A_268 = arith.constant 0 : i32
      %dma_start3A_269 = tpu.memref_slice %arg3[%add3A_267, %dma_start3A_268] : memref<4096x2048xf32, #tpu.memory_space<hbm>> -> memref<2x2048xf32, #tpu.memory_space<hbm>>
      %dma_start3A_270 = arith.constant 0 : i32
      %dma_start3A_271 = tpu.memref_slice %arg3[%add3A_267, %dma_start3A_270] : memref<4096x2048xf32, #tpu.memory_space<hbm>> -> memref<2x2048xf32, #tpu.memory_space<hbm>>
      tpu.enqueue_dma source(%dma_start3A_271 : memref<2x2048xf32, #tpu.memory_space<hbm>>) target(%arg11 : memref<2x2048xf32, #tpu.memory_space<vmem>>) target_semaphore(%arg15 : memref<!tpu.dma_semaphore, #tpu.memory_space<semaphore_mem>>)
      %dma_start3A_272 = arith.constant 0 : i32
      %dma_start3A_273 = arith.constant 0 : i32
      %dma_start3A_274 = tpu.memref_slice %arg2[%dma_start3A_272, %add3A_267, %dma_start3A_273] : memref<4x4096x2048xf32, #tpu.memory_space<hbm>> -> memref<4x2x2048xf32, #tpu.memory_space<hbm>>
      %dma_start3A_275 = arith.constant 0 : i32
      %dma_start3A_276 = arith.constant 0 : i32
      %dma_start3A_277 = tpu.memref_slice %arg2[%dma_start3A_275, %add3A_267, %dma_start3A_276] : memref<4x4096x2048xf32, #tpu.memory_space<hbm>> -> memref<4x2x2048xf32, #tpu.memory_space<hbm>>
      tpu.enqueue_dma source(%dma_start3A_277 : memref<4x2x2048xf32, #tpu.memory_space<hbm>>) target(%arg7 : memref<4x2x2048xf32, #tpu.memory_space<vmem>>) target_semaphore(%arg15 : memref<!tpu.dma_semaphore, #tpu.memory_space<semaphore_mem>>)
      %dma_wait3A_278 = arith.constant 0 : i32
      %dma_wait3A_279 = arith.constant 0 : i32
      %dma_wait3A_280 = arith.constant 0 : i32
      %dma_wait3A_281 = tpu.memref_slice %arg2[%dma_wait3A_278, %dma_wait3A_279, %dma_wait3A_280] : memref<4x4096x2048xf32, #tpu.memory_space<hbm>> -> memref<4x2x2048xf32, #tpu.memory_space<hbm>>
      %dma_wait3A_282 = arith.constant 0 : i32
      %dma_wait3A_283 = arith.constant 0 : i32
      %dma_wait3A_284 = arith.constant 0 : i32
      %dma_wait3A_285 = tpu.memref_slice %arg2[%dma_wait3A_282, %dma_wait3A_283, %dma_wait3A_284] : memref<4x4096x2048xf32, #tpu.memory_space<hbm>> -> memref<4x2x2048xf32, #tpu.memory_space<hbm>>
      tpu.wait_dma2 semaphore(%arg14 : memref<!tpu.dma_semaphore, #tpu.memory_space<semaphore_mem>>) src(%dma_wait3A_285 : memref<4x2x2048xf32, #tpu.memory_space<hbm>>) dst(%arg6 : memref<4x2x2048xf32, #tpu.memory_space<vmem>>)
      %dma_wait3A_286 = arith.constant 0 : i32
      %dma_wait3A_287 = arith.constant 0 : i32
      %dma_wait3A_288 = tpu.memref_slice %arg3[%dma_wait3A_286, %dma_wait3A_287] : memref<4096x2048xf32, #tpu.memory_space<hbm>> -> memref<2x2048xf32, #tpu.memory_space<hbm>>
      %dma_wait3A_289 = arith.constant 0 : i32
      %dma_wait3A_290 = arith.constant 0 : i32
      %dma_wait3A_291 = tpu.memref_slice %arg3[%dma_wait3A_289, %dma_wait3A_290] : memref<4096x2048xf32, #tpu.memory_space<hbm>> -> memref<2x2048xf32, #tpu.memory_space<hbm>>
      tpu.wait_dma2 semaphore(%arg14 : memref<!tpu.dma_semaphore, #tpu.memory_space<semaphore_mem>>) src(%dma_wait3A_291 : memref<2x2048xf32, #tpu.memory_space<hbm>>) dst(%arg10 : memref<2x2048xf32, #tpu.memory_space<vmem>>)
      %parallel_loop3A_292 = arith.constant 0 : i32
      %parallel_loop3A_293 = arith.constant 2048 : i32
      %parallel_loop3A_294 = arith.constant 16 : i32
      scf.for %parallel_loop3A_407 = %parallel_loop3A_292 to %parallel_loop3A_293 step %parallel_loop3A_294  : i32 {
        %parallel_loop3A_408 = arith.constant 0 : i32
        %parallel_loop3A_409 = arith.index_cast %parallel_loop3A_408 : i32 to index
        %parallel_loop3A_410 = arith.index_cast %parallel_loop3A_407 : i32 to index
        %parallel_loop3A_411 = tpu.vector_load %arg10[%parallel_loop3A_409, %parallel_loop3A_410] {strides = array<i32>} : memref<2x2048xf32, #tpu.memory_space<vmem>>, vector<1x16xf32>,
        %parallel_loop3A_412 = vector.shape_cast %parallel_loop3A_411 : vector<1x16xf32> to vector<16xf32>
        %parallel_loop3A_413 = arith.constant 0 : i32
        %parallel_loop3A_414 = arith.constant 0 : i32
        %parallel_loop3A_415 = arith.index_cast %parallel_loop3A_413 : i32 to index
        %parallel_loop3A_416 = arith.index_cast %parallel_loop3A_414 : i32 to index
        %parallel_loop3A_417 = arith.index_cast %parallel_loop3A_407 : i32 to index
        %parallel_loop3A_418 = tpu.vector_load %arg6[%parallel_loop3A_415, %parallel_loop3A_416, %parallel_loop3A_417] {strides = array<i32>} : memref<4x2x2048xf32, #tpu.memory_space<vmem>>, vector<1x1x16xf32>,
        %parallel_loop3A_419 = vector.shape_cast %parallel_loop3A_418 : vector<1x1x16xf32> to vector<16xf32>
        %parallel_loop3A_420 = arith.addf %parallel_loop3A_419, %parallel_loop3A_412 : vector<16xf32>
        %parallel_loop3A_421 = arith.constant 0 : i32
        %parallel_loop3A_422 = arith.constant 0 : i32
        %parallel_loop3A_423 = arith.index_cast %parallel_loop3A_421 : i32 to index
        %parallel_loop3A_424 = arith.index_cast %parallel_loop3A_422 : i32 to index
        %parallel_loop3A_425 = arith.index_cast %parallel_loop3A_407 : i32 to index
        %parallel_loop3A_426 = tpu.vector_load %arg6[%parallel_loop3A_423, %parallel_loop3A_424, %parallel_loop3A_425] {strides = array<i32>} : memref<4x2x2048xf32, #tpu.memory_space<vmem>>, vector<1x1x16xf32>,
        %parallel_loop3A_427 = vector.shape_cast %parallel_loop3A_426 : vector<1x1x16xf32> to vector<16xf32>
        %parallel_loop3A_428 = vector.shape_cast %parallel_loop3A_420 : vector<16xf32> to vector<1x1x16xf32>
        tpu.vector_store %arg6[%parallel_loop3A_423, %parallel_loop3A_424, %parallel_loop3A_425], %parallel_loop3A_428 {strides = array<i32>} : memref<4x2x2048xf32, #tpu.memory_space<vmem>>, vector<1x1x16xf32>,
        %parallel_loop3A_429 = arith.constant 1 : i32
        %parallel_loop3A_430 = arith.constant 0 : i32
        %parallel_loop3A_431 = arith.index_cast %parallel_loop3A_429 : i32 to index
        %parallel_loop3A_432 = arith.index_cast %parallel_loop3A_430 : i32 to index
        %parallel_loop3A_433 = arith.index_cast %parallel_loop3A_407 : i32 to index
        %parallel_loop3A_434 = tpu.vector_load %arg6[%parallel_loop3A_431, %parallel_loop3A_432, %parallel_loop3A_433] {strides = array<i32>} : memref<4x2x2048xf32, #tpu.memory_space<vmem>>, vector<1x1x16xf32>,
        %parallel_loop3A_435 = vector.shape_cast %parallel_loop3A_434 : vector<1x1x16xf32> to vector<16xf32>
        %parallel_loop3A_436 = arith.addf %parallel_loop3A_435, %parallel_loop3A_412 : vector<16xf32>
        %parallel_loop3A_437 = arith.constant 1 : i32
        %parallel_loop3A_438 = arith.constant 0 : i32
        %parallel_loop3A_439 = arith.index_cast %parallel_loop3A_437 : i32 to index
        %parallel_loop3A_440 = arith.index_cast %parallel_loop3A_438 : i32 to index
        %parallel_loop3A_441 = arith.index_cast %parallel_loop3A_407 : i32 to index
        %parallel_loop3A_442 = tpu.vector_load %arg6[%parallel_loop3A_439, %parallel_loop3A_440, %parallel_loop3A_441] {strides = array<i32>} : memref<4x2x2048xf32, #tpu.memory_space<vmem>>, vector<1x1x16xf32>,
        %parallel_loop3A_443 = vector.shape_cast %parallel_loop3A_442 : vector<1x1x16xf32> to vector<16xf32>
        %parallel_loop3A_444 = vector.shape_cast %parallel_loop3A_436 : vector<16xf32> to vector<1x1x16xf32>
        tpu.vector_store %arg6[%parallel_loop3A_439, %parallel_loop3A_440, %parallel_loop3A_441], %parallel_loop3A_444 {strides = array<i32>} : memref<4x2x2048xf32, #tpu.memory_space<vmem>>, vector<1x1x16xf32>,
        %parallel_loop3A_445 = arith.constant 2 : i32
        %parallel_loop3A_446 = arith.constant 0 : i32
        %parallel_loop3A_447 = arith.index_cast %parallel_loop3A_445 : i32 to index
        %parallel_loop3A_448 = arith.index_cast %parallel_loop3A_446 : i32 to index
        %parallel_loop3A_449 = arith.index_cast %parallel_loop3A_407 : i32 to index
        %parallel_loop3A_450 = tpu.vector_load %arg6[%parallel_loop3A_447, %parallel_loop3A_448, %parallel_loop3A_449] {strides = array<i32>} : memref<4x2x2048xf32, #tpu.memory_space<vmem>>, vector<1x1x16xf32>,
        %parallel_loop3A_451 = vector.shape_cast %parallel_loop3A_450 : vector<1x1x16xf32> to vector<16xf32>
        %parallel_loop3A_452 = arith.addf %parallel_loop3A_451, %parallel_loop3A_412 : vector<16xf32>
        %parallel_loop3A_453 = arith.constant 2 : i32
        %parallel_loop3A_454 = arith.constant 0 : i32
        %parallel_loop3A_455 = arith.index_cast %parallel_loop3A_453 : i32 to index
        %parallel_loop3A_456 = arith.index_cast %parallel_loop3A_454 : i32 to index
        %parallel_loop3A_457 = arith.index_cast %parallel_loop3A_407 : i32 to index
        %parallel_loop3A_458 = tpu.vector_load %arg6[%parallel_loop3A_455, %parallel_loop3A_456, %parallel_loop3A_457] {strides = array<i32>} : memref<4x2x2048xf32, #tpu.memory_space<vmem>>, vector<1x1x16xf32>,
        %parallel_loop3A_459 = vector.shape_cast %parallel_loop3A_458 : vector<1x1x16xf32> to vector<16xf32>
        %parallel_loop3A_460 = vector.shape_cast %parallel_loop3A_452 : vector<16xf32> to vector<1x1x16xf32>
        tpu.vector_store %arg6[%parallel_loop3A_455, %parallel_loop3A_456, %parallel_loop3A_457], %parallel_loop3A_460 {strides = array<i32>} : memref<4x2x2048xf32, #tpu.memory_space<vmem>>, vector<1x1x16xf32>,
        %parallel_loop3A_461 = arith.constant 3 : i32
        %parallel_loop3A_462 = arith.constant 0 : i32
        %parallel_loop3A_463 = arith.index_cast %parallel_loop3A_461 : i32 to index
        %parallel_loop3A_464 = arith.index_cast %parallel_loop3A_462 : i32 to index
        %parallel_loop3A_465 = arith.index_cast %parallel_loop3A_407 : i32 to index
        %parallel_loop3A_466 = tpu.vector_load %arg6[%parallel_loop3A_463, %parallel_loop3A_464, %parallel_loop3A_465] {strides = array<i32>} : memref<4x2x2048xf32, #tpu.memory_space<vmem>>, vector<1x1x16xf32>,
        %parallel_loop3A_467 = vector.shape_cast %parallel_loop3A_466 : vector<1x1x16xf32> to vector<16xf32>
        %parallel_loop3A_468 = arith.addf %parallel_loop3A_467, %parallel_loop3A_412 : vector<16xf32>
        %parallel_loop3A_469 = arith.constant 3 : i32
        %parallel_loop3A_470 = arith.constant 0 : i32
        %parallel_loop3A_471 = arith.index_cast %parallel_loop3A_469 : i32 to index
        %parallel_loop3A_472 = arith.index_cast %parallel_loop3A_470 : i32 to index
        %parallel_loop3A_473 = arith.index_cast %parallel_loop3A_407 : i32 to index
        %parallel_loop3A_474 = tpu.vector_load %arg6[%parallel_loop3A_471, %parallel_loop3A_472, %parallel_loop3A_473] {strides = array<i32>} : memref<4x2x2048xf32, #tpu.memory_space<vmem>>, vector<1x1x16xf32>,
        %parallel_loop3A_475 = vector.shape_cast %parallel_loop3A_474 : vector<1x1x16xf32> to vector<16xf32>
        %parallel_loop3A_476 = vector.shape_cast %parallel_loop3A_468 : vector<16xf32> to vector<1x1x16xf32>
        tpu.vector_store %arg6[%parallel_loop3A_471, %parallel_loop3A_472, %parallel_loop3A_473], %parallel_loop3A_476 {strides = array<i32>} : memref<4x2x2048xf32, #tpu.memory_space<vmem>>, vector<1x1x16xf32>,
        %parallel_loop3A_477 = arith.constant 1 : i32
        %parallel_loop3A_478 = arith.index_cast %parallel_loop3A_477 : i32 to index
        %parallel_loop3A_479 = arith.index_cast %parallel_loop3A_407 : i32 to index
        %parallel_loop3A_480 = tpu.vector_load %arg10[%parallel_loop3A_478, %parallel_loop3A_479] {strides = array<i32>} : memref<2x2048xf32, #tpu.memory_space<vmem>>, vector<1x16xf32>,
        %parallel_loop3A_481 = vector.shape_cast %parallel_loop3A_480 : vector<1x16xf32> to vector<16xf32>
        %parallel_loop3A_482 = arith.constant 0 : i32
        %parallel_loop3A_483 = arith.constant 1 : i32
        %parallel_loop3A_484 = arith.index_cast %parallel_loop3A_482 : i32 to index
        %parallel_loop3A_485 = arith.index_cast %parallel_loop3A_483 : i32 to index
        %parallel_loop3A_486 = arith.index_cast %parallel_loop3A_407 : i32 to index
        %parallel_loop3A_487 = tpu.vector_load %arg6[%parallel_loop3A_484, %parallel_loop3A_485, %parallel_loop3A_486] {strides = array<i32>} : memref<4x2x2048xf32, #tpu.memory_space<vmem>>, vector<1x1x16xf32>,
        %parallel_loop3A_488 = vector.shape_cast %parallel_loop3A_487 : vector<1x1x16xf32> to vector<16xf32>
        %parallel_loop3A_489 = arith.addf %parallel_loop3A_488, %parallel_loop3A_481 : vector<16xf32>
        %parallel_loop3A_490 = arith.constant 0 : i32
        %parallel_loop3A_491 = arith.constant 1 : i32
        %parallel_loop3A_492 = arith.index_cast %parallel_loop3A_490 : i32 to index
        %parallel_loop3A_493 = arith.index_cast %parallel_loop3A_491 : i32 to index
        %parallel_loop3A_494 = arith.index_cast %parallel_loop3A_407 : i32 to index
        %parallel_loop3A_495 = tpu.vector_load %arg6[%parallel_loop3A_492, %parallel_loop3A_493, %parallel_loop3A_494] {strides = array<i32>} : memref<4x2x2048xf32, #tpu.memory_space<vmem>>, vector<1x1x16xf32>,
        %parallel_loop3A_496 = vector.shape_cast %parallel_loop3A_495 : vector<1x1x16xf32> to vector<16xf32>
        %parallel_loop3A_497 = vector.shape_cast %parallel_loop3A_489 : vector<16xf32> to vector<1x1x16xf32>
        tpu.vector_store %arg6[%parallel_loop3A_492, %parallel_loop3A_493, %parallel_loop3A_494], %parallel_loop3A_497 {strides = array<i32>} : memref<4x2x2048xf32, #tpu.memory_space<vmem>>, vector<1x1x16xf32>,
        %parallel_loop3A_498 = arith.constant 1 : i32
        %parallel_loop3A_499 = arith.constant 1 : i32
        %parallel_loop3A_500 = arith.index_cast %parallel_loop3A_498 : i32 to index
        %parallel_loop3A_501 = arith.index_cast %parallel_loop3A_499 : i32 to index
        %parallel_loop3A_502 = arith.index_cast %parallel_loop3A_407 : i32 to index
        %parallel_loop3A_503 = tpu.vector_load %arg6[%parallel_loop3A_500, %parallel_loop3A_501, %parallel_loop3A_502] {strides = array<i32>} : memref<4x2x2048xf32, #tpu.memory_space<vmem>>, vector<1x1x16xf32>,
        %parallel_loop3A_504 = vector.shape_cast %parallel_loop3A_503 : vector<1x1x16xf32> to vector<16xf32>
        %parallel_loop3A_505 = arith.addf %parallel_loop3A_504, %parallel_loop3A_481 : vector<16xf32>
        %parallel_loop3A_506 = arith.constant 1 : i32
        %parallel_loop3A_507 = arith.constant 1 : i32
        %parallel_loop3A_508 = arith.index_cast %parallel_loop3A_506 : i32 to index
        %parallel_loop3A_509 = arith.index_cast %parallel_loop3A_507 : i32 to index
        %parallel_loop3A_510 = arith.index_cast %parallel_loop3A_407 : i32 to index
        %parallel_loop3A_511 = tpu.vector_load %arg6[%parallel_loop3A_508, %parallel_loop3A_509, %parallel_loop3A_510] {strides = array<i32>} : memref<4x2x2048xf32, #tpu.memory_space<vmem>>, vector<1x1x16xf32>,
        %parallel_loop3A_512 = vector.shape_cast %parallel_loop3A_511 : vector<1x1x16xf32> to vector<16xf32>
        %parallel_loop3A_513 = vector.shape_cast %parallel_loop3A_505 : vector<16xf32> to vector<1x1x16xf32>
        tpu.vector_store %arg6[%parallel_loop3A_508, %parallel_loop3A_509, %parallel_loop3A_510], %parallel_loop3A_513 {strides = array<i32>} : memref<4x2x2048xf32, #tpu.memory_space<vmem>>, vector<1x1x16xf32>,
        %parallel_loop3A_514 = arith.constant 2 : i32
        %parallel_loop3A_515 = arith.constant 1 : i32
        %parallel_loop3A_516 = arith.index_cast %parallel_loop3A_514 : i32 to index
        %parallel_loop3A_517 = arith.index_cast %parallel_loop3A_515 : i32 to index
        %parallel_loop3A_518 = arith.index_cast %parallel_loop3A_407 : i32 to index
        %parallel_loop3A_519 = tpu.vector_load %arg6[%parallel_loop3A_516, %parallel_loop3A_517, %parallel_loop3A_518] {strides = array<i32>} : memref<4x2x2048xf32, #tpu.memory_space<vmem>>, vector<1x1x16xf32>,
        %parallel_loop3A_520 = vector.shape_cast %parallel_loop3A_519 : vector<1x1x16xf32> to vector<16xf32>
        %parallel_loop3A_521 = arith.addf %parallel_loop3A_520, %parallel_loop3A_481 : vector<16xf32>
        %parallel_loop3A_522 = arith.constant 2 : i32
        %parallel_loop3A_523 = arith.constant 1 : i32
        %parallel_loop3A_524 = arith.index_cast %parallel_loop3A_522 : i32 to index
        %parallel_loop3A_525 = arith.index_cast %parallel_loop3A_523 : i32 to index
        %parallel_loop3A_526 = arith.index_cast %parallel_loop3A_407 : i32 to index
        %parallel_loop3A_527 = tpu.vector_load %arg6[%parallel_loop3A_524, %parallel_loop3A_525, %parallel_loop3A_526] {strides = array<i32>} : memref<4x2x2048xf32, #tpu.memory_space<vmem>>, vector<1x1x16xf32>,
        %parallel_loop3A_528 = vector.shape_cast %parallel_loop3A_527 : vector<1x1x16xf32> to vector<16xf32>
        %parallel_loop3A_529 = vector.shape_cast %parallel_loop3A_521 : vector<16xf32> to vector<1x1x16xf32>
        tpu.vector_store %arg6[%parallel_loop3A_524, %parallel_loop3A_525, %parallel_loop3A_526], %parallel_loop3A_529 {strides = array<i32>} : memref<4x2x2048xf32, #tpu.memory_space<vmem>>, vector<1x1x16xf32>,
        %parallel_loop3A_530 = arith.constant 3 : i32
        %parallel_loop3A_531 = arith.constant 1 : i32
        %parallel_loop3A_532 = arith.index_cast %parallel_loop3A_530 : i32 to index
        %parallel_loop3A_533 = arith.index_cast %parallel_loop3A_531 : i32 to index
        %parallel_loop3A_534 = arith.index_cast %parallel_loop3A_407 : i32 to index
        %parallel_loop3A_535 = tpu.vector_load %arg6[%parallel_loop3A_532, %parallel_loop3A_533, %parallel_loop3A_534] {strides = array<i32>} : memref<4x2x2048xf32, #tpu.memory_space<vmem>>, vector<1x1x16xf32>,
        %parallel_loop3A_536 = vector.shape_cast %parallel_loop3A_535 : vector<1x1x16xf32> to vector<16xf32>
        %parallel_loop3A_537 = arith.addf %parallel_loop3A_536, %parallel_loop3A_481 : vector<16xf32>
        %parallel_loop3A_538 = arith.constant 3 : i32
        %parallel_loop3A_539 = arith.constant 1 : i32
        %parallel_loop3A_540 = arith.index_cast %parallel_loop3A_538 : i32 to index
        %parallel_loop3A_541 = arith.index_cast %parallel_loop3A_539 : i32 to index
        %parallel_loop3A_542 = arith.index_cast %parallel_loop3A_407 : i32 to index
        %parallel_loop3A_543 = tpu.vector_load %arg6[%parallel_loop3A_540, %parallel_loop3A_541, %parallel_loop3A_542] {strides = array<i32>} : memref<4x2x2048xf32, #tpu.memory_space<vmem>>, vector<1x1x16xf32>,
        %parallel_loop3A_544 = vector.shape_cast %parallel_loop3A_543 : vector<1x1x16xf32> to vector<16xf32>
        %parallel_loop3A_545 = vector.shape_cast %parallel_loop3A_537 : vector<16xf32> to vector<1x1x16xf32>
        tpu.vector_store %arg6[%parallel_loop3A_540, %parallel_loop3A_541, %parallel_loop3A_542], %parallel_loop3A_545 {strides = array<i32>} : memref<4x2x2048xf32, #tpu.memory_space<vmem>>, vector<1x1x16xf32>,
      } {sc.loop_unroll_factor = 4 : i64, sc.parallel_access}
      %mul3A_295 = arith.constant 2 : i32
      %mul3A_296 = arith.muli %add3A_254, %mul3A_295 : i32
      %add3A_297 = arith.addi %mul3A_2, %mul3A_296 : i32
      %dma_start3A_298 = arith.constant 0 : i32
      %dma_start3A_299 = arith.constant 0 : i32
      %dma_start3A_300 = tpu.memref_slice %arg4[%dma_start3A_298, %add3A_297, %dma_start3A_299] : memref<4x4096x2048xf32, #tpu.memory_space<hbm>> -> memref<4x2x2048xf32, #tpu.memory_space<hbm>>
      %dma_start3A_301 = arith.constant 0 : i32
      %dma_start3A_302 = arith.constant 0 : i32
      %dma_start3A_303 = tpu.memref_slice %arg4[%dma_start3A_301, %add3A_297, %dma_start3A_302] : memref<4x4096x2048xf32, #tpu.memory_space<hbm>> -> memref<4x2x2048xf32, #tpu.memory_space<hbm>>
      tpu.enqueue_dma source(%arg6 : memref<4x2x2048xf32, #tpu.memory_space<vmem>>) target(%dma_start3A_303 : memref<4x2x2048xf32, #tpu.memory_space<hbm>>) target_semaphore(%arg18 : memref<!tpu.dma_semaphore, #tpu.memory_space<semaphore_mem>>)
      %add3A_304 = arith.constant 2 : i32
      %add3A_305 = arith.addi %mul3A_201, %add3A_304 : i32
      %dma_wait3A_306 = arith.constant 0 : i32
      %dma_wait3A_307 = arith.constant 0 : i32
      %dma_wait3A_308 = arith.constant 0 : i32
      %dma_wait3A_309 = tpu.memref_slice %arg4[%dma_wait3A_306, %dma_wait3A_307, %dma_wait3A_308] : memref<4x4096x2048xf32, #tpu.memory_space<hbm>> -> memref<4x2x2048xf32, #tpu.memory_space<hbm>>
      %dma_wait3A_310 = arith.constant 0 : i32
      %dma_wait3A_311 = arith.constant 0 : i32
      %dma_wait3A_312 = arith.constant 0 : i32
      %dma_wait3A_313 = tpu.memref_slice %arg4[%dma_wait3A_310, %dma_wait3A_311, %dma_wait3A_312] : memref<4x4096x2048xf32, #tpu.memory_space<hbm>> -> memref<4x2x2048xf32, #tpu.memory_space<hbm>>
      tpu.wait_dma2 semaphore(%arg20 : memref<!tpu.dma_semaphore, #tpu.memory_space<semaphore_mem>>) src(%arg8 : memref<4x2x2048xf32, #tpu.memory_space<vmem>>) dst(%dma_wait3A_313 : memref<4x2x2048xf32, #tpu.memory_space<hbm>>)
      %add3A_314 = arith.constant 1 : i32
      %add3A_315 = arith.addi %add3A_305, %add3A_314 : i32
      %mul3A_316 = arith.constant 2 : i32
      %mul3A_317 = arith.muli %add3A_315, %mul3A_316 : i32
      %add3A_318 = arith.addi %mul3A_2, %mul3A_317 : i32
      %dma_start3A_319 = arith.constant 0 : i32
      %dma_start3A_320 = tpu.memref_slice %arg3[%add3A_318, %dma_start3A_319] : memref<4096x2048xf32, #tpu.memory_space<hbm>> -> memref<2x2048xf32, #tpu.memory_space<hbm>>
      %dma_start3A_321 = arith.constant 0 : i32
      %dma_start3A_322 = tpu.memref_slice %arg3[%add3A_318, %dma_start3A_321] : memref<4096x2048xf32, #tpu.memory_space<hbm>> -> memref<2x2048xf32, #tpu.memory_space<hbm>>
      tpu.enqueue_dma source(%dma_start3A_322 : memref<2x2048xf32, #tpu.memory_space<hbm>>) target(%arg12 : memref<2x2048xf32, #tpu.memory_space<vmem>>) target_semaphore(%arg16 : memref<!tpu.dma_semaphore, #tpu.memory_space<semaphore_mem>>)
      %dma_start3A_323 = arith.constant 0 : i32
      %dma_start3A_324 = arith.constant 0 : i32
      %dma_start3A_325 = tpu.memref_slice %arg2[%dma_start3A_323, %add3A_318, %dma_start3A_324] : memref<4x4096x2048xf32, #tpu.memory_space<hbm>> -> memref<4x2x2048xf32, #tpu.memory_space<hbm>>
      %dma_start3A_326 = arith.constant 0 : i32
      %dma_start3A_327 = arith.constant 0 : i32
      %dma_start3A_328 = tpu.memref_slice %arg2[%dma_start3A_326, %add3A_318, %dma_start3A_327] : memref<4x4096x2048xf32, #tpu.memory_space<hbm>> -> memref<4x2x2048xf32, #tpu.memory_space<hbm>>
      tpu.enqueue_dma source(%dma_start3A_328 : memref<4x2x2048xf32, #tpu.memory_space<hbm>>) target(%arg8 : memref<4x2x2048xf32, #tpu.memory_space<vmem>>) target_semaphore(%arg16 : memref<!tpu.dma_semaphore, #tpu.memory_space<semaphore_mem>>)
      %dma_wait3A_329 = arith.constant 0 : i32
      %dma_wait3A_330 = arith.constant 0 : i32
      %dma_wait3A_331 = arith.constant 0 : i32
      %dma_wait3A_332 = tpu.memref_slice %arg2[%dma_wait3A_329, %dma_wait3A_330, %dma_wait3A_331] : memref<4x4096x2048xf32, #tpu.memory_space<hbm>> -> memref<4x2x2048xf32, #tpu.memory_space<hbm>>
      %dma_wait3A_333 = arith.constant 0 : i32
      %dma_wait3A_334 = arith.constant 0 : i32
      %dma_wait3A_335 = arith.constant 0 : i32
      %dma_wait3A_336 = tpu.memref_slice %arg2[%dma_wait3A_333, %dma_wait3A_334, %dma_wait3A_335] : memref<4x4096x2048xf32, #tpu.memory_space<hbm>> -> memref<4x2x2048xf32, #tpu.memory_space<hbm>>
      tpu.wait_dma2 semaphore(%arg15 : memref<!tpu.dma_semaphore, #tpu.memory_space<semaphore_mem>>) src(%dma_wait3A_336 : memref<4x2x2048xf32, #tpu.memory_space<hbm>>) dst(%arg7 : memref<4x2x2048xf32, #tpu.memory_space<vmem>>)
      %dma_wait3A_337 = arith.constant 0 : i32
      %dma_wait3A_338 = arith.constant 0 : i32
      %dma_wait3A_339 = tpu.memref_slice %arg3[%dma_wait3A_337, %dma_wait3A_338] : memref<4096x2048xf32, #tpu.memory_space<hbm>> -> memref<2x2048xf32, #tpu.memory_space<hbm>>
      %dma_wait3A_340 = arith.constant 0 : i32
      %dma_wait3A_341 = arith.constant 0 : i32
      %dma_wait3A_342 = tpu.memref_slice %arg3[%dma_wait3A_340, %dma_wait3A_341] : memref<4096x2048xf32, #tpu.memory_space<hbm>> -> memref<2x2048xf32, #tpu.memory_space<hbm>>
      tpu.wait_dma2 semaphore(%arg15 : memref<!tpu.dma_semaphore, #tpu.memory_space<semaphore_mem>>) src(%dma_wait3A_342 : memref<2x2048xf32, #tpu.memory_space<hbm>>) dst(%arg11 : memref<2x2048xf32, #tpu.memory_space<vmem>>)
      %parallel_loop3A_343 = arith.constant 0 : i32
      %parallel_loop3A_344 = arith.constant 2048 : i32
      %parallel_loop3A_345 = arith.constant 16 : i32
      scf.for %parallel_loop3A_407 = %parallel_loop3A_343 to %parallel_loop3A_344 step %parallel_loop3A_345  : i32 {
        %parallel_loop3A_408 = arith.constant 0 : i32
        %parallel_loop3A_409 = arith.index_cast %parallel_loop3A_408 : i32 to index
        %parallel_loop3A_410 = arith.index_cast %parallel_loop3A_407 : i32 to index
        %parallel_loop3A_411 = tpu.vector_load %arg11[%parallel_loop3A_409, %parallel_loop3A_410] {strides = array<i32>} : memref<2x2048xf32, #tpu.memory_space<vmem>>, vector<1x16xf32>,
        %parallel_loop3A_412 = vector.shape_cast %parallel_loop3A_411 : vector<1x16xf32> to vector<16xf32>
        %parallel_loop3A_413 = arith.constant 0 : i32
        %parallel_loop3A_414 = arith.constant 0 : i32
        %parallel_loop3A_415 = arith.index_cast %parallel_loop3A_413 : i32 to index
        %parallel_loop3A_416 = arith.index_cast %parallel_loop3A_414 : i32 to index
        %parallel_loop3A_417 = arith.index_cast %parallel_loop3A_407 : i32 to index
        %parallel_loop3A_418 = tpu.vector_load %arg7[%parallel_loop3A_415, %parallel_loop3A_416, %parallel_loop3A_417] {strides = array<i32>} : memref<4x2x2048xf32, #tpu.memory_space<vmem>>, vector<1x1x16xf32>,
        %parallel_loop3A_419 = vector.shape_cast %parallel_loop3A_418 : vector<1x1x16xf32> to vector<16xf32>
        %parallel_loop3A_420 = arith.addf %parallel_loop3A_419, %parallel_loop3A_412 : vector<16xf32>
        %parallel_loop3A_421 = arith.constant 0 : i32
        %parallel_loop3A_422 = arith.constant 0 : i32
        %parallel_loop3A_423 = arith.index_cast %parallel_loop3A_421 : i32 to index
        %parallel_loop3A_424 = arith.index_cast %parallel_loop3A_422 : i32 to index
        %parallel_loop3A_425 = arith.index_cast %parallel_loop3A_407 : i32 to index
        %parallel_loop3A_426 = tpu.vector_load %arg7[%parallel_loop3A_423, %parallel_loop3A_424, %parallel_loop3A_425] {strides = array<i32>} : memref<4x2x2048xf32, #tpu.memory_space<vmem>>, vector<1x1x16xf32>,
        %parallel_loop3A_427 = vector.shape_cast %parallel_loop3A_426 : vector<1x1x16xf32> to vector<16xf32>
        %parallel_loop3A_428 = vector.shape_cast %parallel_loop3A_420 : vector<16xf32> to vector<1x1x16xf32>
        tpu.vector_store %arg7[%parallel_loop3A_423, %parallel_loop3A_424, %parallel_loop3A_425], %parallel_loop3A_428 {strides = array<i32>} : memref<4x2x2048xf32, #tpu.memory_space<vmem>>, vector<1x1x16xf32>,
        %parallel_loop3A_429 = arith.constant 1 : i32
        %parallel_loop3A_430 = arith.constant 0 : i32
        %parallel_loop3A_431 = arith.index_cast %parallel_loop3A_429 : i32 to index
        %parallel_loop3A_432 = arith.index_cast %parallel_loop3A_430 : i32 to index
        %parallel_loop3A_433 = arith.index_cast %parallel_loop3A_407 : i32 to index
        %parallel_loop3A_434 = tpu.vector_load %arg7[%parallel_loop3A_431, %parallel_loop3A_432, %parallel_loop3A_433] {strides = array<i32>} : memref<4x2x2048xf32, #tpu.memory_space<vmem>>, vector<1x1x16xf32>,
        %parallel_loop3A_435 = vector.shape_cast %parallel_loop3A_434 : vector<1x1x16xf32> to vector<16xf32>
        %parallel_loop3A_436 = arith.addf %parallel_loop3A_435, %parallel_loop3A_412 : vector<16xf32>
        %parallel_loop3A_437 = arith.constant 1 : i32
        %parallel_loop3A_438 = arith.constant 0 : i32
        %parallel_loop3A_439 = arith.index_cast %parallel_loop3A_437 : i32 to index
        %parallel_loop3A_440 = arith.index_cast %parallel_loop3A_438 : i32 to index
        %parallel_loop3A_441 = arith.index_cast %parallel_loop3A_407 : i32 to index
        %parallel_loop3A_442 = tpu.vector_load %arg7[%parallel_loop3A_439, %parallel_loop3A_440, %parallel_loop3A_441] {strides = array<i32>} : memref<4x2x2048xf32, #tpu.memory_space<vmem>>, vector<1x1x16xf32>,
        %parallel_loop3A_443 = vector.shape_cast %parallel_loop3A_442 : vector<1x1x16xf32> to vector<16xf32>
        %parallel_loop3A_444 = vector.shape_cast %parallel_loop3A_436 : vector<16xf32> to vector<1x1x16xf32>
        tpu.vector_store %arg7[%parallel_loop3A_439, %parallel_loop3A_440, %parallel_loop3A_441], %parallel_loop3A_444 {strides = array<i32>} : memref<4x2x2048xf32, #tpu.memory_space<vmem>>, vector<1x1x16xf32>,
        %parallel_loop3A_445 = arith.constant 2 : i32
        %parallel_loop3A_446 = arith.constant 0 : i32
        %parallel_loop3A_447 = arith.index_cast %parallel_loop3A_445 : i32 to index
        %parallel_loop3A_448 = arith.index_cast %parallel_loop3A_446 : i32 to index
        %parallel_loop3A_449 = arith.index_cast %parallel_loop3A_407 : i32 to index
        %parallel_loop3A_450 = tpu.vector_load %arg7[%parallel_loop3A_447, %parallel_loop3A_448, %parallel_loop3A_449] {strides = array<i32>} : memref<4x2x2048xf32, #tpu.memory_space<vmem>>, vector<1x1x16xf32>,
        %parallel_loop3A_451 = vector.shape_cast %parallel_loop3A_450 : vector<1x1x16xf32> to vector<16xf32>
        %parallel_loop3A_452 = arith.addf %parallel_loop3A_451, %parallel_loop3A_412 : vector<16xf32>
        %parallel_loop3A_453 = arith.constant 2 : i32
        %parallel_loop3A_454 = arith.constant 0 : i32
        %parallel_loop3A_455 = arith.index_cast %parallel_loop3A_453 : i32 to index
        %parallel_loop3A_456 = arith.index_cast %parallel_loop3A_454 : i32 to index
        %parallel_loop3A_457 = arith.index_cast %parallel_loop3A_407 : i32 to index
        %parallel_loop3A_458 = tpu.vector_load %arg7[%parallel_loop3A_455, %parallel_loop3A_456, %parallel_loop3A_457] {strides = array<i32>} : memref<4x2x2048xf32, #tpu.memory_space<vmem>>, vector<1x1x16xf32>,
        %parallel_loop3A_459 = vector.shape_cast %parallel_loop3A_458 : vector<1x1x16xf32> to vector<16xf32>
        %parallel_loop3A_460 = vector.shape_cast %parallel_loop3A_452 : vector<16xf32> to vector<1x1x16xf32>
        tpu.vector_store %arg7[%parallel_loop3A_455, %parallel_loop3A_456, %parallel_loop3A_457], %parallel_loop3A_460 {strides = array<i32>} : memref<4x2x2048xf32, #tpu.memory_space<vmem>>, vector<1x1x16xf32>,
        %parallel_loop3A_461 = arith.constant 3 : i32
        %parallel_loop3A_462 = arith.constant 0 : i32
        %parallel_loop3A_463 = arith.index_cast %parallel_loop3A_461 : i32 to index
        %parallel_loop3A_464 = arith.index_cast %parallel_loop3A_462 : i32 to index
        %parallel_loop3A_465 = arith.index_cast %parallel_loop3A_407 : i32 to index
        %parallel_loop3A_466 = tpu.vector_load %arg7[%parallel_loop3A_463, %parallel_loop3A_464, %parallel_loop3A_465] {strides = array<i32>} : memref<4x2x2048xf32, #tpu.memory_space<vmem>>, vector<1x1x16xf32>,
        %parallel_loop3A_467 = vector.shape_cast %parallel_loop3A_466 : vector<1x1x16xf32> to vector<16xf32>
        %parallel_loop3A_468 = arith.addf %parallel_loop3A_467, %parallel_loop3A_412 : vector<16xf32>
        %parallel_loop3A_469 = arith.constant 3 : i32
        %parallel_loop3A_470 = arith.constant 0 : i32
        %parallel_loop3A_471 = arith.index_cast %parallel_loop3A_469 : i32 to index
        %parallel_loop3A_472 = arith.index_cast %parallel_loop3A_470 : i32 to index
        %parallel_loop3A_473 = arith.index_cast %parallel_loop3A_407 : i32 to index
        %parallel_loop3A_474 = tpu.vector_load %arg7[%parallel_loop3A_471, %parallel_loop3A_472, %parallel_loop3A_473] {strides = array<i32>} : memref<4x2x2048xf32, #tpu.memory_space<vmem>>, vector<1x1x16xf32>,
        %parallel_loop3A_475 = vector.shape_cast %parallel_loop3A_474 : vector<1x1x16xf32> to vector<16xf32>
        %parallel_loop3A_476 = vector.shape_cast %parallel_loop3A_468 : vector<16xf32> to vector<1x1x16xf32>
        tpu.vector_store %arg7[%parallel_loop3A_471, %parallel_loop3A_472, %parallel_loop3A_473], %parallel_loop3A_476 {strides = array<i32>} : memref<4x2x2048xf32, #tpu.memory_space<vmem>>, vector<1x1x16xf32>,
        %parallel_loop3A_477 = arith.constant 1 : i32
        %parallel_loop3A_478 = arith.index_cast %parallel_loop3A_477 : i32 to index
        %parallel_loop3A_479 = arith.index_cast %parallel_loop3A_407 : i32 to index
        %parallel_loop3A_480 = tpu.vector_load %arg11[%parallel_loop3A_478, %parallel_loop3A_479] {strides = array<i32>} : memref<2x2048xf32, #tpu.memory_space<vmem>>, vector<1x16xf32>,
        %parallel_loop3A_481 = vector.shape_cast %parallel_loop3A_480 : vector<1x16xf32> to vector<16xf32>
        %parallel_loop3A_482 = arith.constant 0 : i32
        %parallel_loop3A_483 = arith.constant 1 : i32
        %parallel_loop3A_484 = arith.index_cast %parallel_loop3A_482 : i32 to index
        %parallel_loop3A_485 = arith.index_cast %parallel_loop3A_483 : i32 to index
        %parallel_loop3A_486 = arith.index_cast %parallel_loop3A_407 : i32 to index
        %parallel_loop3A_487 = tpu.vector_load %arg7[%parallel_loop3A_484, %parallel_loop3A_485, %parallel_loop3A_486] {strides = array<i32>} : memref<4x2x2048xf32, #tpu.memory_space<vmem>>, vector<1x1x16xf32>,
        %parallel_loop3A_488 = vector.shape_cast %parallel_loop3A_487 : vector<1x1x16xf32> to vector<16xf32>
        %parallel_loop3A_489 = arith.addf %parallel_loop3A_488, %parallel_loop3A_481 : vector<16xf32>
        %parallel_loop3A_490 = arith.constant 0 : i32
        %parallel_loop3A_491 = arith.constant 1 : i32
        %parallel_loop3A_492 = arith.index_cast %parallel_loop3A_490 : i32 to index
        %parallel_loop3A_493 = arith.index_cast %parallel_loop3A_491 : i32 to index
        %parallel_loop3A_494 = arith.index_cast %parallel_loop3A_407 : i32 to index
        %parallel_loop3A_495 = tpu.vector_load %arg7[%parallel_loop3A_492, %parallel_loop3A_493, %parallel_loop3A_494] {strides = array<i32>} : memref<4x2x2048xf32, #tpu.memory_space<vmem>>, vector<1x1x16xf32>,
        %parallel_loop3A_496 = vector.shape_cast %parallel_loop3A_495 : vector<1x1x16xf32> to vector<16xf32>
        %parallel_loop3A_497 = vector.shape_cast %parallel_loop3A_489 : vector<16xf32> to vector<1x1x16xf32>
        tpu.vector_store %arg7[%parallel_loop3A_492, %parallel_loop3A_493, %parallel_loop3A_494], %parallel_loop3A_497 {strides = array<i32>} : memref<4x2x2048xf32, #tpu.memory_space<vmem>>, vector<1x1x16xf32>,
        %parallel_loop3A_498 = arith.constant 1 : i32
        %parallel_loop3A_499 = arith.constant 1 : i32
        %parallel_loop3A_500 = arith.index_cast %parallel_loop3A_498 : i32 to index
        %parallel_loop3A_501 = arith.index_cast %parallel_loop3A_499 : i32 to index
        %parallel_loop3A_502 = arith.index_cast %parallel_loop3A_407 : i32 to index
        %parallel_loop3A_503 = tpu.vector_load %arg7[%parallel_loop3A_500, %parallel_loop3A_501, %parallel_loop3A_502] {strides = array<i32>} : memref<4x2x2048xf32, #tpu.memory_space<vmem>>, vector<1x1x16xf32>,
        %parallel_loop3A_504 = vector.shape_cast %parallel_loop3A_503 : vector<1x1x16xf32> to vector<16xf32>
        %parallel_loop3A_505 = arith.addf %parallel_loop3A_504, %parallel_loop3A_481 : vector<16xf32>
        %parallel_loop3A_506 = arith.constant 1 : i32
        %parallel_loop3A_507 = arith.constant 1 : i32
        %parallel_loop3A_508 = arith.index_cast %parallel_loop3A_506 : i32 to index
        %parallel_loop3A_509 = arith.index_cast %parallel_loop3A_507 : i32 to index
        %parallel_loop3A_510 = arith.index_cast %parallel_loop3A_407 : i32 to index
        %parallel_loop3A_511 = tpu.vector_load %arg7[%parallel_loop3A_508, %parallel_loop3A_509, %parallel_loop3A_510] {strides = array<i32>} : memref<4x2x2048xf32, #tpu.memory_space<vmem>>, vector<1x1x16xf32>,
        %parallel_loop3A_512 = vector.shape_cast %parallel_loop3A_511 : vector<1x1x16xf32> to vector<16xf32>
        %parallel_loop3A_513 = vector.shape_cast %parallel_loop3A_505 : vector<16xf32> to vector<1x1x16xf32>
        tpu.vector_store %arg7[%parallel_loop3A_508, %parallel_loop3A_509, %parallel_loop3A_510], %parallel_loop3A_513 {strides = array<i32>} : memref<4x2x2048xf32, #tpu.memory_space<vmem>>, vector<1x1x16xf32>,
        %parallel_loop3A_514 = arith.constant 2 : i32
        %parallel_loop3A_515 = arith.constant 1 : i32
        %parallel_loop3A_516 = arith.index_cast %parallel_loop3A_514 : i32 to index
        %parallel_loop3A_517 = arith.index_cast %parallel_loop3A_515 : i32 to index
        %parallel_loop3A_518 = arith.index_cast %parallel_loop3A_407 : i32 to index
        %parallel_loop3A_519 = tpu.vector_load %arg7[%parallel_loop3A_516, %parallel_loop3A_517, %parallel_loop3A_518] {strides = array<i32>} : memref<4x2x2048xf32, #tpu.memory_space<vmem>>, vector<1x1x16xf32>,
        %parallel_loop3A_520 = vector.shape_cast %parallel_loop3A_519 : vector<1x1x16xf32> to vector<16xf32>
        %parallel_loop3A_521 = arith.addf %parallel_loop3A_520, %parallel_loop3A_481 : vector<16xf32>
        %parallel_loop3A_522 = arith.constant 2 : i32
        %parallel_loop3A_523 = arith.constant 1 : i32
        %parallel_loop3A_524 = arith.index_cast %parallel_loop3A_522 : i32 to index
        %parallel_loop3A_525 = arith.index_cast %parallel_loop3A_523 : i32 to index
        %parallel_loop3A_526 = arith.index_cast %parallel_loop3A_407 : i32 to index
        %parallel_loop3A_527 = tpu.vector_load %arg7[%parallel_loop3A_524, %parallel_loop3A_525, %parallel_loop3A_526] {strides = array<i32>} : memref<4x2x2048xf32, #tpu.memory_space<vmem>>, vector<1x1x16xf32>,
        %parallel_loop3A_528 = vector.shape_cast %parallel_loop3A_527 : vector<1x1x16xf32> to vector<16xf32>
        %parallel_loop3A_529 = vector.shape_cast %parallel_loop3A_521 : vector<16xf32> to vector<1x1x16xf32>
        tpu.vector_store %arg7[%parallel_loop3A_524, %parallel_loop3A_525, %parallel_loop3A_526], %parallel_loop3A_529 {strides = array<i32>} : memref<4x2x2048xf32, #tpu.memory_space<vmem>>, vector<1x1x16xf32>,
        %parallel_loop3A_530 = arith.constant 3 : i32
        %parallel_loop3A_531 = arith.constant 1 : i32
        %parallel_loop3A_532 = arith.index_cast %parallel_loop3A_530 : i32 to index
        %parallel_loop3A_533 = arith.index_cast %parallel_loop3A_531 : i32 to index
        %parallel_loop3A_534 = arith.index_cast %parallel_loop3A_407 : i32 to index
        %parallel_loop3A_535 = tpu.vector_load %arg7[%parallel_loop3A_532, %parallel_loop3A_533, %parallel_loop3A_534] {strides = array<i32>} : memref<4x2x2048xf32, #tpu.memory_space<vmem>>, vector<1x1x16xf32>,
        %parallel_loop3A_536 = vector.shape_cast %parallel_loop3A_535 : vector<1x1x16xf32> to vector<16xf32>
        %parallel_loop3A_537 = arith.addf %parallel_loop3A_536, %parallel_loop3A_481 : vector<16xf32>
        %parallel_loop3A_538 = arith.constant 3 : i32
        %parallel_loop3A_539 = arith.constant 1 : i32
        %parallel_loop3A_540 = arith.index_cast %parallel_loop3A_538 : i32 to index
        %parallel_loop3A_541 = arith.index_cast %parallel_loop3A_539 : i32 to index
        %parallel_loop3A_542 = arith.index_cast %parallel_loop3A_407 : i32 to index
        %parallel_loop3A_543 = tpu.vector_load %arg7[%parallel_loop3A_540, %parallel_loop3A_541, %parallel_loop3A_542] {strides = array<i32>} : memref<4x2x2048xf32, #tpu.memory_space<vmem>>, vector<1x1x16xf32>,
        %parallel_loop3A_544 = vector.shape_cast %parallel_loop3A_543 : vector<1x1x16xf32> to vector<16xf32>
        %parallel_loop3A_545 = vector.shape_cast %parallel_loop3A_537 : vector<16xf32> to vector<1x1x16xf32>
        tpu.vector_store %arg7[%parallel_loop3A_540, %parallel_loop3A_541, %parallel_loop3A_542], %parallel_loop3A_545 {strides = array<i32>} : memref<4x2x2048xf32, #tpu.memory_space<vmem>>, vector<1x1x16xf32>,
      } {sc.loop_unroll_factor = 4 : i64, sc.parallel_access}
      %mul3A_346 = arith.constant 2 : i32
      %mul3A_347 = arith.muli %add3A_305, %mul3A_346 : i32
      %add3A_348 = arith.addi %mul3A_2, %mul3A_347 : i32
      %dma_start3A_349 = arith.constant 0 : i32
      %dma_start3A_350 = arith.constant 0 : i32
      %dma_start3A_351 = tpu.memref_slice %arg4[%dma_start3A_349, %add3A_348, %dma_start3A_350] : memref<4x4096x2048xf32, #tpu.memory_space<hbm>> -> memref<4x2x2048xf32, #tpu.memory_space<hbm>>
      %dma_start3A_352 = arith.constant 0 : i32
      %dma_start3A_353 = arith.constant 0 : i32
      %dma_start3A_354 = tpu.memref_slice %arg4[%dma_start3A_352, %add3A_348, %dma_start3A_353] : memref<4x4096x2048xf32, #tpu.memory_space<hbm>> -> memref<4x2x2048xf32, #tpu.memory_space<hbm>>
      tpu.enqueue_dma source(%arg7 : memref<4x2x2048xf32, #tpu.memory_space<vmem>>) target(%dma_start3A_354 : memref<4x2x2048xf32, #tpu.memory_space<hbm>>) target_semaphore(%arg19 : memref<!tpu.dma_semaphore, #tpu.memory_space<semaphore_mem>>)
      %add3A_355 = arith.constant 3 : i32
      %add3A_356 = arith.addi %mul3A_201, %add3A_355 : i32
      %dma_wait3A_357 = arith.constant 0 : i32
      %dma_wait3A_358 = arith.constant 0 : i32
      %dma_wait3A_359 = arith.constant 0 : i32
      %dma_wait3A_360 = tpu.memref_slice %arg4[%dma_wait3A_357, %dma_wait3A_358, %dma_wait3A_359] : memref<4x4096x2048xf32, #tpu.memory_space<hbm>> -> memref<4x2x2048xf32, #tpu.memory_space<hbm>>
      %dma_wait3A_361 = arith.constant 0 : i32
      %dma_wait3A_362 = arith.constant 0 : i32
      %dma_wait3A_363 = arith.constant 0 : i32
      %dma_wait3A_364 = tpu.memref_slice %arg4[%dma_wait3A_361, %dma_wait3A_362, %dma_wait3A_363] : memref<4x4096x2048xf32, #tpu.memory_space<hbm>> -> memref<4x2x2048xf32, #tpu.memory_space<hbm>>
      tpu.wait_dma2 semaphore(%arg17 : memref<!tpu.dma_semaphore, #tpu.memory_space<semaphore_mem>>) src(%arg5 : memref<4x2x2048xf32, #tpu.memory_space<vmem>>) dst(%dma_wait3A_364 : memref<4x2x2048xf32, #tpu.memory_space<hbm>>)
      %add3A_365 = arith.constant 1 : i32
      %add3A_366 = arith.addi %add3A_356, %add3A_365 : i32
      %mul3A_367 = arith.constant 2 : i32
      %mul3A_368 = arith.muli %add3A_366, %mul3A_367 : i32
      %add3A_369 = arith.addi %mul3A_2, %mul3A_368 : i32
      %dma_start3A_370 = arith.constant 0 : i32
      %dma_start3A_371 = tpu.memref_slice %arg3[%add3A_369, %dma_start3A_370] : memref<4096x2048xf32, #tpu.memory_space<hbm>> -> memref<2x2048xf32, #tpu.memory_space<hbm>>
      %dma_start3A_372 = arith.constant 0 : i32
      %dma_start3A_373 = tpu.memref_slice %arg3[%add3A_369, %dma_start3A_372] : memref<4096x2048xf32, #tpu.memory_space<hbm>> -> memref<2x2048xf32, #tpu.memory_space<hbm>>
      tpu.enqueue_dma source(%dma_start3A_373 : memref<2x2048xf32, #tpu.memory_space<hbm>>) target(%arg9 : memref<2x2048xf32, #tpu.memory_space<vmem>>) target_semaphore(%arg13 : memref<!tpu.dma_semaphore, #tpu.memory_space<semaphore_mem>>)
      %dma_start3A_374 = arith.constant 0 : i32
      %dma_start3A_375 = arith.constant 0 : i32
      %dma_start3A_376 = tpu.memref_slice %arg2[%dma_start3A_374, %add3A_369, %dma_start3A_375] : memref<4x4096x2048xf32, #tpu.memory_space<hbm>> -> memref<4x2x2048xf32, #tpu.memory_space<hbm>>
      %dma_start3A_377 = arith.constant 0 : i32
      %dma_start3A_378 = arith.constant 0 : i32
      %dma_start3A_379 = tpu.memref_slice %arg2[%dma_start3A_377, %add3A_369, %dma_start3A_378] : memref<4x4096x2048xf32, #tpu.memory_space<hbm>> -> memref<4x2x2048xf32, #tpu.memory_space<hbm>>
      tpu.enqueue_dma source(%dma_start3A_379 : memref<4x2x2048xf32, #tpu.memory_space<hbm>>) target(%arg5 : memref<4x2x2048xf32, #tpu.memory_space<vmem>>) target_semaphore(%arg13 : memref<!tpu.dma_semaphore, #tpu.memory_space<semaphore_mem>>)
      %dma_wait3A_380 = arith.constant 0 : i32
      %dma_wait3A_381 = arith.constant 0 : i32
      %dma_wait3A_382 = arith.constant 0 : i32
      %dma_wait3A_383 = tpu.memref_slice %arg2[%dma_wait3A_380, %dma_wait3A_381, %dma_wait3A_382] : memref<4x4096x2048xf32, #tpu.memory_space<hbm>> -> memref<4x2x2048xf32, #tpu.memory_space<hbm>>
      %dma_wait3A_384 = arith.constant 0 : i32
      %dma_wait3A_385 = arith.constant 0 : i32
      %dma_wait3A_386 = arith.constant 0 : i32
      %dma_wait3A_387 = tpu.memref_slice %arg2[%dma_wait3A_384, %dma_wait3A_385, %dma_wait3A_386] : memref<4x4096x2048xf32, #tpu.memory_space<hbm>> -> memref<4x2x2048xf32, #tpu.memory_space<hbm>>
      tpu.wait_dma2 semaphore(%arg16 : memref<!tpu.dma_semaphore, #tpu.memory_space<semaphore_mem>>) src(%dma_wait3A_387 : memref<4x2x2048xf32, #tpu.memory_space<hbm>>) dst(%arg8 : memref<4x2x2048xf32, #tpu.memory_space<vmem>>)
      %dma_wait3A_388 = arith.constant 0 : i32
      %dma_wait3A_389 = arith.constant 0 : i32
      %dma_wait3A_390 = tpu.memref_slice %arg3[%dma_wait3A_388, %dma_wait3A_389] : memref<4096x2048xf32, #tpu.memory_space<hbm>> -> memref<2x2048xf32, #tpu.memory_space<hbm>>
      %dma_wait3A_391 = arith.constant 0 : i32
      %dma_wait3A_392 = arith.constant 0 : i32
      %dma_wait3A_393 = tpu.memref_slice %arg3[%dma_wait3A_391, %dma_wait3A_392] : memref<4096x2048xf32, #tpu.memory_space<hbm>> -> memref<2x2048xf32, #tpu.memory_space<hbm>>
      tpu.wait_dma2 semaphore(%arg16 : memref<!tpu.dma_semaphore, #tpu.memory_space<semaphore_mem>>) src(%dma_wait3A_393 : memref<2x2048xf32, #tpu.memory_space<hbm>>) dst(%arg12 : memref<2x2048xf32, #tpu.memory_space<vmem>>)
      %parallel_loop3A_394 = arith.constant 0 : i32
      %parallel_loop3A_395 = arith.constant 2048 : i32
      %parallel_loop3A_396 = arith.constant 16 : i32
      scf.for %parallel_loop3A_407 = %parallel_loop3A_394 to %parallel_loop3A_395 step %parallel_loop3A_396  : i32 {
        %parallel_loop3A_408 = arith.constant 0 : i32
        %parallel_loop3A_409 = arith.index_cast %parallel_loop3A_408 : i32 to index
        %parallel_loop3A_410 = arith.index_cast %parallel_loop3A_407 : i32 to index
        %parallel_loop3A_411 = tpu.vector_load %arg12[%parallel_loop3A_409, %parallel_loop3A_410] {strides = array<i32>} : memref<2x2048xf32, #tpu.memory_space<vmem>>, vector<1x16xf32>,
        %parallel_loop3A_412 = vector.shape_cast %parallel_loop3A_411 : vector<1x16xf32> to vector<16xf32>
        %parallel_loop3A_413 = arith.constant 0 : i32
        %parallel_loop3A_414 = arith.constant 0 : i32
        %parallel_loop3A_415 = arith.index_cast %parallel_loop3A_413 : i32 to index
        %parallel_loop3A_416 = arith.index_cast %parallel_loop3A_414 : i32 to index
        %parallel_loop3A_417 = arith.index_cast %parallel_loop3A_407 : i32 to index
        %parallel_loop3A_418 = tpu.vector_load %arg8[%parallel_loop3A_415, %parallel_loop3A_416, %parallel_loop3A_417] {strides = array<i32>} : memref<4x2x2048xf32, #tpu.memory_space<vmem>>, vector<1x1x16xf32>,
        %parallel_loop3A_419 = vector.shape_cast %parallel_loop3A_418 : vector<1x1x16xf32> to vector<16xf32>
        %parallel_loop3A_420 = arith.addf %parallel_loop3A_419, %parallel_loop3A_412 : vector<16xf32>
        %parallel_loop3A_421 = arith.constant 0 : i32
        %parallel_loop3A_422 = arith.constant 0 : i32
        %parallel_loop3A_423 = arith.index_cast %parallel_loop3A_421 : i32 to index
        %parallel_loop3A_424 = arith.index_cast %parallel_loop3A_422 : i32 to index
        %parallel_loop3A_425 = arith.index_cast %parallel_loop3A_407 : i32 to index
        %parallel_loop3A_426 = tpu.vector_load %arg8[%parallel_loop3A_423, %parallel_loop3A_424, %parallel_loop3A_425] {strides = array<i32>} : memref<4x2x2048xf32, #tpu.memory_space<vmem>>, vector<1x1x16xf32>,
        %parallel_loop3A_427 = vector.shape_cast %parallel_loop3A_426 : vector<1x1x16xf32> to vector<16xf32>
        %parallel_loop3A_428 = vector.shape_cast %parallel_loop3A_420 : vector<16xf32> to vector<1x1x16xf32>
        tpu.vector_store %arg8[%parallel_loop3A_423, %parallel_loop3A_424, %parallel_loop3A_425], %parallel_loop3A_428 {strides = array<i32>} : memref<4x2x2048xf32, #tpu.memory_space<vmem>>, vector<1x1x16xf32>,
        %parallel_loop3A_429 = arith.constant 1 : i32
        %parallel_loop3A_430 = arith.constant 0 : i32
        %parallel_loop3A_431 = arith.index_cast %parallel_loop3A_429 : i32 to index
        %parallel_loop3A_432 = arith.index_cast %parallel_loop3A_430 : i32 to index
        %parallel_loop3A_433 = arith.index_cast %parallel_loop3A_407 : i32 to index
        %parallel_loop3A_434 = tpu.vector_load %arg8[%parallel_loop3A_431, %parallel_loop3A_432, %parallel_loop3A_433] {strides = array<i32>} : memref<4x2x2048xf32, #tpu.memory_space<vmem>>, vector<1x1x16xf32>,
        %parallel_loop3A_435 = vector.shape_cast %parallel_loop3A_434 : vector<1x1x16xf32> to vector<16xf32>
        %parallel_loop3A_436 = arith.addf %parallel_loop3A_435, %parallel_loop3A_412 : vector<16xf32>
        %parallel_loop3A_437 = arith.constant 1 : i32
        %parallel_loop3A_438 = arith.constant 0 : i32
        %parallel_loop3A_439 = arith.index_cast %parallel_loop3A_437 : i32 to index
        %parallel_loop3A_440 = arith.index_cast %parallel_loop3A_438 : i32 to index
        %parallel_loop3A_441 = arith.index_cast %parallel_loop3A_407 : i32 to index
        %parallel_loop3A_442 = tpu.vector_load %arg8[%parallel_loop3A_439, %parallel_loop3A_440, %parallel_loop3A_441] {strides = array<i32>} : memref<4x2x2048xf32, #tpu.memory_space<vmem>>, vector<1x1x16xf32>,
        %parallel_loop3A_443 = vector.shape_cast %parallel_loop3A_442 : vector<1x1x16xf32> to vector<16xf32>
        %parallel_loop3A_444 = vector.shape_cast %parallel_loop3A_436 : vector<16xf32> to vector<1x1x16xf32>
        tpu.vector_store %arg8[%parallel_loop3A_439, %parallel_loop3A_440, %parallel_loop3A_441], %parallel_loop3A_444 {strides = array<i32>} : memref<4x2x2048xf32, #tpu.memory_space<vmem>>, vector<1x1x16xf32>,
        %parallel_loop3A_445 = arith.constant 2 : i32
        %parallel_loop3A_446 = arith.constant 0 : i32
        %parallel_loop3A_447 = arith.index_cast %parallel_loop3A_445 : i32 to index
        %parallel_loop3A_448 = arith.index_cast %parallel_loop3A_446 : i32 to index
        %parallel_loop3A_449 = arith.index_cast %parallel_loop3A_407 : i32 to index
        %parallel_loop3A_450 = tpu.vector_load %arg8[%parallel_loop3A_447, %parallel_loop3A_448, %parallel_loop3A_449] {strides = array<i32>} : memref<4x2x2048xf32, #tpu.memory_space<vmem>>, vector<1x1x16xf32>,
        %parallel_loop3A_451 = vector.shape_cast %parallel_loop3A_450 : vector<1x1x16xf32> to vector<16xf32>
        %parallel_loop3A_452 = arith.addf %parallel_loop3A_451, %parallel_loop3A_412 : vector<16xf32>
        %parallel_loop3A_453 = arith.constant 2 : i32
        %parallel_loop3A_454 = arith.constant 0 : i32
        %parallel_loop3A_455 = arith.index_cast %parallel_loop3A_453 : i32 to index
        %parallel_loop3A_456 = arith.index_cast %parallel_loop3A_454 : i32 to index
        %parallel_loop3A_457 = arith.index_cast %parallel_loop3A_407 : i32 to index
        %parallel_loop3A_458 = tpu.vector_load %arg8[%parallel_loop3A_455, %parallel_loop3A_456, %parallel_loop3A_457] {strides = array<i32>} : memref<4x2x2048xf32, #tpu.memory_space<vmem>>, vector<1x1x16xf32>,
        %parallel_loop3A_459 = vector.shape_cast %parallel_loop3A_458 : vector<1x1x16xf32> to vector<16xf32>
        %parallel_loop3A_460 = vector.shape_cast %parallel_loop3A_452 : vector<16xf32> to vector<1x1x16xf32>
        tpu.vector_store %arg8[%parallel_loop3A_455, %parallel_loop3A_456, %parallel_loop3A_457], %parallel_loop3A_460 {strides = array<i32>} : memref<4x2x2048xf32, #tpu.memory_space<vmem>>, vector<1x1x16xf32>,
        %parallel_loop3A_461 = arith.constant 3 : i32
        %parallel_loop3A_462 = arith.constant 0 : i32
        %parallel_loop3A_463 = arith.index_cast %parallel_loop3A_461 : i32 to index
        %parallel_loop3A_464 = arith.index_cast %parallel_loop3A_462 : i32 to index
        %parallel_loop3A_465 = arith.index_cast %parallel_loop3A_407 : i32 to index
        %parallel_loop3A_466 = tpu.vector_load %arg8[%parallel_loop3A_463, %parallel_loop3A_464, %parallel_loop3A_465] {strides = array<i32>} : memref<4x2x2048xf32, #tpu.memory_space<vmem>>, vector<1x1x16xf32>,
        %parallel_loop3A_467 = vector.shape_cast %parallel_loop3A_466 : vector<1x1x16xf32> to vector<16xf32>
        %parallel_loop3A_468 = arith.addf %parallel_loop3A_467, %parallel_loop3A_412 : vector<16xf32>
        %parallel_loop3A_469 = arith.constant 3 : i32
        %parallel_loop3A_470 = arith.constant 0 : i32
        %parallel_loop3A_471 = arith.index_cast %parallel_loop3A_469 : i32 to index
        %parallel_loop3A_472 = arith.index_cast %parallel_loop3A_470 : i32 to index
        %parallel_loop3A_473 = arith.index_cast %parallel_loop3A_407 : i32 to index
        %parallel_loop3A_474 = tpu.vector_load %arg8[%parallel_loop3A_471, %parallel_loop3A_472, %parallel_loop3A_473] {strides = array<i32>} : memref<4x2x2048xf32, #tpu.memory_space<vmem>>, vector<1x1x16xf32>,
        %parallel_loop3A_475 = vector.shape_cast %parallel_loop3A_474 : vector<1x1x16xf32> to vector<16xf32>
        %parallel_loop3A_476 = vector.shape_cast %parallel_loop3A_468 : vector<16xf32> to vector<1x1x16xf32>
        tpu.vector_store %arg8[%parallel_loop3A_471, %parallel_loop3A_472, %parallel_loop3A_473], %parallel_loop3A_476 {strides = array<i32>} : memref<4x2x2048xf32, #tpu.memory_space<vmem>>, vector<1x1x16xf32>,
        %parallel_loop3A_477 = arith.constant 1 : i32
        %parallel_loop3A_478 = arith.index_cast %parallel_loop3A_477 : i32 to index
        %parallel_loop3A_479 = arith.index_cast %parallel_loop3A_407 : i32 to index
        %parallel_loop3A_480 = tpu.vector_load %arg12[%parallel_loop3A_478, %parallel_loop3A_479] {strides = array<i32>} : memref<2x2048xf32, #tpu.memory_space<vmem>>, vector<1x16xf32>,
        %parallel_loop3A_481 = vector.shape_cast %parallel_loop3A_480 : vector<1x16xf32> to vector<16xf32>
        %parallel_loop3A_482 = arith.constant 0 : i32
        %parallel_loop3A_483 = arith.constant 1 : i32
        %parallel_loop3A_484 = arith.index_cast %parallel_loop3A_482 : i32 to index
        %parallel_loop3A_485 = arith.index_cast %parallel_loop3A_483 : i32 to index
        %parallel_loop3A_486 = arith.index_cast %parallel_loop3A_407 : i32 to index
        %parallel_loop3A_487 = tpu.vector_load %arg8[%parallel_loop3A_484, %parallel_loop3A_485, %parallel_loop3A_486] {strides = array<i32>} : memref<4x2x2048xf32, #tpu.memory_space<vmem>>, vector<1x1x16xf32>,
        %parallel_loop3A_488 = vector.shape_cast %parallel_loop3A_487 : vector<1x1x16xf32> to vector<16xf32>
        %parallel_loop3A_489 = arith.addf %parallel_loop3A_488, %parallel_loop3A_481 : vector<16xf32>
        %parallel_loop3A_490 = arith.constant 0 : i32
        %parallel_loop3A_491 = arith.constant 1 : i32
        %parallel_loop3A_492 = arith.index_cast %parallel_loop3A_490 : i32 to index
        %parallel_loop3A_493 = arith.index_cast %parallel_loop3A_491 : i32 to index
        %parallel_loop3A_494 = arith.index_cast %parallel_loop3A_407 : i32 to index
        %parallel_loop3A_495 = tpu.vector_load %arg8[%parallel_loop3A_492, %parallel_loop3A_493, %parallel_loop3A_494] {strides = array<i32>} : memref<4x2x2048xf32, #tpu.memory_space<vmem>>, vector<1x1x16xf32>,
        %parallel_loop3A_496 = vector.shape_cast %parallel_loop3A_495 : vector<1x1x16xf32> to vector<16xf32>
        %parallel_loop3A_497 = vector.shape_cast %parallel_loop3A_489 : vector<16xf32> to vector<1x1x16xf32>
        tpu.vector_store %arg8[%parallel_loop3A_492, %parallel_loop3A_493, %parallel_loop3A_494], %parallel_loop3A_497 {strides = array<i32>} : memref<4x2x2048xf32, #tpu.memory_space<vmem>>, vector<1x1x16xf32>,
        %parallel_loop3A_498 = arith.constant 1 : i32
        %parallel_loop3A_499 = arith.constant 1 : i32
        %parallel_loop3A_500 = arith.index_cast %parallel_loop3A_498 : i32 to index
        %parallel_loop3A_501 = arith.index_cast %parallel_loop3A_499 : i32 to index
        %parallel_loop3A_502 = arith.index_cast %parallel_loop3A_407 : i32 to index
        %parallel_loop3A_503 = tpu.vector_load %arg8[%parallel_loop3A_500, %parallel_loop3A_501, %parallel_loop3A_502] {strides = array<i32>} : memref<4x2x2048xf32, #tpu.memory_space<vmem>>, vector<1x1x16xf32>,
        %parallel_loop3A_504 = vector.shape_cast %parallel_loop3A_503 : vector<1x1x16xf32> to vector<16xf32>
        %parallel_loop3A_505 = arith.addf %parallel_loop3A_504, %parallel_loop3A_481 : vector<16xf32>
        %parallel_loop3A_506 = arith.constant 1 : i32
        %parallel_loop3A_507 = arith.constant 1 : i32
        %parallel_loop3A_508 = arith.index_cast %parallel_loop3A_506 : i32 to index
        %parallel_loop3A_509 = arith.index_cast %parallel_loop3A_507 : i32 to index
        %parallel_loop3A_510 = arith.index_cast %parallel_loop3A_407 : i32 to index
        %parallel_loop3A_511 = tpu.vector_load %arg8[%parallel_loop3A_508, %parallel_loop3A_509, %parallel_loop3A_510] {strides = array<i32>} : memref<4x2x2048xf32, #tpu.memory_space<vmem>>, vector<1x1x16xf32>,
        %parallel_loop3A_512 = vector.shape_cast %parallel_loop3A_511 : vector<1x1x16xf32> to vector<16xf32>
        %parallel_loop3A_513 = vector.shape_cast %parallel_loop3A_505 : vector<16xf32> to vector<1x1x16xf32>
        tpu.vector_store %arg8[%parallel_loop3A_508, %parallel_loop3A_509, %parallel_loop3A_510], %parallel_loop3A_513 {strides = array<i32>} : memref<4x2x2048xf32, #tpu.memory_space<vmem>>, vector<1x1x16xf32>,
        %parallel_loop3A_514 = arith.constant 2 : i32
        %parallel_loop3A_515 = arith.constant 1 : i32
        %parallel_loop3A_516 = arith.index_cast %parallel_loop3A_514 : i32 to index
        %parallel_loop3A_517 = arith.index_cast %parallel_loop3A_515 : i32 to index
        %parallel_loop3A_518 = arith.index_cast %parallel_loop3A_407 : i32 to index
        %parallel_loop3A_519 = tpu.vector_load %arg8[%parallel_loop3A_516, %parallel_loop3A_517, %parallel_loop3A_518] {strides = array<i32>} : memref<4x2x2048xf32, #tpu.memory_space<vmem>>, vector<1x1x16xf32>,
        %parallel_loop3A_520 = vector.shape_cast %parallel_loop3A_519 : vector<1x1x16xf32> to vector<16xf32>
        %parallel_loop3A_521 = arith.addf %parallel_loop3A_520, %parallel_loop3A_481 : vector<16xf32>
        %parallel_loop3A_522 = arith.constant 2 : i32
        %parallel_loop3A_523 = arith.constant 1 : i32
        %parallel_loop3A_524 = arith.index_cast %parallel_loop3A_522 : i32 to index
        %parallel_loop3A_525 = arith.index_cast %parallel_loop3A_523 : i32 to index
        %parallel_loop3A_526 = arith.index_cast %parallel_loop3A_407 : i32 to index
        %parallel_loop3A_527 = tpu.vector_load %arg8[%parallel_loop3A_524, %parallel_loop3A_525, %parallel_loop3A_526] {strides = array<i32>} : memref<4x2x2048xf32, #tpu.memory_space<vmem>>, vector<1x1x16xf32>,
        %parallel_loop3A_528 = vector.shape_cast %parallel_loop3A_527 : vector<1x1x16xf32> to vector<16xf32>
        %parallel_loop3A_529 = vector.shape_cast %parallel_loop3A_521 : vector<16xf32> to vector<1x1x16xf32>
        tpu.vector_store %arg8[%parallel_loop3A_524, %parallel_loop3A_525, %parallel_loop3A_526], %parallel_loop3A_529 {strides = array<i32>} : memref<4x2x2048xf32, #tpu.memory_space<vmem>>, vector<1x1x16xf32>,
        %parallel_loop3A_530 = arith.constant 3 : i32
        %parallel_loop3A_531 = arith.constant 1 : i32
        %parallel_loop3A_532 = arith.index_cast %parallel_loop3A_530 : i32 to index
        %parallel_loop3A_533 = arith.index_cast %parallel_loop3A_531 : i32 to index
        %parallel_loop3A_534 = arith.index_cast %parallel_loop3A_407 : i32 to index
        %parallel_loop3A_535 = tpu.vector_load %arg8[%parallel_loop3A_532, %parallel_loop3A_533, %parallel_loop3A_534] {strides = array<i32>} : memref<4x2x2048xf32, #tpu.memory_space<vmem>>, vector<1x1x16xf32>,
        %parallel_loop3A_536 = vector.shape_cast %parallel_loop3A_535 : vector<1x1x16xf32> to vector<16xf32>
        %parallel_loop3A_537 = arith.addf %parallel_loop3A_536, %parallel_loop3A_481 : vector<16xf32>
        %parallel_loop3A_538 = arith.constant 3 : i32
        %parallel_loop3A_539 = arith.constant 1 : i32
        %parallel_loop3A_540 = arith.index_cast %parallel_loop3A_538 : i32 to index
        %parallel_loop3A_541 = arith.index_cast %parallel_loop3A_539 : i32 to index
        %parallel_loop3A_542 = arith.index_cast %parallel_loop3A_407 : i32 to index
        %parallel_loop3A_543 = tpu.vector_load %arg8[%parallel_loop3A_540, %parallel_loop3A_541, %parallel_loop3A_542] {strides = array<i32>} : memref<4x2x2048xf32, #tpu.memory_space<vmem>>, vector<1x1x16xf32>,
        %parallel_loop3A_544 = vector.shape_cast %parallel_loop3A_543 : vector<1x1x16xf32> to vector<16xf32>
        %parallel_loop3A_545 = vector.shape_cast %parallel_loop3A_537 : vector<16xf32> to vector<1x1x16xf32>
        tpu.vector_store %arg8[%parallel_loop3A_540, %parallel_loop3A_541, %parallel_loop3A_542], %parallel_loop3A_545 {strides = array<i32>} : memref<4x2x2048xf32, #tpu.memory_space<vmem>>, vector<1x1x16xf32>,
      } {sc.loop_unroll_factor = 4 : i64, sc.parallel_access}
      %mul3A_397 = arith.constant 2 : i32
      %mul3A_398 = arith.muli %add3A_356, %mul3A_397 : i32
      %add3A_399 = arith.addi %mul3A_2, %mul3A_398 : i32
      %dma_start3A_400 = arith.constant 0 : i32
      %dma_start3A_401 = arith.constant 0 : i32
      %dma_start3A_402 = tpu.memref_slice %arg4[%dma_start3A_400, %add3A_399, %dma_start3A_401] : memref<4x4096x2048xf32, #tpu.memory_space<hbm>> -> memref<4x2x2048xf32, #tpu.memory_space<hbm>>
      %dma_start3A_403 = arith.constant 0 : i32
      %dma_start3A_404 = arith.constant 0 : i32
      %dma_start3A_405 = tpu.memref_slice %arg4[%dma_start3A_403, %add3A_399, %dma_start3A_404] : memref<4x4096x2048xf32, #tpu.memory_space<hbm>> -> memref<4x2x2048xf32, #tpu.memory_space<hbm>>
      tpu.enqueue_dma source(%arg8 : memref<4x2x2048xf32, #tpu.memory_space<vmem>>) target(%dma_start3A_405 : memref<4x2x2048xf32, #tpu.memory_space<hbm>>) target_semaphore(%arg20 : memref<!tpu.dma_semaphore, #tpu.memory_space<semaphore_mem>>)
      %scan3A_406 = arith.constant 0 : i32
      scf.yield %scan3A_406 : i32
    }
    %scan3A_173 = arith.constant 15 : i32
    %dma_wait3A_174 = arith.constant 0 : i32
    %dma_wait3A_175 = arith.constant 0 : i32
    %dma_wait3A_176 = arith.constant 0 : i32
    %dma_wait3A_177 = tpu.memref_slice %arg4[%dma_wait3A_174, %dma_wait3A_175, %dma_wait3A_176] : memref<4x4096x2048xf32, #tpu.memory_space<hbm>> -> memref<4x2x2048xf32, #tpu.memory_space<hbm>>
    %dma_wait3A_178 = arith.constant 0 : i32
    %dma_wait3A_179 = arith.constant 0 : i32
    %dma_wait3A_180 = arith.constant 0 : i32
    %dma_wait3A_181 = tpu.memref_slice %arg4[%dma_wait3A_178, %dma_wait3A_179, %dma_wait3A_180] : memref<4x4096x2048xf32, #tpu.memory_space<hbm>> -> memref<4x2x2048xf32, #tpu.memory_space<hbm>>
    tpu.wait_dma2 semaphore(%arg18 : memref<!tpu.dma_semaphore, #tpu.memory_space<semaphore_mem>>) src(%arg6 : memref<4x2x2048xf32, #tpu.memory_space<vmem>>) dst(%dma_wait3A_181 : memref<4x2x2048xf32, #tpu.memory_space<hbm>>)
    %dma_wait3A_182 = arith.constant 0 : i32
    %dma_wait3A_183 = arith.constant 0 : i32
    %dma_wait3A_184 = arith.constant 0 : i32
    %dma_wait3A_185 = tpu.memref_slice %arg4[%dma_wait3A_182, %dma_wait3A_183, %dma_wait3A_184] : memref<4x4096x2048xf32, #tpu.memory_space<hbm>> -> memref<4x2x2048xf32, #tpu.memory_space<hbm>>
    %dma_wait3A_186 = arith.constant 0 : i32
    %dma_wait3A_187 = arith.constant 0 : i32
    %dma_wait3A_188 = arith.constant 0 : i32
    %dma_wait3A_189 = tpu.memref_slice %arg4[%dma_wait3A_186, %dma_wait3A_187, %dma_wait3A_188] : memref<4x4096x2048xf32, #tpu.memory_space<hbm>> -> memref<4x2x2048xf32, #tpu.memory_space<hbm>>
    tpu.wait_dma2 semaphore(%arg19 : memref<!tpu.dma_semaphore, #tpu.memory_space<semaphore_mem>>) src(%arg7 : memref<4x2x2048xf32, #tpu.memory_space<vmem>>) dst(%dma_wait3A_189 : memref<4x2x2048xf32, #tpu.memory_space<hbm>>)
    %dma_wait3A_190 = arith.constant 0 : i32
    %dma_wait3A_191 = arith.constant 0 : i32
    %dma_wait3A_192 = arith.constant 0 : i32
    %dma_wait3A_193 = tpu.memref_slice %arg4[%dma_wait3A_190, %dma_wait3A_191, %dma_wait3A_192] : memref<4x4096x2048xf32, #tpu.memory_space<hbm>> -> memref<4x2x2048xf32, #tpu.memory_space<hbm>>
    %dma_wait3A_194 = arith.constant 0 : i32
    %dma_wait3A_195 = arith.constant 0 : i32
    %dma_wait3A_196 = arith.constant 0 : i32
    %dma_wait3A_197 = tpu.memref_slice %arg4[%dma_wait3A_194, %dma_wait3A_195, %dma_wait3A_196] : memref<4x4096x2048xf32, #tpu.memory_space<hbm>> -> memref<4x2x2048xf32, #tpu.memory_space<hbm>>
    tpu.wait_dma2 semaphore(%arg20 : memref<!tpu.dma_semaphore, #tpu.memory_space<semaphore_mem>>) src(%arg8 : memref<4x2x2048xf32, #tpu.memory_space<vmem>>) dst(%dma_wait3A_197 : memref<4x2x2048xf32, #tpu.memory_space<hbm>>)
    return
  }
}

</mosaic_0001>

<sc_bundles>
// kernel: kernel.3.cloned.1.call-start
scs
__scs_entry_jumppad:
0x0: {  	(pc) =	sbr.rel $0x88, $3  }
0x1: {  	(tag) =	ssettag $0x0;
	lr =	simm.s32 $0x1  }
0x2: {  	[smem:$0x3F9F] =	sst lr;
	_ =	strace $0xD0000000  }
0x3: {  	_ = 	snop  }
0x4: {  	_ = 	snop  }
0x5: {  	_ = 	snop  }
0x6: {  	_ = 	snop  }
0x7: {  	_ = 	snop  }
__scs_overlays_trampoline_lowered:
0x8: {  	[smem:$0x3FAE] =	sst s0  }
0x9: {  	[smem:$0x3FAF] =	sst s1  }
0xa: {  	[smem:$0x3FB0] =	sst s2  }
0xb: {  	[smem:$0x3FB1] =	sst s3  }
0xc: {  	[smem:$0x3FB2] =	sst s4  }
0xd: {  	[smem:$0x3FB3] =	sst s5  }
0xe: {  	[smem:$0x3FB4] =	sst s6  }
0xf: {  	[smem:$0x3FB5] =	sst s7  }
0x10: {  	[smem:$0x3FB6] =	sst s8  }
0x11: {  	[smem:$0x3FB7] =	sst s9;
	s0 =	simm.s32 @!p0 $0x0  }
0x12: {  	s1 =	sld [smem:$0x3F9D];
	s0 =	simm.s32 @p0 $0x1  }
0x13: {  	[smem:$0x3FB8] =	sst s0;
	s0 =	simm.s32 @!p1 $0x0  }
0x14: {  	s2 =	sld [smem:$0x3F9C];
	s0 =	simm.s32 @p1 $0x1  }
0x15: {  	[smem:$0x3FB9] =	sst s0;
	s0 =	simm.s32 @!p2 $0x0  }
0x16: {  	s3 =	sld [smem:$0x3FDB];
	s0 =	simm.s32 @p2 $0x1  }
0x17: {  	s4 =	simm.s32 $0x1BF5;
	[smem:$0x3FBB] =	sst s0  }
0x18: {  	s0 =	sld [smem:$0x3F9E];
	_ =	swait.ge [sflag:s4], $0x0  }
0x19: {  	s7 =	sld [smem:$0x3F9F]  }
0x1a: {  	s8 =	sadd.s32 $0xFFFFE003, lr  }
0x1b: {  	s9 =	sadd.s32 $0xFFFFFEF7, lr;
	s5 =	simm.s32 $0xFFFFFFFF;
	p2 =	slt.u32 s8, $0xFFFFF086  }
0x1c: {  	p1 =	slt.u32 s9, $0xF7A;
	s5 =	simm.s32 @!p2 $0x0  }
0x1d: {  	s5 =	simm.s32 @p1 $0x1;
	p0 =	seq.s32 s7, s2  }
0x1e: {  	s7 =	smul.u32 @!p0 $0xF7A, s2;
	p2 =	seq.s32 @!p0 s5, $0x0  }
0x1f: {  	s9 =	smul.u32 $0xF7A, s1;
	s8 =	simm.s32 @!p0 $0x1BF5;
	p2 =	por !p2, p0  }
0x20: {  	[sflag:s8] =	ssyncset.s32 @!p0 $0xFFFFF086;
	s6 =	sadd.s32 @!p0 s3, s7;
	s7 =	simm.s32 @!p0 $0x108  }
0x21: {  	s3 =	sadd.s32 s3, s9;
	s6 =	sadd.s32 @!p0 $0x88, s6;
	s7 =	simm.s32 @p2 $0x1082  }
0x22: {  	[simem:s7], [sflag:s8] =	dma.local @!p0 [hbm:s6], $0xF7A  }
0x23: {  	s9 =	sor.u32 $0xD0000000, s2;
	s6 =	simm.s32 $0x108;
	_ =	swait.ge @!p0 [sflag:s8], $0x0  }
0x24: {  	s3 =	sadd.s32 $0x88, s3;
	s6 =	simm.s32 @!p1 $0x1082;
	[sflag:s4] =	ssyncset.s32 $0xFFFFF086  }
0x25: {  	[simem:s6], [sflag:s4] =	dma.local [hbm:s3], $0xF7A  }
0x26: {  	[smem:$0x3F9F] =	sst s1;
	(tag) =	ssettag s2;
	_ =	strace s9  }
0x27: {  	s1 =	sld [smem:$0x3FAF]  }
0x28: {  	s2 =	sld [smem:$0x3FB0]  }
0x29: {  	s4 =	sld [smem:$0x3FB2]  }
0x2a: {  	p0 =	seq.s32 s5, $0x0;
	s5 =	sld [smem:$0x3FB3]  }
0x2b: {  	s6 =	sld [smem:$0x3FB4]  }
0x2c: {  	s7 =	sld [smem:$0x3FB5]  }
0x2d: {  	s3 =	simm.s32 $0x108;
	s8 =	sld [smem:$0x3FB6]  }
0x2e: {  	s3 =	simm.s32 @!p0 $0x1082;
	s9 =	sld [smem:$0x3FB7]  }
0x2f: {  	lr =	sadd.s32 s0, s3;
	s0 =	sld [smem:$0x3FAE]  }
0x30: {  	s3 =	sld [smem:$0x3FB1]  }
0x31: {  	[smem:$0x3FBA] =	sst s10  }
0x32: {  	s10 =	sld [smem:$0x3FB8];
	_ =	sdelay $0x3  }
0x33: {  	p0 =	seq.s32 s10, $0x1;
	s10 =	sld [smem:$0x3FBA];
	_ =	sdelay $0x3  }
0x34: {  	[smem:$0x3FBA] =	sst s10  }
0x35: {  	s10 =	sld [smem:$0x3FB9];
	_ =	sdelay $0x3  }
0x36: {  	p1 =	seq.s32 s10, $0x1;
	s10 =	sld [smem:$0x3FBA];
	_ =	sdelay $0x3  }
0x37: {  	[smem:$0x3FBA] =	sst s10  }
0x38: {  	s10 =	sld [smem:$0x3FBB]  }
0x39: {  	_ = 	snop;
	(pc) =	sbr.ind lr, $3  }
0x3a: {  	_ = 	snop  }
0x3b: {  	_ = 	snop  }
0x3c: {  	p2 =	seq.s32 s10, $0x1;
	s10 =	sld [smem:$0x3FBA]  }
0x3d: {  	_ =	shalt  }
0x3e: {  	_ =	shalt  }
0x3f: {  	_ =	shalt  }
0x40: {  	_ =	shalt  }
0x41: {  	_ =	shalt  }
0x42: {  	_ =	shalt  }
0x43: {  	_ =	shalt  }
0x44: {  	_ =	shalt  }
0x45: {  	_ =	shalt  }
0x46: {  	_ =	shalt  }
0x47: {  	_ =	shalt  }
0x48: {  	_ =	shalt  }
0x49: {  	_ =	shalt  }
0x4a: {  	_ =	shalt  }
0x4b: {  	_ =	shalt  }
0x4c: {  	_ =	shalt  }
0x4d: {  	_ =	shalt  }
0x4e: {  	_ =	shalt  }
0x4f: {  	_ =	shalt  }
0x50: {  	_ =	shalt  }
0x51: {  	_ =	shalt  }
0x52: {  	_ =	shalt  }
0x53: {  	_ =	shalt  }
0x54: {  	_ =	shalt  }
0x55: {  	_ =	shalt  }
0x56: {  	_ =	shalt  }
0x57: {  	_ =	shalt  }
0x58: {  	_ =	shalt  }
0x59: {  	_ =	shalt  }
0x5a: {  	_ =	shalt  }
0x5b: {  	_ =	shalt  }
0x5c: {  	_ =	shalt  }
0x5d: {  	_ =	shalt  }
0x5e: {  	_ =	shalt  }
0x5f: {  	_ =	shalt  }
0x60: {  	_ =	shalt  }
0x61: {  	_ =	shalt  }
0x62: {  	_ =	shalt  }
0x63: {  	_ =	shalt  }
0x64: {  	_ =	shalt  }
0x65: {  	_ =	shalt  }
0x66: {  	_ =	shalt  }
0x67: {  	_ =	shalt  }
0x68: {  	_ =	shalt  }
0x69: {  	_ =	shalt  }
0x6a: {  	_ =	shalt  }
0x6b: {  	_ =	shalt  }
0x6c: {  	_ =	shalt  }
0x6d: {  	_ =	shalt  }
0x6e: {  	_ =	shalt  }
0x6f: {  	_ =	shalt  }
0x70: {  	_ =	shalt  }
0x71: {  	_ =	shalt  }
0x72: {  	_ =	shalt  }
0x73: {  	_ =	shalt  }
0x74: {  	_ =	shalt  }
0x75: {  	_ =	shalt  }
0x76: {  	_ =	shalt  }
0x77: {  	_ =	shalt  }
0x78: {  	_ =	shalt  }
0x79: {  	_ =	shalt  }
0x7a: {  	_ =	shalt  }
0x7b: {  	_ =	shalt  }
0x7c: {  	_ =	shalt  }
0x7d: {  	_ =	shalt  }
0x7e: {  	_ =	shalt  }
0x7f: {  	_ =	shalt  }
0x80: {  	_ =	shalt  }
0x81: {  	_ =	shalt  }
0x82: {  	_ =	shalt  }
0x83: {  	_ =	shalt  }
0x84: {  	_ =	shalt  }
0x85: {  	_ =	shalt  }
0x86: {  	_ =	shalt  }
0x87: {  	_ =	shalt  }
.Lfunc_end0:
.L_simem_size_0:
called_computation_lowered:
.L_overlay_start_0:
0x88: {  	s2 =	sld [smem:$0x3FD9]  }
0x89: {  	s3 =	sld [smem:$0x3FFE];
	_ =	sdelay $0x1  }
0x8a: {  	s1 =	srdreg.scid  }
0x8b: {  	s0 =	sand.u32 $0x1, s1  }
0x8c: {  	s18 =	sshll.u32 s0, $0xA;
	s2 =	sadd.s32 s3, s2  }
0x8d: {  	s2 =	sadd.s32 s2, s18  }
0x8e: {  	[smem:$0x3FC6] =	sst s2  }
0x8f: {  	_ = 	snop  }
0x90: {  	s2 =	sld [smem:$0x3FC9]  }
0x91: {  	s19 =	sld [smem:$0x3FC8]  }
0x92: {  	s4 =	sld [smem:$0x3FD0];
	(tm) =	ssettm $0x1  }
0x93: {  	s5 =	sld [smem:$0x3FFB];
	_ =	sdelay $0x3  }
0x94: {  	_ =	strace s5  }
0x95: {  	s5 =	sld [smem:$0x3FFC];
	_ =	sdelay $0x3  }
0x96: {  	_ =	strace s5  }
0x97: {  	s5 =	sld [smem:$0x3FFD];
	_ =	sdelay $0x3  }
0x98: {  	_ =	strace s5  }
0x99: {  	_ =	strace $0x8FFFFFFF  }
0x9a: {  	s20 =	sld [smem:$0x3FDB];
	_ =	sdelay $0x1  }
0x9b: {  	s6 =	simm.s32 $_scs_section_size  }
0x9c: {  	s7 =	simm.s32 $_size__tile_overlayer_lowered;
	s8 =	simm.s32 $_tile_overlayer_lowered  }
0x9d: {  	s23 =	simm.s32 $0x1BFF;
	s22 =	sshll.u32 s8, $0x1;
	s5 =	sadd.s32 s6, s20  }
0x9e: {  	s9 =	simm.s32 $0x0;
	s21 =	sshll.u32 s7, $0x1;
	s7 =	sadd.s32 s22, s5  }
0x9f: {  	[timem:s9], [sflag:s23] =	dma.local [hbm:s7], s21  }
0xa0: {  	_ =	swait.ge [sflag:s23], s21  }
0xa1: {  	s6 =	ssub.s32 $0x0, s21;
	[sflag:s23] =	ssyncset.done $0x0  }
0xa2: {  	[sflag:s23] =	ssyncadd.s32 s6;
	_ =	sdelay $0x1  }
0xa3: {  	s24 =	simm.s32 $0x1B8B  }
0xa4: {  	_ =	swait.ge [sflag:s24], $0x1  }
0xa5: {  	[sflag:s24] =	ssyncset.done $0x0  }
0xa6: {  	s25 =	simm.s32 $0x1B8E;
	[sflag:s24] =	ssyncadd.s32 $0xFFFFFFFF  }
0xa7: {  	s26 =	simm.s32 $execute0_lowered;
	[smem:$0x3FD2] =	sst s25  }
0xa8: {  	s6 =	sshll.u32 s26, $0x1;
	_ =	strace $0x80000046;
	[dreg:$0x1] =	wrdreg $0xFFFFFFFF  }
0xa9: {  	s28 =	simm.s32 $_size_execute0_lowered;
	s5 =	sadd.s32 s5, s6;
	[dreg:$0x0] =	wrdreg $0x0  }
0xaa: {  	s6 =	sshll.u32 s28, $0x1;
	[dreg:$0x2] =	wrdreg s5  }
0xab: {  	[dreg:$0x3] =	wrdreg s6  }
0xac: {  	[dreg:$0x4] =	wrdreg $0xC0  }
0xad: {  	_ =	task [dreg:s9], $0x5FFFF  }
0xae: {  	[dreg:$0x1] =	wrdreg $0xFFFFFFFF  }
0xaf: {  	[dreg:$0x0] =	wrdreg $0x60  }
0xb0: {  	[dreg:$0x2] =	wrdreg s2  }
0xb1: {  	[dreg:$0x3] =	wrdreg s19  }
0xb2: {  	[dreg:$0x4] =	wrdreg s4  }
0xb3: {  	[dreg:$0x5] =	wrdreg $0x9  }
0xb4: {  	_ =	task.clear_ibuf [dreg:s9], $0x6FFFF;
	_ =	strace $0x90000046  }
0xb5: {  	s29 =	simm.s32 $0x9;
	_ =	strace $0x80000048  }
0xb6: {  	_ =	swait.ge [sflag:s29], $0x1  }
0xb7: {  	[sflag:s29] =	ssyncadd.s32 $0xFFFFFFFF  }
0xb8: {  	_ =	strace $0x90000048  }
0xb9: {  	_ =	sfence  }
0xba: {  	s30 =	sld [smem:$0x0];
	_ =	sdelay $0x2  }
0xbb: {  	s31 =	sshll.u32 s1, $0xD;
	s1 =	sshrl.u32 s1, $0x2  }
0xbc: {  	s3 =	sand.u32 $0x4000, s31;
	s1 =	sadd.s32 s1, s30  }
0xbd: {  	s0 =	sor.u32 s3, s0;
	s1 =	sshll.u32 s1, $0x11  }
0xbe: {  	s0 =	sor.u32 s1, s0  }
0xbf: {  	s0 =	sadd.s32 $0x8F2B, s0  }
0xc0: {  	[sflag:s0] =	ssyncadd.remote.s32 $0x1  }
0xc1: {  	_ =	sfence.sel $0xFFFF  }
0xc2: {  	[dreg:$0x0] =	wrdreg $0xFFFFFFFF;
	(pc) =	sbr.abs _section_cstart, $3  }
0xc3: {  	[dreg:$0x1] =	wrdreg $0xFFFFFFFF  }
0xc4: {  	_ =	task.clear_ibuf [dreg:s9], $0x2FFFF;
	_ =	strace $0x9FFFFFFF  }
0xc5: {  	(tm) =	ssettm $0x7FFFFFFF  }
tec
execute0_lowered:
.L_overlay_start_1:
0x0: {  	(tag) =	ssettag $0x1  }
0x1: {  	s4 =	rddreg [dreg:$0x0]  }
0x2: {  	s5 =	rddreg [dreg:$0x1]  }
0x3: {  	s6 =	rddreg [dreg:$0x2];
	s0 =	srdreg.scid  }
0x4: {  	s1 =	stileid.u32;
	s3 =	simm.s32 $0x0;
	s0 =	sand.u32 $0x1, s0  }
0x5: {  	s1 =	sshll.u32 s1, $0x8;
	s2 =	sshll.u32 s0, $0x7;
	s0 =	ssub.s32 $0x2, s0  }
0x6: {  	[smem:$0x7FF] =	sst s3;
	s1 =	sor.u32 s2, s1;
	s13 =	sshrl.u32 s0, $0x1  }
0x7: {  	_ =	strace $0x80000047;
	s7 =	sshll.u32 s1, $0x8;
	s0 =	ssub.s32 s0, s13  }
0x8: {  	s1 =	sshrl.u32 s1, $0x3;
	s14 =	sadd.s32 s5, s7;
	[dreg:$0x4] =	wrdreg s7  }
0x9: {  	s15 =	sor.u32 $0x20, s7;
	s8 =	sadd.s32 s4, s7;
	[dreg:$0x14] =	wrdreg s1  }
0xa: {  	s17 =	sor.u32 $0x40, s7;
	s10 =	sadd.s32 s6, s7;
	[dreg:$0x5] =	wrdreg s14  }
0xb: {  	s20 =	sor.u32 $0x60, s7;
	s7 =	sor.u32 $0x800, s7;
	[dreg:$0x9] =	wrdreg s10  }
0xc: {  	s0 =	smax.u32 s0, $0x1;
	[dreg:$0xf] =	wrdreg s7  }
0xd: {  	[dreg:$0x15] =	wrdreg s0  }
0xe: {  	s16 =	sadd.s32 s5, s15;
	[dreg:$0x6] =	wrdreg s8  }
0xf: {  	s18 =	sadd.s32 s5, s17;
	[dreg:$0x7] =	wrdreg s16  }
0x10: {  	s19 =	sadd.s32 s4, s17;
	[dreg:$0xa] =	wrdreg s18  }
0x11: {  	s2 =	sadd.s32 s6, s15;
	[dreg:$0xb] =	wrdreg s19  }
0x12: {  	s21 =	sadd.s32 s5, s20;
	[dreg:$0xc] =	wrdreg s2  }
0x13: {  	s22 =	sadd.s32 s4, s20;
	[dreg:$0xd] =	wrdreg s21  }
0x14: {  	s3 =	sadd.s32 s6, s17;
	[dreg:$0xe] =	wrdreg s22  }
0x15: {  	s23 =	sadd.s32 s5, s7;
	[dreg:$0x10] =	wrdreg s3  }
0x16: {  	s24 =	sadd.s32 s4, s7;
	[dreg:$0x11] =	wrdreg s23  }
0x17: {  	s25 =	sadd.s32 $0x100000, s8;
	[dreg:$0x12] =	wrdreg s24  }
0x18: {  	s26 =	sadd.s32 $0x200000, s8;
	[dreg:$0x16] =	wrdreg s25  }
0x19: {  	s28 =	sadd.s32 $0x300000, s8;
	[dreg:$0x17] =	wrdreg s26  }
0x1a: {  	s9 =	sadd.s32 s4, s15;
	[dreg:$0x18] =	wrdreg s28  }
0x1b: {  	s2 =	sadd.s32 s6, s20;
	[dreg:$0x8] =	wrdreg s9  }
0x1c: {  	s29 =	sadd.s32 $0x100000, s9;
	[dreg:$0x13] =	wrdreg s2  }
0x1d: {  	s30 =	sadd.s32 $0x200000, s9;
	[dreg:$0x19] =	wrdreg s29  }
0x1e: {  	s4 =	simm.s32 $0x0;
	s31 =	sadd.s32 $0x300000, s9;
	[dreg:$0x1a] =	wrdreg s30  }
0x1f: {  	s3 =	simm.s32 $0x400;
	[dreg:$0x1b] =	wrdreg s31;
	s2 =	simm.s32 $0x100  }
.LBB2_1:
0x20: {  	[dreg:$0x1c] =	wrdreg s4  }
0x21: {  	s0 =	rddreg [dreg:$0x5];
	s1 =	simm.s32 $0x10000  }
0x22: {  	[tilespmem:s1], [sflag:$0x1] =	stream.strided.gather [hbm4b:s0+s2], $0x1000, s3, s2, $0x38;
	[tilespmem:$0x14000] =	vst v63  }
0x23: {  	s17 =	simm.s32 $0x0;
	s18 =	rddreg [dreg:$0x6]  }
0x24: {  	[tilespmem:s17], [sflag:$0x1] =	stream.strided.gather [hbm4b:s18+s2], $0x1000, s3, s2, $0x38;
	[tilespmem:$0x14000] =	vst v63  }
0x25: {  	s19 =	rddreg [dreg:$0x16];
	s20 =	simm.s32 $0x1000  }
0x26: {  	[tilespmem:s20], [sflag:$0x1] =	stream.strided.gather [hbm4b:s19+s2], $0x1000, s3, s2, $0x38;
	[tilespmem:$0x14000] =	vst v63  }
0x27: {  	s21 =	rddreg [dreg:$0x17];
	s22 =	simm.s32 $0x2000  }
0x28: {  	[tilespmem:s22], [sflag:$0x1] =	stream.strided.gather [hbm4b:s21+s2], $0x1000, s3, s2, $0x38;
	[tilespmem:$0x14000] =	vst v63  }
0x29: {  	s23 =	rddreg [dreg:$0x18];
	s24 =	simm.s32 $0x3000  }
0x2a: {  	[tilespmem:s24], [sflag:$0x1] =	stream.strided.gather [hbm4b:s23+s2], $0x1000, s3, s2, $0x38;
	[tilespmem:$0x14000] =	vst v63  }
0x2b: {  	s25 =	rddreg [dreg:$0x7];
	s26 =	simm.s32 $0x11000  }
0x2c: {  	[tilespmem:s26], [sflag:$0x2] =	stream.strided.gather [hbm4b:s25+s2], $0x1000, s3, s2, $0x38;
	[tilespmem:$0x14000] =	vst v63  }
0x2d: {  	s28 =	rddreg [dreg:$0x8];
	s29 =	simm.s32 $0x4000  }
0x2e: {  	[tilespmem:s29], [sflag:$0x2] =	stream.strided.gather [hbm4b:s28+s2], $0x1000, s3, s2, $0x38;
	[tilespmem:$0x14000] =	vst v63  }
0x2f: {  	s30 =	rddreg [dreg:$0x19];
	s31 =	simm.s32 $0x5000  }
0x30: {  	[tilespmem:s31], [sflag:$0x2] =	stream.strided.gather [hbm4b:s30+s2], $0x1000, s3, s2, $0x38;
	[tilespmem:$0x14000] =	vst v63  }
0x31: {  	s5 =	rddreg [dreg:$0x1a];
	s6 =	simm.s32 $0x6000  }
0x32: {  	[tilespmem:s6], [sflag:$0x2] =	stream.strided.gather [hbm4b:s5+s2], $0x1000, s3, s2, $0x38;
	[tilespmem:$0x14000] =	vst v63  }
0x33: {  	s7 =	rddreg [dreg:$0x1b];
	s8 =	simm.s32 $0x7000;
	s9 =	simm.s32 $0x1  }
0x34: {  	[tilespmem:s8], [sflag:$0x2] =	stream.strided.gather [hbm4b:s7+s2], $0x1000, s3, s2, $0x38;
	[tilespmem:$0x14000] =	vst v63  }
0x35: {  	_ =	swait.ge [sflag:s9], $0x4000  }
0x36: {  	[sflag:s9] =	ssyncset.done $0x0  }
0x37: {  	s10 =	simm.s32 $0x0;
	[sflag:s9] =	ssyncadd.s32 $0xFFFFC000  }
0x38: {  	s13 =	sand.u32 $0x40, s10;
	_ =	swait.ge [sflag:s9], $0x1000  }
0x39: {  	s14 =	sor.u32 $0x30, s13;
	s18 =	sand.u32 $0xF00, s17;
	[sflag:s9] =	ssyncset.done $0x0  }
0x3a: {  	s11 =	sor.u32 s14, s18;
	[sflag:s9] =	ssyncadd.s32 $0xFFFFF000  }
0x3b: {  	s5 =	sor.u32 $0x10, s13;
	v0 =	vld [tilespmem:s11+$0x10000]  }
0x3c: {  	s12 =	sor.u32 s5, s18;
	v1 =	vld [tilespmem:s11+$0x0]  }
0x3d: {  	v2 =	vld [tilespmem:s12+$0x10000]  }
0x3e: {  	s16 =	sor.u32 $0x20, s13;
	v3 =	vld [tilespmem:s12+$0x0]  }
0x3f: {  	s15 =	sor.u32 s16, s18  }
0x40: {  	v5 =	vld [tilespmem:s15+$0x10000]  }
0x41: {  	s17 =	sor.u32 s13, s18;
	v4 =	vld [tilespmem:s15+$0x0];
	v1 =	vadd.f32 v1, v0  }
0x42: {  	s6 =	sor.u32 $0x1000, s18;
	v6 =	vld [tilespmem:s17+$0x10000]  }
0x43: {  	s19 =	sor.u32 s14, s6;
	v7 =	vld [tilespmem:s17+$0x0];
	[tilespmem:s11+$0x0] =	vst v1;
	v1 =	vadd.f32 v3, v2  }
0x44: {  	v3 =	vld [tilespmem:s19+$0x0]  }
0x45: {  	s7 =	sor.u32 s5, s6;
	[tilespmem:s12+$0x0] =	vst v1  }
0x46: {  	v1 =	vadd.f32 v4, v5;
	v4 =	vld [tilespmem:s7+$0x0];
	_ =	sdelay $0x1  }
0x47: {  	s20 =	sor.u32 s16, s6;
	[tilespmem:s15+$0x0] =	vst v1;
	v1 =	vadd.f32 v7, v6  }
0x48: {  	v7 =	vld [tilespmem:s20+$0x0];
	v3 =	vadd.f32 v3, v0  }
0x49: {  	s22 =	sor.u32 $0x2000, s18;
	s21 =	sor.u32 s13, s6;
	[tilespmem:s17+$0x0] =	vst v1  }
0x4a: {  	s23 =	sor.u32 s14, s22;
	v1 =	vld [tilespmem:s21+$0x0];
	[tilespmem:s19+$0x0] =	vst v3;
	v3 =	vadd.f32 v4, v2  }
0x4b: {  	v4 =	vld [tilespmem:s23+$0x0]  }
0x4c: {  	s24 =	sor.u32 s5, s22;
	[tilespmem:s7+$0x0] =	vst v3  }
0x4d: {  	v3 =	vadd.f32 v7, v5;
	v7 =	vld [tilespmem:s24+$0x0];
	_ =	sdelay $0x1  }
0x4e: {  	p0 =	por $0x0, $0x0;
	s25 =	sor.u32 s16, s22;
	s6 =	simm.s32 $0x1;
	[tilespmem:s20+$0x0] =	vst v3;
	v1 =	vadd.f32 v1, v6  }
0x4f: {  	s28 =	sor.u32 $0x3000, s18;
	s6 =	simm.s32 @!p0 $0x0;
	v3 =	vld [tilespmem:s25+$0x0];
	v4 =	vadd.f32 v4, v0  }
0x50: {  	s26 =	sor.u32 s13, s22;
	s29 =	sor.u32 s14, s28;
	s6 =	sshll.u32 s6, $0x6;
	[tilespmem:s21+$0x0] =	vst v1  }
0x51: {  	s30 =	sor.u32 s5, s28;
	s31 =	sadd.s32 $0x0, s6;
	[tilespmem:s23+$0x0] =	vst v4;
	v4 =	vadd.f32 v7, v2;
	s23 =	simm.s32 $0x40  }
0x52: {  	s8 =	simm.s32 $0x80;
	s22 =	sadd.s32 $0x20, s31;
	v1 =	vld [tilespmem:s26+$0x0];
	s6 =	sand.u32 $0x40, s23  }
0x53: {  	s1 =	sor.u32 $0x80, s22;
	s22 =	sand.u32 $0xF00, s8;
	v7 =	vld [tilespmem:s29+$0x0];
	[tilespmem:s24+$0x0] =	vst v4;
	s19 =	sor.u32 $0x30, s6  }
0x54: {  	v3 =	vadd.f32 v3, v5;
	s17 =	sor.u32 $0x20, s6;
	v4 =	vld [tilespmem:s30+$0x0];
	s24 =	sor.u32 s19, s22  }
0x55: {  	s11 =	sor.u32 s17, s22;
	v9 =	vld [tilespmem:s24+$0x10000]  }
0x56: {  	s9 =	sor.u32 s16, s28;
	s15 =	sor.u32 $0x10, s6;
	[tilespmem:s25+$0x0] =	vst v3;
	v13 =	vld [tilespmem:s11+$0x0]  }
0x57: {  	v1 =	vadd.f32 v1, v6;
	s25 =	sor.u32 s15, s22;
	v3 =	vld [tilespmem:s9+$0x0]  }
0x58: {  	v11 =	vld [tilespmem:s25+$0x10000];
	v0 =	vadd.f32 v7, v0  }
0x59: {  	s3 =	sor.u32 s13, s28;
	s20 =	sadd.s32 $0x30, s31;
	v12 =	vld [tilespmem:s25+$0x0];
	[tilespmem:s26+$0x0] =	vst v1  }
0x5a: {  	s2 =	sor.u32 $0x80, s20;
	v7 =	vld [tilespmem:s3+$0x0];
	[tilespmem:s29+$0x0] =	vst v0  }
0x5b: {  	v0 =	vadd.f32 v4, v2;
	v4 =	vld [tilespmem:s2+$0x10000]  }
0x5c: {  	v2 =	vld [tilespmem:s2+$0x0]  }
0x5d: {  	s21 =	sadd.s32 $0x10, s31;
	v1 =	vadd.f32 v3, v5;
	v3 =	vld [tilespmem:s24+$0x0]  }
0x5e: {  	s10 =	sor.u32 $0x80, s21;
	[tilespmem:s30+$0x0] =	vst v0;
	v5 =	vld [tilespmem:s11+$0x10000]  }
0x5f: {  	v0 =	vld [tilespmem:s10+$0x10000]  }
0x60: {  	s12 =	sor.u32 s6, s22;
	v8 =	vld [tilespmem:s10+$0x0]  }
0x61: {  	[tilespmem:s9+$0x0] =	vst v1;
	v6 =	vadd.f32 v7, v6;
	v7 =	vld [tilespmem:s12+$0x0]  }
0x62: {  	v1 =	vld [tilespmem:s1+$0x10000];
	v14 =	vadd.f32 v3, v9  }
0x63: {  	s20 =	sor.u32 $0x1000, s22;
	v10 =	vld [tilespmem:s1+$0x0];
	v2 =	vadd.f32 v2, v4  }
0x64: {  	s21 =	sor.u32 $0x1080, s18;
	s26 =	sor.u32 s19, s20;
	v3 =	vld [tilespmem:s12+$0x10000];
	[tilespmem:s24+$0x0] =	vst v14  }
0x65: {  	s0 =	sor.u32 s14, s21;
	[tilespmem:s2+$0x0] =	vst v2;
	v2 =	vadd.f32 v12, v11;
	v55 =	vld [tilespmem:s26+$0x0]  }
0x66: {  	s7 =	sor.u32 $0x80, s31;
	[tilespmem:s3+$0x0] =	vst v6;
	v6 =	vld [tilespmem:s0+$0x0]  }
0x67: {  	v13 =	vadd.f32 v13, v5;
	v57 =	vld [tilespmem:s7+$0x0];
	s24 =	sor.u32 s15, s20;
	[tilespmem:s25+$0x0] =	vst v2  }
0x68: {  	v8 =	vadd.f32 v8, v0;
	v56 =	vld [tilespmem:s24+$0x0]  }
0x69: {  	s28 =	sor.u32 s17, s20;
	[tilespmem:s11+$0x0] =	vst v13;
	v2 =	vld [tilespmem:s7+$0x10000];
	v7 =	vadd.f32 v7, v3  }
0x6a: {  	s29 =	sor.u32 s5, s21;
	[tilespmem:s10+$0x0] =	vst v8;
	v8 =	vld [tilespmem:s28+$0x0];
	v12 =	vadd.f32 v55, v9  }
0x6b: {  	s31 =	sor.u32 $0x2000, s22;
	s30 =	sor.u32 s6, s20;
	v6 =	vadd.f32 v6, v4;
	[tilespmem:s12+$0x0] =	vst v7;
	v7 =	vld [tilespmem:s29+$0x0]  }
0x6c: {  	s20 =	sor.u32 $0x2080, s18;
	v10 =	vadd.f32 v10, v1;
	s25 =	sor.u32 s19, s31;
	v15 =	vld [tilespmem:s30+$0x0];
	[tilespmem:s26+$0x0] =	vst v12  }
0x6d: {  	[tilespmem:s0+$0x0] =	vst v6;
	v6 =	vadd.f32 v56, v11;
	s26 =	sor.u32 s14, s20;
	v12 =	vld [tilespmem:s25+$0x0]  }
0x6e: {  	[tilespmem:s1+$0x0] =	vst v10;
	v13 =	vadd.f32 v57, v2;
	s0 =	sor.u32 s16, s21;
	v10 =	vld [tilespmem:s26+$0x0]  }
0x6f: {  	s3 =	sor.u32 s15, s31;
	[tilespmem:s24+$0x0] =	vst v6;
	v6 =	vadd.f32 v8, v5;
	v8 =	vld [tilespmem:s0+$0x0]  }
0x70: {  	s21 =	sor.u32 s13, s21;
	[tilespmem:s7+$0x0] =	vst v13;
	v58 =	vld [tilespmem:s3+$0x0];
	v7 =	vadd.f32 v7, v0  }
0x71: {  	s24 =	sor.u32 s17, s31;
	v59 =	vld [tilespmem:s21+$0x0];
	[tilespmem:s28+$0x0] =	vst v6;
	v6 =	vadd.f32 v15, v3  }
0x72: {  	s28 =	sor.u32 s5, s20;
	[tilespmem:s29+$0x0] =	vst v7;
	v7 =	vld [tilespmem:s24+$0x0];
	v12 =	vadd.f32 v12, v9  }
0x73: {  	s12 =	sor.u32 s6, s31;
	s29 =	sor.u32 $0x3000, s22;
	[tilespmem:s30+$0x0] =	vst v6;
	v6 =	vld [tilespmem:s28+$0x0];
	v10 =	vadd.f32 v10, v4  }
0x74: {  	s30 =	sor.u32 $0x3080, s18;
	s31 =	sor.u32 s19, s29;
	v60 =	vld [tilespmem:s12+$0x0];
	v8 =	vadd.f32 v8, v1;
	[tilespmem:s25+$0x0] =	vst v12  }
0x75: {  	[tilespmem:s26+$0x0] =	vst v10;
	s25 =	sor.u32 s14, s30;
	v10 =	vadd.f32 v58, v11;
	v12 =	vld [tilespmem:s31+$0x0]  }
0x76: {  	v14 =	vadd.f32 v59, v2;
	s26 =	sor.u32 s16, s20;
	[tilespmem:s0+$0x0] =	vst v8;
	v61 =	vld [tilespmem:s25+$0x0]  }
0x77: {  	p0 =	por !p0, !p0;
	s2 =	simm.s32 $0x1;
	s0 =	sor.u32 s15, s29;
	v7 =	vadd.f32 v7, v5;
	[tilespmem:s3+$0x0] =	vst v10;
	v10 =	vld [tilespmem:s26+$0x0]  }
0x78: {  	s2 =	simm.s32 @!p0 $0x0;
	[tilespmem:s21+$0x0] =	vst v14;
	s14 =	sor.u32 s13, s20;
	v6 =	vadd.f32 v6, v0;
	v62 =	vld [tilespmem:s0+$0x0]  }
0x79: {  	s2 =	sshll.u32 s2, $0x6;
	v63 =	vld [tilespmem:s14+$0x0];
	[tilespmem:s24+$0x0] =	vst v7;
	s24 =	sor.u32 s17, s29;
	v7 =	vadd.f32 v60, v3  }
0x7a: {  	s18 =	sor.u32 s5, s30;
	[tilespmem:s28+$0x0] =	vst v6;
	s28 =	sadd.s32 $0x80, s2;
	v16 =	vld [tilespmem:s24+$0x0];
	v6 =	vadd.f32 v12, v9  }
0x7b: {  	s2 =	sor.u32 s6, s29;
	[tilespmem:s12+$0x0] =	vst v7;
	s29 =	sadd.s32 $0x30, s28;
	v7 =	vld [tilespmem:s18+$0x0];
	v4 =	vadd.f32 v61, v4  }
0x7c: {  	v8 =	vld [tilespmem:s2+$0x0];
	s7 =	sor.u32 $0x80, s29;
	[tilespmem:s31+$0x0] =	vst v6;
	v6 =	vadd.f32 v10, v1  }
0x7d: {  	s13 =	sor.u32 s13, s30;
	[tilespmem:s25+$0x0] =	vst v4;
	v10 =	vadd.f32 v62, v11;
	v4 =	vld [tilespmem:s7+$0x10000]  }
0x7e: {  	s16 =	sor.u32 s16, s30;
	s30 =	sadd.s32 $0x10, s28;
	s31 =	sadd.s32 $0x20, s28;
	v9 =	vld [tilespmem:s7+$0x0];
	[tilespmem:s26+$0x0] =	vst v6;
	v6 =	vadd.f32 v63, v2  }
0x7f: {  	s5 =	sor.u32 $0x80, s28;
	s4 =	sor.u32 $0x80, s30;
	s3 =	sor.u32 $0x80, s31;
	[tilespmem:s0+$0x0] =	vst v10;
	v10 =	vadd.f32 v16, v5;
	v5 =	vld [tilespmem:s16+$0x0]  }
.LBB2_2:
0x80: {  	s23 =	sadd.s32 $0x40, s23;
	[tilespmem:s14+$0x0] =	vst v6;
	v6 =	vadd.f32 v7, v0;
	v0 =	vld [tilespmem:s4+$0x10000]  }
0x81: {  	s8 =	sadd.s32 $0x80, s8;
	s11 =	sand.u32 $0x40, s23;
	v3 =	vadd.f32 v8, v3;
	v8 =	vld [tilespmem:s4+$0x0];
	[tilespmem:s24+$0x0] =	vst v10  }
0x82: {  	s24 =	sand.u32 $0xF00, s8;
	s26 =	sor.u32 $0x10, s11;
	s1 =	sor.u32 $0x30, s11;
	v10 =	vld [tilespmem:s3+$0x10000];
	[tilespmem:s18+$0x0] =	vst v6  }
0x83: {  	s28 =	sor.u32 $0x20, s11;
	s18 =	sor.u32 s26, s24;
	s9 =	sor.u32 s1, s24;
	[tilespmem:s2+$0x0] =	vst v3;
	v3 =	vld [tilespmem:s3+$0x0];
	v6 =	vadd.f32 v9, v4  }
0x84: {  	s12 =	sor.u32 $0x1080, s22;
	s10 =	sor.u32 s11, s24;
	s20 =	sor.u32 s28, s24;
	v7 =	vld [tilespmem:s9+$0x10000];
	v11 =	vadd.f32 v5, v1  }
0x85: {  	s21 =	sor.u32 s17, s12;
	s14 =	sor.u32 s19, s12;
	s2 =	sor.u32 s15, s12;
	v9 =	vld [tilespmem:s9+$0x0];
	[tilespmem:s7+$0x0] =	vst v6  }
0x86: {  	p1 =	slt.u32 s23, $0x7C0;
	s7 =	sor.u32 s6, s12;
	v5 =	vadd.f32 v8, v0;
	v8 =	vld [tilespmem:s14+$0x0];
	[tilespmem:s16+$0x0] =	vst v11  }
0x87: {  	v6 =	vld [tilespmem:s18+$0x10000];
	v1 =	vmov v10  }
0x88: {  	v10 =	vld [tilespmem:s18+$0x0];
	[tilespmem:s4+$0x0] =	vst v5;
	v3 =	vadd.f32 v3, v1  }
0x89: {  	v5 =	vld [tilespmem:s20+$0x10000]  }
0x8a: {  	v11 =	vld [tilespmem:s20+$0x0];
	v9 =	vadd.f32 v9, v7;
	[tilespmem:s3+$0x0] =	vst v3  }
0x8b: {  	s3 =	sor.u32 $0x1000, s24;
	v3 =	vld [tilespmem:s10+$0x10000];
	v8 =	vadd.f32 v8, v4  }
0x8c: {  	s25 =	sor.u32 s26, s3;
	s4 =	sor.u32 s1, s3;
	v12 =	vld [tilespmem:s10+$0x0];
	[tilespmem:s9+$0x0] =	vst v9;
	s9 =	sor.u32 $0x2080, s22  }
0x8d: {  	s12 =	sor.u32 s11, s3;
	s29 =	sor.u32 s28, s3;
	v9 =	vadd.f32 v10, v6;
	v10 =	vld [tilespmem:s4+$0x0];
	[tilespmem:s14+$0x0] =	vst v8;
	s16 =	sor.u32 s19, s9  }
0x8e: {  	s14 =	sor.u32 s6, s9;
	s3 =	sor.u32 s15, s9;
	s9 =	sor.u32 s17, s9;
	v8 =	vld [tilespmem:s16+$0x0]  }
0x8f: {  	[tilespmem:s18+$0x0] =	vst v9;
	v9 =	vadd.f32 v11, v5;
	v11 =	vld [tilespmem:s5+$0x10000]  }
0x90: {  	v13 =	vld [tilespmem:s25+$0x0]  }
0x91: {  	v12 =	vadd.f32 v12, v3;
	[tilespmem:s20+$0x0] =	vst v9;
	v9 =	vld [tilespmem:s5+$0x0]  }
0x92: {  	v14 =	vld [tilespmem:s29+$0x0];
	v10 =	vadd.f32 v10, v7  }
0x93: {  	[tilespmem:s10+$0x0] =	vst v12;
	s10 =	sor.u32 $0x2000, s24;
	v12 =	vld [tilespmem:s2+$0x0];
	v8 =	vadd.f32 v8, v4  }
0x94: {  	s22 =	sor.u32 $0x3080, s22;
	v15 =	vld [tilespmem:s12+$0x0];
	s30 =	sor.u32 s26, s10;
	[tilespmem:s4+$0x0] =	vst v10;
	s31 =	sor.u32 s1, s10  }
0x95: {  	s0 =	sor.u32 s19, s22;
	s4 =	sor.u32 s11, s10;
	s20 =	sor.u32 s28, s10;
	v10 =	vadd.f32 v13, v6;
	v13 =	vld [tilespmem:s31+$0x0];
	[tilespmem:s16+$0x0] =	vst v8  }
0x96: {  	s18 =	sor.u32 s15, s22;
	s10 =	sor.u32 s6, s22;
	s16 =	sor.u32 s17, s22;
	v8 =	vadd.f32 v9, v11;
	v9 =	vld [tilespmem:s0+$0x0]  }
0x97: {  	s15 =	smov.u32 s26;
	s6 =	smov.u32 s11;
	s22 =	smov.u32 s24;
	[tilespmem:s25+$0x0] =	vst v10;
	v10 =	vadd.f32 v14, v5;
	v14 =	vld [tilespmem:s21+$0x0]  }
0x98: {  	s19 =	smov.u32 s1;
	s17 =	smov.u32 s28;
	v16 =	vld [tilespmem:s30+$0x0];
	[tilespmem:s5+$0x0] =	vst v8;
	v8 =	vadd.f32 v12, v0  }
0x99: {  	v12 =	vadd.f32 v15, v3;
	[tilespmem:s29+$0x0] =	vst v10;
	v10 =	vld [tilespmem:s7+$0x0]  }
0x9a: {  	v15 =	vld [tilespmem:s20+$0x0];
	v13 =	vadd.f32 v13, v7;
	[tilespmem:s2+$0x0] =	vst v8  }
0x9b: {  	s1 =	sor.u32 $0x3000, s22;
	[tilespmem:s12+$0x0] =	vst v12;
	v8 =	vld [tilespmem:s3+$0x0];
	v4 =	vadd.f32 v9, v4  }
0x9c: {  	s11 =	sor.u32 s15, s1;
	s24 =	sor.u32 s17, s1;
	s5 =	sor.u32 s19, s1;
	v9 =	vld [tilespmem:s4+$0x0];
	[tilespmem:s31+$0x0] =	vst v13;
	v12 =	vadd.f32 v14, v1  }
0x9d: {  	s2 =	sor.u32 s6, s1;
	v13 =	vadd.f32 v16, v6;
	v14 =	vld [tilespmem:s5+$0x0];
	[tilespmem:s0+$0x0] =	vst v4  }
0x9e: {  	p0 =	por !p0, !p0;
	s0 =	simm.s32 $0x1;
	v4 =	vadd.f32 v10, v11;
	[tilespmem:s21+$0x0] =	vst v12;
	v10 =	vld [tilespmem:s13+$0x0]  }
0x9f: {  	s0 =	simm.s32 @!p0 $0x0;
	[tilespmem:s30+$0x0] =	vst v13;
	v12 =	vadd.f32 v15, v5;
	v13 =	vld [tilespmem:s9+$0x0]  }
0xa0: {  	s0 =	sshll.u32 s0, $0x6;
	v15 =	vld [tilespmem:s11+$0x0];
	[tilespmem:s7+$0x0] =	vst v4;
	v4 =	vadd.f32 v8, v0  }
0xa1: {  	s0 =	sadd.s32 s0, s8;
	v8 =	vadd.f32 v9, v3;
	[tilespmem:s20+$0x0] =	vst v12;
	v12 =	vld [tilespmem:s14+$0x0]  }
0xa2: {  	s1 =	sadd.s32 $0x10, s0;
	v16 =	vld [tilespmem:s24+$0x0];
	v9 =	vadd.f32 v14, v7;
	[tilespmem:s3+$0x0] =	vst v4  }
.Ltmp0:
0xa3: {  	s7 =	sadd.s32 $0x30, s0;
	s3 =	sadd.s32 $0x20, s0;
	[tilespmem:s4+$0x0] =	vst v8;
	v7 =	vld [tilespmem:s18+$0x0];
	v10 =	vadd.f32 v10, v2;
	(pc) =	sbr.rel @p1 .LBB2_2-.Ltmp0, $4  }
0xa4: {  	s7 =	sor.u32 $0x80, s7;
	s4 =	sor.u32 $0x80, s1;
	s3 =	sor.u32 $0x80, s3;
	v2 =	vmov v11;
	v8 =	vld [tilespmem:s2+$0x0];
	[tilespmem:s5+$0x0] =	vst v9;
	v13 =	vadd.f32 v13, v1  }
0xa5: {  	s5 =	sor.u32 $0x80, s0;
	v11 =	vadd.f32 v15, v6;
	v4 =	vld [tilespmem:s7+$0x10000];
	[tilespmem:s13+$0x0] =	vst v10;
	s13 =	smov.u32 s10  }
0xa6: {  	v9 =	vld [tilespmem:s7+$0x0];
	v6 =	vadd.f32 v12, v2;
	[tilespmem:s9+$0x0] =	vst v13  }
0xa7: {  	[tilespmem:s11+$0x0] =	vst v11;
	v10 =	vadd.f32 v16, v5;
	v5 =	vld [tilespmem:s16+$0x0]  }
0xa8: {  	v11 =	vld [tilespmem:s4+$0x10000]  }
0xa9: {  	v3 =	vadd.f32 v8, v3;
	v8 =	vld [tilespmem:s4+$0x0];
	[tilespmem:s24+$0x0] =	vst v10  }
0xaa: {  	v10 =	vld [tilespmem:s3+$0x10000]  }
0xab: {  	[tilespmem:s2+$0x0] =	vst v3;
	v3 =	vld [tilespmem:s3+$0x0]  }
0xac: {  	v12 =	vld [tilespmem:s5+$0x10000]  }
0xad: {  	v13 =	vld [tilespmem:s5+$0x0]  }
0xae: {  	v9 =	vadd.f32 v9, v4  }
0xaf: {  	s0 =	sor.u32 $0x1080, s22  }
0xb0: {  	s1 =	sor.u32 s19, s0;
	[tilespmem:s7+$0x0] =	vst v9;
	v8 =	vadd.f32 v8, v11  }
0xb1: {  	v9 =	vld [tilespmem:s1+$0x0];
	v3 =	vadd.f32 v3, v10  }
0xb2: {  	s26 =	sor.u32 s15, s0;
	[tilespmem:s4+$0x0] =	vst v8;
	v8 =	vadd.f32 v13, v12  }
0xb3: {  	s28 =	sor.u32 s17, s0;
	[tilespmem:s3+$0x0] =	vst v3;
	v3 =	vld [tilespmem:s26+$0x0]  }
0xb4: {  	s0 =	sor.u32 s6, s0;
	v51 =	vld [tilespmem:s28+$0x0];
	[tilespmem:s5+$0x0] =	vst v8  }
0xb5: {  	v8 =	vld [tilespmem:s0+$0x0]  }
0xb6: {  	v9 =	vadd.f32 v9, v4  }
0xb7: {  	s29 =	sor.u32 $0x2080, s22  }
0xb8: {  	s30 =	sor.u32 s19, s29;
	[tilespmem:s1+$0x0] =	vst v9;
	v3 =	vadd.f32 v3, v11  }
0xb9: {  	v9 =	vld [tilespmem:s30+$0x0];
	v13 =	vadd.f32 v51, v10  }
0xba: {  	s31 =	sor.u32 s15, s29;
	[tilespmem:s26+$0x0] =	vst v3;
	v3 =	vadd.f32 v8, v12  }
0xbb: {  	s7 =	sor.u32 s17, s29;
	v8 =	vld [tilespmem:s31+$0x0];
	[tilespmem:s28+$0x0] =	vst v13  }
0xbc: {  	s3 =	sor.u32 s6, s29;
	v13 =	vld [tilespmem:s7+$0x0];
	[tilespmem:s0+$0x0] =	vst v3  }
0xbd: {  	v3 =	vld [tilespmem:s3+$0x0]  }
0xbe: {  	v9 =	vadd.f32 v9, v4  }
0xbf: {  	s8 =	sor.u32 $0x3080, s22  }
0xc0: {  	s9 =	sor.u32 s19, s8;
	[tilespmem:s30+$0x0] =	vst v9;
	v8 =	vadd.f32 v8, v11  }
0xc1: {  	[tilespmem:s14+$0x0] =	vst v6;
	v6 =	vld [tilespmem:s9+$0x0];
	v9 =	vadd.f32 v13, v10  }
0xc2: {  	s10 =	sor.u32 s15, s8;
	v52 =	vld [tilespmem:s13+$0x0];
	[tilespmem:s31+$0x0] =	vst v8;
	v3 =	vadd.f32 v3, v12  }
0xc3: {  	s11 =	sor.u32 s17, s8;
	v8 =	vld [tilespmem:s10+$0x0];
	[tilespmem:s7+$0x0] =	vst v9  }
0xc4: {  	v0 =	vadd.f32 v7, v0;
	s0 =	sor.u32 s6, s8;
	v7 =	vld [tilespmem:s11+$0x0];
	[tilespmem:s3+$0x0] =	vst v3  }
0xc5: {  	v1 =	vadd.f32 v5, v1;
	v3 =	vld [tilespmem:s0+$0x0]  }
0xc6: {  	[tilespmem:s18+$0x0] =	vst v0;
	v0 =	vadd.f32 v6, v4  }
0xc7: {  	[tilespmem:s16+$0x0] =	vst v1;
	v1 =	vadd.f32 v52, v2  }
0xc8: {  	[tilespmem:s9+$0x0] =	vst v0;
	v0 =	vadd.f32 v8, v11  }
0xc9: {  	[tilespmem:s13+$0x0] =	vst v1;
	v1 =	vadd.f32 v7, v10  }
0xca: {  	[tilespmem:s10+$0x0] =	vst v0;
	v0 =	vadd.f32 v3, v12  }
0xcb: {  	[tilespmem:s11+$0x0] =	vst v1  }
0xcc: {  	s12 =	simm.s32 $0x0;
	[tilespmem:s0+$0x0] =	vst v0  }
0xcd: {  	s14 =	simm.s32 $0x400;
	s13 =	simm.s32 $0x100;
	s2 =	rddreg [dreg:$0x9]  }
0xce: {  	[hbm4b:s2+s13] =	stream.strided.scatter [tilespmem:s12], [sflag:$0x5], $0x1000, s14, s13, $0x38;
	[tilespmem:$0x14000] =	vst v63  }
0xcf: {  	s16 =	simm.s32 $0x1000;
	s15 =	sadd.s32 $0x100000, s2  }
0xd0: {  	[hbm4b:s15+s13] =	stream.strided.scatter [tilespmem:s16], [sflag:$0x5], $0x1000, s14, s13, $0x38;
	[tilespmem:$0x14000] =	vst v63  }
0xd1: {  	s18 =	simm.s32 $0x2000;
	s17 =	sadd.s32 $0x200000, s2  }
0xd2: {  	[hbm4b:s17+s13] =	stream.strided.scatter [tilespmem:s18], [sflag:$0x5], $0x1000, s14, s13, $0x38;
	[tilespmem:$0x14000] =	vst v63  }
0xd3: {  	s20 =	simm.s32 $0x3000;
	s19 =	sadd.s32 $0x300000, s2  }
0xd4: {  	[hbm4b:s19+s13] =	stream.strided.scatter [tilespmem:s20], [sflag:$0x5], $0x1000, s14, s13, $0x38;
	[tilespmem:$0x14000] =	vst v63  }
0xd5: {  	s22 =	simm.s32 $0x12000;
	s21 =	rddreg [dreg:$0xa]  }
0xd6: {  	[tilespmem:s22], [sflag:$0x3] =	stream.strided.gather [hbm4b:s21+s13], $0x1000, s14, s13, $0x38;
	[tilespmem:$0x14000] =	vst v63  }
0xd7: {  	s24 =	simm.s32 $0x8000;
	s23 =	rddreg [dreg:$0xb]  }
0xd8: {  	[tilespmem:s24], [sflag:$0x3] =	stream.strided.gather [hbm4b:s23+s13], $0x1000, s14, s13, $0x38;
	[tilespmem:$0x14000] =	vst v63  }
0xd9: {  	s26 =	simm.s32 $0x9000;
	s25 =	sadd.s32 $0x100000, s23  }
0xda: {  	[tilespmem:s26], [sflag:$0x3] =	stream.strided.gather [hbm4b:s25+s13], $0x1000, s14, s13, $0x38;
	[tilespmem:$0x14000] =	vst v63  }
0xdb: {  	s29 =	simm.s32 $0xA000;
	s28 =	sadd.s32 $0x200000, s23  }
0xdc: {  	[tilespmem:s29], [sflag:$0x3] =	stream.strided.gather [hbm4b:s28+s13], $0x1000, s14, s13, $0x38;
	[tilespmem:$0x14000] =	vst v63  }
0xdd: {  	s5 =	simm.s32 $0x2;
	s31 =	simm.s32 $0xB000;
	s30 =	sadd.s32 $0x300000, s23  }
0xde: {  	[tilespmem:s31], [sflag:$0x3] =	stream.strided.gather [hbm4b:s30+s13], $0x1000, s14, s13, $0x38;
	[tilespmem:$0x14000] =	vst v63  }
0xdf: {  	_ =	swait.ge [sflag:s5], $0x4000  }
0xe0: {  	[sflag:s5] =	ssyncset.done $0x0  }
0xe1: {  	s6 =	simm.s32 $0x0;
	[sflag:s5] =	ssyncadd.s32 $0xFFFFC000  }
0xe2: {  	s13 =	sand.u32 $0x40, s6;
	_ =	swait.ge [sflag:s5], $0x1000  }
0xe3: {  	s18 =	sand.u32 $0xF00, s12;
	s14 =	sor.u32 $0x30, s13;
	[sflag:s5] =	ssyncset.done $0x0  }
0xe4: {  	s0 =	sor.u32 s14, s18;
	[sflag:s5] =	ssyncadd.s32 $0xFFFFF000  }
0xe5: {  	v0 =	vld [tilespmem:s0+$0x11000]  }
0xe6: {  	s5 =	sor.u32 $0x10, s13;
	v1 =	vld [tilespmem:s0+$0x4000]  }
0xe7: {  	s7 =	sor.u32 s5, s18  }
0xe8: {  	s16 =	sor.u32 $0x20, s13;
	v2 =	vld [tilespmem:s7+$0x11000]  }
0xe9: {  	s8 =	sor.u32 s16, s18;
	v3 =	vld [tilespmem:s7+$0x4000]  }
0xea: {  	v5 =	vld [tilespmem:s8+$0x11000]  }
0xeb: {  	s9 =	sor.u32 s13, s18;
	v4 =	vld [tilespmem:s8+$0x4000];
	v1 =	vadd.f32 v1, v0  }
0xec: {  	s10 =	sor.u32 $0x5000, s18;
	v6 =	vld [tilespmem:s9+$0x11000]  }
0xed: {  	s11 =	sor.u32 s14, s10;
	v7 =	vld [tilespmem:s9+$0x4000];
	[tilespmem:s0+$0x4000] =	vst v1  }
0xee: {  	v1 =	vadd.f32 v3, v2;
	v3 =	vld [tilespmem:s11+$0x0];
	_ =	sdelay $0x1  }
0xef: {  	s12 =	sor.u32 s5, s10;
	[tilespmem:s7+$0x4000] =	vst v1;
	v1 =	vadd.f32 v4, v5  }
0xf0: {  	v4 =	vld [tilespmem:s12+$0x0]  }
0xf1: {  	[tilespmem:s8+$0x4000] =	vst v1;
	v1 =	vadd.f32 v7, v6  }
0xf2: {  	s15 =	sor.u32 s16, s10;
	v3 =	vadd.f32 v3, v0  }
0xf3: {  	s19 =	sor.u32 $0x6000, s18;
	s17 =	sor.u32 s13, s10;
	v7 =	vld [tilespmem:s15+$0x0];
	[tilespmem:s9+$0x4000] =	vst v1  }
0xf4: {  	s20 =	sor.u32 s14, s19;
	v1 =	vld [tilespmem:s17+$0x0];
	[tilespmem:s11+$0x0] =	vst v3  }
0xf5: {  	v3 =	vadd.f32 v4, v2;
	v4 =	vld [tilespmem:s20+$0x0];
	_ =	sdelay $0x1  }
0xf6: {  	s21 =	sor.u32 s5, s19;
	[tilespmem:s12+$0x0] =	vst v3  }
0xf7: {  	v3 =	vadd.f32 v7, v5;
	v7 =	vld [tilespmem:s21+$0x0]  }
0xf8: {  	v1 =	vadd.f32 v1, v6  }
0xf9: {  	s22 =	sor.u32 s16, s19;
	[tilespmem:s15+$0x0] =	vst v3;
	v4 =	vadd.f32 v4, v0  }
0xfa: {  	s24 =	sor.u32 $0x7000, s18;
	s23 =	sor.u32 s13, s19;
	v3 =	vld [tilespmem:s22+$0x0];
	[tilespmem:s17+$0x0] =	vst v1  }
0xfb: {  	s25 =	sor.u32 s14, s24;
	v1 =	vld [tilespmem:s23+$0x0];
	[tilespmem:s20+$0x0] =	vst v4  }
0xfc: {  	v4 =	vadd.f32 v7, v2;
	v7 =	vld [tilespmem:s25+$0x0];
	_ =	sdelay $0x1  }
0xfd: {  	p0 =	por $0x0, $0x0;
	s4 =	simm.s32 $0x1;
	s26 =	sor.u32 s5, s24;
	[tilespmem:s21+$0x0] =	vst v4  }
0xfe: {  	s4 =	simm.s32 @!p0 $0x0;
	v3 =	vadd.f32 v3, v5;
	v4 =	vld [tilespmem:s26+$0x0]  }
0xff: {  	s4 =	sshll.u32 s4, $0x6;
	v1 =	vadd.f32 v1, v6  }
0x100: {  	s4 =	sadd.s32 $0x0, s4;
	s28 =	sor.u32 s16, s24;
	[tilespmem:s22+$0x0] =	vst v3;
	v0 =	vadd.f32 v7, v0  }
0x101: {  	s29 =	sadd.s32 $0x30, s4;
	s2 =	sor.u32 s13, s24;
	v3 =	vld [tilespmem:s28+$0x0];
	[tilespmem:s23+$0x0] =	vst v1;
	s23 =	simm.s32 $0x40  }
0x102: {  	s30 =	sor.u32 $0x80, s29;
	s8 =	simm.s32 $0x80;
	v7 =	vld [tilespmem:s2+$0x0];
	s6 =	sand.u32 $0x40, s23;
	[tilespmem:s25+$0x0] =	vst v0  }
0x103: {  	s22 =	sand.u32 $0xF00, s8;
	v0 =	vadd.f32 v4, v2;
	s19 =	sor.u32 $0x30, s6;
	v4 =	vld [tilespmem:s30+$0x11000]  }
0x104: {  	v2 =	vld [tilespmem:s30+$0x4000];
	s7 =	sor.u32 s19, s22  }
0x105: {  	s15 =	sor.u32 $0x10, s6;
	v9 =	vld [tilespmem:s7+$0x11000]  }
0x106: {  	s21 =	sor.u32 s15, s22;
	v1 =	vadd.f32 v3, v5;
	v3 =	vld [tilespmem:s7+$0x4000]  }
0x107: {  	s17 =	sor.u32 $0x20, s6;
	v11 =	vld [tilespmem:s21+$0x11000]  }
0x108: {  	s10 =	sor.u32 s17, s22;
	v53 =	vld [tilespmem:s21+$0x4000]  }
0x109: {  	s31 =	sadd.s32 $0x10, s4;
	v5 =	vld [tilespmem:s10+$0x11000]  }
0x10a: {  	s9 =	sor.u32 $0x80, s31;
	[tilespmem:s26+$0x0] =	vst v0;
	v54 =	vld [tilespmem:s10+$0x4000]  }
0x10b: {  	v0 =	vld [tilespmem:s9+$0x11000]  }
0x10c: {  	s3 =	sadd.s32 $0x20, s4;
	s11 =	sor.u32 s6, s22;
	v8 =	vld [tilespmem:s9+$0x4000]  }
0x10d: {  	s1 =	sor.u32 $0x80, s3;
	[tilespmem:s28+$0x0] =	vst v1;
	v6 =	vadd.f32 v7, v6;
	v7 =	vld [tilespmem:s11+$0x4000]  }
0x10e: {  	v1 =	vld [tilespmem:s1+$0x11000];
	v14 =	vadd.f32 v3, v9  }
0x10f: {  	s12 =	sor.u32 $0x5000, s22;
	v10 =	vld [tilespmem:s1+$0x4000];
	v2 =	vadd.f32 v2, v4  }
0x110: {  	s20 =	sor.u32 $0x5080, s18;
	s25 =	sor.u32 s19, s12;
	v3 =	vld [tilespmem:s11+$0x11000];
	[tilespmem:s7+$0x4000] =	vst v14  }
0x111: {  	s26 =	sor.u32 s14, s20;
	[tilespmem:s30+$0x4000] =	vst v2;
	v2 =	vadd.f32 v53, v11;
	v55 =	vld [tilespmem:s25+$0x0]  }
0x112: {  	s4 =	sor.u32 $0x80, s4;
	[tilespmem:s2+$0x0] =	vst v6;
	v6 =	vld [tilespmem:s26+$0x0]  }
0x113: {  	s24 =	sor.u32 s15, s12;
	v13 =	vadd.f32 v54, v5;
	v57 =	vld [tilespmem:s4+$0x4000];
	[tilespmem:s21+$0x4000] =	vst v2  }
0x114: {  	v8 =	vadd.f32 v8, v0;
	v56 =	vld [tilespmem:s24+$0x0]  }
0x115: {  	s28 =	sor.u32 s17, s12;
	[tilespmem:s10+$0x4000] =	vst v13;
	v2 =	vld [tilespmem:s4+$0x11000];
	v7 =	vadd.f32 v7, v3  }
0x116: {  	s29 =	sor.u32 s5, s20;
	[tilespmem:s9+$0x4000] =	vst v8;
	v8 =	vld [tilespmem:s28+$0x0];
	v12 =	vadd.f32 v55, v9  }
0x117: {  	s31 =	sor.u32 $0x6000, s22;
	s30 =	sor.u32 s6, s12;
	v6 =	vadd.f32 v6, v4;
	[tilespmem:s11+$0x4000] =	vst v7;
	v7 =	vld [tilespmem:s29+$0x0]  }
0x118: {  	s12 =	sor.u32 $0x6080, s18;
	v10 =	vadd.f32 v10, v1;
	s21 =	sor.u32 s19, s31;
	v15 =	vld [tilespmem:s30+$0x0];
	[tilespmem:s25+$0x0] =	vst v12  }
0x119: {  	[tilespmem:s26+$0x0] =	vst v6;
	v6 =	vadd.f32 v56, v11;
	s25 =	sor.u32 s14, s12;
	v12 =	vld [tilespmem:s21+$0x0]  }
0x11a: {  	[tilespmem:s1+$0x4000] =	vst v10;
	v13 =	vadd.f32 v57, v2;
	s26 =	sor.u32 s16, s20;
	v10 =	vld [tilespmem:s25+$0x0]  }
0x11b: {  	s2 =	sor.u32 s15, s31;
	[tilespmem:s24+$0x0] =	vst v6;
	v6 =	vadd.f32 v8, v5;
	v8 =	vld [tilespmem:s26+$0x0]  }
0x11c: {  	s20 =	sor.u32 s13, s20;
	[tilespmem:s4+$0x4000] =	vst v13;
	v58 =	vld [tilespmem:s2+$0x0];
	v7 =	vadd.f32 v7, v0  }
0x11d: {  	s24 =	sor.u32 s17, s31;
	v59 =	vld [tilespmem:s20+$0x0];
	[tilespmem:s28+$0x0] =	vst v6;
	v6 =	vadd.f32 v15, v3  }
0x11e: {  	s28 =	sor.u32 s5, s12;
	[tilespmem:s29+$0x0] =	vst v7;
	v7 =	vld [tilespmem:s24+$0x0];
	v12 =	vadd.f32 v12, v9  }
0x11f: {  	s11 =	sor.u32 s6, s31;
	s29 =	sor.u32 $0x7000, s22;
	[tilespmem:s30+$0x0] =	vst v6;
	v6 =	vld [tilespmem:s28+$0x0];
	v10 =	vadd.f32 v10, v4  }
0x120: {  	s30 =	sor.u32 $0x7080, s18;
	s31 =	sor.u32 s19, s29;
	v60 =	vld [tilespmem:s11+$0x0];
	v8 =	vadd.f32 v8, v1;
	[tilespmem:s21+$0x0] =	vst v12  }
0x121: {  	[tilespmem:s25+$0x0] =	vst v10;
	s25 =	sor.u32 s14, s30;
	v10 =	vadd.f32 v58, v11;
	v12 =	vld [tilespmem:s31+$0x0]  }
0x122: {  	v14 =	vadd.f32 v59, v2;
	s21 =	sor.u32 s16, s12;
	[tilespmem:s26+$0x0] =	vst v8;
	v61 =	vld [tilespmem:s25+$0x0]  }
0x123: {  	p0 =	por !p0, !p0;
	s26 =	sor.u32 s15, s29;
	v7 =	vadd.f32 v7, v5;
	[tilespmem:s2+$0x0] =	vst v10;
	v10 =	vld [tilespmem:s21+$0x0];
	s2 =	simm.s32 $0x1  }
0x124: {  	[tilespmem:s20+$0x0] =	vst v14;
	s14 =	sor.u32 s13, s12;
	v6 =	vadd.f32 v6, v0;
	s2 =	simm.s32 @!p0 $0x0;
	v62 =	vld [tilespmem:s26+$0x0]  }
0x125: {  	v63 =	vld [tilespmem:s14+$0x0];
	[tilespmem:s24+$0x0] =	vst v7;
	s24 =	sor.u32 s17, s29;
	v7 =	vadd.f32 v60, v3;
	s2 =	sshll.u32 s2, $0x6  }
0x126: {  	s18 =	sor.u32 s5, s30;
	[tilespmem:s28+$0x0] =	vst v6;
	v16 =	vld [tilespmem:s24+$0x0];
	s28 =	sadd.s32 $0x80, s2;
	v6 =	vadd.f32 v12, v9  }
0x127: {  	s2 =	sor.u32 s6, s29;
	[tilespmem:s11+$0x0] =	vst v7;
	v7 =	vld [tilespmem:s18+$0x0];
	v4 =	vadd.f32 v61, v4;
	s29 =	sadd.s32 $0x30, s28  }
0x128: {  	v8 =	vld [tilespmem:s2+$0x0];
	s7 =	sor.u32 $0x80, s29;
	[tilespmem:s31+$0x0] =	vst v6;
	v6 =	vadd.f32 v10, v1  }
0x129: {  	s13 =	sor.u32 s13, s30;
	[tilespmem:s25+$0x0] =	vst v4;
	v10 =	vadd.f32 v62, v11;
	v4 =	vld [tilespmem:s7+$0x11000]  }
0x12a: {  	s16 =	sor.u32 s16, s30;
	s30 =	sadd.s32 $0x10, s28;
	s31 =	sadd.s32 $0x20, s28;
	v9 =	vld [tilespmem:s7+$0x4000];
	[tilespmem:s21+$0x0] =	vst v6;
	v6 =	vadd.f32 v63, v2  }
0x12b: {  	s5 =	sor.u32 $0x80, s28;
	s4 =	sor.u32 $0x80, s30;
	s3 =	sor.u32 $0x80, s31;
	[tilespmem:s26+$0x0] =	vst v10;
	v10 =	vadd.f32 v16, v5;
	v5 =	vld [tilespmem:s16+$0x0]  }
.LBB2_4:
0x12c: {  	s23 =	sadd.s32 $0x40, s23;
	[tilespmem:s14+$0x0] =	vst v6;
	v6 =	vadd.f32 v7, v0;
	v0 =	vld [tilespmem:s4+$0x11000]  }
0x12d: {  	s8 =	sadd.s32 $0x80, s8;
	s11 =	sand.u32 $0x40, s23;
	v3 =	vadd.f32 v8, v3;
	v8 =	vld [tilespmem:s4+$0x4000];
	[tilespmem:s24+$0x0] =	vst v10  }
0x12e: {  	s24 =	sand.u32 $0xF00, s8;
	s26 =	sor.u32 $0x10, s11;
	s1 =	sor.u32 $0x30, s11;
	v10 =	vld [tilespmem:s3+$0x11000];
	[tilespmem:s18+$0x0] =	vst v6  }
0x12f: {  	s28 =	sor.u32 $0x20, s11;
	s0 =	sor.u32 s26, s24;
	s9 =	sor.u32 s1, s24;
	[tilespmem:s2+$0x0] =	vst v3;
	v3 =	vld [tilespmem:s3+$0x4000];
	v6 =	vadd.f32 v9, v4  }
0x130: {  	s12 =	sor.u32 $0x5080, s22;
	s10 =	sor.u32 s11, s24;
	s18 =	sor.u32 s28, s24;
	v7 =	vld [tilespmem:s9+$0x11000];
	v11 =	vadd.f32 v5, v1  }
0x131: {  	s21 =	sor.u32 s17, s12;
	s14 =	sor.u32 s19, s12;
	s2 =	sor.u32 s15, s12;
	v9 =	vld [tilespmem:s9+$0x4000];
	[tilespmem:s7+$0x4000] =	vst v6  }
0x132: {  	p1 =	slt.u32 s23, $0x7C0;
	s7 =	sor.u32 s6, s12;
	v5 =	vadd.f32 v8, v0;
	v8 =	vld [tilespmem:s14+$0x0];
	[tilespmem:s16+$0x0] =	vst v11  }
0x133: {  	v6 =	vld [tilespmem:s0+$0x11000];
	v1 =	vmov v10  }
0x134: {  	v10 =	vld [tilespmem:s0+$0x4000];
	[tilespmem:s4+$0x4000] =	vst v5;
	v3 =	vadd.f32 v3, v1  }
0x135: {  	v5 =	vld [tilespmem:s18+$0x11000]  }
0x136: {  	v11 =	vld [tilespmem:s18+$0x4000];
	v9 =	vadd.f32 v9, v7;
	[tilespmem:s3+$0x4000] =	vst v3  }
0x137: {  	s3 =	sor.u32 $0x5000, s24;
	v3 =	vld [tilespmem:s10+$0x11000];
	v8 =	vadd.f32 v8, v4  }
0x138: {  	s25 =	sor.u32 s26, s3;
	s4 =	sor.u32 s1, s3;
	v12 =	vld [tilespmem:s10+$0x4000];
	[tilespmem:s9+$0x4000] =	vst v9;
	s9 =	sor.u32 $0x6080, s22  }
0x139: {  	s12 =	sor.u32 s11, s3;
	s29 =	sor.u32 s28, s3;
	v9 =	vadd.f32 v10, v6;
	v10 =	vld [tilespmem:s4+$0x0];
	[tilespmem:s14+$0x0] =	vst v8;
	s16 =	sor.u32 s19, s9  }
0x13a: {  	s14 =	sor.u32 s6, s9;
	s3 =	sor.u32 s15, s9;
	s9 =	sor.u32 s17, s9;
	v8 =	vld [tilespmem:s16+$0x0]  }
0x13b: {  	[tilespmem:s0+$0x4000] =	vst v9;
	v9 =	vadd.f32 v11, v5;
	v11 =	vld [tilespmem:s5+$0x11000]  }
0x13c: {  	v13 =	vld [tilespmem:s25+$0x0]  }
0x13d: {  	v12 =	vadd.f32 v12, v3;
	[tilespmem:s18+$0x4000] =	vst v9;
	v9 =	vld [tilespmem:s5+$0x4000]  }
0x13e: {  	v14 =	vld [tilespmem:s29+$0x0];
	v10 =	vadd.f32 v10, v7  }
0x13f: {  	s0 =	sor.u32 $0x6000, s24;
	[tilespmem:s10+$0x4000] =	vst v12;
	v12 =	vld [tilespmem:s2+$0x0];
	v8 =	vadd.f32 v8, v4  }
0x140: {  	s22 =	sor.u32 $0x7080, s22;
	s30 =	sor.u32 s26, s0;
	s31 =	sor.u32 s1, s0;
	v15 =	vld [tilespmem:s12+$0x0];
	[tilespmem:s4+$0x0] =	vst v10  }
0x141: {  	s20 =	sor.u32 s28, s0;
	s4 =	sor.u32 s11, s0;
	s0 =	sor.u32 s19, s22;
	v10 =	vadd.f32 v13, v6;
	v13 =	vld [tilespmem:s31+$0x0];
	[tilespmem:s16+$0x0] =	vst v8  }
0x142: {  	s18 =	sor.u32 s15, s22;
	s10 =	sor.u32 s6, s22;
	s16 =	sor.u32 s17, s22;
	v8 =	vadd.f32 v9, v11;
	v9 =	vld [tilespmem:s0+$0x0]  }
0x143: {  	s15 =	smov.u32 s26;
	s6 =	smov.u32 s11;
	s22 =	smov.u32 s24;
	[tilespmem:s25+$0x0] =	vst v10;
	v10 =	vadd.f32 v14, v5;
	v14 =	vld [tilespmem:s21+$0x0]  }
0x144: {  	s19 =	smov.u32 s1;
	s17 =	smov.u32 s28;
	v16 =	vld [tilespmem:s30+$0x0];
	[tilespmem:s5+$0x4000] =	vst v8;
	v8 =	vadd.f32 v12, v0  }
0x145: {  	v12 =	vadd.f32 v15, v3;
	[tilespmem:s29+$0x0] =	vst v10;
	v10 =	vld [tilespmem:s7+$0x0]  }
0x146: {  	v15 =	vld [tilespmem:s20+$0x0];
	v13 =	vadd.f32 v13, v7;
	[tilespmem:s2+$0x0] =	vst v8  }
0x147: {  	s1 =	sor.u32 $0x7000, s22;
	[tilespmem:s12+$0x0] =	vst v12;
	v8 =	vld [tilespmem:s3+$0x0];
	v4 =	vadd.f32 v9, v4  }
0x148: {  	s11 =	sor.u32 s15, s1;
	s24 =	sor.u32 s17, s1;
	s5 =	sor.u32 s19, s1;
	v9 =	vld [tilespmem:s4+$0x0];
	[tilespmem:s31+$0x0] =	vst v13;
	v12 =	vadd.f32 v14, v1  }
0x149: {  	s2 =	sor.u32 s6, s1;
	v13 =	vadd.f32 v16, v6;
	v14 =	vld [tilespmem:s5+$0x0];
	[tilespmem:s0+$0x0] =	vst v4  }
0x14a: {  	p0 =	por !p0, !p0;
	s0 =	simm.s32 $0x1;
	v4 =	vadd.f32 v10, v11;
	[tilespmem:s21+$0x0] =	vst v12;
	v10 =	vld [tilespmem:s13+$0x0]  }
0x14b: {  	s0 =	simm.s32 @!p0 $0x0;
	[tilespmem:s30+$0x0] =	vst v13;
	v12 =	vadd.f32 v15, v5;
	v13 =	vld [tilespmem:s9+$0x0]  }
0x14c: {  	s0 =	sshll.u32 s0, $0x6;
	v15 =	vld [tilespmem:s11+$0x0];
	[tilespmem:s7+$0x0] =	vst v4;
	v4 =	vadd.f32 v8, v0  }
0x14d: {  	s0 =	sadd.s32 s0, s8;
	v8 =	vadd.f32 v9, v3;
	[tilespmem:s20+$0x0] =	vst v12;
	v12 =	vld [tilespmem:s14+$0x0]  }
0x14e: {  	s1 =	sadd.s32 $0x10, s0;
	v16 =	vld [tilespmem:s24+$0x0];
	v9 =	vadd.f32 v14, v7;
	[tilespmem:s3+$0x0] =	vst v4  }
.Ltmp1:
0x14f: {  	s7 =	sadd.s32 $0x30, s0;
	s3 =	sadd.s32 $0x20, s0;
	[tilespmem:s4+$0x0] =	vst v8;
	v7 =	vld [tilespmem:s18+$0x0];
	v10 =	vadd.f32 v10, v2;
	(pc) =	sbr.rel @p1 .LBB2_4-.Ltmp1, $4  }
0x150: {  	s7 =	sor.u32 $0x80, s7;
	s4 =	sor.u32 $0x80, s1;
	s3 =	sor.u32 $0x80, s3;
	v2 =	vmov v11;
	v8 =	vld [tilespmem:s2+$0x0];
	[tilespmem:s5+$0x0] =	vst v9;
	v13 =	vadd.f32 v13, v1  }
0x151: {  	s5 =	sor.u32 $0x80, s0;
	v11 =	vadd.f32 v15, v6;
	v4 =	vld [tilespmem:s7+$0x11000];
	[tilespmem:s13+$0x0] =	vst v10;
	s13 =	smov.u32 s10  }
0x152: {  	v9 =	vld [tilespmem:s7+$0x4000];
	v6 =	vadd.f32 v12, v2;
	[tilespmem:s9+$0x0] =	vst v13  }
0x153: {  	[tilespmem:s11+$0x0] =	vst v11;
	v10 =	vadd.f32 v16, v5;
	v5 =	vld [tilespmem:s16+$0x0]  }
0x154: {  	v11 =	vld [tilespmem:s4+$0x11000]  }
0x155: {  	v3 =	vadd.f32 v8, v3;
	v8 =	vld [tilespmem:s4+$0x4000];
	[tilespmem:s24+$0x0] =	vst v10  }
0x156: {  	v10 =	vld [tilespmem:s3+$0x11000]  }
0x157: {  	[tilespmem:s2+$0x0] =	vst v3;
	v3 =	vld [tilespmem:s3+$0x4000]  }
0x158: {  	v12 =	vld [tilespmem:s5+$0x11000]  }
0x159: {  	v13 =	vld [tilespmem:s5+$0x4000]  }
0x15a: {  	v9 =	vadd.f32 v9, v4  }
0x15b: {  	s0 =	sor.u32 $0x5080, s22  }
0x15c: {  	s1 =	sor.u32 s19, s0;
	[tilespmem:s7+$0x4000] =	vst v9;
	v8 =	vadd.f32 v8, v11  }
0x15d: {  	v9 =	vld [tilespmem:s1+$0x0];
	v3 =	vadd.f32 v3, v10  }
0x15e: {  	s26 =	sor.u32 s15, s0;
	[tilespmem:s4+$0x4000] =	vst v8;
	v8 =	vadd.f32 v13, v12  }
0x15f: {  	s28 =	sor.u32 s17, s0;
	[tilespmem:s3+$0x4000] =	vst v3;
	v3 =	vld [tilespmem:s26+$0x0]  }
0x160: {  	s0 =	sor.u32 s6, s0;
	v51 =	vld [tilespmem:s28+$0x0];
	[tilespmem:s5+$0x4000] =	vst v8  }
0x161: {  	v8 =	vld [tilespmem:s0+$0x0]  }
0x162: {  	v9 =	vadd.f32 v9, v4  }
0x163: {  	s29 =	sor.u32 $0x6080, s22  }
0x164: {  	s30 =	sor.u32 s19, s29;
	[tilespmem:s1+$0x0] =	vst v9;
	v3 =	vadd.f32 v3, v11  }
0x165: {  	v9 =	vld [tilespmem:s30+$0x0];
	v13 =	vadd.f32 v51, v10  }
0x166: {  	s31 =	sor.u32 s15, s29;
	[tilespmem:s26+$0x0] =	vst v3;
	v3 =	vadd.f32 v8, v12  }
0x167: {  	s7 =	sor.u32 s17, s29;
	v8 =	vld [tilespmem:s31+$0x0];
	[tilespmem:s28+$0x0] =	vst v13  }
0x168: {  	s3 =	sor.u32 s6, s29;
	v13 =	vld [tilespmem:s7+$0x0];
	[tilespmem:s0+$0x0] =	vst v3  }
0x169: {  	v3 =	vld [tilespmem:s3+$0x0]  }
0x16a: {  	v9 =	vadd.f32 v9, v4  }
0x16b: {  	s8 =	sor.u32 $0x7080, s22  }
0x16c: {  	s9 =	sor.u32 s19, s8;
	[tilespmem:s30+$0x0] =	vst v9;
	v8 =	vadd.f32 v8, v11  }
0x16d: {  	[tilespmem:s14+$0x0] =	vst v6;
	v6 =	vld [tilespmem:s9+$0x0];
	v9 =	vadd.f32 v13, v10  }
0x16e: {  	s10 =	sor.u32 s15, s8;
	v52 =	vld [tilespmem:s13+$0x0];
	[tilespmem:s31+$0x0] =	vst v8;
	v3 =	vadd.f32 v3, v12  }
0x16f: {  	s11 =	sor.u32 s17, s8;
	v8 =	vld [tilespmem:s10+$0x0];
	[tilespmem:s7+$0x0] =	vst v9  }
0x170: {  	v0 =	vadd.f32 v7, v0;
	s0 =	sor.u32 s6, s8;
	v7 =	vld [tilespmem:s11+$0x0];
	[tilespmem:s3+$0x0] =	vst v3  }
0x171: {  	v1 =	vadd.f32 v5, v1;
	v3 =	vld [tilespmem:s0+$0x0]  }
0x172: {  	[tilespmem:s18+$0x0] =	vst v0;
	v0 =	vadd.f32 v6, v4  }
0x173: {  	[tilespmem:s16+$0x0] =	vst v1;
	v1 =	vadd.f32 v52, v2  }
0x174: {  	[tilespmem:s9+$0x0] =	vst v0;
	v0 =	vadd.f32 v8, v11  }
0x175: {  	[tilespmem:s13+$0x0] =	vst v1;
	v1 =	vadd.f32 v7, v10  }
0x176: {  	[tilespmem:s10+$0x0] =	vst v0;
	v0 =	vadd.f32 v3, v12  }
0x177: {  	[tilespmem:s11+$0x0] =	vst v1  }
0x178: {  	s12 =	simm.s32 $0x100;
	[tilespmem:s0+$0x0] =	vst v0  }
0x179: {  	s14 =	simm.s32 $0x4000;
	s13 =	simm.s32 $0x400;
	s1 =	rddreg [dreg:$0xc]  }
0x17a: {  	[hbm4b:s1+s12] =	stream.strided.scatter [tilespmem:s14], [sflag:$0x6], $0x1000, s13, s12, $0x38;
	[tilespmem:$0x14000] =	vst v63  }
0x17b: {  	s16 =	simm.s32 $0x5000;
	s15 =	sadd.s32 $0x100000, s1  }
0x17c: {  	[hbm4b:s15+s12] =	stream.strided.scatter [tilespmem:s16], [sflag:$0x6], $0x1000, s13, s12, $0x38;
	[tilespmem:$0x14000] =	vst v63  }
0x17d: {  	s18 =	simm.s32 $0x6000;
	s17 =	sadd.s32 $0x200000, s1  }
0x17e: {  	[hbm4b:s17+s12] =	stream.strided.scatter [tilespmem:s18], [sflag:$0x6], $0x1000, s13, s12, $0x38;
	[tilespmem:$0x14000] =	vst v63  }
0x17f: {  	s20 =	simm.s32 $0x7000;
	s19 =	sadd.s32 $0x300000, s1  }
0x180: {  	[hbm4b:s19+s12] =	stream.strided.scatter [tilespmem:s20], [sflag:$0x6], $0x1000, s13, s12, $0x38;
	[tilespmem:$0x14000] =	vst v63  }
0x181: {  	s22 =	simm.s32 $0x13000;
	s21 =	rddreg [dreg:$0xd]  }
0x182: {  	[tilespmem:s22], [sflag:$0x4] =	stream.strided.gather [hbm4b:s21+s12], $0x1000, s13, s12, $0x38;
	[tilespmem:$0x14000] =	vst v63  }
0x183: {  	s24 =	simm.s32 $0xC000;
	s23 =	rddreg [dreg:$0xe]  }
0x184: {  	[tilespmem:s24], [sflag:$0x4] =	stream.strided.gather [hbm4b:s23+s12], $0x1000, s13, s12, $0x38;
	[tilespmem:$0x14000] =	vst v63  }
0x185: {  	s26 =	simm.s32 $0xD000;
	s25 =	sadd.s32 $0x100000, s23  }
0x186: {  	[tilespmem:s26], [sflag:$0x4] =	stream.strided.gather [hbm4b:s25+s12], $0x1000, s13, s12, $0x38;
	[tilespmem:$0x14000] =	vst v63  }
0x187: {  	s29 =	simm.s32 $0xE000;
	s28 =	sadd.s32 $0x200000, s23  }
0x188: {  	[tilespmem:s29], [sflag:$0x4] =	stream.strided.gather [hbm4b:s28+s12], $0x1000, s13, s12, $0x38;
	[tilespmem:$0x14000] =	vst v63  }
0x189: {  	s4 =	simm.s32 $0x3;
	s31 =	simm.s32 $0xF000;
	s30 =	sadd.s32 $0x300000, s23  }
0x18a: {  	[tilespmem:s31], [sflag:$0x4] =	stream.strided.gather [hbm4b:s30+s12], $0x1000, s13, s12, $0x38;
	[tilespmem:$0x14000] =	vst v63  }
0x18b: {  	_ =	swait.ge [sflag:s4], $0x4000  }
0x18c: {  	[sflag:s4] =	ssyncset.done $0x0  }
0x18d: {  	s5 =	simm.s32 $0x0;
	[sflag:s4] =	ssyncadd.s32 $0xFFFFC000  }
0x18e: {  	s6 =	simm.s32 $0x0;
	s13 =	sand.u32 $0x40, s5;
	_ =	swait.ge [sflag:s4], $0x1000  }
0x18f: {  	s18 =	sand.u32 $0xF00, s6;
	s14 =	sor.u32 $0x30, s13;
	[sflag:s4] =	ssyncset.done $0x0  }
0x190: {  	s7 =	sor.u32 s14, s18;
	[sflag:s4] =	ssyncadd.s32 $0xFFFFF000  }
0x191: {  	v0 =	vld [tilespmem:s7+$0x12000]  }
0x192: {  	s5 =	sor.u32 $0x10, s13;
	v1 =	vld [tilespmem:s7+$0x8000]  }
0x193: {  	s1 =	sor.u32 s5, s18  }
0x194: {  	s16 =	sor.u32 $0x20, s13;
	v2 =	vld [tilespmem:s1+$0x12000]  }
0x195: {  	s8 =	sor.u32 s16, s18;
	v3 =	vld [tilespmem:s1+$0x8000]  }
0x196: {  	v5 =	vld [tilespmem:s8+$0x12000]  }
0x197: {  	s9 =	sor.u32 s13, s18;
	v4 =	vld [tilespmem:s8+$0x8000];
	v1 =	vadd.f32 v1, v0  }
0x198: {  	s10 =	sor.u32 $0x9000, s18;
	v6 =	vld [tilespmem:s9+$0x12000]  }
0x199: {  	s11 =	sor.u32 s14, s10;
	v7 =	vld [tilespmem:s9+$0x8000];
	[tilespmem:s7+$0x8000] =	vst v1  }
0x19a: {  	v1 =	vadd.f32 v3, v2;
	v3 =	vld [tilespmem:s11+$0x0];
	_ =	sdelay $0x1  }
0x19b: {  	s12 =	sor.u32 s5, s10;
	[tilespmem:s1+$0x8000] =	vst v1;
	v1 =	vadd.f32 v4, v5  }
0x19c: {  	v4 =	vld [tilespmem:s12+$0x0]  }
0x19d: {  	[tilespmem:s8+$0x8000] =	vst v1;
	v1 =	vadd.f32 v7, v6  }
0x19e: {  	s15 =	sor.u32 s16, s10;
	v3 =	vadd.f32 v3, v0  }
0x19f: {  	s19 =	sor.u32 $0xA000, s18;
	s17 =	sor.u32 s13, s10;
	v7 =	vld [tilespmem:s15+$0x0];
	[tilespmem:s9+$0x8000] =	vst v1  }
0x1a0: {  	s20 =	sor.u32 s14, s19;
	v1 =	vld [tilespmem:s17+$0x0];
	[tilespmem:s11+$0x0] =	vst v3  }
0x1a1: {  	v3 =	vadd.f32 v4, v2;
	v4 =	vld [tilespmem:s20+$0x0];
	_ =	sdelay $0x1  }
0x1a2: {  	s21 =	sor.u32 s5, s19;
	[tilespmem:s12+$0x0] =	vst v3  }
0x1a3: {  	v3 =	vadd.f32 v7, v5;
	v7 =	vld [tilespmem:s21+$0x0]  }
0x1a4: {  	v1 =	vadd.f32 v1, v6  }
0x1a5: {  	s22 =	sor.u32 s16, s19;
	[tilespmem:s15+$0x0] =	vst v3;
	v4 =	vadd.f32 v4, v0  }
0x1a6: {  	s24 =	sor.u32 $0xB000, s18;
	s23 =	sor.u32 s13, s19;
	v3 =	vld [tilespmem:s22+$0x0];
	[tilespmem:s17+$0x0] =	vst v1  }
0x1a7: {  	s25 =	sor.u32 s14, s24;
	v1 =	vld [tilespmem:s23+$0x0];
	[tilespmem:s20+$0x0] =	vst v4  }
0x1a8: {  	v4 =	vadd.f32 v7, v2;
	v7 =	vld [tilespmem:s25+$0x0];
	_ =	sdelay $0x1  }
0x1a9: {  	p0 =	por $0x0, $0x0;
	s26 =	sor.u32 s5, s24;
	s4 =	simm.s32 $0x1;
	[tilespmem:s21+$0x0] =	vst v4  }
0x1aa: {  	s4 =	simm.s32 @!p0 $0x0;
	v3 =	vadd.f32 v3, v5;
	v4 =	vld [tilespmem:s26+$0x0]  }
0x1ab: {  	s4 =	sshll.u32 s4, $0x6;
	v1 =	vadd.f32 v1, v6  }
0x1ac: {  	s28 =	sor.u32 s16, s24;
	s4 =	sadd.s32 $0x0, s4;
	[tilespmem:s22+$0x0] =	vst v3;
	v0 =	vadd.f32 v7, v0  }
0x1ad: {  	s2 =	sor.u32 s13, s24;
	s29 =	sadd.s32 $0x30, s4;
	v3 =	vld [tilespmem:s28+$0x0];
	[tilespmem:s23+$0x0] =	vst v1;
	s23 =	simm.s32 $0x40  }
0x1ae: {  	s30 =	sor.u32 $0x80, s29;
	s8 =	simm.s32 $0x80;
	v7 =	vld [tilespmem:s2+$0x0];
	s6 =	sand.u32 $0x40, s23;
	[tilespmem:s25+$0x0] =	vst v0  }
0x1af: {  	s22 =	sand.u32 $0xF00, s8;
	v0 =	vadd.f32 v4, v2;
	s19 =	sor.u32 $0x30, s6;
	v4 =	vld [tilespmem:s30+$0x12000]  }
0x1b0: {  	v2 =	vld [tilespmem:s30+$0x8000];
	s7 =	sor.u32 s19, s22  }
0x1b1: {  	s15 =	sor.u32 $0x10, s6;
	v9 =	vld [tilespmem:s7+$0x12000]  }
0x1b2: {  	s21 =	sor.u32 s15, s22;
	v1 =	vadd.f32 v3, v5;
	v3 =	vld [tilespmem:s7+$0x8000]  }
0x1b3: {  	s17 =	sor.u32 $0x20, s6;
	v11 =	vld [tilespmem:s21+$0x12000]  }
0x1b4: {  	s10 =	sor.u32 s17, s22;
	v53 =	vld [tilespmem:s21+$0x8000]  }
0x1b5: {  	s31 =	sadd.s32 $0x10, s4;
	v5 =	vld [tilespmem:s10+$0x12000]  }
0x1b6: {  	s9 =	sor.u32 $0x80, s31;
	[tilespmem:s26+$0x0] =	vst v0;
	v54 =	vld [tilespmem:s10+$0x8000]  }
0x1b7: {  	v0 =	vld [tilespmem:s9+$0x12000]  }
0x1b8: {  	s3 =	sadd.s32 $0x20, s4;
	s11 =	sor.u32 s6, s22;
	v8 =	vld [tilespmem:s9+$0x8000]  }
0x1b9: {  	s1 =	sor.u32 $0x80, s3;
	[tilespmem:s28+$0x0] =	vst v1;
	v6 =	vadd.f32 v7, v6;
	v7 =	vld [tilespmem:s11+$0x8000]  }
0x1ba: {  	v1 =	vld [tilespmem:s1+$0x12000];
	v14 =	vadd.f32 v3, v9  }
0x1bb: {  	s12 =	sor.u32 $0x9000, s22;
	v10 =	vld [tilespmem:s1+$0x8000];
	v2 =	vadd.f32 v2, v4  }
0x1bc: {  	s20 =	sor.u32 $0x9080, s18;
	s25 =	sor.u32 s19, s12;
	v3 =	vld [tilespmem:s11+$0x12000];
	[tilespmem:s7+$0x8000] =	vst v14  }
0x1bd: {  	s26 =	sor.u32 s14, s20;
	[tilespmem:s30+$0x8000] =	vst v2;
	v2 =	vadd.f32 v53, v11;
	v55 =	vld [tilespmem:s25+$0x0]  }
0x1be: {  	s4 =	sor.u32 $0x80, s4;
	[tilespmem:s2+$0x0] =	vst v6;
	v6 =	vld [tilespmem:s26+$0x0]  }
0x1bf: {  	s24 =	sor.u32 s15, s12;
	v13 =	vadd.f32 v54, v5;
	v57 =	vld [tilespmem:s4+$0x8000];
	[tilespmem:s21+$0x8000] =	vst v2  }
0x1c0: {  	v8 =	vadd.f32 v8, v0;
	v56 =	vld [tilespmem:s24+$0x0]  }
0x1c1: {  	s28 =	sor.u32 s17, s12;
	[tilespmem:s10+$0x8000] =	vst v13;
	v2 =	vld [tilespmem:s4+$0x12000];
	v7 =	vadd.f32 v7, v3  }
0x1c2: {  	s29 =	sor.u32 s5, s20;
	[tilespmem:s9+$0x8000] =	vst v8;
	v8 =	vld [tilespmem:s28+$0x0];
	v12 =	vadd.f32 v55, v9  }
0x1c3: {  	s31 =	sor.u32 $0xA000, s22;
	s30 =	sor.u32 s6, s12;
	v6 =	vadd.f32 v6, v4;
	[tilespmem:s11+$0x8000] =	vst v7;
	v7 =	vld [tilespmem:s29+$0x0]  }
0x1c4: {  	s12 =	sor.u32 $0xA080, s18;
	v10 =	vadd.f32 v10, v1;
	s21 =	sor.u32 s19, s31;
	v15 =	vld [tilespmem:s30+$0x0];
	[tilespmem:s25+$0x0] =	vst v12  }
0x1c5: {  	[tilespmem:s26+$0x0] =	vst v6;
	v6 =	vadd.f32 v56, v11;
	s25 =	sor.u32 s14, s12;
	v12 =	vld [tilespmem:s21+$0x0]  }
0x1c6: {  	[tilespmem:s1+$0x8000] =	vst v10;
	v13 =	vadd.f32 v57, v2;
	s26 =	sor.u32 s16, s20;
	v10 =	vld [tilespmem:s25+$0x0]  }
0x1c7: {  	s2 =	sor.u32 s15, s31;
	[tilespmem:s24+$0x0] =	vst v6;
	v6 =	vadd.f32 v8, v5;
	v8 =	vld [tilespmem:s26+$0x0]  }
0x1c8: {  	s20 =	sor.u32 s13, s20;
	[tilespmem:s4+$0x8000] =	vst v13;
	v58 =	vld [tilespmem:s2+$0x0];
	v7 =	vadd.f32 v7, v0  }
0x1c9: {  	s24 =	sor.u32 s17, s31;
	v59 =	vld [tilespmem:s20+$0x0];
	[tilespmem:s28+$0x0] =	vst v6;
	v6 =	vadd.f32 v15, v3  }
0x1ca: {  	s28 =	sor.u32 s5, s12;
	[tilespmem:s29+$0x0] =	vst v7;
	v7 =	vld [tilespmem:s24+$0x0];
	v12 =	vadd.f32 v12, v9  }
0x1cb: {  	s11 =	sor.u32 s6, s31;
	s29 =	sor.u32 $0xB000, s22;
	[tilespmem:s30+$0x0] =	vst v6;
	v6 =	vld [tilespmem:s28+$0x0];
	v10 =	vadd.f32 v10, v4  }
0x1cc: {  	s30 =	sor.u32 $0xB080, s18;
	s31 =	sor.u32 s19, s29;
	v60 =	vld [tilespmem:s11+$0x0];
	v8 =	vadd.f32 v8, v1;
	[tilespmem:s21+$0x0] =	vst v12  }
0x1cd: {  	[tilespmem:s25+$0x0] =	vst v10;
	s25 =	sor.u32 s14, s30;
	v10 =	vadd.f32 v58, v11;
	v12 =	vld [tilespmem:s31+$0x0]  }
0x1ce: {  	v14 =	vadd.f32 v59, v2;
	s21 =	sor.u32 s16, s12;
	[tilespmem:s26+$0x0] =	vst v8;
	v61 =	vld [tilespmem:s25+$0x0]  }
0x1cf: {  	p0 =	por !p0, !p0;
	s26 =	sor.u32 s15, s29;
	v7 =	vadd.f32 v7, v5;
	[tilespmem:s2+$0x0] =	vst v10;
	v10 =	vld [tilespmem:s21+$0x0];
	s2 =	simm.s32 $0x1  }
0x1d0: {  	[tilespmem:s20+$0x0] =	vst v14;
	s14 =	sor.u32 s13, s12;
	v6 =	vadd.f32 v6, v0;
	s2 =	simm.s32 @!p0 $0x0;
	v62 =	vld [tilespmem:s26+$0x0]  }
0x1d1: {  	v63 =	vld [tilespmem:s14+$0x0];
	[tilespmem:s24+$0x0] =	vst v7;
	s24 =	sor.u32 s17, s29;
	v7 =	vadd.f32 v60, v3;
	s2 =	sshll.u32 s2, $0x6  }
0x1d2: {  	s18 =	sor.u32 s5, s30;
	[tilespmem:s28+$0x0] =	vst v6;
	v16 =	vld [tilespmem:s24+$0x0];
	s28 =	sadd.s32 $0x80, s2;
	v6 =	vadd.f32 v12, v9  }
0x1d3: {  	s2 =	sor.u32 s6, s29;
	[tilespmem:s11+$0x0] =	vst v7;
	v7 =	vld [tilespmem:s18+$0x0];
	v4 =	vadd.f32 v61, v4;
	s29 =	sadd.s32 $0x30, s28  }
0x1d4: {  	v8 =	vld [tilespmem:s2+$0x0];
	s7 =	sor.u32 $0x80, s29;
	[tilespmem:s31+$0x0] =	vst v6;
	v6 =	vadd.f32 v10, v1  }
0x1d5: {  	s13 =	sor.u32 s13, s30;
	[tilespmem:s25+$0x0] =	vst v4;
	v10 =	vadd.f32 v62, v11;
	v4 =	vld [tilespmem:s7+$0x12000]  }
0x1d6: {  	s16 =	sor.u32 s16, s30;
	s30 =	sadd.s32 $0x10, s28;
	s31 =	sadd.s32 $0x20, s28;
	v9 =	vld [tilespmem:s7+$0x8000];
	[tilespmem:s21+$0x0] =	vst v6;
	v6 =	vadd.f32 v63, v2  }
0x1d7: {  	s5 =	sor.u32 $0x80, s28;
	s4 =	sor.u32 $0x80, s30;
	s3 =	sor.u32 $0x80, s31;
	[tilespmem:s26+$0x0] =	vst v10;
	v10 =	vadd.f32 v16, v5;
	v5 =	vld [tilespmem:s16+$0x0]  }
.LBB2_6:
0x1d8: {  	s23 =	sadd.s32 $0x40, s23;
	[tilespmem:s14+$0x0] =	vst v6;
	v6 =	vadd.f32 v7, v0;
	v0 =	vld [tilespmem:s4+$0x12000]  }
0x1d9: {  	s8 =	sadd.s32 $0x80, s8;
	s11 =	sand.u32 $0x40, s23;
	v3 =	vadd.f32 v8, v3;
	v8 =	vld [tilespmem:s4+$0x8000];
	[tilespmem:s24+$0x0] =	vst v10  }
0x1da: {  	s24 =	sand.u32 $0xF00, s8;
	s26 =	sor.u32 $0x10, s11;
	s1 =	sor.u32 $0x30, s11;
	v10 =	vld [tilespmem:s3+$0x12000];
	[tilespmem:s18+$0x0] =	vst v6  }
0x1db: {  	s28 =	sor.u32 $0x20, s11;
	s0 =	sor.u32 s26, s24;
	s9 =	sor.u32 s1, s24;
	[tilespmem:s2+$0x0] =	vst v3;
	v3 =	vld [tilespmem:s3+$0x8000];
	v6 =	vadd.f32 v9, v4  }
0x1dc: {  	s12 =	sor.u32 $0x9080, s22;
	s10 =	sor.u32 s11, s24;
	s18 =	sor.u32 s28, s24;
	v7 =	vld [tilespmem:s9+$0x12000];
	v11 =	vadd.f32 v5, v1  }
0x1dd: {  	s21 =	sor.u32 s17, s12;
	s14 =	sor.u32 s19, s12;
	s2 =	sor.u32 s15, s12;
	v9 =	vld [tilespmem:s9+$0x8000];
	[tilespmem:s7+$0x8000] =	vst v6  }
0x1de: {  	p1 =	slt.u32 s23, $0x7C0;
	s7 =	sor.u32 s6, s12;
	v5 =	vadd.f32 v8, v0;
	v8 =	vld [tilespmem:s14+$0x0];
	[tilespmem:s16+$0x0] =	vst v11  }
0x1df: {  	v6 =	vld [tilespmem:s0+$0x12000];
	v1 =	vmov v10  }
0x1e0: {  	v10 =	vld [tilespmem:s0+$0x8000];
	[tilespmem:s4+$0x8000] =	vst v5;
	v3 =	vadd.f32 v3, v1  }
0x1e1: {  	v5 =	vld [tilespmem:s18+$0x12000]  }
0x1e2: {  	v11 =	vld [tilespmem:s18+$0x8000];
	v9 =	vadd.f32 v9, v7;
	[tilespmem:s3+$0x8000] =	vst v3  }
0x1e3: {  	s3 =	sor.u32 $0x9000, s24;
	v3 =	vld [tilespmem:s10+$0x12000];
	v8 =	vadd.f32 v8, v4  }
0x1e4: {  	s25 =	sor.u32 s26, s3;
	s4 =	sor.u32 s1, s3;
	v12 =	vld [tilespmem:s10+$0x8000];
	[tilespmem:s9+$0x8000] =	vst v9;
	s9 =	sor.u32 $0xA080, s22  }
0x1e5: {  	s12 =	sor.u32 s11, s3;
	s29 =	sor.u32 s28, s3;
	v9 =	vadd.f32 v10, v6;
	v10 =	vld [tilespmem:s4+$0x0];
	[tilespmem:s14+$0x0] =	vst v8;
	s16 =	sor.u32 s19, s9  }
0x1e6: {  	s14 =	sor.u32 s6, s9;
	s3 =	sor.u32 s15, s9;
	s9 =	sor.u32 s17, s9;
	v8 =	vld [tilespmem:s16+$0x0]  }
0x1e7: {  	[tilespmem:s0+$0x8000] =	vst v9;
	v9 =	vadd.f32 v11, v5;
	v11 =	vld [tilespmem:s5+$0x12000]  }
0x1e8: {  	v13 =	vld [tilespmem:s25+$0x0]  }
0x1e9: {  	v12 =	vadd.f32 v12, v3;
	[tilespmem:s18+$0x8000] =	vst v9;
	v9 =	vld [tilespmem:s5+$0x8000]  }
0x1ea: {  	v14 =	vld [tilespmem:s29+$0x0];
	v10 =	vadd.f32 v10, v7  }
0x1eb: {  	s0 =	sor.u32 $0xA000, s24;
	[tilespmem:s10+$0x8000] =	vst v12;
	v12 =	vld [tilespmem:s2+$0x0];
	v8 =	vadd.f32 v8, v4  }
0x1ec: {  	s22 =	sor.u32 $0xB080, s22;
	s30 =	sor.u32 s26, s0;
	s31 =	sor.u32 s1, s0;
	v15 =	vld [tilespmem:s12+$0x0];
	[tilespmem:s4+$0x0] =	vst v10  }
0x1ed: {  	s20 =	sor.u32 s28, s0;
	s4 =	sor.u32 s11, s0;
	s0 =	sor.u32 s19, s22;
	v10 =	vadd.f32 v13, v6;
	v13 =	vld [tilespmem:s31+$0x0];
	[tilespmem:s16+$0x0] =	vst v8  }
0x1ee: {  	s18 =	sor.u32 s15, s22;
	s10 =	sor.u32 s6, s22;
	s16 =	sor.u32 s17, s22;
	v8 =	vadd.f32 v9, v11;
	v9 =	vld [tilespmem:s0+$0x0]  }
0x1ef: {  	s15 =	smov.u32 s26;
	s6 =	smov.u32 s11;
	s22 =	smov.u32 s24;
	[tilespmem:s25+$0x0] =	vst v10;
	v10 =	vadd.f32 v14, v5;
	v14 =	vld [tilespmem:s21+$0x0]  }
0x1f0: {  	s19 =	smov.u32 s1;
	s17 =	smov.u32 s28;
	v16 =	vld [tilespmem:s30+$0x0];
	[tilespmem:s5+$0x8000] =	vst v8;
	v8 =	vadd.f32 v12, v0  }
0x1f1: {  	v12 =	vadd.f32 v15, v3;
	[tilespmem:s29+$0x0] =	vst v10;
	v10 =	vld [tilespmem:s7+$0x0]  }
0x1f2: {  	v15 =	vld [tilespmem:s20+$0x0];
	v13 =	vadd.f32 v13, v7;
	[tilespmem:s2+$0x0] =	vst v8  }
0x1f3: {  	s1 =	sor.u32 $0xB000, s22;
	[tilespmem:s12+$0x0] =	vst v12;
	v8 =	vld [tilespmem:s3+$0x0];
	v4 =	vadd.f32 v9, v4  }
0x1f4: {  	s11 =	sor.u32 s15, s1;
	s24 =	sor.u32 s17, s1;
	s5 =	sor.u32 s19, s1;
	v9 =	vld [tilespmem:s4+$0x0];
	[tilespmem:s31+$0x0] =	vst v13;
	v12 =	vadd.f32 v14, v1  }
0x1f5: {  	s2 =	sor.u32 s6, s1;
	v13 =	vadd.f32 v16, v6;
	v14 =	vld [tilespmem:s5+$0x0];
	[tilespmem:s0+$0x0] =	vst v4  }
0x1f6: {  	p0 =	por !p0, !p0;
	s0 =	simm.s32 $0x1;
	v4 =	vadd.f32 v10, v11;
	[tilespmem:s21+$0x0] =	vst v12;
	v10 =	vld [tilespmem:s13+$0x0]  }
0x1f7: {  	s0 =	simm.s32 @!p0 $0x0;
	[tilespmem:s30+$0x0] =	vst v13;
	v12 =	vadd.f32 v15, v5;
	v13 =	vld [tilespmem:s9+$0x0]  }
0x1f8: {  	s0 =	sshll.u32 s0, $0x6;
	v15 =	vld [tilespmem:s11+$0x0];
	[tilespmem:s7+$0x0] =	vst v4;
	v4 =	vadd.f32 v8, v0  }
0x1f9: {  	s0 =	sadd.s32 s0, s8;
	v8 =	vadd.f32 v9, v3;
	[tilespmem:s20+$0x0] =	vst v12;
	v12 =	vld [tilespmem:s14+$0x0]  }
0x1fa: {  	s1 =	sadd.s32 $0x10, s0;
	v16 =	vld [tilespmem:s24+$0x0];
	v9 =	vadd.f32 v14, v7;
	[tilespmem:s3+$0x0] =	vst v4  }
.Ltmp2:
0x1fb: {  	s7 =	sadd.s32 $0x30, s0;
	s3 =	sadd.s32 $0x20, s0;
	[tilespmem:s4+$0x0] =	vst v8;
	v7 =	vld [tilespmem:s18+$0x0];
	v10 =	vadd.f32 v10, v2;
	(pc) =	sbr.rel @p1 .LBB2_6-.Ltmp2, $4  }
0x1fc: {  	s7 =	sor.u32 $0x80, s7;
	s4 =	sor.u32 $0x80, s1;
	s3 =	sor.u32 $0x80, s3;
	v2 =	vmov v11;
	v8 =	vld [tilespmem:s2+$0x0];
	[tilespmem:s5+$0x0] =	vst v9;
	v13 =	vadd.f32 v13, v1  }
0x1fd: {  	s5 =	sor.u32 $0x80, s0;
	v11 =	vadd.f32 v15, v6;
	v4 =	vld [tilespmem:s7+$0x12000];
	[tilespmem:s13+$0x0] =	vst v10;
	s13 =	smov.u32 s10  }
0x1fe: {  	v9 =	vld [tilespmem:s7+$0x8000];
	v6 =	vadd.f32 v12, v2;
	[tilespmem:s9+$0x0] =	vst v13  }
0x1ff: {  	[tilespmem:s11+$0x0] =	vst v11;
	v10 =	vadd.f32 v16, v5;
	v5 =	vld [tilespmem:s16+$0x0]  }
0x200: {  	v11 =	vld [tilespmem:s4+$0x12000]  }
0x201: {  	v3 =	vadd.f32 v8, v3;
	v8 =	vld [tilespmem:s4+$0x8000];
	[tilespmem:s24+$0x0] =	vst v10  }
0x202: {  	v10 =	vld [tilespmem:s3+$0x12000]  }
0x203: {  	[tilespmem:s2+$0x0] =	vst v3;
	v3 =	vld [tilespmem:s3+$0x8000]  }
0x204: {  	v12 =	vld [tilespmem:s5+$0x12000]  }
0x205: {  	v13 =	vld [tilespmem:s5+$0x8000]  }
0x206: {  	v9 =	vadd.f32 v9, v4  }
0x207: {  	s0 =	sor.u32 $0x9080, s22  }
0x208: {  	s1 =	sor.u32 s19, s0;
	[tilespmem:s7+$0x8000] =	vst v9;
	v8 =	vadd.f32 v8, v11  }
0x209: {  	v9 =	vld [tilespmem:s1+$0x0];
	v3 =	vadd.f32 v3, v10  }
0x20a: {  	s25 =	sor.u32 s15, s0;
	[tilespmem:s4+$0x8000] =	vst v8;
	v8 =	vadd.f32 v13, v12  }
0x20b: {  	s26 =	sor.u32 s17, s0;
	[tilespmem:s3+$0x8000] =	vst v3;
	v3 =	vld [tilespmem:s25+$0x0]  }
0x20c: {  	s0 =	sor.u32 s6, s0;
	v51 =	vld [tilespmem:s26+$0x0];
	[tilespmem:s5+$0x8000] =	vst v8  }
0x20d: {  	v8 =	vld [tilespmem:s0+$0x0]  }
0x20e: {  	v9 =	vadd.f32 v9, v4  }
0x20f: {  	s28 =	sor.u32 $0xA080, s22  }
0x210: {  	s29 =	sor.u32 s19, s28;
	[tilespmem:s1+$0x0] =	vst v9;
	v3 =	vadd.f32 v3, v11  }
0x211: {  	v9 =	vld [tilespmem:s29+$0x0];
	v13 =	vadd.f32 v51, v10  }
0x212: {  	s30 =	sor.u32 s15, s28;
	[tilespmem:s25+$0x0] =	vst v3;
	v3 =	vadd.f32 v8, v12  }
0x213: {  	s31 =	sor.u32 s17, s28;
	v8 =	vld [tilespmem:s30+$0x0];
	[tilespmem:s26+$0x0] =	vst v13  }
0x214: {  	s3 =	sor.u32 s6, s28;
	v13 =	vld [tilespmem:s31+$0x0];
	[tilespmem:s0+$0x0] =	vst v3  }
0x215: {  	v3 =	vld [tilespmem:s3+$0x0]  }
0x216: {  	v9 =	vadd.f32 v9, v4  }
0x217: {  	s7 =	sor.u32 $0xB080, s22  }
0x218: {  	s8 =	sor.u32 s19, s7;
	[tilespmem:s29+$0x0] =	vst v9;
	v8 =	vadd.f32 v8, v11  }
0x219: {  	[tilespmem:s14+$0x0] =	vst v6;
	v6 =	vld [tilespmem:s8+$0x0];
	v9 =	vadd.f32 v13, v10  }
0x21a: {  	v52 =	vld [tilespmem:s13+$0x0];
	s9 =	sor.u32 s15, s7;
	[tilespmem:s30+$0x0] =	vst v8;
	v3 =	vadd.f32 v3, v12  }
0x21b: {  	s10 =	sor.u32 s17, s7;
	v8 =	vld [tilespmem:s9+$0x0];
	[tilespmem:s31+$0x0] =	vst v9  }
0x21c: {  	v0 =	vadd.f32 v7, v0;
	s0 =	sor.u32 s6, s7;
	v7 =	vld [tilespmem:s10+$0x0];
	[tilespmem:s3+$0x0] =	vst v3  }
0x21d: {  	v1 =	vadd.f32 v5, v1;
	v3 =	vld [tilespmem:s0+$0x0]  }
0x21e: {  	[tilespmem:s18+$0x0] =	vst v0;
	v0 =	vadd.f32 v6, v4  }
0x21f: {  	[tilespmem:s16+$0x0] =	vst v1;
	v1 =	vadd.f32 v52, v2  }
0x220: {  	[tilespmem:s8+$0x0] =	vst v0;
	v0 =	vadd.f32 v8, v11  }
0x221: {  	[tilespmem:s13+$0x0] =	vst v1;
	v1 =	vadd.f32 v7, v10  }
0x222: {  	[tilespmem:s9+$0x0] =	vst v0;
	v0 =	vadd.f32 v3, v12  }
0x223: {  	[tilespmem:s10+$0x0] =	vst v1  }
0x224: {  	s11 =	simm.s32 $0x100;
	[tilespmem:s0+$0x0] =	vst v0  }
0x225: {  	s12 =	simm.s32 $0x400;
	s13 =	simm.s32 $0x8000;
	s1 =	rddreg [dreg:$0x10]  }
0x226: {  	[hbm4b:s1+s11] =	stream.strided.scatter [tilespmem:s13], [sflag:$0x7], $0x1000, s12, s11, $0x38;
	[tilespmem:$0x14000] =	vst v63  }
0x227: {  	s15 =	simm.s32 $0x9000;
	s14 =	sadd.s32 $0x100000, s1  }
0x228: {  	[hbm4b:s14+s11] =	stream.strided.scatter [tilespmem:s15], [sflag:$0x7], $0x1000, s12, s11, $0x38;
	[tilespmem:$0x14000] =	vst v63  }
0x229: {  	s17 =	simm.s32 $0xA000;
	s16 =	sadd.s32 $0x200000, s1  }
0x22a: {  	[hbm4b:s16+s11] =	stream.strided.scatter [tilespmem:s17], [sflag:$0x7], $0x1000, s12, s11, $0x38;
	[tilespmem:$0x14000] =	vst v63  }
0x22b: {  	s20 =	simm.s32 $0x5;
	s19 =	simm.s32 $0xB000;
	s18 =	sadd.s32 $0x300000, s1  }
0x22c: {  	[hbm4b:s18+s11] =	stream.strided.scatter [tilespmem:s19], [sflag:$0x7], $0x1000, s12, s11, $0x38;
	[tilespmem:$0x14000] =	vst v63  }
0x22d: {  	_ =	swait.ge [sflag:s20], $0x4000  }
0x22e: {  	[sflag:s20] =	ssyncset.done $0x0  }
0x22f: {  	s22 =	simm.s32 $0x10000;
	s21 =	rddreg [dreg:$0x11];
	[sflag:s20] =	ssyncadd.s32 $0xFFFFC000  }
0x230: {  	[tilespmem:s22], [sflag:$0x1] =	stream.strided.gather [hbm4b:s21+s11], $0x1000, s12, s11, $0x38;
	[tilespmem:$0x14000] =	vst v63  }
0x231: {  	s23 =	simm.s32 $0x0;
	s24 =	rddreg [dreg:$0x12]  }
0x232: {  	[tilespmem:s23], [sflag:$0x1] =	stream.strided.gather [hbm4b:s24+s11], $0x1000, s12, s11, $0x38;
	[tilespmem:$0x14000] =	vst v63  }
0x233: {  	s26 =	simm.s32 $0x1000;
	s25 =	sadd.s32 $0x100000, s24  }
0x234: {  	[tilespmem:s26], [sflag:$0x1] =	stream.strided.gather [hbm4b:s25+s11], $0x1000, s12, s11, $0x38;
	[tilespmem:$0x14000] =	vst v63  }
0x235: {  	s29 =	simm.s32 $0x2000;
	s28 =	sadd.s32 $0x200000, s24  }
0x236: {  	[tilespmem:s29], [sflag:$0x1] =	stream.strided.gather [hbm4b:s28+s11], $0x1000, s12, s11, $0x38;
	[tilespmem:$0x14000] =	vst v63  }
0x237: {  	s5 =	simm.s32 $0x4;
	s31 =	simm.s32 $0x3000;
	s30 =	sadd.s32 $0x300000, s24  }
0x238: {  	[tilespmem:s31], [sflag:$0x1] =	stream.strided.gather [hbm4b:s30+s11], $0x1000, s12, s11, $0x38;
	[tilespmem:$0x14000] =	vst v63  }
0x239: {  	_ =	swait.ge [sflag:s5], $0x4000  }
0x23a: {  	[sflag:s5] =	ssyncset.done $0x0  }
0x23b: {  	s6 =	simm.s32 $0x0;
	[sflag:s5] =	ssyncadd.s32 $0xFFFFC000  }
0x23c: {  	s13 =	sand.u32 $0x40, s6;
	_ =	swait.ge [sflag:s5], $0x1000  }
0x23d: {  	s14 =	sor.u32 $0x30, s13;
	s18 =	sand.u32 $0xF00, s23;
	[sflag:s5] =	ssyncset.done $0x0  }
0x23e: {  	s0 =	sor.u32 s14, s18;
	[sflag:s5] =	ssyncadd.s32 $0xFFFFF000  }
0x23f: {  	v0 =	vld [tilespmem:s0+$0x13000]  }
0x240: {  	s5 =	sor.u32 $0x10, s13;
	v1 =	vld [tilespmem:s0+$0xC000]  }
0x241: {  	s7 =	sor.u32 s5, s18  }
0x242: {  	s16 =	sor.u32 $0x20, s13;
	v2 =	vld [tilespmem:s7+$0x13000]  }
0x243: {  	s8 =	sor.u32 s16, s18;
	v3 =	vld [tilespmem:s7+$0xC000]  }
0x244: {  	v5 =	vld [tilespmem:s8+$0x13000]  }
0x245: {  	s9 =	sor.u32 s13, s18;
	v4 =	vld [tilespmem:s8+$0xC000];
	v1 =	vadd.f32 v1, v0  }
0x246: {  	s10 =	sor.u32 $0xD000, s18;
	v6 =	vld [tilespmem:s9+$0x13000]  }
0x247: {  	s11 =	sor.u32 s14, s10;
	v7 =	vld [tilespmem:s9+$0xC000];
	[tilespmem:s0+$0xC000] =	vst v1  }
0x248: {  	v1 =	vadd.f32 v3, v2;
	v3 =	vld [tilespmem:s11+$0x0];
	_ =	sdelay $0x1  }
0x249: {  	s12 =	sor.u32 s5, s10;
	[tilespmem:s7+$0xC000] =	vst v1;
	v1 =	vadd.f32 v4, v5  }
0x24a: {  	v4 =	vld [tilespmem:s12+$0x0]  }
0x24b: {  	[tilespmem:s8+$0xC000] =	vst v1;
	v1 =	vadd.f32 v7, v6  }
0x24c: {  	s15 =	sor.u32 s16, s10;
	v3 =	vadd.f32 v3, v0  }
0x24d: {  	s19 =	sor.u32 $0xE000, s18;
	s17 =	sor.u32 s13, s10;
	v7 =	vld [tilespmem:s15+$0x0];
	[tilespmem:s9+$0xC000] =	vst v1  }
0x24e: {  	s20 =	sor.u32 s14, s19;
	v1 =	vld [tilespmem:s17+$0x0];
	[tilespmem:s11+$0x0] =	vst v3  }
0x24f: {  	v3 =	vadd.f32 v4, v2;
	v4 =	vld [tilespmem:s20+$0x0];
	_ =	sdelay $0x1  }
0x250: {  	s21 =	sor.u32 s5, s19;
	[tilespmem:s12+$0x0] =	vst v3  }
0x251: {  	v3 =	vadd.f32 v7, v5;
	v7 =	vld [tilespmem:s21+$0x0]  }
0x252: {  	v1 =	vadd.f32 v1, v6  }
0x253: {  	s22 =	sor.u32 s16, s19;
	[tilespmem:s15+$0x0] =	vst v3;
	v4 =	vadd.f32 v4, v0  }
0x254: {  	s23 =	sor.u32 s13, s19;
	s24 =	sor.u32 $0xF000, s18;
	v3 =	vld [tilespmem:s22+$0x0];
	[tilespmem:s17+$0x0] =	vst v1  }
0x255: {  	s25 =	sor.u32 s14, s24;
	v1 =	vld [tilespmem:s23+$0x0];
	[tilespmem:s20+$0x0] =	vst v4  }
0x256: {  	v4 =	vadd.f32 v7, v2;
	v7 =	vld [tilespmem:s25+$0x0];
	_ =	sdelay $0x1  }
0x257: {  	p0 =	por $0x0, $0x0;
	s4 =	simm.s32 $0x1;
	s26 =	sor.u32 s5, s24;
	[tilespmem:s21+$0x0] =	vst v4  }
0x258: {  	s4 =	simm.s32 @!p0 $0x0;
	v3 =	vadd.f32 v3, v5;
	v4 =	vld [tilespmem:s26+$0x0]  }
0x259: {  	s4 =	sshll.u32 s4, $0x6;
	v1 =	vadd.f32 v1, v6  }
0x25a: {  	s4 =	sadd.s32 $0x0, s4;
	s28 =	sor.u32 s16, s24;
	[tilespmem:s22+$0x0] =	vst v3;
	v0 =	vadd.f32 v7, v0  }
0x25b: {  	s2 =	sor.u32 s13, s24;
	s29 =	sadd.s32 $0x30, s4;
	v3 =	vld [tilespmem:s28+$0x0];
	[tilespmem:s23+$0x0] =	vst v1;
	s23 =	simm.s32 $0x40  }
0x25c: {  	s30 =	sor.u32 $0x80, s29;
	s8 =	simm.s32 $0x80;
	v7 =	vld [tilespmem:s2+$0x0];
	s6 =	sand.u32 $0x40, s23;
	[tilespmem:s25+$0x0] =	vst v0  }
0x25d: {  	s22 =	sand.u32 $0xF00, s8;
	v0 =	vadd.f32 v4, v2;
	s19 =	sor.u32 $0x30, s6;
	v4 =	vld [tilespmem:s30+$0x13000]  }
0x25e: {  	v2 =	vld [tilespmem:s30+$0xC000];
	s7 =	sor.u32 s19, s22  }
0x25f: {  	s15 =	sor.u32 $0x10, s6;
	v9 =	vld [tilespmem:s7+$0x13000]  }
0x260: {  	s21 =	sor.u32 s15, s22;
	v1 =	vadd.f32 v3, v5;
	v3 =	vld [tilespmem:s7+$0xC000]  }
0x261: {  	s17 =	sor.u32 $0x20, s6;
	v11 =	vld [tilespmem:s21+$0x13000]  }
0x262: {  	s10 =	sor.u32 s17, s22;
	v53 =	vld [tilespmem:s21+$0xC000]  }
0x263: {  	s31 =	sadd.s32 $0x10, s4;
	v5 =	vld [tilespmem:s10+$0x13000]  }
0x264: {  	s9 =	sor.u32 $0x80, s31;
	[tilespmem:s26+$0x0] =	vst v0;
	v54 =	vld [tilespmem:s10+$0xC000]  }
0x265: {  	v0 =	vld [tilespmem:s9+$0x13000]  }
0x266: {  	s3 =	sadd.s32 $0x20, s4;
	s11 =	sor.u32 s6, s22;
	v8 =	vld [tilespmem:s9+$0xC000]  }
0x267: {  	s1 =	sor.u32 $0x80, s3;
	[tilespmem:s28+$0x0] =	vst v1;
	v6 =	vadd.f32 v7, v6;
	v7 =	vld [tilespmem:s11+$0xC000]  }
0x268: {  	v1 =	vld [tilespmem:s1+$0x13000];
	v14 =	vadd.f32 v3, v9  }
0x269: {  	s12 =	sor.u32 $0xD000, s22;
	v10 =	vld [tilespmem:s1+$0xC000];
	v2 =	vadd.f32 v2, v4  }
0x26a: {  	s20 =	sor.u32 $0xD080, s18;
	s25 =	sor.u32 s19, s12;
	v3 =	vld [tilespmem:s11+$0x13000];
	[tilespmem:s7+$0xC000] =	vst v14  }
0x26b: {  	s26 =	sor.u32 s14, s20;
	[tilespmem:s30+$0xC000] =	vst v2;
	v2 =	vadd.f32 v53, v11;
	v55 =	vld [tilespmem:s25+$0x0]  }
0x26c: {  	s4 =	sor.u32 $0x80, s4;
	[tilespmem:s2+$0x0] =	vst v6;
	v6 =	vld [tilespmem:s26+$0x0]  }
0x26d: {  	s24 =	sor.u32 s15, s12;
	v13 =	vadd.f32 v54, v5;
	v57 =	vld [tilespmem:s4+$0xC000];
	[tilespmem:s21+$0xC000] =	vst v2  }
0x26e: {  	v8 =	vadd.f32 v8, v0;
	v56 =	vld [tilespmem:s24+$0x0]  }
0x26f: {  	s28 =	sor.u32 s17, s12;
	[tilespmem:s10+$0xC000] =	vst v13;
	v2 =	vld [tilespmem:s4+$0x13000];
	v7 =	vadd.f32 v7, v3  }
0x270: {  	s29 =	sor.u32 s5, s20;
	[tilespmem:s9+$0xC000] =	vst v8;
	v8 =	vld [tilespmem:s28+$0x0];
	v12 =	vadd.f32 v55, v9  }
0x271: {  	s31 =	sor.u32 $0xE000, s22;
	s30 =	sor.u32 s6, s12;
	v6 =	vadd.f32 v6, v4;
	[tilespmem:s11+$0xC000] =	vst v7;
	v7 =	vld [tilespmem:s29+$0x0]  }
0x272: {  	s12 =	sor.u32 $0xE080, s18;
	v10 =	vadd.f32 v10, v1;
	s21 =	sor.u32 s19, s31;
	v15 =	vld [tilespmem:s30+$0x0];
	[tilespmem:s25+$0x0] =	vst v12  }
0x273: {  	[tilespmem:s26+$0x0] =	vst v6;
	v6 =	vadd.f32 v56, v11;
	s25 =	sor.u32 s14, s12;
	v12 =	vld [tilespmem:s21+$0x0]  }
0x274: {  	[tilespmem:s1+$0xC000] =	vst v10;
	v13 =	vadd.f32 v57, v2;
	s26 =	sor.u32 s16, s20;
	v10 =	vld [tilespmem:s25+$0x0]  }
0x275: {  	s2 =	sor.u32 s15, s31;
	[tilespmem:s24+$0x0] =	vst v6;
	v6 =	vadd.f32 v8, v5;
	v8 =	vld [tilespmem:s26+$0x0]  }
0x276: {  	s20 =	sor.u32 s13, s20;
	[tilespmem:s4+$0xC000] =	vst v13;
	v58 =	vld [tilespmem:s2+$0x0];
	v7 =	vadd.f32 v7, v0  }
0x277: {  	s24 =	sor.u32 s17, s31;
	v59 =	vld [tilespmem:s20+$0x0];
	[tilespmem:s28+$0x0] =	vst v6;
	v6 =	vadd.f32 v15, v3  }
0x278: {  	s28 =	sor.u32 s5, s12;
	[tilespmem:s29+$0x0] =	vst v7;
	v7 =	vld [tilespmem:s24+$0x0];
	v12 =	vadd.f32 v12, v9  }
0x279: {  	s11 =	sor.u32 s6, s31;
	s29 =	sor.u32 $0xF000, s22;
	[tilespmem:s30+$0x0] =	vst v6;
	v6 =	vld [tilespmem:s28+$0x0];
	v10 =	vadd.f32 v10, v4  }
0x27a: {  	s30 =	sor.u32 $0xF080, s18;
	s31 =	sor.u32 s19, s29;
	v60 =	vld [tilespmem:s11+$0x0];
	v8 =	vadd.f32 v8, v1;
	[tilespmem:s21+$0x0] =	vst v12  }
0x27b: {  	[tilespmem:s25+$0x0] =	vst v10;
	s25 =	sor.u32 s14, s30;
	v10 =	vadd.f32 v58, v11;
	v12 =	vld [tilespmem:s31+$0x0]  }
0x27c: {  	v14 =	vadd.f32 v59, v2;
	s21 =	sor.u32 s16, s12;
	[tilespmem:s26+$0x0] =	vst v8;
	v61 =	vld [tilespmem:s25+$0x0]  }
0x27d: {  	p0 =	por !p0, !p0;
	s26 =	sor.u32 s15, s29;
	v7 =	vadd.f32 v7, v5;
	[tilespmem:s2+$0x0] =	vst v10;
	v10 =	vld [tilespmem:s21+$0x0];
	s2 =	simm.s32 $0x1  }
0x27e: {  	[tilespmem:s20+$0x0] =	vst v14;
	s14 =	sor.u32 s13, s12;
	v6 =	vadd.f32 v6, v0;
	s2 =	simm.s32 @!p0 $0x0;
	v62 =	vld [tilespmem:s26+$0x0]  }
0x27f: {  	v63 =	vld [tilespmem:s14+$0x0];
	[tilespmem:s24+$0x0] =	vst v7;
	s24 =	sor.u32 s17, s29;
	v7 =	vadd.f32 v60, v3;
	s2 =	sshll.u32 s2, $0x6  }
0x280: {  	s18 =	sor.u32 s5, s30;
	[tilespmem:s28+$0x0] =	vst v6;
	v16 =	vld [tilespmem:s24+$0x0];
	s28 =	sadd.s32 $0x80, s2;
	v6 =	vadd.f32 v12, v9  }
0x281: {  	s2 =	sor.u32 s6, s29;
	[tilespmem:s11+$0x0] =	vst v7;
	v7 =	vld [tilespmem:s18+$0x0];
	v4 =	vadd.f32 v61, v4;
	s29 =	sadd.s32 $0x30, s28  }
0x282: {  	v8 =	vld [tilespmem:s2+$0x0];
	s7 =	sor.u32 $0x80, s29;
	[tilespmem:s31+$0x0] =	vst v6;
	v6 =	vadd.f32 v10, v1  }
0x283: {  	s13 =	sor.u32 s13, s30;
	[tilespmem:s25+$0x0] =	vst v4;
	v10 =	vadd.f32 v62, v11;
	v4 =	vld [tilespmem:s7+$0x13000]  }
0x284: {  	s16 =	sor.u32 s16, s30;
	s30 =	sadd.s32 $0x10, s28;
	s31 =	sadd.s32 $0x20, s28;
	v9 =	vld [tilespmem:s7+$0xC000];
	[tilespmem:s21+$0x0] =	vst v6;
	v6 =	vadd.f32 v63, v2  }
0x285: {  	s5 =	sor.u32 $0x80, s28;
	s4 =	sor.u32 $0x80, s30;
	s3 =	sor.u32 $0x80, s31;
	[tilespmem:s26+$0x0] =	vst v10;
	v10 =	vadd.f32 v16, v5;
	v5 =	vld [tilespmem:s16+$0x0]  }
.LBB2_8:
0x286: {  	s23 =	sadd.s32 $0x40, s23;
	[tilespmem:s14+$0x0] =	vst v6;
	v6 =	vadd.f32 v7, v0;
	v0 =	vld [tilespmem:s4+$0x13000]  }
0x287: {  	s8 =	sadd.s32 $0x80, s8;
	s11 =	sand.u32 $0x40, s23;
	v3 =	vadd.f32 v8, v3;
	v8 =	vld [tilespmem:s4+$0xC000];
	[tilespmem:s24+$0x0] =	vst v10  }
0x288: {  	s24 =	sand.u32 $0xF00, s8;
	s26 =	sor.u32 $0x10, s11;
	s1 =	sor.u32 $0x30, s11;
	v10 =	vld [tilespmem:s3+$0x13000];
	[tilespmem:s18+$0x0] =	vst v6  }
0x289: {  	s28 =	sor.u32 $0x20, s11;
	s0 =	sor.u32 s26, s24;
	s9 =	sor.u32 s1, s24;
	[tilespmem:s2+$0x0] =	vst v3;
	v3 =	vld [tilespmem:s3+$0xC000];
	v6 =	vadd.f32 v9, v4  }
0x28a: {  	s12 =	sor.u32 $0xD080, s22;
	s10 =	sor.u32 s11, s24;
	s18 =	sor.u32 s28, s24;
	v7 =	vld [tilespmem:s9+$0x13000];
	v11 =	vadd.f32 v5, v1  }
0x28b: {  	s21 =	sor.u32 s17, s12;
	s14 =	sor.u32 s19, s12;
	s2 =	sor.u32 s15, s12;
	v9 =	vld [tilespmem:s9+$0xC000];
	[tilespmem:s7+$0xC000] =	vst v6  }
0x28c: {  	p1 =	slt.u32 s23, $0x7C0;
	s7 =	sor.u32 s6, s12;
	v5 =	vadd.f32 v8, v0;
	v8 =	vld [tilespmem:s14+$0x0];
	[tilespmem:s16+$0x0] =	vst v11  }
0x28d: {  	v6 =	vld [tilespmem:s0+$0x13000];
	v1 =	vmov v10  }
0x28e: {  	v10 =	vld [tilespmem:s0+$0xC000];
	[tilespmem:s4+$0xC000] =	vst v5;
	v3 =	vadd.f32 v3, v1  }
0x28f: {  	v5 =	vld [tilespmem:s18+$0x13000]  }
0x290: {  	v11 =	vld [tilespmem:s18+$0xC000];
	v9 =	vadd.f32 v9, v7;
	[tilespmem:s3+$0xC000] =	vst v3  }
0x291: {  	s3 =	sor.u32 $0xD000, s24;
	v3 =	vld [tilespmem:s10+$0x13000];
	v8 =	vadd.f32 v8, v4  }
0x292: {  	s25 =	sor.u32 s26, s3;
	s4 =	sor.u32 s1, s3;
	v12 =	vld [tilespmem:s10+$0xC000];
	[tilespmem:s9+$0xC000] =	vst v9;
	s9 =	sor.u32 $0xE080, s22  }
0x293: {  	s12 =	sor.u32 s11, s3;
	s29 =	sor.u32 s28, s3;
	v9 =	vadd.f32 v10, v6;
	v10 =	vld [tilespmem:s4+$0x0];
	[tilespmem:s14+$0x0] =	vst v8;
	s16 =	sor.u32 s19, s9  }
0x294: {  	s14 =	sor.u32 s6, s9;
	s3 =	sor.u32 s15, s9;
	s9 =	sor.u32 s17, s9;
	v8 =	vld [tilespmem:s16+$0x0]  }
0x295: {  	[tilespmem:s0+$0xC000] =	vst v9;
	v9 =	vadd.f32 v11, v5;
	v11 =	vld [tilespmem:s5+$0x13000]  }
0x296: {  	v13 =	vld [tilespmem:s25+$0x0]  }
0x297: {  	v12 =	vadd.f32 v12, v3;
	[tilespmem:s18+$0xC000] =	vst v9;
	v9 =	vld [tilespmem:s5+$0xC000]  }
0x298: {  	v14 =	vld [tilespmem:s29+$0x0];
	v10 =	vadd.f32 v10, v7  }
0x299: {  	s0 =	sor.u32 $0xE000, s24;
	[tilespmem:s10+$0xC000] =	vst v12;
	v12 =	vld [tilespmem:s2+$0x0];
	v8 =	vadd.f32 v8, v4  }
0x29a: {  	s22 =	sor.u32 $0xF080, s22;
	s30 =	sor.u32 s26, s0;
	s31 =	sor.u32 s1, s0;
	v15 =	vld [tilespmem:s12+$0x0];
	[tilespmem:s4+$0x0] =	vst v10  }
0x29b: {  	s20 =	sor.u32 s28, s0;
	s4 =	sor.u32 s11, s0;
	s0 =	sor.u32 s19, s22;
	v10 =	vadd.f32 v13, v6;
	v13 =	vld [tilespmem:s31+$0x0];
	[tilespmem:s16+$0x0] =	vst v8  }
0x29c: {  	s18 =	sor.u32 s15, s22;
	s10 =	sor.u32 s6, s22;
	s16 =	sor.u32 s17, s22;
	v8 =	vadd.f32 v9, v11;
	v9 =	vld [tilespmem:s0+$0x0]  }
0x29d: {  	s15 =	smov.u32 s26;
	s6 =	smov.u32 s11;
	s22 =	smov.u32 s24;
	[tilespmem:s25+$0x0] =	vst v10;
	v10 =	vadd.f32 v14, v5;
	v14 =	vld [tilespmem:s21+$0x0]  }
0x29e: {  	s19 =	smov.u32 s1;
	s17 =	smov.u32 s28;
	v16 =	vld [tilespmem:s30+$0x0];
	[tilespmem:s5+$0xC000] =	vst v8;
	v8 =	vadd.f32 v12, v0  }
0x29f: {  	v12 =	vadd.f32 v15, v3;
	[tilespmem:s29+$0x0] =	vst v10;
	v10 =	vld [tilespmem:s7+$0x0]  }
0x2a0: {  	v15 =	vld [tilespmem:s20+$0x0];
	v13 =	vadd.f32 v13, v7;
	[tilespmem:s2+$0x0] =	vst v8  }
0x2a1: {  	s1 =	sor.u32 $0xF000, s22;
	[tilespmem:s12+$0x0] =	vst v12;
	v8 =	vld [tilespmem:s3+$0x0];
	v4 =	vadd.f32 v9, v4  }
0x2a2: {  	s11 =	sor.u32 s15, s1;
	s24 =	sor.u32 s17, s1;
	s5 =	sor.u32 s19, s1;
	v9 =	vld [tilespmem:s4+$0x0];
	[tilespmem:s31+$0x0] =	vst v13;
	v12 =	vadd.f32 v14, v1  }
0x2a3: {  	s2 =	sor.u32 s6, s1;
	v13 =	vadd.f32 v16, v6;
	v14 =	vld [tilespmem:s5+$0x0];
	[tilespmem:s0+$0x0] =	vst v4  }
0x2a4: {  	p0 =	por !p0, !p0;
	s0 =	simm.s32 $0x1;
	v4 =	vadd.f32 v10, v11;
	[tilespmem:s21+$0x0] =	vst v12;
	v10 =	vld [tilespmem:s13+$0x0]  }
0x2a5: {  	s0 =	simm.s32 @!p0 $0x0;
	[tilespmem:s30+$0x0] =	vst v13;
	v12 =	vadd.f32 v15, v5;
	v13 =	vld [tilespmem:s9+$0x0]  }
0x2a6: {  	s0 =	sshll.u32 s0, $0x6;
	v15 =	vld [tilespmem:s11+$0x0];
	[tilespmem:s7+$0x0] =	vst v4;
	v4 =	vadd.f32 v8, v0  }
0x2a7: {  	s0 =	sadd.s32 s0, s8;
	v8 =	vadd.f32 v9, v3;
	[tilespmem:s20+$0x0] =	vst v12;
	v12 =	vld [tilespmem:s14+$0x0]  }
0x2a8: {  	s1 =	sadd.s32 $0x10, s0;
	v16 =	vld [tilespmem:s24+$0x0];
	v9 =	vadd.f32 v14, v7;
	[tilespmem:s3+$0x0] =	vst v4  }
.Ltmp3:
0x2a9: {  	s7 =	sadd.s32 $0x30, s0;
	s3 =	sadd.s32 $0x20, s0;
	[tilespmem:s4+$0x0] =	vst v8;
	v7 =	vld [tilespmem:s18+$0x0];
	v10 =	vadd.f32 v10, v2;
	(pc) =	sbr.rel @p1 .LBB2_8-.Ltmp3, $4  }
0x2aa: {  	s7 =	sor.u32 $0x80, s7;
	s4 =	sor.u32 $0x80, s1;
	s3 =	sor.u32 $0x80, s3;
	v2 =	vmov v11;
	v8 =	vld [tilespmem:s2+$0x0];
	[tilespmem:s5+$0x0] =	vst v9;
	v13 =	vadd.f32 v13, v1  }
0x2ab: {  	s5 =	sor.u32 $0x80, s0;
	v11 =	vadd.f32 v15, v6;
	v4 =	vld [tilespmem:s7+$0x13000];
	[tilespmem:s13+$0x0] =	vst v10;
	s13 =	smov.u32 s10  }
0x2ac: {  	v9 =	vld [tilespmem:s7+$0xC000];
	v6 =	vadd.f32 v12, v2;
	[tilespmem:s9+$0x0] =	vst v13  }
0x2ad: {  	[tilespmem:s11+$0x0] =	vst v11;
	v10 =	vadd.f32 v16, v5;
	v5 =	vld [tilespmem:s16+$0x0]  }
0x2ae: {  	v11 =	vld [tilespmem:s4+$0x13000]  }
0x2af: {  	v46 =	vld [tilespmem:s4+$0xC000];
	v3 =	vadd.f32 v8, v3;
	[tilespmem:s24+$0x0] =	vst v10  }
0x2b0: {  	v10 =	vld [tilespmem:s3+$0x13000]  }
0x2b1: {  	v47 =	vld [tilespmem:s3+$0xC000];
	[tilespmem:s2+$0x0] =	vst v3  }
0x2b2: {  	v12 =	vld [tilespmem:s5+$0x13000]  }
0x2b3: {  	v13 =	vld [tilespmem:s5+$0xC000];
	_ =	sdelay $0x1  }
0x2b4: {  	v9 =	vadd.f32 v9, v4  }
0x2b5: {  	s0 =	sor.u32 $0xD080, s22;
	v8 =	vadd.f32 v46, v11  }
0x2b6: {  	s1 =	sor.u32 s19, s0;
	[tilespmem:s7+$0xC000] =	vst v9;
	v3 =	vadd.f32 v47, v10  }
0x2b7: {  	s7 =	sor.u32 s15, s0;
	v9 =	vld [tilespmem:s1+$0x0];
	[tilespmem:s4+$0xC000] =	vst v8;
	v48 =	vadd.f32 v13, v12  }
0x2b8: {  	s8 =	sor.u32 s17, s0;
	v49 =	vld [tilespmem:s7+$0x0];
	[tilespmem:s3+$0xC000] =	vst v3  }
0x2b9: {  	s0 =	sor.u32 s6, s0;
	v50 =	vld [tilespmem:s8+$0x0];
	[tilespmem:s5+$0xC000] =	vst v48  }
0x2ba: {  	v8 =	vld [tilespmem:s0+$0x0];
	_ =	sdelay $0x1  }
0x2bb: {  	v9 =	vadd.f32 v9, v4  }
0x2bc: {  	s9 =	sor.u32 $0xE080, s22;
	v3 =	vadd.f32 v49, v11  }
0x2bd: {  	s10 =	sor.u32 s19, s9;
	[tilespmem:s1+$0x0] =	vst v9;
	v13 =	vadd.f32 v50, v10  }
0x2be: {  	s11 =	sor.u32 s15, s9;
	v9 =	vld [tilespmem:s10+$0x0];
	[tilespmem:s7+$0x0] =	vst v3;
	v51 =	vadd.f32 v8, v12  }
0x2bf: {  	s12 =	sor.u32 s17, s9;
	v52 =	vld [tilespmem:s11+$0x0];
	[tilespmem:s8+$0x0] =	vst v13  }
0x2c0: {  	s3 =	sor.u32 s6, s9;
	v13 =	vld [tilespmem:s12+$0x0];
	[tilespmem:s0+$0x0] =	vst v51  }
0x2c1: {  	v3 =	vld [tilespmem:s3+$0x0];
	_ =	sdelay $0x1  }
0x2c2: {  	v9 =	vadd.f32 v9, v4  }
0x2c3: {  	s20 =	sor.u32 $0xF080, s22;
	[tilespmem:s14+$0x0] =	vst v6;
	v8 =	vadd.f32 v52, v11  }
0x2c4: {  	s21 =	sor.u32 s19, s20;
	v55 =	vld [tilespmem:s13+$0x0];
	[tilespmem:s10+$0x0] =	vst v9;
	v54 =	vadd.f32 v13, v10  }
0x2c5: {  	s22 =	sor.u32 s15, s20;
	v53 =	vld [tilespmem:s21+$0x0];
	[tilespmem:s11+$0x0] =	vst v8;
	v3 =	vadd.f32 v3, v12  }
0x2c6: {  	s23 =	sor.u32 s17, s20;
	v56 =	vld [tilespmem:s22+$0x0];
	[tilespmem:s12+$0x0] =	vst v54  }
0x2c7: {  	v0 =	vadd.f32 v7, v0;
	s0 =	sor.u32 s6, s20;
	v57 =	vld [tilespmem:s23+$0x0];
	[tilespmem:s3+$0x0] =	vst v3  }
0x2c8: {  	v1 =	vadd.f32 v5, v1;
	v58 =	vld [tilespmem:s0+$0x0]  }
0x2c9: {  	[tilespmem:s18+$0x0] =	vst v0;
	v60 =	vadd.f32 v55, v2  }
0x2ca: {  	[tilespmem:s16+$0x0] =	vst v1;
	v59 =	vadd.f32 v53, v4  }
0x2cb: {  	[tilespmem:s13+$0x0] =	vst v60;
	v61 =	vadd.f32 v56, v11  }
0x2cc: {  	[tilespmem:s21+$0x0] =	vst v59;
	v62 =	vadd.f32 v57, v10  }
0x2cd: {  	[tilespmem:s22+$0x0] =	vst v61;
	v63 =	vadd.f32 v58, v12  }
0x2ce: {  	[tilespmem:s23+$0x0] =	vst v62  }
0x2cf: {  	s24 =	simm.s32 $0xC000;
	[tilespmem:s0+$0x0] =	vst v63  }
0x2d0: {  	s2 =	simm.s32 $0x100;
	s3 =	simm.s32 $0x400;
	s1 =	rddreg [dreg:$0x13]  }
0x2d1: {  	[hbm4b:s1+s2] =	stream.strided.scatter [tilespmem:s24], [sflag:$0x8], $0x1000, s3, s2, $0x38;
	[tilespmem:$0x14000] =	vst v63  }
0x2d2: {  	s26 =	simm.s32 $0xD000;
	s25 =	sadd.s32 $0x100000, s1  }
0x2d3: {  	[hbm4b:s25+s2] =	stream.strided.scatter [tilespmem:s26], [sflag:$0x8], $0x1000, s3, s2, $0x38;
	[tilespmem:$0x14000] =	vst v63  }
0x2d4: {  	s29 =	simm.s32 $0xE000;
	s28 =	sadd.s32 $0x200000, s1  }
0x2d5: {  	[hbm4b:s28+s2] =	stream.strided.scatter [tilespmem:s29], [sflag:$0x8], $0x1000, s3, s2, $0x38;
	[tilespmem:$0x14000] =	vst v63  }
0x2d6: {  	s31 =	simm.s32 $0xF000;
	s0 =	simm.s32 $0x1;
	s30 =	sadd.s32 $0x300000, s1  }
0x2d7: {  	[hbm4b:s30+s2] =	stream.strided.scatter [tilespmem:s31], [sflag:$0x8], $0x1000, s3, s2, $0x38;
	[tilespmem:$0x14000] =	vst v63  }
.LBB2_10:
0x2d8: {  	[dreg:$0x1d] =	wrdreg s0;
	s1 =	simm.s32 $0x6  }
0x2d9: {  	_ =	swait.ge [sflag:s1], $0x4000  }
0x2da: {  	s4 =	sshll.u32 s0, $0xB;
	s15 =	rddreg [dreg:$0x4]  }
0x2db: {  	[dreg:$0x1e] =	wrdreg s4;
	[sflag:s1] =	ssyncset.done $0x0;
	s0 =	sadd.s32 s15, s4  }
0x2dc: {  	[sflag:s1] =	ssyncadd.s32 $0xFFFFC000;
	[dreg:$0x1f] =	wrdreg s0  }
0x2dd: {  	s4 =	sor.u32 $0x20, s0;
	s16 =	rddreg [dreg:$0x1]  }
0x2de: {  	s17 =	simm.s32 $0x11000;
	s18 =	rddreg [dreg:$0x0];
	s0 =	sadd.s32 s16, s4  }
0x2df: {  	[tilespmem:s17], [sflag:$0x2] =	stream.strided.gather [hbm4b:s0+s2], $0x1000, s3, s2, $0x38;
	[tilespmem:$0x14000] =	vst v63  }
0x2e0: {  	s19 =	simm.s32 $0x4000;
	s0 =	sadd.s32 s18, s4  }
0x2e1: {  	[tilespmem:s19], [sflag:$0x2] =	stream.strided.gather [hbm4b:s0+s2], $0x1000, s3, s2, $0x38;
	[tilespmem:$0x14000] =	vst v63  }
0x2e2: {  	s21 =	simm.s32 $0x5000;
	s20 =	sadd.s32 $0x100000, s0  }
0x2e3: {  	[tilespmem:s21], [sflag:$0x2] =	stream.strided.gather [hbm4b:s20+s2], $0x1000, s3, s2, $0x38;
	[tilespmem:$0x14000] =	vst v63  }
0x2e4: {  	s23 =	simm.s32 $0x6000;
	s24 =	simm.s32 $0x7000;
	s22 =	sadd.s32 $0x200000, s0  }
0x2e5: {  	[tilespmem:s23], [sflag:$0x2] =	stream.strided.gather [hbm4b:s22+s2], $0x1000, s3, s2, $0x38;
	[tilespmem:$0x14000] =	vst v63  }
0x2e6: {  	s25 =	simm.s32 $0x1;
	[smem:$0x7FD] =	sst s4;
	s0 =	sadd.s32 $0x300000, s0  }
0x2e7: {  	[tilespmem:s24], [sflag:$0x2] =	stream.strided.gather [hbm4b:s0+s2], $0x1000, s3, s2, $0x38;
	[tilespmem:$0x14000] =	vst v63  }
0x2e8: {  	_ =	swait.ge [sflag:s25], $0x4000  }
0x2e9: {  	[sflag:s25] =	ssyncset.done $0x0  }
0x2ea: {  	s26 =	simm.s32 $0x0;
	[sflag:s25] =	ssyncadd.s32 $0xFFFFC000  }
0x2eb: {  	s31 =	simm.s32 $0x0;
	s13 =	sand.u32 $0x40, s26;
	_ =	swait.ge [sflag:s25], $0x1000  }
0x2ec: {  	s14 =	sor.u32 $0x30, s13;
	s18 =	sand.u32 $0xF00, s31;
	[sflag:s25] =	ssyncset.done $0x0  }
0x2ed: {  	s3 =	sor.u32 s14, s18;
	[sflag:s25] =	ssyncadd.s32 $0xFFFFF000  }
0x2ee: {  	s5 =	sor.u32 $0x10, s13;
	v0 =	vld [tilespmem:s3+$0x10000]  }
0x2ef: {  	s1 =	sor.u32 s5, s18;
	v1 =	vld [tilespmem:s3+$0x0]  }
0x2f0: {  	s16 =	sor.u32 $0x20, s13;
	v2 =	vld [tilespmem:s1+$0x10000]  }
0x2f1: {  	s4 =	sor.u32 s16, s18;
	v3 =	vld [tilespmem:s1+$0x0]  }
0x2f2: {  	v5 =	vld [tilespmem:s4+$0x10000]  }
0x2f3: {  	s7 =	sor.u32 s13, s18;
	v4 =	vld [tilespmem:s4+$0x0]  }
0x2f4: {  	v6 =	vld [tilespmem:s7+$0x10000];
	v1 =	vadd.f32 v1, v0  }
0x2f5: {  	s8 =	sor.u32 $0x1000, s18;
	v7 =	vld [tilespmem:s7+$0x0]  }
0x2f6: {  	s9 =	sor.u32 s14, s8;
	[tilespmem:s3+$0x0] =	vst v1;
	v1 =	vadd.f32 v3, v2  }
0x2f7: {  	v3 =	vld [tilespmem:s9+$0x0]  }
0x2f8: {  	s6 =	sor.u32 s5, s8;
	[tilespmem:s1+$0x0] =	vst v1;
	v1 =	vadd.f32 v4, v5  }
0x2f9: {  	v4 =	vld [tilespmem:s6+$0x0]  }
0x2fa: {  	s10 =	sor.u32 s16, s8;
	[tilespmem:s4+$0x0] =	vst v1;
	v1 =	vadd.f32 v7, v6  }
0x2fb: {  	v7 =	vld [tilespmem:s10+$0x0]  }
0x2fc: {  	s11 =	sor.u32 s13, s8;
	v3 =	vadd.f32 v3, v0;
	[tilespmem:s7+$0x0] =	vst v1  }
0x2fd: {  	s12 =	sor.u32 $0x2000, s18;
	v1 =	vld [tilespmem:s11+$0x0]  }
0x2fe: {  	s15 =	sor.u32 s14, s12;
	[tilespmem:s9+$0x0] =	vst v3;
	v3 =	vadd.f32 v4, v2  }
0x2ff: {  	v4 =	vld [tilespmem:s15+$0x0]  }
0x300: {  	[tilespmem:s6+$0x0] =	vst v3;
	v3 =	vadd.f32 v7, v5  }
0x301: {  	s17 =	sor.u32 s5, s12  }
0x302: {  	s19 =	sor.u32 s16, s12;
	v7 =	vld [tilespmem:s17+$0x0];
	[tilespmem:s10+$0x0] =	vst v3;
	v1 =	vadd.f32 v1, v6  }
0x303: {  	v3 =	vld [tilespmem:s19+$0x0]  }
0x304: {  	s20 =	sor.u32 s13, s12;
	v4 =	vadd.f32 v4, v0;
	[tilespmem:s11+$0x0] =	vst v1  }
0x305: {  	s21 =	sor.u32 $0x3000, s18;
	v1 =	vld [tilespmem:s20+$0x0]  }
0x306: {  	s22 =	sor.u32 s14, s21;
	[tilespmem:s15+$0x0] =	vst v4  }
0x307: {  	p0 =	por $0x0, $0x0;
	s4 =	simm.s32 $0x1;
	v4 =	vadd.f32 v7, v2;
	v7 =	vld [tilespmem:s22+$0x0]  }
0x308: {  	s4 =	simm.s32 @!p0 $0x0;
	v3 =	vadd.f32 v3, v5  }
0x309: {  	s30 =	simm.s32 $0x40;
	s23 =	sor.u32 s5, s21;
	s4 =	sshll.u32 s4, $0x6;
	[tilespmem:s17+$0x0] =	vst v4  }
0x30a: {  	s8 =	simm.s32 $0x80;
	s7 =	sor.u32 s16, s21;
	s4 =	sadd.s32 $0x0, s4;
	v4 =	vld [tilespmem:s23+$0x0];
	[tilespmem:s19+$0x0] =	vst v3;
	v1 =	vadd.f32 v1, v6  }
0x30b: {  	s29 =	sand.u32 $0xF00, s8;
	s24 =	sadd.s32 $0x30, s4;
	s19 =	sand.u32 $0x40, s30;
	v3 =	vld [tilespmem:s7+$0x0]  }
0x30c: {  	s2 =	sor.u32 s13, s21;
	s25 =	sor.u32 $0x80, s24;
	s24 =	sor.u32 $0x20, s19;
	v0 =	vadd.f32 v7, v0;
	[tilespmem:s20+$0x0] =	vst v1  }
0x30d: {  	s9 =	sor.u32 s24, s29;
	v7 =	vld [tilespmem:s2+$0x0]  }
0x30e: {  	v13 =	vld [tilespmem:s9+$0x0];
	[tilespmem:s22+$0x0] =	vst v0  }
0x30f: {  	v0 =	vadd.f32 v4, v2;
	v4 =	vld [tilespmem:s25+$0x10000]  }
0x310: {  	s26 =	sadd.s32 $0x10, s4;
	v2 =	vld [tilespmem:s25+$0x0];
	v1 =	vadd.f32 v3, v5  }
0x311: {  	s31 =	sor.u32 $0x80, s26;
	s28 =	sor.u32 $0x30, s19;
	[tilespmem:s23+$0x0] =	vst v0;
	v5 =	vld [tilespmem:s9+$0x10000]  }
0x312: {  	v0 =	vld [tilespmem:s31+$0x10000];
	[tilespmem:s7+$0x0] =	vst v1;
	s7 =	sor.u32 s28, s29  }
0x313: {  	v9 =	vld [tilespmem:s7+$0x10000]  }
0x314: {  	s23 =	sor.u32 $0x10, s19;
	v3 =	vld [tilespmem:s7+$0x0]  }
0x315: {  	v8 =	vld [tilespmem:s31+$0x0];
	s15 =	sor.u32 s23, s29  }
0x316: {  	v11 =	vld [tilespmem:s15+$0x10000]  }
0x317: {  	s3 =	sadd.s32 $0x20, s4;
	s10 =	sor.u32 s19, s29;
	v12 =	vld [tilespmem:s15+$0x0]  }
0x318: {  	s1 =	sor.u32 $0x80, s3;
	v6 =	vadd.f32 v7, v6;
	v7 =	vld [tilespmem:s10+$0x0]  }
0x319: {  	v1 =	vld [tilespmem:s1+$0x10000];
	v14 =	vadd.f32 v3, v9  }
0x31a: {  	s11 =	sor.u32 $0x1000, s29;
	v10 =	vld [tilespmem:s1+$0x0];
	v2 =	vadd.f32 v2, v4  }
0x31b: {  	s12 =	sor.u32 $0x1080, s18;
	s17 =	sor.u32 s28, s11;
	v3 =	vld [tilespmem:s10+$0x10000];
	[tilespmem:s7+$0x0] =	vst v14  }
0x31c: {  	s20 =	sor.u32 s14, s12;
	[tilespmem:s25+$0x0] =	vst v2;
	v2 =	vadd.f32 v12, v11;
	v55 =	vld [tilespmem:s17+$0x0]  }
0x31d: {  	s4 =	sor.u32 $0x80, s4;
	[tilespmem:s2+$0x0] =	vst v6;
	v6 =	vld [tilespmem:s20+$0x0]  }
0x31e: {  	s26 =	sor.u32 s23, s11;
	v13 =	vadd.f32 v13, v5;
	v57 =	vld [tilespmem:s4+$0x0];
	[tilespmem:s15+$0x0] =	vst v2  }
0x31f: {  	v8 =	vadd.f32 v8, v0;
	v56 =	vld [tilespmem:s26+$0x0]  }
0x320: {  	s21 =	sor.u32 s24, s11;
	[tilespmem:s9+$0x0] =	vst v13;
	v2 =	vld [tilespmem:s4+$0x10000];
	v7 =	vadd.f32 v7, v3  }
0x321: {  	s22 =	sor.u32 s5, s12;
	[tilespmem:s31+$0x0] =	vst v8;
	v8 =	vld [tilespmem:s21+$0x0];
	v12 =	vadd.f32 v55, v9  }
0x322: {  	s25 =	sor.u32 s19, s11;
	s31 =	sor.u32 $0x2000, s29;
	v6 =	vadd.f32 v6, v4;
	[tilespmem:s10+$0x0] =	vst v7;
	v7 =	vld [tilespmem:s22+$0x0]  }
0x323: {  	s11 =	sor.u32 $0x2080, s18;
	v10 =	vadd.f32 v10, v1;
	s15 =	sor.u32 s28, s31;
	v15 =	vld [tilespmem:s25+$0x0];
	[tilespmem:s17+$0x0] =	vst v12  }
0x324: {  	[tilespmem:s20+$0x0] =	vst v6;
	v6 =	vadd.f32 v56, v11;
	s17 =	sor.u32 s14, s11;
	v12 =	vld [tilespmem:s15+$0x0]  }
0x325: {  	[tilespmem:s1+$0x0] =	vst v10;
	s20 =	sor.u32 s16, s12;
	v13 =	vadd.f32 v57, v2;
	v10 =	vld [tilespmem:s17+$0x0]  }
0x326: {  	s2 =	sor.u32 s23, s31;
	[tilespmem:s26+$0x0] =	vst v6;
	v6 =	vadd.f32 v8, v5;
	v8 =	vld [tilespmem:s20+$0x0]  }
0x327: {  	[tilespmem:s4+$0x0] =	vst v13;
	s26 =	sor.u32 s13, s12;
	v58 =	vld [tilespmem:s2+$0x0];
	v7 =	vadd.f32 v7, v0  }
0x328: {  	s12 =	sor.u32 s24, s31;
	v59 =	vld [tilespmem:s26+$0x0];
	[tilespmem:s21+$0x0] =	vst v6;
	v6 =	vadd.f32 v15, v3  }
0x329: {  	s21 =	sor.u32 s5, s11;
	[tilespmem:s22+$0x0] =	vst v7;
	v7 =	vld [tilespmem:s12+$0x0];
	v12 =	vadd.f32 v12, v9  }
0x32a: {  	s10 =	sor.u32 s19, s31;
	s22 =	sor.u32 $0x3000, s29;
	[tilespmem:s25+$0x0] =	vst v6;
	v6 =	vld [tilespmem:s21+$0x0];
	v10 =	vadd.f32 v10, v4  }
0x32b: {  	v8 =	vadd.f32 v8, v1;
	s25 =	sor.u32 $0x3080, s18;
	s31 =	sor.u32 s28, s22;
	v60 =	vld [tilespmem:s10+$0x0];
	[tilespmem:s15+$0x0] =	vst v12  }
0x32c: {  	[tilespmem:s17+$0x0] =	vst v10;
	s15 =	sor.u32 s14, s25;
	v10 =	vadd.f32 v58, v11;
	v12 =	vld [tilespmem:s31+$0x0]  }
0x32d: {  	v14 =	vadd.f32 v59, v2;
	[tilespmem:s20+$0x0] =	vst v8;
	s17 =	sor.u32 s16, s11;
	v61 =	vld [tilespmem:s15+$0x0]  }
0x32e: {  	p0 =	por !p0, !p0;
	s20 =	sor.u32 s23, s22;
	v7 =	vadd.f32 v7, v5;
	[tilespmem:s2+$0x0] =	vst v10;
	v10 =	vld [tilespmem:s17+$0x0];
	s2 =	simm.s32 $0x1  }
0x32f: {  	[tilespmem:s26+$0x0] =	vst v14;
	s14 =	sor.u32 s13, s11;
	v6 =	vadd.f32 v6, v0;
	s2 =	simm.s32 @!p0 $0x0;
	v62 =	vld [tilespmem:s20+$0x0]  }
0x330: {  	s26 =	sor.u32 s24, s22;
	v63 =	vld [tilespmem:s14+$0x0];
	[tilespmem:s12+$0x0] =	vst v7;
	v7 =	vadd.f32 v60, v3;
	s2 =	sshll.u32 s2, $0x6  }
0x331: {  	s18 =	sor.u32 s5, s25;
	[tilespmem:s21+$0x0] =	vst v6;
	v16 =	vld [tilespmem:s26+$0x0];
	s21 =	sadd.s32 $0x80, s2;
	v6 =	vadd.f32 v12, v9  }
0x332: {  	s2 =	sor.u32 s19, s22;
	[tilespmem:s10+$0x0] =	vst v7;
	v7 =	vld [tilespmem:s18+$0x0];
	v4 =	vadd.f32 v61, v4;
	s22 =	sadd.s32 $0x30, s21  }
0x333: {  	v8 =	vld [tilespmem:s2+$0x0];
	s7 =	sor.u32 $0x80, s22;
	[tilespmem:s31+$0x0] =	vst v6;
	v6 =	vadd.f32 v10, v1  }
0x334: {  	s13 =	sor.u32 s13, s25;
	[tilespmem:s15+$0x0] =	vst v4;
	v10 =	vadd.f32 v62, v11;
	v4 =	vld [tilespmem:s7+$0x10000]  }
0x335: {  	s16 =	sor.u32 s16, s25;
	s25 =	sadd.s32 $0x10, s21;
	s31 =	sadd.s32 $0x20, s21;
	v9 =	vld [tilespmem:s7+$0x0];
	[tilespmem:s17+$0x0] =	vst v6;
	v6 =	vadd.f32 v63, v2  }
0x336: {  	s5 =	sor.u32 $0x80, s21;
	s25 =	sor.u32 $0x80, s25;
	s10 =	sor.u32 $0x80, s31;
	[tilespmem:s20+$0x0] =	vst v10;
	v10 =	vadd.f32 v16, v5;
	v5 =	vld [tilespmem:s16+$0x0]  }
.LBB2_11:
0x337: {  	s30 =	sadd.s32 $0x40, s30;
	[tilespmem:s14+$0x0] =	vst v6;
	v6 =	vadd.f32 v7, v0;
	v0 =	vld [tilespmem:s25+$0x10000]  }
0x338: {  	s8 =	sadd.s32 $0x80, s8;
	s11 =	sand.u32 $0x40, s30;
	v3 =	vadd.f32 v8, v3;
	v8 =	vld [tilespmem:s25+$0x0];
	[tilespmem:s26+$0x0] =	vst v10  }
0x339: {  	s26 =	sand.u32 $0xF00, s8;
	s4 =	sor.u32 $0x10, s11;
	s1 =	sor.u32 $0x30, s11;
	v10 =	vld [tilespmem:s10+$0x10000];
	[tilespmem:s18+$0x0] =	vst v6  }
0x33a: {  	s3 =	sor.u32 $0x20, s11;
	s0 =	sor.u32 s4, s26;
	s6 =	sor.u32 s1, s26;
	[tilespmem:s2+$0x0] =	vst v3;
	v3 =	vld [tilespmem:s10+$0x0];
	v6 =	vadd.f32 v9, v4  }
0x33b: {  	s9 =	sor.u32 $0x1080, s29;
	s17 =	sor.u32 s11, s26;
	s18 =	sor.u32 s3, s26;
	v7 =	vld [tilespmem:s6+$0x10000];
	v11 =	vadd.f32 v5, v1  }
0x33c: {  	s21 =	sor.u32 s24, s9;
	s14 =	sor.u32 s28, s9;
	s2 =	sor.u32 s23, s9;
	v9 =	vld [tilespmem:s6+$0x0];
	[tilespmem:s7+$0x0] =	vst v6  }
0x33d: {  	p1 =	slt.u32 s30, $0x7C0;
	s7 =	sor.u32 s19, s9;
	v5 =	vadd.f32 v8, v0;
	v8 =	vld [tilespmem:s14+$0x0];
	[tilespmem:s16+$0x0] =	vst v11  }
0x33e: {  	v6 =	vld [tilespmem:s0+$0x10000];
	v1 =	vmov v10  }
0x33f: {  	v10 =	vld [tilespmem:s0+$0x0];
	[tilespmem:s25+$0x0] =	vst v5;
	v3 =	vadd.f32 v3, v1  }
0x340: {  	v5 =	vld [tilespmem:s18+$0x10000]  }
0x341: {  	v11 =	vld [tilespmem:s18+$0x0];
	v9 =	vadd.f32 v9, v7;
	[tilespmem:s10+$0x0] =	vst v3  }
0x342: {  	s9 =	sor.u32 $0x1000, s26;
	v3 =	vld [tilespmem:s17+$0x10000];
	v8 =	vadd.f32 v8, v4  }
0x343: {  	s31 =	sor.u32 s4, s9;
	s10 =	sor.u32 $0x2080, s29;
	v12 =	vld [tilespmem:s17+$0x0];
	[tilespmem:s6+$0x0] =	vst v9;
	s6 =	sor.u32 s1, s9  }
0x344: {  	s12 =	sor.u32 s11, s9;
	s15 =	sor.u32 s3, s9;
	s16 =	sor.u32 s28, s10;
	v9 =	vadd.f32 v10, v6;
	v10 =	vld [tilespmem:s6+$0x0];
	[tilespmem:s14+$0x0] =	vst v8  }
0x345: {  	s25 =	sor.u32 s23, s10;
	s9 =	sor.u32 s24, s10;
	s14 =	sor.u32 s19, s10;
	v8 =	vld [tilespmem:s16+$0x0]  }
0x346: {  	[tilespmem:s0+$0x0] =	vst v9;
	v9 =	vadd.f32 v11, v5;
	v11 =	vld [tilespmem:s5+$0x10000]  }
0x347: {  	v13 =	vld [tilespmem:s31+$0x0]  }
0x348: {  	v12 =	vadd.f32 v12, v3;
	[tilespmem:s18+$0x0] =	vst v9;
	v9 =	vld [tilespmem:s5+$0x0]  }
0x349: {  	v14 =	vld [tilespmem:s15+$0x0];
	v10 =	vadd.f32 v10, v7  }
0x34a: {  	s0 =	sor.u32 $0x2000, s26;
	[tilespmem:s17+$0x0] =	vst v12;
	v12 =	vld [tilespmem:s2+$0x0];
	v8 =	vadd.f32 v8, v4  }
0x34b: {  	s29 =	sor.u32 $0x3080, s29;
	s22 =	sor.u32 s4, s0;
	v15 =	vld [tilespmem:s12+$0x0];
	[tilespmem:s6+$0x0] =	vst v10;
	s6 =	sor.u32 s1, s0  }
0x34c: {  	s10 =	sor.u32 s11, s0;
	s17 =	sor.u32 s3, s0;
	s0 =	sor.u32 s28, s29;
	v10 =	vadd.f32 v13, v6;
	v13 =	vld [tilespmem:s6+$0x0];
	[tilespmem:s16+$0x0] =	vst v8  }
0x34d: {  	s20 =	sor.u32 s19, s29;
	s18 =	sor.u32 s23, s29;
	s16 =	sor.u32 s24, s29;
	v8 =	vadd.f32 v9, v11;
	v9 =	vld [tilespmem:s0+$0x0]  }
0x34e: {  	s19 =	smov.u32 s11;
	s23 =	smov.u32 s4;
	s29 =	smov.u32 s26;
	[tilespmem:s31+$0x0] =	vst v10;
	v10 =	vadd.f32 v14, v5;
	v14 =	vld [tilespmem:s21+$0x0]  }
0x34f: {  	s28 =	smov.u32 s1;
	s24 =	smov.u32 s3;
	v16 =	vld [tilespmem:s22+$0x0];
	[tilespmem:s5+$0x0] =	vst v8;
	v8 =	vadd.f32 v12, v0  }
0x350: {  	v12 =	vadd.f32 v15, v3;
	[tilespmem:s15+$0x0] =	vst v10;
	v10 =	vld [tilespmem:s7+$0x0]  }
0x351: {  	v15 =	vld [tilespmem:s17+$0x0];
	v13 =	vadd.f32 v13, v7;
	[tilespmem:s2+$0x0] =	vst v8  }
0x352: {  	s1 =	sor.u32 $0x3000, s29;
	[tilespmem:s12+$0x0] =	vst v12;
	v8 =	vld [tilespmem:s25+$0x0];
	v4 =	vadd.f32 v9, v4  }
0x353: {  	s3 =	sor.u32 s23, s1;
	s26 =	sor.u32 s24, s1;
	s4 =	sor.u32 s28, s1;
	v9 =	vld [tilespmem:s10+$0x0];
	[tilespmem:s6+$0x0] =	vst v13;
	v12 =	vadd.f32 v14, v1  }
0x354: {  	s2 =	sor.u32 s19, s1;
	v13 =	vadd.f32 v16, v6;
	v14 =	vld [tilespmem:s4+$0x0];
	[tilespmem:s0+$0x0] =	vst v4  }
0x355: {  	p0 =	por !p0, !p0;
	s0 =	simm.s32 $0x1;
	v4 =	vadd.f32 v10, v11;
	[tilespmem:s21+$0x0] =	vst v12;
	v10 =	vld [tilespmem:s13+$0x0]  }
0x356: {  	s0 =	simm.s32 @!p0 $0x0;
	[tilespmem:s22+$0x0] =	vst v13;
	v12 =	vadd.f32 v15, v5;
	v13 =	vld [tilespmem:s9+$0x0]  }
0x357: {  	s0 =	sshll.u32 s0, $0x6;
	v15 =	vld [tilespmem:s3+$0x0];
	[tilespmem:s7+$0x0] =	vst v4;
	v4 =	vadd.f32 v8, v0  }
0x358: {  	s0 =	sadd.s32 s0, s8;
	v8 =	vadd.f32 v9, v3;
	[tilespmem:s17+$0x0] =	vst v12;
	v12 =	vld [tilespmem:s14+$0x0]  }
0x359: {  	s1 =	sadd.s32 $0x10, s0;
	v16 =	vld [tilespmem:s26+$0x0];
	v9 =	vadd.f32 v14, v7;
	[tilespmem:s25+$0x0] =	vst v4  }
.Ltmp4:
0x35a: {  	s5 =	sadd.s32 $0x20, s0;
	s6 =	sadd.s32 $0x30, s0;
	[tilespmem:s10+$0x0] =	vst v8;
	v7 =	vld [tilespmem:s18+$0x0];
	v10 =	vadd.f32 v10, v2;
	(pc) =	sbr.rel @p1 .LBB2_11-.Ltmp4, $4  }
0x35b: {  	s25 =	sor.u32 $0x80, s1;
	s7 =	sor.u32 $0x80, s6;
	s10 =	sor.u32 $0x80, s5;
	v2 =	vmov v11;
	v8 =	vld [tilespmem:s2+$0x0];
	[tilespmem:s4+$0x0] =	vst v9;
	v13 =	vadd.f32 v13, v1  }
0x35c: {  	s5 =	sor.u32 $0x80, s0;
	v11 =	vadd.f32 v15, v6;
	v4 =	vld [tilespmem:s7+$0x10000];
	[tilespmem:s13+$0x0] =	vst v10;
	s13 =	smov.u32 s20  }
0x35d: {  	v9 =	vld [tilespmem:s7+$0x0];
	v6 =	vadd.f32 v12, v2;
	[tilespmem:s9+$0x0] =	vst v13  }
0x35e: {  	[tilespmem:s3+$0x0] =	vst v11;
	v10 =	vadd.f32 v16, v5;
	v5 =	vld [tilespmem:s16+$0x0]  }
0x35f: {  	v11 =	vld [tilespmem:s25+$0x10000]  }
0x360: {  	v3 =	vadd.f32 v8, v3;
	v8 =	vld [tilespmem:s25+$0x0];
	[tilespmem:s26+$0x0] =	vst v10  }
0x361: {  	v10 =	vld [tilespmem:s10+$0x10000]  }
0x362: {  	[tilespmem:s2+$0x0] =	vst v3;
	v3 =	vld [tilespmem:s10+$0x0]  }
0x363: {  	v12 =	vld [tilespmem:s5+$0x10000]  }
0x364: {  	v9 =	vadd.f32 v9, v4;
	v13 =	vld [tilespmem:s5+$0x0]  }
0x365: {  	s0 =	sor.u32 $0x1080, s29  }
0x366: {  	s1 =	sor.u32 s28, s0;
	[tilespmem:s7+$0x0] =	vst v9;
	v8 =	vadd.f32 v8, v11  }
0x367: {  	v9 =	vld [tilespmem:s1+$0x0];
	v3 =	vadd.f32 v3, v10  }
0x368: {  	s6 =	sor.u32 s23, s0;
	[tilespmem:s25+$0x0] =	vst v8  }
0x369: {  	v8 =	vadd.f32 v13, v12;
	[tilespmem:s10+$0x0] =	vst v3;
	v3 =	vld [tilespmem:s6+$0x0];
	_ =	sdelay $0x1  }
0x36a: {  	s3 =	sor.u32 s24, s0;
	s0 =	sor.u32 s19, s0;
	[tilespmem:s5+$0x0] =	vst v8  }
0x36b: {  	v9 =	vadd.f32 v9, v4;
	v8 =	vld [tilespmem:s0+$0x0]  }
0x36c: {  	s4 =	sor.u32 $0x2080, s29;
	v51 =	vld [tilespmem:s3+$0x0]  }
0x36d: {  	s7 =	sor.u32 s28, s4;
	[tilespmem:s1+$0x0] =	vst v9;
	v3 =	vadd.f32 v3, v11  }
0x36e: {  	v9 =	vld [tilespmem:s7+$0x0]  }
0x36f: {  	s8 =	sor.u32 s23, s4;
	[tilespmem:s6+$0x0] =	vst v3  }
0x370: {  	v3 =	vadd.f32 v8, v12;
	v8 =	vld [tilespmem:s8+$0x0]  }
0x371: {  	v13 =	vadd.f32 v51, v10;
	_ =	sdelay $0x1  }
0x372: {  	s9 =	sor.u32 s24, s4;
	[tilespmem:s3+$0x0] =	vst v13;
	v9 =	vadd.f32 v9, v4  }
0x373: {  	s11 =	sor.u32 $0x3080, s29;
	s10 =	sor.u32 s19, s4;
	v13 =	vld [tilespmem:s9+$0x0];
	[tilespmem:s0+$0x0] =	vst v3  }
0x374: {  	s12 =	sor.u32 s28, s11;
	v3 =	vld [tilespmem:s10+$0x0];
	[tilespmem:s7+$0x0] =	vst v9;
	v8 =	vadd.f32 v8, v11  }
0x375: {  	[tilespmem:s14+$0x0] =	vst v6;
	v6 =	vld [tilespmem:s12+$0x0]  }
0x376: {  	v0 =	vadd.f32 v7, v0;
	s15 =	sor.u32 s23, s11;
	v52 =	vld [tilespmem:s13+$0x0];
	[tilespmem:s8+$0x0] =	vst v8  }
0x377: {  	v1 =	vadd.f32 v5, v1;
	v8 =	vld [tilespmem:s15+$0x0]  }
0x378: {  	[tilespmem:s18+$0x0] =	vst v0;
	v9 =	vadd.f32 v13, v10  }
0x379: {  	[tilespmem:s16+$0x0] =	vst v1;
	v3 =	vadd.f32 v3, v12  }
0x37a: {  	s17 =	sor.u32 s24, s11;
	[tilespmem:s9+$0x0] =	vst v9;
	v0 =	vadd.f32 v6, v4  }
0x37b: {  	v1 =	vadd.f32 v52, v2;
	s0 =	sor.u32 s19, s11;
	v7 =	vld [tilespmem:s17+$0x0];
	[tilespmem:s10+$0x0] =	vst v3  }
0x37c: {  	v3 =	vld [tilespmem:s0+$0x0];
	[tilespmem:s12+$0x0] =	vst v0;
	v0 =	vadd.f32 v8, v11  }
0x37d: {  	[tilespmem:s13+$0x0] =	vst v1  }
0x37e: {  	[tilespmem:s15+$0x0] =	vst v0  }
0x37f: {  	s1 =	rddreg [dreg:$0x14]  }
0x380: {  	v1 =	vadd.f32 v7, v10;
	s2 =	rddreg [dreg:$0x1d]  }
0x381: {  	v0 =	vadd.f32 v3, v12;
	s1 =	sadd.s32 s1, s2  }
0x382: {  	s20 =	simm.s32 $0x0;
	s19 =	rddreg [dreg:$0x2];
	[tilespmem:s17+$0x0] =	vst v1;
	s1 =	sshll.u32 s1, $0xB  }
0x383: {  	s21 =	simm.s32 $0x100;
	s22 =	simm.s32 $0x400;
	[tilespmem:s0+$0x0] =	vst v0;
	s0 =	sadd.s32 s19, s1  }
0x384: {  	[hbm4b:s0+s21] =	stream.strided.scatter [tilespmem:s20], [sflag:$0x5], $0x1000, s22, s21, $0x38;
	[tilespmem:$0x14000] =	vst v63  }
0x385: {  	s24 =	simm.s32 $0x1000;
	s23 =	sadd.s32 $0x100000, s0  }
0x386: {  	[hbm4b:s23+s21] =	stream.strided.scatter [tilespmem:s24], [sflag:$0x5], $0x1000, s22, s21, $0x38;
	[tilespmem:$0x14000] =	vst v63  }
0x387: {  	s26 =	simm.s32 $0x2000;
	s25 =	sadd.s32 $0x200000, s0  }
0x388: {  	[hbm4b:s25+s21] =	stream.strided.scatter [tilespmem:s26], [sflag:$0x5], $0x1000, s22, s21, $0x38;
	[tilespmem:$0x14000] =	vst v63  }
0x389: {  	s6 =	simm.s32 $0x3000;
	s7 =	simm.s32 $0x7;
	s0 =	sadd.s32 $0x300000, s0  }
0x38a: {  	[hbm4b:s0+s21] =	stream.strided.scatter [tilespmem:s6], [sflag:$0x5], $0x1000, s22, s21, $0x38;
	[tilespmem:$0x14000] =	vst v63  }
0x38b: {  	_ =	swait.ge [sflag:s7], $0x4000  }
0x38c: {  	[sflag:s7] =	ssyncset.done $0x0  }
0x38d: {  	s8 =	rddreg [dreg:$0x1f];
	[sflag:s7] =	ssyncadd.s32 $0xFFFFC000  }
0x38e: {  	s9 =	sor.u32 $0x40, s8;
	s0 =	rddreg [dreg:$0x1]  }
0x38f: {  	s10 =	simm.s32 $0x12000;
	s11 =	rddreg [dreg:$0x0];
	s0 =	sadd.s32 s0, s9  }
0x390: {  	[tilespmem:s10], [sflag:$0x3] =	stream.strided.gather [hbm4b:s0+s21], $0x1000, s22, s21, $0x38;
	[tilespmem:$0x14000] =	vst v63  }
0x391: {  	s12 =	simm.s32 $0x8000;
	s0 =	sadd.s32 s11, s9  }
0x392: {  	[tilespmem:s12], [sflag:$0x3] =	stream.strided.gather [hbm4b:s0+s21], $0x1000, s22, s21, $0x38;
	[tilespmem:$0x14000] =	vst v63  }
0x393: {  	s14 =	simm.s32 $0x9000;
	s13 =	sadd.s32 $0x100000, s0  }
0x394: {  	[tilespmem:s14], [sflag:$0x3] =	stream.strided.gather [hbm4b:s13+s21], $0x1000, s22, s21, $0x38;
	[tilespmem:$0x14000] =	vst v63  }
0x395: {  	s18 =	simm.s32 $0x2;
	s16 =	simm.s32 $0xA000;
	s15 =	sadd.s32 $0x200000, s0  }
0x396: {  	[tilespmem:s16], [sflag:$0x3] =	stream.strided.gather [hbm4b:s15+s21], $0x1000, s22, s21, $0x38;
	[tilespmem:$0x14000] =	vst v63  }
0x397: {  	s17 =	simm.s32 $0xB000;
	[smem:$0x7FC] =	sst s9;
	s0 =	sadd.s32 $0x300000, s0  }
0x398: {  	[tilespmem:s17], [sflag:$0x3] =	stream.strided.gather [hbm4b:s0+s21], $0x1000, s22, s21, $0x38;
	[tilespmem:$0x14000] =	vst v63  }
0x399: {  	_ =	swait.ge [sflag:s18], $0x4000  }
0x39a: {  	[sflag:s18] =	ssyncset.done $0x0  }
0x39b: {  	s19 =	simm.s32 $0x0;
	[sflag:s18] =	ssyncadd.s32 $0xFFFFC000  }
0x39c: {  	s14 =	sand.u32 $0x40, s19;
	_ =	swait.ge [sflag:s18], $0x1000  }
0x39d: {  	s7 =	sand.u32 $0xF00, s20;
	s16 =	sor.u32 $0x30, s14;
	[sflag:s18] =	ssyncset.done $0x0  }
0x39e: {  	s20 =	sor.u32 s16, s7;
	[sflag:s18] =	ssyncadd.s32 $0xFFFFF000  }
0x39f: {  	s5 =	sor.u32 $0x10, s14;
	v0 =	vld [tilespmem:s20+$0x11000]  }
0x3a0: {  	s1 =	sor.u32 s5, s7;
	v1 =	vld [tilespmem:s20+$0x4000]  }
0x3a1: {  	v2 =	vld [tilespmem:s1+$0x11000]  }
0x3a2: {  	s18 =	sor.u32 $0x20, s14;
	v3 =	vld [tilespmem:s1+$0x4000]  }
0x3a3: {  	s21 =	sor.u32 s18, s7  }
0x3a4: {  	v5 =	vld [tilespmem:s21+$0x11000]  }
0x3a5: {  	s22 =	sor.u32 s14, s7;
	v4 =	vld [tilespmem:s21+$0x4000];
	v1 =	vadd.f32 v1, v0  }
0x3a6: {  	s23 =	sor.u32 $0x5000, s7;
	v6 =	vld [tilespmem:s22+$0x11000]  }
0x3a7: {  	s24 =	sor.u32 s16, s23;
	v7 =	vld [tilespmem:s22+$0x4000];
	[tilespmem:s20+$0x4000] =	vst v1;
	v1 =	vadd.f32 v3, v2  }
0x3a8: {  	v3 =	vld [tilespmem:s24+$0x0]  }
0x3a9: {  	s6 =	sor.u32 s5, s23;
	[tilespmem:s1+$0x4000] =	vst v1  }
0x3aa: {  	v1 =	vadd.f32 v4, v5;
	v4 =	vld [tilespmem:s6+$0x0];
	_ =	sdelay $0x1  }
0x3ab: {  	s25 =	sor.u32 s18, s23;
	[tilespmem:s21+$0x4000] =	vst v1;
	v1 =	vadd.f32 v7, v6  }
0x3ac: {  	v7 =	vld [tilespmem:s25+$0x0];
	v3 =	vadd.f32 v3, v0  }
0x3ad: {  	s4 =	sor.u32 $0x6000, s7;
	s26 =	sor.u32 s14, s23;
	[tilespmem:s22+$0x4000] =	vst v1  }
0x3ae: {  	s8 =	sor.u32 s16, s4;
	v1 =	vld [tilespmem:s26+$0x0];
	[tilespmem:s24+$0x0] =	vst v3;
	v3 =	vadd.f32 v4, v2  }
0x3af: {  	v4 =	vld [tilespmem:s8+$0x0]  }
0x3b0: {  	s9 =	sor.u32 s5, s4;
	[tilespmem:s6+$0x0] =	vst v3  }
0x3b1: {  	v3 =	vadd.f32 v7, v5;
	v7 =	vld [tilespmem:s9+$0x0];
	_ =	sdelay $0x1  }
0x3b2: {  	v1 =	vadd.f32 v1, v6  }
0x3b3: {  	s10 =	sor.u32 s18, s4;
	[tilespmem:s25+$0x0] =	vst v3;
	v4 =	vadd.f32 v4, v0  }
0x3b4: {  	s12 =	sor.u32 $0x7000, s7;
	s11 =	sor.u32 s14, s4;
	v3 =	vld [tilespmem:s10+$0x0];
	[tilespmem:s26+$0x0] =	vst v1  }
0x3b5: {  	s13 =	sor.u32 s16, s12;
	v1 =	vld [tilespmem:s11+$0x0];
	[tilespmem:s8+$0x0] =	vst v4;
	v4 =	vadd.f32 v7, v2  }
0x3b6: {  	v7 =	vld [tilespmem:s13+$0x0]  }
0x3b7: {  	s15 =	sor.u32 s5, s12;
	[tilespmem:s9+$0x0] =	vst v4  }
0x3b8: {  	p0 =	por $0x0, $0x0;
	s4 =	simm.s32 $0x1;
	v4 =	vld [tilespmem:s15+$0x0]  }
0x3b9: {  	s4 =	simm.s32 @!p0 $0x0;
	v3 =	vadd.f32 v3, v5  }
0x3ba: {  	s4 =	sshll.u32 s4, $0x6;
	v1 =	vadd.f32 v1, v6  }
0x3bb: {  	s4 =	sadd.s32 $0x0, s4;
	s9 =	sor.u32 s18, s12;
	[tilespmem:s10+$0x0] =	vst v3;
	v0 =	vadd.f32 v7, v0  }
0x3bc: {  	s2 =	sor.u32 s14, s12;
	s17 =	sadd.s32 $0x30, s4;
	v3 =	vld [tilespmem:s9+$0x0];
	[tilespmem:s11+$0x0] =	vst v1  }
0x3bd: {  	s19 =	sor.u32 $0x80, s17;
	v7 =	vld [tilespmem:s2+$0x0];
	[tilespmem:s13+$0x0] =	vst v0;
	v0 =	vadd.f32 v4, v2  }
0x3be: {  	s20 =	sadd.s32 $0x10, s4;
	s8 =	simm.s32 $0x40;
	v4 =	vld [tilespmem:s19+$0x11000]  }
0x3bf: {  	s21 =	sor.u32 $0x80, s20;
	s31 =	sand.u32 $0x40, s8;
	s13 =	simm.s32 $0x80;
	v2 =	vld [tilespmem:s19+$0x4000];
	[tilespmem:s15+$0x0] =	vst v0  }
0x3c0: {  	s29 =	sor.u32 $0x30, s31;
	s30 =	sand.u32 $0xF00, s13;
	v0 =	vld [tilespmem:s21+$0x11000]  }
0x3c1: {  	s23 =	sor.u32 s29, s30;
	v8 =	vld [tilespmem:s21+$0x4000]  }
0x3c2: {  	s24 =	sor.u32 $0x10, s31;
	v9 =	vld [tilespmem:s23+$0x11000]  }
0x3c3: {  	v1 =	vadd.f32 v3, v5;
	s25 =	sor.u32 s24, s30;
	v3 =	vld [tilespmem:s23+$0x4000]  }
0x3c4: {  	s28 =	sor.u32 $0x20, s31;
	v11 =	vld [tilespmem:s25+$0x11000]  }
0x3c5: {  	s26 =	sor.u32 s28, s30;
	v53 =	vld [tilespmem:s25+$0x4000]  }
0x3c6: {  	v5 =	vld [tilespmem:s26+$0x11000]  }
0x3c7: {  	s22 =	sadd.s32 $0x20, s4;
	s11 =	sor.u32 s31, s30;
	v54 =	vld [tilespmem:s26+$0x4000]  }
0x3c8: {  	s1 =	sor.u32 $0x80, s22;
	[tilespmem:s9+$0x0] =	vst v1;
	v6 =	vadd.f32 v7, v6;
	v7 =	vld [tilespmem:s11+$0x4000]  }
0x3c9: {  	v1 =	vld [tilespmem:s1+$0x11000];
	v14 =	vadd.f32 v3, v9  }
0x3ca: {  	s12 =	sor.u32 $0x5000, s30;
	v10 =	vld [tilespmem:s1+$0x4000];
	v2 =	vadd.f32 v2, v4  }
0x3cb: {  	s15 =	sor.u32 $0x5080, s7;
	s17 =	sor.u32 s29, s12;
	v3 =	vld [tilespmem:s11+$0x11000];
	[tilespmem:s23+$0x4000] =	vst v14  }
0x3cc: {  	s20 =	sor.u32 s16, s15;
	[tilespmem:s19+$0x4000] =	vst v2;
	v2 =	vadd.f32 v53, v11;
	v55 =	vld [tilespmem:s17+$0x0]  }
0x3cd: {  	s4 =	sor.u32 $0x80, s4;
	[tilespmem:s2+$0x0] =	vst v6;
	v6 =	vld [tilespmem:s20+$0x0]  }
0x3ce: {  	s22 =	sor.u32 s24, s12;
	v57 =	vld [tilespmem:s4+$0x4000];
	v13 =	vadd.f32 v54, v5;
	[tilespmem:s25+$0x4000] =	vst v2  }
0x3cf: {  	v8 =	vadd.f32 v8, v0;
	v56 =	vld [tilespmem:s22+$0x0]  }
0x3d0: {  	v2 =	vld [tilespmem:s4+$0x11000];
	s23 =	sor.u32 s28, s12;
	[tilespmem:s26+$0x4000] =	vst v13;
	v7 =	vadd.f32 v7, v3  }
0x3d1: {  	s25 =	sor.u32 s5, s15;
	[tilespmem:s21+$0x4000] =	vst v8;
	v8 =	vld [tilespmem:s23+$0x0];
	v12 =	vadd.f32 v55, v9  }
0x3d2: {  	s19 =	sor.u32 $0x6000, s30;
	s26 =	sor.u32 s31, s12;
	v6 =	vadd.f32 v6, v4;
	[tilespmem:s11+$0x4000] =	vst v7;
	v7 =	vld [tilespmem:s25+$0x0]  }
0x3d3: {  	v10 =	vadd.f32 v10, v1;
	s12 =	sor.u32 $0x6080, s7;
	s21 =	sor.u32 s29, s19;
	v15 =	vld [tilespmem:s26+$0x0];
	[tilespmem:s17+$0x0] =	vst v12  }
0x3d4: {  	[tilespmem:s20+$0x0] =	vst v6;
	v6 =	vadd.f32 v56, v11;
	s17 =	sor.u32 s16, s12;
	v12 =	vld [tilespmem:s21+$0x0]  }
0x3d5: {  	[tilespmem:s1+$0x4000] =	vst v10;
	v13 =	vadd.f32 v57, v2;
	s20 =	sor.u32 s18, s15;
	v10 =	vld [tilespmem:s17+$0x0]  }
0x3d6: {  	s2 =	sor.u32 s24, s19;
	[tilespmem:s22+$0x0] =	vst v6;
	v6 =	vadd.f32 v8, v5;
	v8 =	vld [tilespmem:s20+$0x0]  }
0x3d7: {  	s15 =	sor.u32 s14, s15;
	[tilespmem:s4+$0x4000] =	vst v13;
	v58 =	vld [tilespmem:s2+$0x0];
	v7 =	vadd.f32 v7, v0  }
0x3d8: {  	s22 =	sor.u32 s28, s19;
	v59 =	vld [tilespmem:s15+$0x0];
	[tilespmem:s23+$0x0] =	vst v6;
	v6 =	vadd.f32 v15, v3  }
0x3d9: {  	s23 =	sor.u32 s5, s12;
	[tilespmem:s25+$0x0] =	vst v7;
	v7 =	vld [tilespmem:s22+$0x0];
	v12 =	vadd.f32 v12, v9  }
0x3da: {  	s25 =	sor.u32 s31, s19;
	[tilespmem:s26+$0x0] =	vst v6;
	s26 =	sor.u32 $0x7000, s30;
	v6 =	vld [tilespmem:s23+$0x0];
	v10 =	vadd.f32 v10, v4  }
0x3db: {  	s7 =	sor.u32 $0x7080, s7;
	v8 =	vadd.f32 v8, v1;
	v60 =	vld [tilespmem:s25+$0x0];
	s19 =	sor.u32 s29, s26;
	[tilespmem:s21+$0x0] =	vst v12  }
0x3dc: {  	[tilespmem:s17+$0x0] =	vst v10;
	s21 =	sor.u32 s16, s7;
	v10 =	vadd.f32 v58, v11;
	v12 =	vld [tilespmem:s19+$0x0]  }
0x3dd: {  	v14 =	vadd.f32 v59, v2;
	[tilespmem:s20+$0x0] =	vst v8;
	s17 =	sor.u32 s18, s12;
	v61 =	vld [tilespmem:s21+$0x0]  }
0x3de: {  	p0 =	por !p0, !p0;
	s1 =	simm.s32 $0x1;
	s20 =	sor.u32 s24, s26;
	v7 =	vadd.f32 v7, v5;
	[tilespmem:s2+$0x0] =	vst v10;
	v10 =	vld [tilespmem:s17+$0x0]  }
0x3df: {  	s1 =	simm.s32 @!p0 $0x0;
	[tilespmem:s15+$0x0] =	vst v14;
	s16 =	sor.u32 s14, s12;
	v6 =	vadd.f32 v6, v0;
	v62 =	vld [tilespmem:s20+$0x0]  }
0x3e0: {  	s1 =	sshll.u32 s1, $0x6;
	s11 =	sor.u32 s28, s26;
	v63 =	vld [tilespmem:s16+$0x0];
	[tilespmem:s22+$0x0] =	vst v7;
	v7 =	vadd.f32 v60, v3  }
0x3e1: {  	s5 =	sor.u32 s5, s7;
	s22 =	sadd.s32 $0x80, s1;
	[tilespmem:s23+$0x0] =	vst v6;
	v16 =	vld [tilespmem:s11+$0x0];
	v6 =	vadd.f32 v12, v9  }
0x3e2: {  	s1 =	sor.u32 s31, s26;
	s23 =	sadd.s32 $0x30, s22;
	[tilespmem:s25+$0x0] =	vst v7;
	v7 =	vld [tilespmem:s5+$0x0];
	v4 =	vadd.f32 v61, v4  }
0x3e3: {  	s9 =	sor.u32 $0x80, s23;
	v8 =	vld [tilespmem:s1+$0x0];
	[tilespmem:s19+$0x0] =	vst v6;
	v6 =	vadd.f32 v10, v1  }
0x3e4: {  	s18 =	sor.u32 s18, s7;
	[tilespmem:s21+$0x0] =	vst v4;
	v10 =	vadd.f32 v62, v11;
	v4 =	vld [tilespmem:s9+$0x11000]  }
0x3e5: {  	s26 =	sadd.s32 $0x20, s22;
	s23 =	sor.u32 s14, s7;
	s25 =	sadd.s32 $0x10, s22;
	v9 =	vld [tilespmem:s9+$0x4000];
	[tilespmem:s17+$0x0] =	vst v6;
	v6 =	vadd.f32 v63, v2  }
0x3e6: {  	s10 =	sor.u32 $0x80, s26;
	s7 =	sor.u32 $0x80, s22;
	[tilespmem:s20+$0x0] =	vst v10;
	s20 =	sor.u32 $0x80, s25;
	v10 =	vadd.f32 v16, v5;
	v5 =	vld [tilespmem:s18+$0x0]  }
.LBB2_13:
0x3e7: {  	s8 =	sadd.s32 $0x40, s8;
	[tilespmem:s16+$0x0] =	vst v6;
	v6 =	vadd.f32 v7, v0;
	v0 =	vld [tilespmem:s20+$0x11000]  }
0x3e8: {  	s13 =	sadd.s32 $0x80, s13;
	s2 =	sand.u32 $0x40, s8;
	v3 =	vadd.f32 v8, v3;
	v8 =	vld [tilespmem:s20+$0x4000];
	[tilespmem:s11+$0x0] =	vst v10  }
0x3e9: {  	s3 =	sand.u32 $0xF00, s13;
	s4 =	sor.u32 $0x10, s2;
	s11 =	sor.u32 $0x30, s2;
	v10 =	vld [tilespmem:s10+$0x11000];
	[tilespmem:s5+$0x0] =	vst v6  }
0x3ea: {  	s25 =	sor.u32 $0x20, s2;
	s0 =	sor.u32 s4, s3;
	s6 =	sor.u32 s11, s3;
	[tilespmem:s1+$0x0] =	vst v3;
	v3 =	vld [tilespmem:s10+$0x4000];
	v6 =	vadd.f32 v9, v4  }
0x3eb: {  	s15 =	sor.u32 $0x5080, s30;
	s5 =	sor.u32 s2, s3;
	s12 =	sor.u32 s25, s3;
	v7 =	vld [tilespmem:s6+$0x11000];
	v11 =	vadd.f32 v5, v1  }
0x3ec: {  	s26 =	sor.u32 s28, s15;
	s16 =	sor.u32 s29, s15;
	s1 =	sor.u32 s24, s15;
	v9 =	vld [tilespmem:s6+$0x4000];
	[tilespmem:s9+$0x4000] =	vst v6  }
0x3ed: {  	p1 =	slt.u32 s8, $0x7C0;
	s9 =	sor.u32 s31, s15;
	v5 =	vadd.f32 v8, v0;
	v8 =	vld [tilespmem:s16+$0x0];
	[tilespmem:s18+$0x0] =	vst v11  }
0x3ee: {  	v6 =	vld [tilespmem:s0+$0x11000];
	v1 =	vmov v10  }
0x3ef: {  	v10 =	vld [tilespmem:s0+$0x4000];
	[tilespmem:s20+$0x4000] =	vst v5;
	v3 =	vadd.f32 v3, v1  }
0x3f0: {  	v5 =	vld [tilespmem:s12+$0x11000]  }
0x3f1: {  	s18 =	sor.u32 $0x6080, s30;
	s20 =	smov.u32 s30;
	v11 =	vld [tilespmem:s12+$0x4000];
	v9 =	vadd.f32 v9, v7;
	[tilespmem:s10+$0x4000] =	vst v3  }
0x3f2: {  	s30 =	smov.u32 s28;
	s28 =	smov.u32 s24;
	s10 =	sor.u32 $0x5000, s3;
	v3 =	vld [tilespmem:s5+$0x11000];
	v8 =	vadd.f32 v8, v4  }
0x3f3: {  	s24 =	smov.u32 s31;
	s15 =	sor.u32 s4, s10;
	v12 =	vld [tilespmem:s5+$0x4000];
	[tilespmem:s6+$0x4000] =	vst v9;
	s6 =	sor.u32 s11, s10  }
0x3f4: {  	s31 =	sor.u32 s29, s18;
	s17 =	sor.u32 s2, s10;
	s22 =	sor.u32 s25, s10;
	v9 =	vadd.f32 v10, v6;
	v10 =	vld [tilespmem:s6+$0x0];
	[tilespmem:s16+$0x0] =	vst v8  }
0x3f5: {  	s21 =	sor.u32 s30, s18;
	s10 =	sor.u32 s28, s18;
	s16 =	sor.u32 s24, s18;
	v8 =	vld [tilespmem:s31+$0x0]  }
0x3f6: {  	[tilespmem:s0+$0x4000] =	vst v9;
	v9 =	vadd.f32 v11, v5;
	v11 =	vld [tilespmem:s7+$0x11000]  }
0x3f7: {  	v13 =	vld [tilespmem:s15+$0x0]  }
0x3f8: {  	v12 =	vadd.f32 v12, v3;
	[tilespmem:s12+$0x4000] =	vst v9;
	v9 =	vld [tilespmem:s7+$0x4000]  }
0x3f9: {  	v14 =	vld [tilespmem:s22+$0x0];
	v10 =	vadd.f32 v10, v7  }
0x3fa: {  	s0 =	sor.u32 $0x6000, s3;
	[tilespmem:s5+$0x4000] =	vst v12;
	v12 =	vld [tilespmem:s1+$0x0];
	v8 =	vadd.f32 v8, v4  }
0x3fb: {  	s18 =	sor.u32 $0x7080, s20;
	s19 =	sor.u32 s4, s0;
	s14 =	sor.u32 s11, s0;
	v15 =	vld [tilespmem:s17+$0x0];
	[tilespmem:s6+$0x0] =	vst v10  }
0x3fc: {  	s20 =	sor.u32 s2, s0;
	s6 =	sor.u32 s25, s0;
	s0 =	sor.u32 s29, s18;
	v10 =	vadd.f32 v13, v6;
	v13 =	vld [tilespmem:s14+$0x0];
	[tilespmem:s31+$0x0] =	vst v8  }
0x3fd: {  	s12 =	sor.u32 s24, s18;
	s5 =	sor.u32 s28, s18;
	s18 =	sor.u32 s30, s18;
	v8 =	vadd.f32 v9, v11;
	v9 =	vld [tilespmem:s0+$0x0]  }
0x3fe: {  	s24 =	smov.u32 s4;
	s30 =	smov.u32 s3;
	s31 =	smov.u32 s2;
	[tilespmem:s15+$0x0] =	vst v10;
	v10 =	vadd.f32 v14, v5;
	v14 =	vld [tilespmem:s26+$0x0]  }
0x3ff: {  	s28 =	smov.u32 s25;
	s29 =	smov.u32 s11;
	v16 =	vld [tilespmem:s19+$0x0];
	[tilespmem:s7+$0x4000] =	vst v8;
	v8 =	vadd.f32 v12, v0  }
0x400: {  	v12 =	vadd.f32 v15, v3;
	[tilespmem:s22+$0x0] =	vst v10;
	v10 =	vld [tilespmem:s9+$0x0]  }
0x401: {  	v15 =	vld [tilespmem:s6+$0x0];
	v13 =	vadd.f32 v13, v7;
	[tilespmem:s1+$0x0] =	vst v8  }
0x402: {  	s1 =	sor.u32 $0x7000, s30;
	[tilespmem:s17+$0x0] =	vst v12;
	v8 =	vld [tilespmem:s10+$0x0];
	v4 =	vadd.f32 v9, v4  }
0x403: {  	s2 =	sor.u32 s24, s1;
	s11 =	sor.u32 s28, s1;
	s3 =	sor.u32 s29, s1;
	v9 =	vld [tilespmem:s20+$0x0];
	[tilespmem:s14+$0x0] =	vst v13;
	v12 =	vadd.f32 v14, v1  }
0x404: {  	s1 =	sor.u32 s31, s1;
	v13 =	vadd.f32 v16, v6;
	v14 =	vld [tilespmem:s3+$0x0];
	[tilespmem:s0+$0x0] =	vst v4  }
0x405: {  	p0 =	por !p0, !p0;
	s0 =	simm.s32 $0x1;
	v4 =	vadd.f32 v10, v11;
	[tilespmem:s26+$0x0] =	vst v12;
	v10 =	vld [tilespmem:s23+$0x0]  }
0x406: {  	s0 =	simm.s32 @!p0 $0x0;
	[tilespmem:s19+$0x0] =	vst v13;
	v12 =	vadd.f32 v15, v5;
	v13 =	vld [tilespmem:s21+$0x0]  }
0x407: {  	s0 =	sshll.u32 s0, $0x6;
	v15 =	vld [tilespmem:s2+$0x0];
	[tilespmem:s9+$0x0] =	vst v4;
	v4 =	vadd.f32 v8, v0  }
0x408: {  	s0 =	sadd.s32 s0, s13;
	v8 =	vadd.f32 v9, v3;
	[tilespmem:s6+$0x0] =	vst v12;
	v12 =	vld [tilespmem:s16+$0x0]  }
0x409: {  	s4 =	sadd.s32 $0x10, s0;
	v16 =	vld [tilespmem:s11+$0x0];
	v9 =	vadd.f32 v14, v7;
	[tilespmem:s10+$0x0] =	vst v4  }
.Ltmp5:
0x40a: {  	s6 =	sadd.s32 $0x20, s0;
	s7 =	sadd.s32 $0x30, s0;
	[tilespmem:s20+$0x0] =	vst v8;
	v7 =	vld [tilespmem:s5+$0x0];
	v10 =	vadd.f32 v10, v2;
	(pc) =	sbr.rel @p1 .LBB2_13-.Ltmp5, $4  }
0x40b: {  	s10 =	sor.u32 $0x80, s6;
	s9 =	sor.u32 $0x80, s7;
	s20 =	sor.u32 $0x80, s4;
	v2 =	vmov v11;
	v8 =	vld [tilespmem:s1+$0x0];
	[tilespmem:s3+$0x0] =	vst v9;
	v13 =	vadd.f32 v13, v1  }
0x40c: {  	s7 =	sor.u32 $0x80, s0;
	v11 =	vadd.f32 v15, v6;
	v4 =	vld [tilespmem:s9+$0x11000];
	[tilespmem:s23+$0x0] =	vst v10;
	s23 =	smov.u32 s12  }
0x40d: {  	v9 =	vld [tilespmem:s9+$0x4000];
	v6 =	vadd.f32 v12, v2;
	[tilespmem:s21+$0x0] =	vst v13  }
0x40e: {  	[tilespmem:s2+$0x0] =	vst v11;
	v10 =	vadd.f32 v16, v5;
	v5 =	vld [tilespmem:s18+$0x0]  }
0x40f: {  	v11 =	vld [tilespmem:s20+$0x11000]  }
0x410: {  	v3 =	vadd.f32 v8, v3;
	v8 =	vld [tilespmem:s20+$0x4000];
	[tilespmem:s11+$0x0] =	vst v10  }
0x411: {  	v10 =	vld [tilespmem:s10+$0x11000]  }
0x412: {  	[tilespmem:s1+$0x0] =	vst v3;
	v3 =	vld [tilespmem:s10+$0x4000]  }
0x413: {  	v12 =	vld [tilespmem:s7+$0x11000]  }
0x414: {  	v13 =	vld [tilespmem:s7+$0x4000]  }
0x415: {  	v9 =	vadd.f32 v9, v4  }
0x416: {  	s0 =	sor.u32 $0x5080, s30  }
0x417: {  	[tilespmem:s9+$0x4000] =	vst v9;
	s9 =	sor.u32 s29, s0;
	v8 =	vadd.f32 v8, v11  }
0x418: {  	v9 =	vld [tilespmem:s9+$0x0];
	v3 =	vadd.f32 v3, v10  }
0x419: {  	s2 =	sor.u32 s24, s0;
	[tilespmem:s20+$0x4000] =	vst v8;
	v8 =	vadd.f32 v13, v12  }
0x41a: {  	s3 =	sor.u32 s28, s0;
	[tilespmem:s10+$0x4000] =	vst v3;
	v3 =	vld [tilespmem:s2+$0x0]  }
0x41b: {  	s0 =	sor.u32 s31, s0;
	v51 =	vld [tilespmem:s3+$0x0];
	[tilespmem:s7+$0x4000] =	vst v8  }
0x41c: {  	v8 =	vld [tilespmem:s0+$0x0]  }
0x41d: {  	v9 =	vadd.f32 v9, v4  }
0x41e: {  	s4 =	sor.u32 $0x6080, s30  }
0x41f: {  	s10 =	sor.u32 s29, s4;
	[tilespmem:s9+$0x0] =	vst v9;
	v3 =	vadd.f32 v3, v11  }
0x420: {  	v9 =	vld [tilespmem:s10+$0x0];
	v13 =	vadd.f32 v51, v10  }
0x421: {  	s6 =	sor.u32 s24, s4;
	[tilespmem:s2+$0x0] =	vst v3;
	v3 =	vadd.f32 v8, v12  }
0x422: {  	s11 =	sor.u32 s28, s4;
	v8 =	vld [tilespmem:s6+$0x0];
	[tilespmem:s3+$0x0] =	vst v13  }
0x423: {  	s12 =	sor.u32 s31, s4;
	v13 =	vld [tilespmem:s11+$0x0];
	[tilespmem:s0+$0x0] =	vst v3  }
0x424: {  	v3 =	vld [tilespmem:s12+$0x0]  }
0x425: {  	v9 =	vadd.f32 v9, v4  }
0x426: {  	s13 =	sor.u32 $0x7080, s30  }
0x427: {  	s14 =	sor.u32 s29, s13;
	[tilespmem:s10+$0x0] =	vst v9;
	v8 =	vadd.f32 v8, v11  }
0x428: {  	[tilespmem:s16+$0x0] =	vst v6;
	v6 =	vld [tilespmem:s14+$0x0];
	v9 =	vadd.f32 v13, v10  }
0x429: {  	s15 =	sor.u32 s24, s13;
	v52 =	vld [tilespmem:s23+$0x0];
	[tilespmem:s6+$0x0] =	vst v8;
	v3 =	vadd.f32 v3, v12  }
0x42a: {  	s16 =	sor.u32 s28, s13;
	v8 =	vld [tilespmem:s15+$0x0];
	[tilespmem:s11+$0x0] =	vst v9  }
0x42b: {  	v0 =	vadd.f32 v7, v0;
	s0 =	sor.u32 s31, s13;
	v7 =	vld [tilespmem:s16+$0x0];
	[tilespmem:s12+$0x0] =	vst v3  }
0x42c: {  	v1 =	vadd.f32 v5, v1;
	v3 =	vld [tilespmem:s0+$0x0]  }
0x42d: {  	[tilespmem:s5+$0x0] =	vst v0;
	v0 =	vadd.f32 v6, v4  }
0x42e: {  	[tilespmem:s18+$0x0] =	vst v1;
	v1 =	vadd.f32 v52, v2  }
0x42f: {  	[tilespmem:s14+$0x0] =	vst v0;
	v0 =	vadd.f32 v8, v11  }
0x430: {  	[tilespmem:s23+$0x0] =	vst v1;
	v1 =	vadd.f32 v7, v10  }
0x431: {  	[tilespmem:s15+$0x0] =	vst v0;
	v0 =	vadd.f32 v3, v12  }
0x432: {  	[tilespmem:s16+$0x0] =	vst v1  }
0x433: {  	[tilespmem:s0+$0x0] =	vst v0  }
0x434: {  	s1 =	sld [smem:$0x7FD];
	_ =	sdelay $0x1  }
0x435: {  	s17 =	rddreg [dreg:$0x2];
	s19 =	simm.s32 $0x400  }
0x436: {  	s18 =	simm.s32 $0x100;
	s20 =	simm.s32 $0x4000;
	s0 =	sadd.s32 s17, s1  }
0x437: {  	[hbm4b:s0+s18] =	stream.strided.scatter [tilespmem:s20], [sflag:$0x6], $0x1000, s19, s18, $0x38;
	[tilespmem:$0x14000] =	vst v63  }
0x438: {  	s22 =	simm.s32 $0x5000;
	s21 =	sadd.s32 $0x100000, s0  }
0x439: {  	[hbm4b:s21+s18] =	stream.strided.scatter [tilespmem:s22], [sflag:$0x6], $0x1000, s19, s18, $0x38;
	[tilespmem:$0x14000] =	vst v63  }
0x43a: {  	s24 =	simm.s32 $0x6000;
	s23 =	sadd.s32 $0x200000, s0  }
0x43b: {  	[hbm4b:s23+s18] =	stream.strided.scatter [tilespmem:s24], [sflag:$0x6], $0x1000, s19, s18, $0x38;
	[tilespmem:$0x14000] =	vst v63  }
0x43c: {  	s25 =	simm.s32 $0x7000;
	s26 =	simm.s32 $0x8;
	s0 =	sadd.s32 $0x300000, s0  }
0x43d: {  	[hbm4b:s0+s18] =	stream.strided.scatter [tilespmem:s25], [sflag:$0x6], $0x1000, s19, s18, $0x38;
	[tilespmem:$0x14000] =	vst v63  }
0x43e: {  	_ =	swait.ge [sflag:s26], $0x4000  }
0x43f: {  	[sflag:s26] =	ssyncset.done $0x0  }
0x440: {  	s30 =	rddreg [dreg:$0x1f];
	[sflag:s26] =	ssyncadd.s32 $0xFFFFC000  }
0x441: {  	s31 =	sor.u32 $0x60, s30;
	s0 =	rddreg [dreg:$0x1]  }
0x442: {  	s5 =	simm.s32 $0x13000;
	s6 =	rddreg [dreg:$0x0];
	s0 =	sadd.s32 s0, s31  }
0x443: {  	[tilespmem:s5], [sflag:$0x4] =	stream.strided.gather [hbm4b:s0+s18], $0x1000, s19, s18, $0x38;
	[tilespmem:$0x14000] =	vst v63  }
0x444: {  	s7 =	simm.s32 $0xC000;
	s0 =	sadd.s32 s6, s31  }
0x445: {  	[tilespmem:s7], [sflag:$0x4] =	stream.strided.gather [hbm4b:s0+s18], $0x1000, s19, s18, $0x38;
	[tilespmem:$0x14000] =	vst v63  }
0x446: {  	s9 =	simm.s32 $0xD000;
	s8 =	sadd.s32 $0x100000, s0  }
0x447: {  	[tilespmem:s9], [sflag:$0x4] =	stream.strided.gather [hbm4b:s8+s18], $0x1000, s19, s18, $0x38;
	[tilespmem:$0x14000] =	vst v63  }
0x448: {  	s13 =	simm.s32 $0x3;
	s11 =	simm.s32 $0xE000;
	s10 =	sadd.s32 $0x200000, s0  }
0x449: {  	[tilespmem:s11], [sflag:$0x4] =	stream.strided.gather [hbm4b:s10+s18], $0x1000, s19, s18, $0x38;
	[tilespmem:$0x14000] =	vst v63  }
0x44a: {  	s12 =	simm.s32 $0xF000;
	[smem:$0x7FB] =	sst s31;
	s0 =	sadd.s32 $0x300000, s0  }
0x44b: {  	[tilespmem:s12], [sflag:$0x4] =	stream.strided.gather [hbm4b:s0+s18], $0x1000, s19, s18, $0x38;
	[tilespmem:$0x14000] =	vst v63  }
0x44c: {  	_ =	swait.ge [sflag:s13], $0x4000  }
0x44d: {  	[sflag:s13] =	ssyncset.done $0x0  }
0x44e: {  	s15 =	simm.s32 $0x0;
	[sflag:s13] =	ssyncadd.s32 $0xFFFFC000  }
0x44f: {  	s16 =	simm.s32 $0x0;
	s14 =	sand.u32 $0x40, s15;
	_ =	swait.ge [sflag:s13], $0x1000  }
0x450: {  	s7 =	sand.u32 $0xF00, s16;
	s16 =	sor.u32 $0x30, s14;
	[sflag:s13] =	ssyncset.done $0x0  }
0x451: {  	s17 =	sor.u32 s16, s7;
	[sflag:s13] =	ssyncadd.s32 $0xFFFFF000  }
0x452: {  	v0 =	vld [tilespmem:s17+$0x12000]  }
0x453: {  	s5 =	sor.u32 $0x10, s14;
	v1 =	vld [tilespmem:s17+$0x8000]  }
0x454: {  	s1 =	sor.u32 s5, s7  }
0x455: {  	s18 =	sor.u32 $0x20, s14;
	v2 =	vld [tilespmem:s1+$0x12000]  }
0x456: {  	s19 =	sor.u32 s18, s7;
	v3 =	vld [tilespmem:s1+$0x8000]  }
0x457: {  	v5 =	vld [tilespmem:s19+$0x12000]  }
0x458: {  	s20 =	sor.u32 s14, s7;
	v4 =	vld [tilespmem:s19+$0x8000];
	v1 =	vadd.f32 v1, v0  }
0x459: {  	s21 =	sor.u32 $0x9000, s7;
	v6 =	vld [tilespmem:s20+$0x12000]  }
0x45a: {  	s22 =	sor.u32 s16, s21;
	v7 =	vld [tilespmem:s20+$0x8000];
	[tilespmem:s17+$0x8000] =	vst v1  }
0x45b: {  	v1 =	vadd.f32 v3, v2;
	v3 =	vld [tilespmem:s22+$0x0];
	_ =	sdelay $0x1  }
0x45c: {  	s8 =	sor.u32 s5, s21;
	[tilespmem:s1+$0x8000] =	vst v1;
	v1 =	vadd.f32 v4, v5  }
0x45d: {  	v4 =	vld [tilespmem:s8+$0x0]  }
0x45e: {  	s23 =	sor.u32 s18, s21;
	[tilespmem:s19+$0x8000] =	vst v1;
	v1 =	vadd.f32 v7, v6  }
0x45f: {  	v7 =	vld [tilespmem:s23+$0x0];
	v3 =	vadd.f32 v3, v0  }
0x460: {  	s25 =	sor.u32 $0xA000, s7;
	s24 =	sor.u32 s14, s21;
	[tilespmem:s20+$0x8000] =	vst v1  }
0x461: {  	s26 =	sor.u32 s16, s25;
	v1 =	vld [tilespmem:s24+$0x0];
	[tilespmem:s22+$0x0] =	vst v3  }
0x462: {  	v3 =	vadd.f32 v4, v2;
	v4 =	vld [tilespmem:s26+$0x0]  }
0x463: {  	p0 =	por $0x0, $0x0;
	s4 =	simm.s32 $0x1  }
0x464: {  	s4 =	simm.s32 @!p0 $0x0;
	s30 =	sor.u32 s5, s25;
	[tilespmem:s8+$0x0] =	vst v3;
	v3 =	vadd.f32 v7, v5  }
0x465: {  	s4 =	sshll.u32 s4, $0x6;
	v7 =	vld [tilespmem:s30+$0x0]  }
0x466: {  	s4 =	sadd.s32 $0x0, s4;
	s6 =	sor.u32 s14, s25;
	s31 =	sor.u32 s18, s25;
	[tilespmem:s23+$0x0] =	vst v3;
	v1 =	vadd.f32 v1, v6  }
0x467: {  	s9 =	sor.u32 $0xB000, s7;
	s13 =	sadd.s32 $0x30, s4;
	s8 =	simm.s32 $0x40;
	v3 =	vld [tilespmem:s31+$0x0];
	v4 =	vadd.f32 v4, v0  }
0x468: {  	s15 =	sor.u32 $0x80, s13;
	s13 =	simm.s32 $0x80;
	s22 =	sand.u32 $0x40, s8;
	[tilespmem:s24+$0x0] =	vst v1  }
0x469: {  	s10 =	sor.u32 s16, s9;
	s29 =	sand.u32 $0xF00, s13;
	s28 =	sor.u32 $0x30, s22;
	v1 =	vld [tilespmem:s6+$0x0];
	[tilespmem:s26+$0x0] =	vst v4  }
0x46a: {  	s23 =	sor.u32 $0x10, s22;
	s25 =	sor.u32 s28, s29;
	v4 =	vadd.f32 v7, v2;
	v7 =	vld [tilespmem:s10+$0x0]  }
0x46b: {  	v9 =	vld [tilespmem:s25+$0x12000];
	s26 =	sor.u32 s23, s29  }
0x46c: {  	s11 =	sor.u32 s5, s9;
	v11 =	vld [tilespmem:s26+$0x12000];
	[tilespmem:s30+$0x0] =	vst v4;
	v3 =	vadd.f32 v3, v5  }
0x46d: {  	s24 =	sadd.s32 $0x20, s4;
	v4 =	vld [tilespmem:s11+$0x0]  }
0x46e: {  	s12 =	sor.u32 s18, s9;
	s1 =	sor.u32 $0x80, s24;
	s24 =	sor.u32 $0x20, s22;
	v53 =	vld [tilespmem:s26+$0x8000];
	[tilespmem:s31+$0x0] =	vst v3;
	v1 =	vadd.f32 v1, v6  }
0x46f: {  	s30 =	sor.u32 s24, s29;
	v3 =	vld [tilespmem:s12+$0x0];
	v0 =	vadd.f32 v7, v0  }
0x470: {  	s2 =	sor.u32 s14, s9;
	v54 =	vld [tilespmem:s30+$0x8000];
	[tilespmem:s6+$0x0] =	vst v1  }
0x471: {  	v7 =	vld [tilespmem:s2+$0x0];
	[tilespmem:s10+$0x0] =	vst v0  }
0x472: {  	v0 =	vadd.f32 v4, v2;
	v4 =	vld [tilespmem:s15+$0x12000]  }
0x473: {  	v2 =	vld [tilespmem:s15+$0x8000]  }
0x474: {  	s20 =	sadd.s32 $0x10, s4;
	v1 =	vadd.f32 v3, v5;
	v3 =	vld [tilespmem:s25+$0x8000]  }
0x475: {  	s21 =	sor.u32 $0x80, s20;
	[tilespmem:s11+$0x0] =	vst v0;
	v5 =	vld [tilespmem:s30+$0x12000]  }
0x476: {  	v0 =	vld [tilespmem:s21+$0x12000]  }
0x477: {  	v8 =	vld [tilespmem:s21+$0x8000];
	[tilespmem:s12+$0x0] =	vst v1  }
0x478: {  	v1 =	vld [tilespmem:s1+$0x12000]  }
0x479: {  	s12 =	sor.u32 s22, s29;
	v10 =	vld [tilespmem:s1+$0x8000];
	v14 =	vadd.f32 v3, v9  }
0x47a: {  	s17 =	sor.u32 $0x9000, s29;
	v6 =	vadd.f32 v7, v6;
	v7 =	vld [tilespmem:s12+$0x8000];
	v2 =	vadd.f32 v2, v4  }
0x47b: {  	s19 =	sor.u32 $0x9080, s7;
	s31 =	sor.u32 s28, s17;
	v3 =	vld [tilespmem:s12+$0x12000];
	[tilespmem:s25+$0x8000] =	vst v14  }
0x47c: {  	s6 =	sor.u32 s16, s19;
	[tilespmem:s15+$0x8000] =	vst v2;
	v2 =	vadd.f32 v53, v11;
	v55 =	vld [tilespmem:s31+$0x0]  }
0x47d: {  	s4 =	sor.u32 $0x80, s4;
	[tilespmem:s2+$0x0] =	vst v6;
	v6 =	vld [tilespmem:s6+$0x0]  }
0x47e: {  	v13 =	vadd.f32 v54, v5;
	v57 =	vld [tilespmem:s4+$0x8000];
	s15 =	sor.u32 s23, s17;
	[tilespmem:s26+$0x8000] =	vst v2  }
0x47f: {  	v8 =	vadd.f32 v8, v0;
	v56 =	vld [tilespmem:s15+$0x0]  }
0x480: {  	s20 =	sor.u32 s24, s17;
	[tilespmem:s30+$0x8000] =	vst v13;
	v2 =	vld [tilespmem:s4+$0x12000];
	v7 =	vadd.f32 v7, v3  }
0x481: {  	s25 =	sor.u32 s5, s19;
	[tilespmem:s21+$0x8000] =	vst v8;
	v8 =	vld [tilespmem:s20+$0x0];
	v12 =	vadd.f32 v55, v9  }
0x482: {  	s30 =	sor.u32 $0xA000, s29;
	s26 =	sor.u32 s22, s17;
	v6 =	vadd.f32 v6, v4;
	[tilespmem:s12+$0x8000] =	vst v7;
	v7 =	vld [tilespmem:s25+$0x0]  }
0x483: {  	v10 =	vadd.f32 v10, v1;
	s17 =	sor.u32 $0xA080, s7;
	v15 =	vld [tilespmem:s26+$0x0];
	[tilespmem:s31+$0x0] =	vst v12;
	s31 =	sor.u32 s28, s30  }
0x484: {  	[tilespmem:s6+$0x0] =	vst v6;
	s6 =	sor.u32 s16, s17;
	v6 =	vadd.f32 v56, v11;
	v12 =	vld [tilespmem:s31+$0x0]  }
0x485: {  	s21 =	sor.u32 s18, s19;
	[tilespmem:s1+$0x8000] =	vst v10;
	v13 =	vadd.f32 v57, v2;
	v10 =	vld [tilespmem:s6+$0x0]  }
0x486: {  	[tilespmem:s15+$0x0] =	vst v6;
	s15 =	sor.u32 s23, s30;
	v6 =	vadd.f32 v8, v5;
	v8 =	vld [tilespmem:s21+$0x0]  }
0x487: {  	s19 =	sor.u32 s14, s19;
	[tilespmem:s4+$0x8000] =	vst v13;
	v58 =	vld [tilespmem:s15+$0x0];
	v7 =	vadd.f32 v7, v0  }
0x488: {  	v59 =	vld [tilespmem:s19+$0x0];
	[tilespmem:s20+$0x0] =	vst v6;
	s20 =	sor.u32 s24, s30;
	v6 =	vadd.f32 v15, v3  }
0x489: {  	[tilespmem:s25+$0x0] =	vst v7;
	s25 =	sor.u32 s5, s17;
	v7 =	vld [tilespmem:s20+$0x0];
	v12 =	vadd.f32 v12, v9  }
0x48a: {  	s12 =	sor.u32 s22, s30;
	v10 =	vadd.f32 v10, v4;
	[tilespmem:s26+$0x0] =	vst v6;
	s26 =	sor.u32 $0xB000, s29;
	v6 =	vld [tilespmem:s25+$0x0]  }
0x48b: {  	s7 =	sor.u32 $0xB080, s7;
	v60 =	vld [tilespmem:s12+$0x0];
	s30 =	sor.u32 s28, s26;
	v8 =	vadd.f32 v8, v1;
	[tilespmem:s31+$0x0] =	vst v12  }
0x48c: {  	[tilespmem:s6+$0x0] =	vst v10;
	v10 =	vadd.f32 v58, v11;
	s31 =	sor.u32 s16, s7;
	v12 =	vld [tilespmem:s30+$0x0]  }
0x48d: {  	v14 =	vadd.f32 v59, v2;
	s6 =	sor.u32 s18, s17;
	[tilespmem:s21+$0x0] =	vst v8;
	v61 =	vld [tilespmem:s31+$0x0]  }
0x48e: {  	p0 =	por !p0, !p0;
	s1 =	simm.s32 $0x1;
	s21 =	sor.u32 s23, s26;
	[tilespmem:s15+$0x0] =	vst v10;
	v7 =	vadd.f32 v7, v5;
	v10 =	vld [tilespmem:s6+$0x0]  }
0x48f: {  	s1 =	simm.s32 @!p0 $0x0;
	[tilespmem:s19+$0x0] =	vst v14;
	s16 =	sor.u32 s14, s17;
	v62 =	vld [tilespmem:s21+$0x0];
	v6 =	vadd.f32 v6, v0  }
0x490: {  	s1 =	sshll.u32 s1, $0x6;
	s11 =	sor.u32 s24, s26;
	v63 =	vld [tilespmem:s16+$0x0];
	[tilespmem:s20+$0x0] =	vst v7;
	v7 =	vadd.f32 v60, v3  }
0x491: {  	s5 =	sor.u32 s5, s7;
	[tilespmem:s25+$0x0] =	vst v6;
	s25 =	sadd.s32 $0x80, s1;
	v16 =	vld [tilespmem:s11+$0x0];
	v6 =	vadd.f32 v12, v9  }
0x492: {  	s1 =	sor.u32 s22, s26;
	[tilespmem:s12+$0x0] =	vst v7;
	s26 =	sadd.s32 $0x30, s25;
	v7 =	vld [tilespmem:s5+$0x0];
	v4 =	vadd.f32 v61, v4  }
0x493: {  	v8 =	vld [tilespmem:s1+$0x0];
	s9 =	sor.u32 $0x80, s26;
	[tilespmem:s30+$0x0] =	vst v6;
	v6 =	vadd.f32 v10, v1  }
0x494: {  	s18 =	sor.u32 s18, s7;
	[tilespmem:s31+$0x0] =	vst v4;
	v10 =	vadd.f32 v62, v11;
	v4 =	vld [tilespmem:s9+$0x12000]  }
0x495: {  	s15 =	sor.u32 s14, s7;
	s30 =	sadd.s32 $0x10, s25;
	s31 =	sadd.s32 $0x20, s25;
	v9 =	vld [tilespmem:s9+$0x8000];
	[tilespmem:s6+$0x0] =	vst v6;
	v6 =	vadd.f32 v63, v2  }
0x496: {  	s7 =	sor.u32 $0x80, s25;
	s20 =	sor.u32 $0x80, s30;
	s10 =	sor.u32 $0x80, s31;
	[tilespmem:s21+$0x0] =	vst v10;
	v10 =	vadd.f32 v16, v5;
	v5 =	vld [tilespmem:s18+$0x0]  }
.LBB2_15:
0x497: {  	s8 =	sadd.s32 $0x40, s8;
	[tilespmem:s16+$0x0] =	vst v6;
	v6 =	vadd.f32 v7, v0;
	v0 =	vld [tilespmem:s20+$0x12000]  }
0x498: {  	s13 =	sadd.s32 $0x80, s13;
	s2 =	sand.u32 $0x40, s8;
	v3 =	vadd.f32 v8, v3;
	v8 =	vld [tilespmem:s20+$0x8000];
	[tilespmem:s11+$0x0] =	vst v10  }
0x499: {  	s3 =	sand.u32 $0xF00, s13;
	s4 =	sor.u32 $0x10, s2;
	s11 =	sor.u32 $0x30, s2;
	v10 =	vld [tilespmem:s10+$0x12000];
	[tilespmem:s5+$0x0] =	vst v6  }
0x49a: {  	s25 =	sor.u32 $0x20, s2;
	s0 =	sor.u32 s4, s3;
	s12 =	sor.u32 s11, s3;
	[tilespmem:s1+$0x0] =	vst v3;
	v3 =	vld [tilespmem:s10+$0x8000];
	v6 =	vadd.f32 v9, v4  }
0x49b: {  	s16 =	sor.u32 $0x9080, s29;
	s5 =	sor.u32 s2, s3;
	s19 =	sor.u32 s25, s3;
	v7 =	vld [tilespmem:s12+$0x12000];
	v11 =	vadd.f32 v5, v1  }
0x49c: {  	s26 =	sor.u32 s24, s16;
	s21 =	sor.u32 s28, s16;
	s1 =	sor.u32 s23, s16;
	v9 =	vld [tilespmem:s12+$0x8000];
	[tilespmem:s9+$0x8000] =	vst v6  }
0x49d: {  	p1 =	slt.u32 s8, $0x7C0;
	s9 =	sor.u32 s22, s16;
	v5 =	vadd.f32 v8, v0;
	v8 =	vld [tilespmem:s21+$0x0];
	[tilespmem:s18+$0x0] =	vst v11  }
0x49e: {  	v6 =	vld [tilespmem:s0+$0x12000];
	v1 =	vmov v10  }
0x49f: {  	v10 =	vld [tilespmem:s0+$0x8000];
	[tilespmem:s20+$0x8000] =	vst v5;
	v3 =	vadd.f32 v3, v1  }
0x4a0: {  	v5 =	vld [tilespmem:s19+$0x12000]  }
0x4a1: {  	v11 =	vld [tilespmem:s19+$0x8000];
	v9 =	vadd.f32 v9, v7;
	[tilespmem:s10+$0x8000] =	vst v3  }
0x4a2: {  	s20 =	smov.u32 s29;
	s10 =	sor.u32 $0x9000, s3;
	v3 =	vld [tilespmem:s5+$0x12000];
	v8 =	vadd.f32 v8, v4  }
0x4a3: {  	s18 =	sor.u32 $0xA080, s20;
	s29 =	sor.u32 s4, s10;
	v12 =	vld [tilespmem:s5+$0x8000];
	[tilespmem:s12+$0x8000] =	vst v9;
	s12 =	sor.u32 s11, s10  }
0x4a4: {  	s6 =	sor.u32 s28, s18;
	s17 =	sor.u32 s2, s10;
	s31 =	sor.u32 s25, s10;
	v9 =	vadd.f32 v10, v6;
	v10 =	vld [tilespmem:s12+$0x0];
	[tilespmem:s21+$0x0] =	vst v8  }
0x4a5: {  	s16 =	sor.u32 s22, s18;
	s10 =	sor.u32 s23, s18;
	s21 =	sor.u32 s24, s18;
	v8 =	vld [tilespmem:s6+$0x0]  }
0x4a6: {  	[tilespmem:s0+$0x8000] =	vst v9;
	v9 =	vadd.f32 v11, v5;
	v11 =	vld [tilespmem:s7+$0x12000]  }
0x4a7: {  	v13 =	vld [tilespmem:s29+$0x0]  }
0x4a8: {  	v12 =	vadd.f32 v12, v3;
	[tilespmem:s19+$0x8000] =	vst v9;
	v9 =	vld [tilespmem:s7+$0x8000]  }
0x4a9: {  	v14 =	vld [tilespmem:s31+$0x0];
	v10 =	vadd.f32 v10, v7  }
0x4aa: {  	s0 =	sor.u32 $0xA000, s3;
	[tilespmem:s5+$0x8000] =	vst v12;
	v12 =	vld [tilespmem:s1+$0x0];
	v8 =	vadd.f32 v8, v4  }
0x4ab: {  	s18 =	sor.u32 $0xB080, s20;
	s14 =	sor.u32 s11, s0;
	s19 =	sor.u32 s4, s0;
	v15 =	vld [tilespmem:s17+$0x0];
	[tilespmem:s12+$0x0] =	vst v10  }
0x4ac: {  	s20 =	sor.u32 s2, s0;
	s30 =	sor.u32 s25, s0;
	s0 =	sor.u32 s28, s18;
	v10 =	vadd.f32 v13, v6;
	v13 =	vld [tilespmem:s14+$0x0];
	[tilespmem:s6+$0x0] =	vst v8  }
0x4ad: {  	s5 =	sor.u32 s23, s18;
	s12 =	sor.u32 s22, s18;
	s18 =	sor.u32 s24, s18;
	v8 =	vadd.f32 v9, v11;
	v9 =	vld [tilespmem:s0+$0x0]  }
0x4ae: {  	s23 =	smov.u32 s4;
	s22 =	smov.u32 s2;
	[tilespmem:s29+$0x0] =	vst v10;
	v10 =	vadd.f32 v14, v5;
	v14 =	vld [tilespmem:s26+$0x0];
	s29 =	smov.u32 s3  }
0x4af: {  	s28 =	smov.u32 s11;
	s24 =	smov.u32 s25;
	v16 =	vld [tilespmem:s19+$0x0];
	[tilespmem:s7+$0x8000] =	vst v8;
	v8 =	vadd.f32 v12, v0  }
0x4b0: {  	v12 =	vadd.f32 v15, v3;
	[tilespmem:s31+$0x0] =	vst v10;
	v10 =	vld [tilespmem:s9+$0x0]  }
0x4b1: {  	v15 =	vld [tilespmem:s30+$0x0];
	v13 =	vadd.f32 v13, v7;
	[tilespmem:s1+$0x0] =	vst v8  }
0x4b2: {  	s1 =	sor.u32 $0xB000, s29;
	[tilespmem:s17+$0x0] =	vst v12;
	v8 =	vld [tilespmem:s10+$0x0];
	v4 =	vadd.f32 v9, v4  }
0x4b3: {  	s2 =	sor.u32 s23, s1;
	s11 =	sor.u32 s24, s1;
	s3 =	sor.u32 s28, s1;
	v9 =	vld [tilespmem:s20+$0x0];
	[tilespmem:s14+$0x0] =	vst v13;
	v12 =	vadd.f32 v14, v1  }
0x4b4: {  	s1 =	sor.u32 s22, s1;
	v13 =	vadd.f32 v16, v6;
	v14 =	vld [tilespmem:s3+$0x0];
	[tilespmem:s0+$0x0] =	vst v4  }
0x4b5: {  	p0 =	por !p0, !p0;
	s0 =	simm.s32 $0x1;
	v4 =	vadd.f32 v10, v11;
	[tilespmem:s26+$0x0] =	vst v12;
	v10 =	vld [tilespmem:s15+$0x0]  }
0x4b6: {  	s0 =	simm.s32 @!p0 $0x0;
	[tilespmem:s19+$0x0] =	vst v13;
	v12 =	vadd.f32 v15, v5;
	v13 =	vld [tilespmem:s21+$0x0]  }
0x4b7: {  	s0 =	sshll.u32 s0, $0x6;
	v15 =	vld [tilespmem:s2+$0x0];
	[tilespmem:s9+$0x0] =	vst v4;
	v4 =	vadd.f32 v8, v0  }
0x4b8: {  	s0 =	sadd.s32 s0, s13;
	v8 =	vadd.f32 v9, v3;
	[tilespmem:s30+$0x0] =	vst v12;
	v12 =	vld [tilespmem:s16+$0x0]  }
0x4b9: {  	s4 =	sadd.s32 $0x10, s0;
	v16 =	vld [tilespmem:s11+$0x0];
	v9 =	vadd.f32 v14, v7;
	[tilespmem:s10+$0x0] =	vst v4  }
.Ltmp6:
0x4ba: {  	s6 =	sadd.s32 $0x20, s0;
	s7 =	sadd.s32 $0x30, s0;
	[tilespmem:s20+$0x0] =	vst v8;
	v7 =	vld [tilespmem:s5+$0x0];
	v10 =	vadd.f32 v10, v2;
	(pc) =	sbr.rel @p1 .LBB2_15-.Ltmp6, $4  }
0x4bb: {  	s10 =	sor.u32 $0x80, s6;
	s9 =	sor.u32 $0x80, s7;
	s20 =	sor.u32 $0x80, s4;
	v2 =	vmov v11;
	v8 =	vld [tilespmem:s1+$0x0];
	[tilespmem:s3+$0x0] =	vst v9;
	v13 =	vadd.f32 v13, v1  }
0x4bc: {  	s7 =	sor.u32 $0x80, s0;
	v11 =	vadd.f32 v15, v6;
	v4 =	vld [tilespmem:s9+$0x12000];
	[tilespmem:s15+$0x0] =	vst v10;
	s15 =	smov.u32 s12  }
0x4bd: {  	v9 =	vld [tilespmem:s9+$0x8000];
	v6 =	vadd.f32 v12, v2;
	[tilespmem:s21+$0x0] =	vst v13  }
0x4be: {  	[tilespmem:s2+$0x0] =	vst v11;
	v10 =	vadd.f32 v16, v5;
	v5 =	vld [tilespmem:s18+$0x0]  }
0x4bf: {  	v11 =	vld [tilespmem:s20+$0x12000]  }
0x4c0: {  	v3 =	vadd.f32 v8, v3;
	v8 =	vld [tilespmem:s20+$0x8000];
	[tilespmem:s11+$0x0] =	vst v10  }
0x4c1: {  	v10 =	vld [tilespmem:s10+$0x12000]  }
0x4c2: {  	[tilespmem:s1+$0x0] =	vst v3;
	v3 =	vld [tilespmem:s10+$0x8000]  }
0x4c3: {  	v12 =	vld [tilespmem:s7+$0x12000]  }
0x4c4: {  	v13 =	vld [tilespmem:s7+$0x8000]  }
0x4c5: {  	v9 =	vadd.f32 v9, v4  }
0x4c6: {  	s0 =	sor.u32 $0x9080, s29  }
0x4c7: {  	s19 =	sor.u32 s28, s0;
	[tilespmem:s9+$0x8000] =	vst v9;
	v8 =	vadd.f32 v8, v11  }
0x4c8: {  	v9 =	vld [tilespmem:s19+$0x0];
	v3 =	vadd.f32 v3, v10  }
0x4c9: {  	s2 =	sor.u32 s23, s0;
	[tilespmem:s20+$0x8000] =	vst v8;
	v8 =	vadd.f32 v13, v12  }
0x4ca: {  	s3 =	sor.u32 s24, s0;
	[tilespmem:s10+$0x8000] =	vst v3;
	v3 =	vld [tilespmem:s2+$0x0]  }
0x4cb: {  	s0 =	sor.u32 s22, s0;
	v51 =	vld [tilespmem:s3+$0x0];
	[tilespmem:s7+$0x8000] =	vst v8  }
0x4cc: {  	v8 =	vld [tilespmem:s0+$0x0]  }
0x4cd: {  	v9 =	vadd.f32 v9, v4  }
0x4ce: {  	s4 =	sor.u32 $0xA080, s29  }
0x4cf: {  	s21 =	sor.u32 s28, s4;
	[tilespmem:s19+$0x0] =	vst v9;
	v3 =	vadd.f32 v3, v11  }
0x4d0: {  	v9 =	vld [tilespmem:s21+$0x0];
	v13 =	vadd.f32 v51, v10  }
0x4d1: {  	s6 =	sor.u32 s23, s4;
	[tilespmem:s2+$0x0] =	vst v3;
	v3 =	vadd.f32 v8, v12  }
0x4d2: {  	s25 =	sor.u32 s24, s4;
	v8 =	vld [tilespmem:s6+$0x0];
	[tilespmem:s3+$0x0] =	vst v13  }
0x4d3: {  	s26 =	sor.u32 s22, s4;
	v13 =	vld [tilespmem:s25+$0x0];
	[tilespmem:s0+$0x0] =	vst v3  }
0x4d4: {  	v3 =	vld [tilespmem:s26+$0x0]  }
0x4d5: {  	v9 =	vadd.f32 v9, v4  }
0x4d6: {  	s30 =	sor.u32 $0xB080, s29  }
0x4d7: {  	s4 =	sor.u32 s28, s30;
	[tilespmem:s21+$0x0] =	vst v9;
	v8 =	vadd.f32 v8, v11  }
0x4d8: {  	[tilespmem:s16+$0x0] =	vst v6;
	v6 =	vld [tilespmem:s4+$0x0];
	v9 =	vadd.f32 v13, v10  }
0x4d9: {  	v52 =	vld [tilespmem:s15+$0x0];
	s7 =	sor.u32 s23, s30;
	[tilespmem:s6+$0x0] =	vst v8;
	v3 =	vadd.f32 v3, v12  }
0x4da: {  	s8 =	sor.u32 s24, s30;
	v8 =	vld [tilespmem:s7+$0x0];
	[tilespmem:s25+$0x0] =	vst v9  }
0x4db: {  	v0 =	vadd.f32 v7, v0;
	s0 =	sor.u32 s22, s30;
	v7 =	vld [tilespmem:s8+$0x0];
	[tilespmem:s26+$0x0] =	vst v3  }
0x4dc: {  	v1 =	vadd.f32 v5, v1;
	v3 =	vld [tilespmem:s0+$0x0]  }
0x4dd: {  	[tilespmem:s5+$0x0] =	vst v0;
	v0 =	vadd.f32 v6, v4  }
0x4de: {  	[tilespmem:s18+$0x0] =	vst v1;
	v1 =	vadd.f32 v52, v2  }
0x4df: {  	[tilespmem:s4+$0x0] =	vst v0;
	v0 =	vadd.f32 v8, v11  }
0x4e0: {  	[tilespmem:s15+$0x0] =	vst v1;
	v1 =	vadd.f32 v7, v10  }
0x4e1: {  	[tilespmem:s7+$0x0] =	vst v0;
	v0 =	vadd.f32 v3, v12  }
0x4e2: {  	[tilespmem:s8+$0x0] =	vst v1  }
0x4e3: {  	[tilespmem:s0+$0x0] =	vst v0  }
0x4e4: {  	s1 =	sld [smem:$0x7FC];
	_ =	sdelay $0x1  }
0x4e5: {  	s12 =	simm.s32 $0x8000;
	s9 =	rddreg [dreg:$0x2]  }
0x4e6: {  	s11 =	simm.s32 $0x400;
	s10 =	simm.s32 $0x100;
	s0 =	sadd.s32 s9, s1  }
0x4e7: {  	[hbm4b:s0+s10] =	stream.strided.scatter [tilespmem:s12], [sflag:$0x7], $0x1000, s11, s10, $0x38;
	[tilespmem:$0x14000] =	vst v63  }
0x4e8: {  	s14 =	simm.s32 $0x9000;
	s13 =	sadd.s32 $0x100000, s0  }
0x4e9: {  	[hbm4b:s13+s10] =	stream.strided.scatter [tilespmem:s14], [sflag:$0x7], $0x1000, s11, s10, $0x38;
	[tilespmem:$0x14000] =	vst v63  }
0x4ea: {  	s16 =	simm.s32 $0xA000;
	s15 =	sadd.s32 $0x200000, s0  }
0x4eb: {  	[hbm4b:s15+s10] =	stream.strided.scatter [tilespmem:s16], [sflag:$0x7], $0x1000, s11, s10, $0x38;
	[tilespmem:$0x14000] =	vst v63  }
0x4ec: {  	s17 =	simm.s32 $0xB000;
	s18 =	simm.s32 $0x5;
	s0 =	sadd.s32 $0x300000, s0  }
0x4ed: {  	[hbm4b:s0+s10] =	stream.strided.scatter [tilespmem:s17], [sflag:$0x7], $0x1000, s11, s10, $0x38;
	[tilespmem:$0x14000] =	vst v63  }
0x4ee: {  	_ =	swait.ge [sflag:s18], $0x4000  }
0x4ef: {  	[sflag:s18] =	ssyncset.done $0x0;
	s19 =	rddreg [dreg:$0xf]  }
0x4f0: {  	s20 =	rddreg [dreg:$0x1e];
	[sflag:s18] =	ssyncadd.s32 $0xFFFFC000  }
0x4f1: {  	s0 =	sadd.s32 s19, s20;
	s1 =	rddreg [dreg:$0x1]  }
0x4f2: {  	s21 =	simm.s32 $0x10000;
	s22 =	rddreg [dreg:$0x0];
	s1 =	sadd.s32 s1, s0  }
0x4f3: {  	[tilespmem:s21], [sflag:$0x1] =	stream.strided.gather [hbm4b:s1+s10], $0x1000, s11, s10, $0x38;
	[tilespmem:$0x14000] =	vst v63  }
0x4f4: {  	s23 =	simm.s32 $0x0;
	s0 =	sadd.s32 s22, s0  }
0x4f5: {  	[tilespmem:s23], [sflag:$0x1] =	stream.strided.gather [hbm4b:s0+s10], $0x1000, s11, s10, $0x38;
	[tilespmem:$0x14000] =	vst v63  }
0x4f6: {  	s25 =	simm.s32 $0x1000;
	s24 =	sadd.s32 $0x100000, s0  }
0x4f7: {  	[tilespmem:s25], [sflag:$0x1] =	stream.strided.gather [hbm4b:s24+s10], $0x1000, s11, s10, $0x38;
	[tilespmem:$0x14000] =	vst v63  }
0x4f8: {  	s28 =	simm.s32 $0x2000;
	s26 =	sadd.s32 $0x200000, s0  }
0x4f9: {  	[tilespmem:s28], [sflag:$0x1] =	stream.strided.gather [hbm4b:s26+s10], $0x1000, s11, s10, $0x38;
	[tilespmem:$0x14000] =	vst v63  }
0x4fa: {  	s29 =	simm.s32 $0x3000;
	s30 =	simm.s32 $0x4;
	s0 =	sadd.s32 $0x300000, s0  }
0x4fb: {  	[tilespmem:s29], [sflag:$0x1] =	stream.strided.gather [hbm4b:s0+s10], $0x1000, s11, s10, $0x38;
	[tilespmem:$0x14000] =	vst v63  }
0x4fc: {  	_ =	swait.ge [sflag:s30], $0x4000  }
0x4fd: {  	[sflag:s30] =	ssyncset.done $0x0  }
0x4fe: {  	s3 =	simm.s32 $0x0;
	[sflag:s30] =	ssyncadd.s32 $0xFFFFC000  }
0x4ff: {  	s14 =	sand.u32 $0x40, s3;
	_ =	swait.ge [sflag:s30], $0x1000  }
0x500: {  	s7 =	sand.u32 $0xF00, s23;
	s16 =	sor.u32 $0x30, s14;
	[sflag:s30] =	ssyncset.done $0x0  }
0x501: {  	s4 =	sor.u32 s16, s7;
	[sflag:s30] =	ssyncadd.s32 $0xFFFFF000  }
0x502: {  	s5 =	sor.u32 $0x10, s14;
	v0 =	vld [tilespmem:s4+$0x13000]  }
0x503: {  	s1 =	sor.u32 s5, s7;
	v1 =	vld [tilespmem:s4+$0xC000]  }
0x504: {  	v2 =	vld [tilespmem:s1+$0x13000]  }
0x505: {  	s18 =	sor.u32 $0x20, s14;
	v3 =	vld [tilespmem:s1+$0xC000]  }
0x506: {  	s6 =	sor.u32 s18, s7  }
0x507: {  	v5 =	vld [tilespmem:s6+$0x13000]  }
0x508: {  	s8 =	sor.u32 s14, s7;
	v4 =	vld [tilespmem:s6+$0xC000];
	v1 =	vadd.f32 v1, v0  }
0x509: {  	s9 =	sor.u32 $0xD000, s7;
	v6 =	vld [tilespmem:s8+$0x13000]  }
0x50a: {  	s10 =	sor.u32 s16, s9;
	v7 =	vld [tilespmem:s8+$0xC000];
	[tilespmem:s4+$0xC000] =	vst v1;
	v1 =	vadd.f32 v3, v2  }
0x50b: {  	v3 =	vld [tilespmem:s10+$0x0]  }
0x50c: {  	s11 =	sor.u32 s5, s9;
	[tilespmem:s1+$0xC000] =	vst v1  }
0x50d: {  	v1 =	vadd.f32 v4, v5;
	v4 =	vld [tilespmem:s11+$0x0];
	_ =	sdelay $0x1  }
0x50e: {  	s12 =	sor.u32 s18, s9;
	[tilespmem:s6+$0xC000] =	vst v1;
	v1 =	vadd.f32 v7, v6  }
0x50f: {  	v7 =	vld [tilespmem:s12+$0x0];
	v3 =	vadd.f32 v3, v0  }
0x510: {  	s13 =	sor.u32 s14, s9;
	s15 =	sor.u32 $0xE000, s7;
	[tilespmem:s8+$0xC000] =	vst v1  }
0x511: {  	s17 =	sor.u32 s16, s15;
	v1 =	vld [tilespmem:s13+$0x0];
	[tilespmem:s10+$0x0] =	vst v3;
	v3 =	vadd.f32 v4, v2  }
0x512: {  	v4 =	vld [tilespmem:s17+$0x0]  }
0x513: {  	s19 =	sor.u32 s5, s15;
	[tilespmem:s11+$0x0] =	vst v3  }
0x514: {  	v3 =	vadd.f32 v7, v5;
	v7 =	vld [tilespmem:s19+$0x0];
	_ =	sdelay $0x1  }
0x515: {  	v1 =	vadd.f32 v1, v6  }
0x516: {  	s20 =	sor.u32 s18, s15;
	[tilespmem:s12+$0x0] =	vst v3;
	v4 =	vadd.f32 v4, v0  }
0x517: {  	s22 =	sor.u32 $0xF000, s7;
	s21 =	sor.u32 s14, s15;
	v3 =	vld [tilespmem:s20+$0x0];
	[tilespmem:s13+$0x0] =	vst v1  }
0x518: {  	s23 =	sor.u32 s16, s22;
	v1 =	vld [tilespmem:s21+$0x0];
	[tilespmem:s17+$0x0] =	vst v4;
	v4 =	vadd.f32 v7, v2  }
0x519: {  	v7 =	vld [tilespmem:s23+$0x0]  }
0x51a: {  	s24 =	sor.u32 s5, s22;
	[tilespmem:s19+$0x0] =	vst v4  }
0x51b: {  	p0 =	por $0x0, $0x0;
	s4 =	simm.s32 $0x1;
	v4 =	vld [tilespmem:s24+$0x0]  }
0x51c: {  	s4 =	simm.s32 @!p0 $0x0;
	v3 =	vadd.f32 v3, v5  }
0x51d: {  	s4 =	sshll.u32 s4, $0x6;
	v1 =	vadd.f32 v1, v6  }
0x51e: {  	s25 =	sor.u32 s18, s22;
	s4 =	sadd.s32 $0x0, s4;
	[tilespmem:s20+$0x0] =	vst v3;
	v0 =	vadd.f32 v7, v0  }
0x51f: {  	s2 =	sor.u32 s14, s22;
	s26 =	sadd.s32 $0x30, s4;
	v3 =	vld [tilespmem:s25+$0x0];
	[tilespmem:s21+$0x0] =	vst v1  }
0x520: {  	s28 =	sor.u32 $0x80, s26;
	v7 =	vld [tilespmem:s2+$0x0];
	[tilespmem:s23+$0x0] =	vst v0;
	v0 =	vadd.f32 v4, v2  }
0x521: {  	s29 =	sadd.s32 $0x10, s4;
	s8 =	simm.s32 $0x40;
	v4 =	vld [tilespmem:s28+$0x13000]  }
0x522: {  	s30 =	sor.u32 $0x80, s29;
	s31 =	sand.u32 $0x40, s8;
	s13 =	simm.s32 $0x80;
	v2 =	vld [tilespmem:s28+$0xC000];
	[tilespmem:s24+$0x0] =	vst v0  }
0x523: {  	s23 =	sor.u32 $0x30, s31;
	s24 =	sand.u32 $0xF00, s13;
	v0 =	vld [tilespmem:s30+$0x13000]  }
0x524: {  	v8 =	vld [tilespmem:s30+$0xC000];
	s10 =	sor.u32 s23, s24  }
0x525: {  	s17 =	sor.u32 $0x10, s31;
	v9 =	vld [tilespmem:s10+$0x13000]  }
0x526: {  	v1 =	vadd.f32 v3, v5;
	s11 =	sor.u32 s17, s24;
	v3 =	vld [tilespmem:s10+$0xC000]  }
0x527: {  	s19 =	sor.u32 $0x20, s31;
	v11 =	vld [tilespmem:s11+$0x13000]  }
0x528: {  	s15 =	sor.u32 s19, s24;
	v53 =	vld [tilespmem:s11+$0xC000]  }
0x529: {  	v5 =	vld [tilespmem:s15+$0x13000]  }
0x52a: {  	s3 =	sadd.s32 $0x20, s4;
	s21 =	sor.u32 s31, s24;
	v54 =	vld [tilespmem:s15+$0xC000]  }
0x52b: {  	s1 =	sor.u32 $0x80, s3;
	[tilespmem:s25+$0x0] =	vst v1;
	v6 =	vadd.f32 v7, v6;
	v7 =	vld [tilespmem:s21+$0xC000]  }
0x52c: {  	v1 =	vld [tilespmem:s1+$0x13000];
	v14 =	vadd.f32 v3, v9  }
0x52d: {  	s12 =	sor.u32 $0xD000, s24;
	v10 =	vld [tilespmem:s1+$0xC000];
	v2 =	vadd.f32 v2, v4  }
0x52e: {  	s20 =	sor.u32 $0xD080, s7;
	s22 =	sor.u32 s23, s12;
	v3 =	vld [tilespmem:s21+$0x13000];
	[tilespmem:s10+$0xC000] =	vst v14  }
0x52f: {  	s25 =	sor.u32 s16, s20;
	[tilespmem:s28+$0xC000] =	vst v2;
	v2 =	vadd.f32 v53, v11;
	v55 =	vld [tilespmem:s22+$0x0]  }
0x530: {  	s4 =	sor.u32 $0x80, s4;
	[tilespmem:s2+$0x0] =	vst v6;
	v6 =	vld [tilespmem:s25+$0x0]  }
0x531: {  	s26 =	sor.u32 s17, s12;
	v57 =	vld [tilespmem:s4+$0xC000];
	v13 =	vadd.f32 v54, v5;
	[tilespmem:s11+$0xC000] =	vst v2  }
0x532: {  	v8 =	vadd.f32 v8, v0;
	v56 =	vld [tilespmem:s26+$0x0]  }
0x533: {  	s28 =	sor.u32 s19, s12;
	v2 =	vld [tilespmem:s4+$0x13000];
	[tilespmem:s15+$0xC000] =	vst v13;
	v7 =	vadd.f32 v7, v3  }
0x534: {  	s29 =	sor.u32 s5, s20;
	[tilespmem:s30+$0xC000] =	vst v8;
	v8 =	vld [tilespmem:s28+$0x0];
	v12 =	vadd.f32 v55, v9  }
0x535: {  	s30 =	sor.u32 s31, s12;
	s15 =	sor.u32 $0xE000, s24;
	v6 =	vadd.f32 v6, v4;
	[tilespmem:s21+$0xC000] =	vst v7;
	v7 =	vld [tilespmem:s29+$0x0]  }
0x536: {  	v10 =	vadd.f32 v10, v1;
	s12 =	sor.u32 $0xE080, s7;
	s21 =	sor.u32 s23, s15;
	v15 =	vld [tilespmem:s30+$0x0];
	[tilespmem:s22+$0x0] =	vst v12  }
0x537: {  	[tilespmem:s25+$0x0] =	vst v6;
	v6 =	vadd.f32 v56, v11;
	s22 =	sor.u32 s16, s12;
	v12 =	vld [tilespmem:s21+$0x0]  }
0x538: {  	[tilespmem:s1+$0xC000] =	vst v10;
	s25 =	sor.u32 s18, s20;
	v13 =	vadd.f32 v57, v2;
	v10 =	vld [tilespmem:s22+$0x0]  }
0x539: {  	s2 =	sor.u32 s17, s15;
	[tilespmem:s26+$0x0] =	vst v6;
	v6 =	vadd.f32 v8, v5;
	v8 =	vld [tilespmem:s25+$0x0]  }
0x53a: {  	s20 =	sor.u32 s14, s20;
	[tilespmem:s4+$0xC000] =	vst v13;
	v58 =	vld [tilespmem:s2+$0x0];
	v7 =	vadd.f32 v7, v0  }
0x53b: {  	s26 =	sor.u32 s19, s15;
	v59 =	vld [tilespmem:s20+$0x0];
	[tilespmem:s28+$0x0] =	vst v6;
	v6 =	vadd.f32 v15, v3  }
0x53c: {  	s28 =	sor.u32 s5, s12;
	[tilespmem:s29+$0x0] =	vst v7;
	v7 =	vld [tilespmem:s26+$0x0];
	v12 =	vadd.f32 v12, v9  }
0x53d: {  	s29 =	sor.u32 s31, s15;
	[tilespmem:s30+$0x0] =	vst v6;
	s30 =	sor.u32 $0xF000, s24;
	v6 =	vld [tilespmem:s28+$0x0];
	v10 =	vadd.f32 v10, v4  }
0x53e: {  	s7 =	sor.u32 $0xF080, s7;
	v8 =	vadd.f32 v8, v1;
	v60 =	vld [tilespmem:s29+$0x0];
	s15 =	sor.u32 s23, s30;
	[tilespmem:s21+$0x0] =	vst v12  }
0x53f: {  	[tilespmem:s22+$0x0] =	vst v10;
	s22 =	sor.u32 s16, s7;
	v10 =	vadd.f32 v58, v11;
	v12 =	vld [tilespmem:s15+$0x0]  }
0x540: {  	v14 =	vadd.f32 v59, v2;
	[tilespmem:s25+$0x0] =	vst v8;
	s21 =	sor.u32 s18, s12;
	v61 =	vld [tilespmem:s22+$0x0]  }
0x541: {  	p0 =	por !p0, !p0;
	s1 =	simm.s32 $0x1;
	s25 =	sor.u32 s17, s30;
	v7 =	vadd.f32 v7, v5;
	[tilespmem:s2+$0x0] =	vst v10;
	v10 =	vld [tilespmem:s21+$0x0]  }
0x542: {  	s1 =	simm.s32 @!p0 $0x0;
	[tilespmem:s20+$0x0] =	vst v14;
	s16 =	sor.u32 s14, s12;
	v6 =	vadd.f32 v6, v0;
	v62 =	vld [tilespmem:s25+$0x0]  }
0x543: {  	s1 =	sshll.u32 s1, $0x6;
	s11 =	sor.u32 s19, s30;
	v63 =	vld [tilespmem:s16+$0x0];
	[tilespmem:s26+$0x0] =	vst v7;
	v7 =	vadd.f32 v60, v3  }
0x544: {  	s5 =	sor.u32 s5, s7;
	s26 =	sadd.s32 $0x80, s1;
	[tilespmem:s28+$0x0] =	vst v6;
	v16 =	vld [tilespmem:s11+$0x0];
	v6 =	vadd.f32 v12, v9  }
0x545: {  	s1 =	sor.u32 s31, s30;
	s28 =	sadd.s32 $0x30, s26;
	[tilespmem:s29+$0x0] =	vst v7;
	v7 =	vld [tilespmem:s5+$0x0];
	v4 =	vadd.f32 v61, v4  }
0x546: {  	s9 =	sor.u32 $0x80, s28;
	v8 =	vld [tilespmem:s1+$0x0];
	[tilespmem:s15+$0x0] =	vst v6;
	v6 =	vadd.f32 v10, v1  }
0x547: {  	s30 =	sadd.s32 $0x20, s26;
	[tilespmem:s22+$0x0] =	vst v4;
	v10 =	vadd.f32 v62, v11;
	v4 =	vld [tilespmem:s9+$0x13000]  }
0x548: {  	s18 =	sor.u32 s18, s7;
	s29 =	sadd.s32 $0x10, s26;
	s10 =	sor.u32 $0x80, s30;
	v9 =	vld [tilespmem:s9+$0xC000];
	[tilespmem:s21+$0x0] =	vst v6;
	v6 =	vadd.f32 v63, v2  }
0x549: {  	s20 =	sor.u32 $0x80, s29;
	s15 =	sor.u32 s14, s7;
	s7 =	sor.u32 $0x80, s26;
	[tilespmem:s25+$0x0] =	vst v10;
	v10 =	vadd.f32 v16, v5;
	v5 =	vld [tilespmem:s18+$0x0]  }
.LBB2_17:
0x54a: {  	s8 =	sadd.s32 $0x40, s8;
	[tilespmem:s16+$0x0] =	vst v6;
	v6 =	vadd.f32 v7, v0;
	v0 =	vld [tilespmem:s20+$0x13000]  }
0x54b: {  	s13 =	sadd.s32 $0x80, s13;
	s2 =	sand.u32 $0x40, s8;
	v3 =	vadd.f32 v8, v3;
	v8 =	vld [tilespmem:s20+$0xC000];
	[tilespmem:s11+$0x0] =	vst v10  }
0x54c: {  	s3 =	sand.u32 $0xF00, s13;
	s4 =	sor.u32 $0x10, s2;
	s11 =	sor.u32 $0x30, s2;
	v10 =	vld [tilespmem:s10+$0x13000];
	[tilespmem:s5+$0x0] =	vst v6  }
0x54d: {  	s25 =	sor.u32 $0x20, s2;
	s0 =	sor.u32 s4, s3;
	s6 =	sor.u32 s11, s3;
	[tilespmem:s1+$0x0] =	vst v3;
	v3 =	vld [tilespmem:s10+$0xC000];
	v6 =	vadd.f32 v9, v4  }
0x54e: {  	s16 =	sor.u32 $0xD080, s24;
	s5 =	sor.u32 s2, s3;
	s12 =	sor.u32 s25, s3;
	v7 =	vld [tilespmem:s6+$0x13000];
	v11 =	vadd.f32 v5, v1  }
0x54f: {  	s26 =	sor.u32 s19, s16;
	s21 =	sor.u32 s23, s16;
	s1 =	sor.u32 s17, s16;
	v9 =	vld [tilespmem:s6+$0xC000];
	[tilespmem:s9+$0xC000] =	vst v6  }
0x550: {  	p1 =	slt.u32 s8, $0x7C0;
	s9 =	sor.u32 s31, s16;
	v5 =	vadd.f32 v8, v0;
	v8 =	vld [tilespmem:s21+$0x0];
	[tilespmem:s18+$0x0] =	vst v11  }
0x551: {  	v6 =	vld [tilespmem:s0+$0x13000];
	v1 =	vmov v10  }
0x552: {  	v10 =	vld [tilespmem:s0+$0xC000];
	[tilespmem:s20+$0xC000] =	vst v5;
	v3 =	vadd.f32 v3, v1  }
0x553: {  	v5 =	vld [tilespmem:s12+$0x13000]  }
0x554: {  	s18 =	sor.u32 $0xE080, s24;
	s20 =	smov.u32 s24;
	v11 =	vld [tilespmem:s12+$0xC000];
	v9 =	vadd.f32 v9, v7;
	[tilespmem:s10+$0xC000] =	vst v3  }
0x555: {  	s24 =	smov.u32 s19;
	s19 =	smov.u32 s17;
	s10 =	sor.u32 $0xD000, s3;
	v3 =	vld [tilespmem:s5+$0x13000];
	v8 =	vadd.f32 v8, v4  }
0x556: {  	s17 =	smov.u32 s31;
	s22 =	sor.u32 s4, s10;
	v12 =	vld [tilespmem:s5+$0xC000];
	[tilespmem:s6+$0xC000] =	vst v9;
	s6 =	sor.u32 s11, s10  }
0x557: {  	s31 =	sor.u32 s23, s18;
	s28 =	sor.u32 s2, s10;
	s30 =	sor.u32 s25, s10;
	v9 =	vadd.f32 v10, v6;
	v10 =	vld [tilespmem:s6+$0x0];
	[tilespmem:s21+$0x0] =	vst v8  }
0x558: {  	s16 =	sor.u32 s17, s18;
	s10 =	sor.u32 s19, s18;
	s21 =	sor.u32 s24, s18;
	v8 =	vld [tilespmem:s31+$0x0]  }
0x559: {  	[tilespmem:s0+$0xC000] =	vst v9;
	v9 =	vadd.f32 v11, v5;
	v11 =	vld [tilespmem:s7+$0x13000]  }
0x55a: {  	v13 =	vld [tilespmem:s22+$0x0]  }
0x55b: {  	v12 =	vadd.f32 v12, v3;
	[tilespmem:s12+$0xC000] =	vst v9;
	v9 =	vld [tilespmem:s7+$0xC000]  }
0x55c: {  	v14 =	vld [tilespmem:s30+$0x0];
	v10 =	vadd.f32 v10, v7  }
0x55d: {  	s0 =	sor.u32 $0xE000, s3;
	[tilespmem:s5+$0xC000] =	vst v12;
	v12 =	vld [tilespmem:s1+$0x0];
	v8 =	vadd.f32 v8, v4  }
0x55e: {  	s18 =	sor.u32 $0xF080, s20;
	s14 =	sor.u32 s4, s0;
	v15 =	vld [tilespmem:s28+$0x0];
	[tilespmem:s6+$0x0] =	vst v10;
	s6 =	sor.u32 s11, s0  }
0x55f: {  	s20 =	sor.u32 s2, s0;
	s29 =	sor.u32 s25, s0;
	s0 =	sor.u32 s23, s18;
	v10 =	vadd.f32 v13, v6;
	v13 =	vld [tilespmem:s6+$0x0];
	[tilespmem:s31+$0x0] =	vst v8  }
0x560: {  	s12 =	sor.u32 s17, s18;
	s5 =	sor.u32 s19, s18;
	s18 =	sor.u32 s24, s18;
	v8 =	vadd.f32 v9, v11;
	v9 =	vld [tilespmem:s0+$0x0]  }
0x561: {  	s17 =	smov.u32 s4;
	s24 =	smov.u32 s3;
	s31 =	smov.u32 s2;
	[tilespmem:s22+$0x0] =	vst v10;
	v10 =	vadd.f32 v14, v5;
	v14 =	vld [tilespmem:s26+$0x0]  }
0x562: {  	s19 =	smov.u32 s25;
	s23 =	smov.u32 s11;
	v16 =	vld [tilespmem:s14+$0x0];
	[tilespmem:s7+$0xC000] =	vst v8;
	v8 =	vadd.f32 v12, v0  }
0x563: {  	v12 =	vadd.f32 v15, v3;
	[tilespmem:s30+$0x0] =	vst v10;
	v10 =	vld [tilespmem:s9+$0x0]  }
0x564: {  	v15 =	vld [tilespmem:s29+$0x0];
	v13 =	vadd.f32 v13, v7;
	[tilespmem:s1+$0x0] =	vst v8  }
0x565: {  	s1 =	sor.u32 $0xF000, s24;
	[tilespmem:s28+$0x0] =	vst v12;
	v8 =	vld [tilespmem:s10+$0x0];
	v4 =	vadd.f32 v9, v4  }
0x566: {  	s2 =	sor.u32 s17, s1;
	s11 =	sor.u32 s19, s1;
	s3 =	sor.u32 s23, s1;
	v9 =	vld [tilespmem:s20+$0x0];
	[tilespmem:s6+$0x0] =	vst v13;
	v12 =	vadd.f32 v14, v1  }
0x567: {  	s1 =	sor.u32 s31, s1;
	v13 =	vadd.f32 v16, v6;
	v14 =	vld [tilespmem:s3+$0x0];
	[tilespmem:s0+$0x0] =	vst v4  }
0x568: {  	p0 =	por !p0, !p0;
	s0 =	simm.s32 $0x1;
	v4 =	vadd.f32 v10, v11;
	[tilespmem:s26+$0x0] =	vst v12;
	v10 =	vld [tilespmem:s15+$0x0]  }
0x569: {  	s0 =	simm.s32 @!p0 $0x0;
	[tilespmem:s14+$0x0] =	vst v13;
	v12 =	vadd.f32 v15, v5;
	v13 =	vld [tilespmem:s21+$0x0]  }
0x56a: {  	s0 =	sshll.u32 s0, $0x6;
	v15 =	vld [tilespmem:s2+$0x0];
	[tilespmem:s9+$0x0] =	vst v4;
	v4 =	vadd.f32 v8, v0  }
0x56b: {  	s0 =	sadd.s32 s0, s13;
	v8 =	vadd.f32 v9, v3;
	[tilespmem:s29+$0x0] =	vst v12;
	v12 =	vld [tilespmem:s16+$0x0]  }
0x56c: {  	s4 =	sadd.s32 $0x10, s0;
	v16 =	vld [tilespmem:s11+$0x0];
	v9 =	vadd.f32 v14, v7;
	[tilespmem:s10+$0x0] =	vst v4  }
.Ltmp7:
0x56d: {  	s6 =	sadd.s32 $0x20, s0;
	s7 =	sadd.s32 $0x30, s0;
	[tilespmem:s20+$0x0] =	vst v8;
	v7 =	vld [tilespmem:s5+$0x0];
	v10 =	vadd.f32 v10, v2;
	(pc) =	sbr.rel @p1 .LBB2_17-.Ltmp7, $4  }
0x56e: {  	s10 =	sor.u32 $0x80, s6;
	s9 =	sor.u32 $0x80, s7;
	s20 =	sor.u32 $0x80, s4;
	v2 =	vmov v11;
	v8 =	vld [tilespmem:s1+$0x0];
	[tilespmem:s3+$0x0] =	vst v9;
	v13 =	vadd.f32 v13, v1  }
0x56f: {  	s7 =	sor.u32 $0x80, s0;
	v11 =	vadd.f32 v15, v6;
	v4 =	vld [tilespmem:s9+$0x13000];
	[tilespmem:s15+$0x0] =	vst v10;
	s15 =	smov.u32 s12  }
0x570: {  	v9 =	vld [tilespmem:s9+$0xC000];
	v6 =	vadd.f32 v12, v2;
	[tilespmem:s21+$0x0] =	vst v13  }
0x571: {  	[tilespmem:s2+$0x0] =	vst v11;
	v10 =	vadd.f32 v16, v5;
	v5 =	vld [tilespmem:s18+$0x0]  }
0x572: {  	v11 =	vld [tilespmem:s20+$0x13000]  }
0x573: {  	v46 =	vld [tilespmem:s20+$0xC000];
	v3 =	vadd.f32 v8, v3;
	[tilespmem:s11+$0x0] =	vst v10  }
0x574: {  	v10 =	vld [tilespmem:s10+$0x13000]  }
0x575: {  	v47 =	vld [tilespmem:s10+$0xC000];
	[tilespmem:s1+$0x0] =	vst v3  }
0x576: {  	v12 =	vld [tilespmem:s7+$0x13000]  }
0x577: {  	v13 =	vld [tilespmem:s7+$0xC000];
	_ =	sdelay $0x1  }
0x578: {  	v9 =	vadd.f32 v9, v4  }
0x579: {  	s0 =	sor.u32 $0xD080, s24;
	v8 =	vadd.f32 v46, v11  }
0x57a: {  	[tilespmem:s9+$0xC000] =	vst v9;
	s9 =	sor.u32 s23, s0;
	v3 =	vadd.f32 v47, v10  }
0x57b: {  	s2 =	sor.u32 s17, s0;
	v9 =	vld [tilespmem:s9+$0x0];
	[tilespmem:s20+$0xC000] =	vst v8;
	v48 =	vadd.f32 v13, v12  }
0x57c: {  	s3 =	sor.u32 s19, s0;
	v49 =	vld [tilespmem:s2+$0x0];
	[tilespmem:s10+$0xC000] =	vst v3  }
0x57d: {  	s0 =	sor.u32 s31, s0;
	v50 =	vld [tilespmem:s3+$0x0];
	[tilespmem:s7+$0xC000] =	vst v48  }
0x57e: {  	v8 =	vld [tilespmem:s0+$0x0];
	_ =	sdelay $0x1  }
0x57f: {  	v9 =	vadd.f32 v9, v4  }
0x580: {  	s4 =	sor.u32 $0xE080, s24;
	v3 =	vadd.f32 v49, v11  }
0x581: {  	s11 =	sor.u32 s23, s4;
	[tilespmem:s9+$0x0] =	vst v9;
	v13 =	vadd.f32 v50, v10  }
0x582: {  	s6 =	sor.u32 s17, s4;
	v9 =	vld [tilespmem:s11+$0x0];
	[tilespmem:s2+$0x0] =	vst v3;
	v51 =	vadd.f32 v8, v12  }
0x583: {  	s12 =	sor.u32 s19, s4;
	v52 =	vld [tilespmem:s6+$0x0];
	[tilespmem:s3+$0x0] =	vst v13  }
0x584: {  	s13 =	sor.u32 s31, s4;
	v13 =	vld [tilespmem:s12+$0x0];
	[tilespmem:s0+$0x0] =	vst v51  }
0x585: {  	v3 =	vld [tilespmem:s13+$0x0];
	_ =	sdelay $0x1  }
0x586: {  	v9 =	vadd.f32 v9, v4  }
0x587: {  	s14 =	sor.u32 $0xF080, s24;
	[tilespmem:s16+$0x0] =	vst v6;
	v8 =	vadd.f32 v52, v11  }
0x588: {  	v55 =	vld [tilespmem:s15+$0x0];
	s20 =	sor.u32 s23, s14;
	[tilespmem:s11+$0x0] =	vst v9;
	v54 =	vadd.f32 v13, v10  }
0x589: {  	s21 =	sor.u32 s17, s14;
	v53 =	vld [tilespmem:s20+$0x0];
	[tilespmem:s6+$0x0] =	vst v8;
	v3 =	vadd.f32 v3, v12  }
0x58a: {  	s22 =	sor.u32 s19, s14;
	v56 =	vld [tilespmem:s21+$0x0];
	[tilespmem:s12+$0x0] =	vst v54  }
0x58b: {  	v0 =	vadd.f32 v7, v0;
	s0 =	sor.u32 s31, s14;
	v57 =	vld [tilespmem:s22+$0x0];
	[tilespmem:s13+$0x0] =	vst v3  }
0x58c: {  	v1 =	vadd.f32 v5, v1;
	v58 =	vld [tilespmem:s0+$0x0]  }
0x58d: {  	[tilespmem:s5+$0x0] =	vst v0;
	v60 =	vadd.f32 v55, v2  }
0x58e: {  	[tilespmem:s18+$0x0] =	vst v1;
	v59 =	vadd.f32 v53, v4  }
0x58f: {  	[tilespmem:s15+$0x0] =	vst v60;
	v61 =	vadd.f32 v56, v11  }
0x590: {  	[tilespmem:s20+$0x0] =	vst v59;
	v62 =	vadd.f32 v57, v10  }
0x591: {  	[tilespmem:s21+$0x0] =	vst v61;
	v63 =	vadd.f32 v58, v12  }
0x592: {  	[tilespmem:s22+$0x0] =	vst v62  }
0x593: {  	[tilespmem:s0+$0x0] =	vst v63  }
0x594: {  	s1 =	sld [smem:$0x7FB];
	_ =	sdelay $0x1  }
0x595: {  	s24 =	simm.s32 $0xC000;
	s23 =	rddreg [dreg:$0x2]  }
0x596: {  	s2 =	simm.s32 $0x100;
	s3 =	simm.s32 $0x400;
	s0 =	sadd.s32 s23, s1  }
0x597: {  	[hbm4b:s0+s2] =	stream.strided.scatter [tilespmem:s24], [sflag:$0x8], $0x1000, s3, s2, $0x38;
	[tilespmem:$0x14000] =	vst v63  }
0x598: {  	s26 =	simm.s32 $0xD000;
	s25 =	sadd.s32 $0x100000, s0  }
0x599: {  	[hbm4b:s25+s2] =	stream.strided.scatter [tilespmem:s26], [sflag:$0x8], $0x1000, s3, s2, $0x38;
	[tilespmem:$0x14000] =	vst v63  }
0x59a: {  	s29 =	simm.s32 $0xE000;
	s28 =	sadd.s32 $0x200000, s0  }
0x59b: {  	[hbm4b:s28+s2] =	stream.strided.scatter [tilespmem:s29], [sflag:$0x8], $0x1000, s3, s2, $0x38;
	[tilespmem:$0x14000] =	vst v63  }
0x59c: {  	s30 =	simm.s32 $0xF000;
	s31 =	rddreg [dreg:$0x1d];
	s0 =	sadd.s32 $0x300000, s0  }
0x59d: {  	[hbm4b:s0+s2] =	stream.strided.scatter [tilespmem:s30], [sflag:$0x8], $0x1000, s3, s2, $0x38;
	[tilespmem:$0x14000] =	vst v63  }
0x59e: {  	s0 =	sadd.s32 $0x1, s31  }
0x59f: {  	p0 =	sne.s32 s0, $0x10  }
.Ltmp8:
0x5a0: {  	_ = 	snop;
	(pc) =	sbr.rel @p0 .LBB2_10-.Ltmp8, $1  }
0x5a1: {  	_ =	sdelay $0x3  }
0x5a2: {  	s0 =	simm.s32 $0x6  }
0x5a3: {  	_ =	swait.ge [sflag:s0], $0x4000  }
0x5a4: {  	[sflag:s0] =	ssyncset.done $0x0  }
0x5a5: {  	s30 =	simm.s32 $0x7;
	[sflag:s0] =	ssyncadd.s32 $0xFFFFC000  }
0x5a6: {  	_ =	swait.ge [sflag:s30], $0x4000  }
0x5a7: {  	[sflag:s30] =	ssyncset.done $0x0  }
0x5a8: {  	s1 =	simm.s32 $0x8;
	[sflag:s30] =	ssyncadd.s32 $0xFFFFC000  }
0x5a9: {  	_ =	swait.ge [sflag:s1], $0x4000  }
0x5aa: {  	s4 =	rddreg [dreg:$0x1c]  }
0x5ab: {  	s31 =	rddreg [dreg:$0x15];
	s4 =	sadd.s32 $0x1, s4  }
0x5ac: {  	p0 =	sne.s32 s4, s31  }
.Ltmp9:
0x5ad: {  	_ = 	snop;
	(pc) =	sbr.rel @p0 .LBB2_1-.Ltmp9, $3  }
0x5ae: {  	_ =	sdelay $0x1  }
0x5af: {  	[sflag:s1] =	ssyncset.done $0x0  }
0x5b0: {  	[sflag:s1] =	ssyncadd.s32 $0xFFFFC000  }
0x5b1: {  	_ =	sfence.sel $0x180000  }
0x5b2: {  	[bflag:$0x0] =	sbarrier.arrive $0xFFFF  }
0x5b3: {  	_ =	strace $0x90000047  }
0x5b4: {  	s0 =	stileid.u32;
	[bflag:$0x2] =	sbarrier.arrive $0xFFFF  }
0x5b5: {  	p0 =	sne.s32 s0, $0x0;
	s0 =	rddreg [dreg:$0x3]  }
0x5b6: {  	s0 =	sadd.s32 @!p0 $0x100000, s0  }
0x5b7: {  	[sflag:s0] =	ssyncadd.tile.s32 @!p0 $0x1;
	_ =	shalt  }
.Lfunc_end2:
_tile_overlayer_lowered:
.L_overlay_start_2:
0x5b8: {  	(tag) =	ssettag $0x2  }
0x5b9: {  	s0 =	rddreg [dreg:$0x0];
	s2 =	stileid.u32  }
0x5ba: {  	s1 =	rddreg [dreg:$0x1];
	p0 =	sne.s32 s2, $0x0  }
0x5bb: {  	s3 =	rddreg [dreg:$0x2];
	[bflag:$0x3] =	sbarrier.arrive $0xFFFF;
	s2 =	simm.s32 @!p0 $0x1C09  }
0x5bc: {  	[timem:s3], [sflag:s2] =	dma.local @!p0 [hbm:s0], s1  }
0x5bd: {  	s0 =	simm.s32 @!p0 $0x9  }
0x5be: {  	_ =	swait.ge @!p0 [sflag:s0], s1  }
0x5bf: {  	s1 =	ssub.s32 @!p0 $0x0, s1;
	[sflag:s0] =	ssyncset.done @!p0 $0x0  }
0x5c0: {  	[sflag:s0] =	ssyncadd.s32 @!p0 s1  }
0x5c1: {  	[bflag:$0x3] =	sbarrier.arrive $0xFFFF  }
0x5c2: {  	_ =	shalt  }

</sc_bundles>
